<compile_context>
chip_gen: v7x
topology: tpu7x:2x2x1
jax: 0.10.2.dev20260603
libtpu: 0.0.44.dev20260713+nightly
codegen_flags: <defaults>
</compile_context>

<pallas_src>
import functools

import jax
import jax.numpy as jnp
from jax import lax
from jax.experimental import pallas as pl
from jax.experimental.pallas import tpu as pltpu
from jax.experimental.pallas import tpu_sc as plsc

_NC = 2
_NS = 16
_LANES = 16


def _s1_body(fea_ref, wl_ref, bl_ref, x_ref, s_ref, ss_ref):
    i = pl.program_id(0)
    x = jnp.dot(fea_ref[...], wl_ref[...], preferred_element_type=jnp.float32)
    x = x + bl_ref[...]
    x_ref[...] = x

    @pl.when(i == 0)
    def _():
        s_ref[...] = jnp.zeros_like(s_ref)
        ss_ref[...] = jnp.zeros_like(ss_ref)

    s_ref[...] += jnp.sum(x, axis=0, keepdims=True)
    ss_ref[...] += jnp.sum(x * x, axis=0, keepdims=True)


def _make_s2(n_rows, d_half):
    def body(x_ref, s_ref, ss_ref, g_ref, b_ref, wg_ref, d0_ref, d1_ref,
             xz_ref):
        inv_n = 1.0 / n_rows
        mean = s_ref[...] * inv_n
        var = ss_ref[...] * inv_n - mean * mean
        rstd = lax.rsqrt(var + 1e-5)
        xn = (x_ref[...] - mean) * rstd * g_ref[...] + b_ref[...]
        xr = jnp.where(xn >= 0, xn, 0.01 * xn)
        xw = jnp.dot(xr, wg_ref[...], preferred_element_type=jnp.float32)
        deg = d0_ref[...] + d1_ref[...] + 1.0
        dinv = lax.rsqrt(deg)
        xz = xw * dinv
        xz_ref[0] = xz[:, :d_half]
        xz_ref[1] = xz[:, d_half:]
    return body


def _make_s4(d_half):
    def body(al_ref, ar_ref, xl_ref, xr_ref, d0_ref, d1_ref, bg_ref, out_ref):
        deg = d0_ref[...] + d1_ref[...] + 1.0
        dinv = lax.rsqrt(deg)
        out_ref[:, :d_half] = dinv * (al_ref[...] + xl_ref[...]) + bg_ref[:, :d_half]
        out_ref[:, d_half:] = dinv * (ar_ref[...] + xr_ref[...]) + bg_ref[:, d_half:]
    return body


def _make_deg(np_pad, ep32, ch32):
    rt = np_pad // _NS

    def body(cols3, w_hbm, degp, cbuf, wbuf, dbuf, deg_sp):
        c = lax.axis_index("c")
        s = lax.axis_index("s")
        t = c * _NS + s

        def zstep(i, carry):
            dbuf[pl.ds(i * _LANES, _LANES)] = jnp.zeros((_LANES,), jnp.float32)
            return carry

        lax.fori_loop(0, rt // _LANES, zstep, 0)
        pltpu.sync_copy(dbuf, deg_sp.at[pl.ds(s * rt, rt)])
        pltpu.sync_copy(cols3.at[t], cbuf)
        pltpu.sync_copy(w_hbm.at[pl.ds(t * ep32, ep32)], wbuf)
        plsc.subcore_barrier()

        def chunk(g, carry):
            pltpu.sync_copy(wbuf.at[pl.ds(g * 128, 128)],
                            deg_sp.at[cbuf.at[g]], add=True)
            return carry

        lax.fori_loop(0, ch32, chunk, 0)
        plsc.subcore_barrier()
        pltpu.sync_copy(deg_sp.at[pl.ds(s * rt, rt)], dbuf)
        pltpu.sync_copy(dbuf, degp.at[pl.ds(c * np_pad + s * rt, rt)])
    return body


_CK = 64
_NBUF = 4


def _make_agg(np_pad, d_half, ep16, ch16):
    rt = np_pad // _NS
    nvec = d_half // _LANES

    def body(rows2, cols_hbm, w_hbm, xzflat, agg3,
             ibufs, cbufs, vbufs, gbufs, acc, sems_g, sems_s, sems_i,
             sems_c):
        c = lax.axis_index("c")
        s = lax.axis_index("s")
        ebase = s * ep16

        def zstep(i, carry):
            for j in range(nvec):
                gbufs[0][i, pl.ds(j * _LANES, _LANES)] = (
                    jnp.zeros((_LANES,), jnp.float32))
            return carry

        lax.fori_loop(0, _CK, zstep, 0)
        for k in range(rt // _CK):
            pltpu.sync_copy(gbufs[0], acc.at[pl.ds(s * rt + k * _CK, _CK)])
        plsc.subcore_barrier()

        def idx_load(g, b):
            pltpu.async_copy(rows2.at[c, pl.ds(ebase + g * _CK, _CK)],
                             ibufs[b], sems_i[b])
            pltpu.async_copy(w_hbm.at[pl.ds(ebase + g * _CK, _CK)],
                             vbufs[b], sems_i[b])

        def idx_wait(g, b):
            pltpu.make_async_copy(rows2.at[c, pl.ds(ebase + g * _CK, _CK)],
                                  ibufs[b], sems_i[b]).wait()
            pltpu.make_async_copy(w_hbm.at[pl.ds(ebase + g * _CK, _CK)],
                                  vbufs[b], sems_i[b]).wait()

        def cols_load(g, b):
            pltpu.async_copy(cols_hbm.at[pl.ds(ebase + g * _CK, _CK)],
                             cbufs[b], sems_c[b])

        def cols_wait(g, b):
            pltpu.make_async_copy(cols_hbm.at[pl.ds(ebase + g * _CK, _CK)],
                                  cbufs[b], sems_c[b]).wait()

        def gather(b):
            pltpu.async_copy(xzflat.at[ibufs[b]], gbufs[b], sems_g[b])

        def gather_wait(b):
            pltpu.make_async_copy(xzflat.at[ibufs[b]], gbufs[b],
                                  sems_g[b]).wait()

        def scale(b):
            gb = gbufs[b]
            vb = vbufs[b]

            @plsc.parallel_loop(0, _CK, step=1, unroll=4)
            def _(e):
                idx = jnp.broadcast_to(e, (_LANES,)).astype(jnp.int32)
                sp = plsc.load_gather(vb, [idx])
                for j in range(nvec):
                    sl = pl.ds(j * _LANES, _LANES)
                    gb[e, sl] = gb[e, sl] * sp

        def scatter(b):
            pltpu.async_copy(gbufs[b], acc.at[cbufs[b]], sems_s[b], add=True)

        def scatter_wait(b):
            pltpu.make_async_copy(gbufs[b], acc.at[cbufs[b]],
                                  sems_s[b]).wait()

        for q in range(_NBUF):
            idx_load(q, q)
            cols_load(q, q)
        for q in range(_NBUF - 1):
            idx_wait(q, q)
            gather(q)

        def quad(p, carry):
            for q in range(_NBUF):
                g = p * _NBUF + q
                b = q
                bp = (q - 1) % _NBUF
                gather_wait(b)
                scale(b)

                @pl.when(g > 0)
                def _():
                    scatter_wait(bp)

                    @pl.when(g + _NBUF - 1 < ch16)
                    def _():
                        cols_load(g + _NBUF - 1, bp)

                @pl.when(g + _NBUF - 1 < ch16)
                def _():
                    idx_wait(g + _NBUF - 1, bp)
                    gather(bp)

                @pl.when(g + _NBUF < ch16)
                def _():
                    idx_load(g + _NBUF, b)

                cols_wait(g, b)
                scatter(b)
            return carry

        lax.fori_loop(0, ch16 // _NBUF, quad, 0)
        scatter_wait(_NBUF - 1)
        plsc.subcore_barrier()
        for k in range(rt // _CK):
            pltpu.sync_copy(acc.at[pl.ds(s * rt + k * _CK, _CK)], gbufs[0])
            pltpu.sync_copy(
                gbufs[0], agg3.at[pl.ds(c * np_pad + s * rt + k * _CK, _CK)])
    return body


def kernel(fea, edges, weights, W_lin, b_lin, gamma, beta, W_gcn, b_gcn):
    N, D = fea.shape
    DH = D // 2
    E = edges.shape[1]

    EPAD = -(-E // (_NC * _NS * 128)) * (_NC * _NS * 128)
    EP16 = EPAD // _NS
    CH16 = EP16 // _CK
    EP32 = EPAD // (_NC * _NS)
    CH32 = EP32 // 128
    NP = -(-N // 2048) * 2048
    R = 1000
    G = N // R

    rows = edges[0].astype(jnp.int32)
    cols = edges[1].astype(jnp.int32)
    pad = EPAD - E
    rows_p = jnp.concatenate([rows, jnp.zeros((pad,), jnp.int32)])
    cols_p = jnp.concatenate([cols, jnp.zeros((pad,), jnp.int32)])
    w_p = jnp.concatenate([weights.astype(jnp.float32),
                           jnp.zeros((pad,), jnp.float32)])
    rows2 = jnp.stack([rows_p, rows_p + N])
    cols3_32 = cols_p.reshape(_NC * _NS, CH32, 128)

    X, ssum, ssq = pl.pallas_call(
        _s1_body,
        grid=(G,),
        in_specs=[pl.BlockSpec((R, D), lambda i: (i, 0)),
                  pl.BlockSpec((D, D), lambda i: (0, 0)),
                  pl.BlockSpec((1, D), lambda i: (0, 0))],
        out_specs=[pl.BlockSpec((R, D), lambda i: (i, 0)),
                   pl.BlockSpec((1, D), lambda i: (0, 0)),
                   pl.BlockSpec((1, D), lambda i: (0, 0))],
        out_shape=[jax.ShapeDtypeStruct((N, D), jnp.float32),
                   jax.ShapeDtypeStruct((1, D), jnp.float32),
                   jax.ShapeDtypeStruct((1, D), jnp.float32)],
    )(fea, W_lin, b_lin.reshape(1, D))

    mesh = plsc.VectorSubcoreMesh(core_axis_name="c", subcore_axis_name="s")
    sc_params = pltpu.CompilerParams(needs_layout_passes=False)
    degp = pl.kernel(
        _make_deg(NP, EP32, CH32),
        out_type=jax.ShapeDtypeStruct((_NC * NP,), jnp.float32),
        mesh=mesh,
        compiler_params=sc_params,
        scratch_types=[
            pltpu.VMEM((CH32, 128), jnp.int32),
            pltpu.VMEM((EP32,), jnp.float32),
            pltpu.VMEM((NP // _NS,), jnp.float32),
            pltpu.VMEM_SHARED((NP,), jnp.float32),
        ],
    )(cols3_32, w_p)

    deg0 = degp[:N].reshape(N, 1)
    deg1 = degp[NP:NP + N].reshape(N, 1)

    xz3 = pl.pallas_call(
        _make_s2(N, DH),
        grid=(G,),
        in_specs=[pl.BlockSpec((R, D), lambda i: (i, 0)),
                  pl.BlockSpec((1, D), lambda i: (0, 0)),
                  pl.BlockSpec((1, D), lambda i: (0, 0)),
                  pl.BlockSpec((1, D), lambda i: (0, 0)),
                  pl.BlockSpec((1, D), lambda i: (0, 0)),
                  pl.BlockSpec((D, D), lambda i: (0, 0)),
                  pl.BlockSpec((R, 1), lambda i: (i, 0)),
                  pl.BlockSpec((R, 1), lambda i: (i, 0))],
        out_specs=pl.BlockSpec((_NC, R, DH), lambda i: (0, i, 0)),
        out_shape=jax.ShapeDtypeStruct((_NC, N, DH), jnp.float32),
    )(X, ssum, ssq, gamma.reshape(1, D), beta.reshape(1, D), W_gcn,
      deg0, deg1)

    xzflat = xz3.reshape(_NC * N, DH)

    agg2 = pl.kernel(
        _make_agg(NP, DH, EP16, CH16),
        out_type=jax.ShapeDtypeStruct((_NC * NP, DH), jnp.float32),
        mesh=mesh,
        compiler_params=sc_params,
        scratch_types=[
            [pltpu.VMEM((_CK,), jnp.int32) for _ in range(_NBUF)],
            [pltpu.VMEM((_CK,), jnp.int32) for _ in range(_NBUF)],
            [pltpu.VMEM((_CK,), jnp.float32) for _ in range(_NBUF)],
            [pltpu.VMEM((_CK, DH), jnp.float32) for _ in range(_NBUF)],
            pltpu.VMEM_SHARED((NP, DH), jnp.float32),
            [pltpu.SemaphoreType.DMA for _ in range(_NBUF)],
            [pltpu.SemaphoreType.DMA for _ in range(_NBUF)],
            [pltpu.SemaphoreType.DMA for _ in range(_NBUF)],
            [pltpu.SemaphoreType.DMA for _ in range(_NBUF)],
        ],
    )(rows2, cols_p, w_p, xzflat)
    agg_l = agg2[:N]
    agg_r = agg2[NP:NP + N]
    xz_l = xz3[0]
    xz_r = xz3[1]

    out = pl.pallas_call(
        _make_s4(DH),
        grid=(G,),
        in_specs=[pl.BlockSpec((R, DH), lambda i: (i, 0)),
                  pl.BlockSpec((R, DH), lambda i: (i, 0)),
                  pl.BlockSpec((R, DH), lambda i: (i, 0)),
                  pl.BlockSpec((R, DH), lambda i: (i, 0)),
                  pl.BlockSpec((R, 1), lambda i: (i, 0)),
                  pl.BlockSpec((R, 1), lambda i: (i, 0)),
                  pl.BlockSpec((1, D), lambda i: (0, 0))],
        out_specs=pl.BlockSpec((R, D), lambda i: (i, 0)),
        out_shape=jax.ShapeDtypeStruct((N, D), jnp.float32),
    )(agg_l, agg_r, xz_l, xz_r, deg0, deg1, b_gcn.reshape(1, D))
    return out

# --- scband reference (transcript-rebuilt; emitter-appended) ---
"""Pipeline reference for scband-gcnlayer-88295937671168 (READ-ONLY COPY).

The authoritative reference and input builder live on the scoring server;
editing this copy changes nothing except your own understanding.
"""

import jax, jax.numpy as jnp
import numpy as np

N = 10000
E = 160000
D_IN = 256
D_OUT = 256


def setup_inputs(seed: int = 0) -> dict:
    key = jax.random.key(seed)
    ks = jax.random.split(key, 6)
    fea = jax.random.normal(ks[0], (N, D_IN), dtype=jnp.float32)
    edges = jax.random.randint(ks[1], (2, E), 0, N)
    weights = jax.random.uniform(ks[2], (E,), dtype=jnp.float32)
    # nn.Linear(in_dim, in_dim): stored already-transposed as [in, in]
    W_lin = jax.random.normal(ks[3], (D_IN, D_IN), dtype=jnp.float32) * 0.05
    b_lin = jnp.zeros((D_IN,), dtype=jnp.float32)
    # BatchNorm1d affine params
    gamma = jnp.ones((D_IN,), dtype=jnp.float32)
    beta = jnp.zeros((D_IN,), dtype=jnp.float32)
    # GCNConv linear (bias added after aggregation), stored as [in, out]
    W_gcn = jax.random.normal(ks[4], (D_IN, D_OUT), dtype=jnp.float32) * 0.05
    b_gcn = jnp.zeros((D_OUT,), dtype=jnp.float32)
    return {"fea": fea, "edges": edges, "weights": weights, "W_lin": W_lin,
            "b_lin": b_lin, "gamma": gamma, "beta": beta, "W_gcn": W_gcn,
            "b_gcn": b_gcn}


def reference(fea, edges, weights, W_lin, b_lin, gamma, beta, W_gcn, b_gcn):
    # x = self.linear(fea)
    x = fea @ W_lin + b_lin
    # BatchNorm1d (training-mode batch statistics, biased variance, eps=1e-5)
    mean = jnp.mean(x, axis=0)
    var = jnp.var(x, axis=0)
    x = (x - mean) / jnp.sqrt(var + 1e-5) * gamma + beta
    # dropout p=0.0 -> identity; LeakyReLU(negative_slope=0.01)
    x = jnp.where(x >= 0, x, 0.01 * x)
    # GCNConv(in_dim, out_dim) with edge weights, add_self_loops=True, normalize=True
    xw = x @ W_gcn
    row = edges[0]
    col = edges[1]
    loop = jnp.arange(N, dtype=row.dtype)
    row_f = jnp.concatenate([row, loop])
    col_f = jnp.concatenate([col, loop])
    ew_f = jnp.concatenate([weights, jnp.ones((N,), dtype=weights.dtype)])
    deg = jax.ops.segment_sum(ew_f, col_f, num_segments=N)
    dinv = jnp.where(deg > 0, jax.lax.rsqrt(jnp.maximum(deg, 1e-12)), 0.0)
    norm = dinv[row_f] * ew_f * dinv[col_f]
    out = jax.ops.segment_sum(xw[row_f] * norm[:, None], col_f, num_segments=N)
    out = out + b_gcn
    # softmax=False -> identity activation2
    return out

if __name__ == "__main__":
    import jax
    _d = setup_inputs()
    print(jax.jit(kernel)(*tuple(_d.values())))

</pallas_src>

<mosaic_0001>
#map = affine_map<(d0, d1) -> (0, 0, 0)>
#map1 = affine_map<(d0, d1) -> (0)>
module attributes {stable_mosaic.version = 14 : i64} {
  func.func @body(%arg0: i32, %arg1: i32, %arg2: memref<32x40x128xi32, #tpu.memory_space<hbm>>, %arg3: memref<163840xf32, #tpu.memory_space<hbm>>, %arg4: memref<20480xf32, #tpu.memory_space<hbm>>, %arg5: memref<40x128xi32, #tpu.memory_space<vmem>>, %arg6: memref<5120xf32, #tpu.memory_space<vmem>>, %arg7: memref<640xf32, #tpu.memory_space<vmem>>, %arg8: memref<10240xf32, #tpu.memory_space<vmem_shared>>) attributes {dimension_semantics = [#tpu.dimension_semantics<core_parallel>, #tpu.dimension_semantics<subcore_parallel>], iteration_bounds = array<i64: 2, 16>, scalar_prefetch = 0 : i64, scratch_operands = 4 : i64, tpu.core_type = #tpu.core_type<sc_vector_subcore>, window_params = [{transform_indices = #map}, {transform_indices = #map1}, {transform_indices = #map1}]} {
    %mul3A = arith.constant 16 : i32
    %mul3A_0 = arith.muli %arg0, %mul3A : i32
    %add3A = arith.addi %mul3A_0, %arg1 : i32
    %scan3A = arith.constant 0 : i32
    %scan3A_1 = arith.constant 0 : i32
    %scan3A_2 = arith.constant 40 : i32
    %scan3A_3 = arith.addi %scan3A_1, %scan3A_2 : i32
    %scan3A_4 = arith.constant 1 : i32
    scf.for %scan3A_24 = %scan3A_1 to %scan3A_3 step %scan3A_4  : i32 {
      %broadcast_in_dim3A = arith.constant 0.000000e+00 : f32
      %broadcast_in_dim3A_25 = vector.broadcast %broadcast_in_dim3A : f32 to vector<16xf32>
      %mul3A_26 = arith.constant 16 : i32
      %mul3A_27 = arith.muli %scan3A_24, %mul3A_26 : i32
      %swap3A = arith.index_cast %mul3A_27 : i32 to index
      %swap3A_28 = tpu.vector_load %arg7[%swap3A] {strides = array<i32>} : memref<640xf32, #tpu.memory_space<vmem>>, vector<16xf32>,
      tpu.vector_store %arg7[%swap3A], %broadcast_in_dim3A_25 {strides = array<i32>} : memref<640xf32, #tpu.memory_space<vmem>>, vector<16xf32>,
    }
    %scan3A_5 = arith.constant 40 : i32
    %mul3A_6 = arith.constant 640 : i32
    %mul3A_7 = arith.muli %arg1, %mul3A_6 : i32
    "tpu.region"() ({
      %run_scoped3A = tpu.sem_alloc : memref<!tpu.dma_semaphore, #tpu.memory_space<semaphore_mem>>
      %dma_start3A = tpu.memref_slice %arg8[%mul3A_7] : memref<10240xf32, #tpu.memory_space<vmem_shared>> -> memref<640xf32, #tpu.memory_space<vmem_shared>>
      %dma_start3A_24 = tpu.memref_slice %arg8[%mul3A_7] : memref<10240xf32, #tpu.memory_space<vmem_shared>> -> memref<640xf32, #tpu.memory_space<vmem_shared>>
      tpu.enqueue_dma source(%arg7 : memref<640xf32, #tpu.memory_space<vmem>>) target(%dma_start3A_24 : memref<640xf32, #tpu.memory_space<vmem_shared>>) target_semaphore(%run_scoped3A : memref<!tpu.dma_semaphore, #tpu.memory_space<semaphore_mem>>)
      %dma_wait3A = tpu.memref_slice %arg8[%mul3A_7] : memref<10240xf32, #tpu.memory_space<vmem_shared>> -> memref<640xf32, #tpu.memory_space<vmem_shared>>
      %dma_wait3A_25 = tpu.memref_slice %arg8[%mul3A_7] : memref<10240xf32, #tpu.memory_space<vmem_shared>> -> memref<640xf32, #tpu.memory_space<vmem_shared>>
      tpu.wait_dma2 semaphore(%run_scoped3A : memref<!tpu.dma_semaphore, #tpu.memory_space<semaphore_mem>>) src(%arg7 : memref<640xf32, #tpu.memory_space<vmem>>) dst(%dma_wait3A_25 : memref<640xf32, #tpu.memory_space<vmem_shared>>)
      tpu.yield
    }) : () -> ()
    "tpu.region"() ({
      %run_scoped3A = tpu.sem_alloc : memref<!tpu.dma_semaphore, #tpu.memory_space<semaphore_mem>>
      %dma_start3A = arith.constant 0 : i32
      %dma_start3A_24 = arith.constant 0 : i32
      %dma_start3A_25 = tpu.memref_slice %arg2[%add3A, %dma_start3A, %dma_start3A_24] : memref<32x40x128xi32, #tpu.memory_space<hbm>> -> memref<1x40x128xi32, #tpu.memory_space<hbm>>
      %dma_start3A_26 = tpu.memref_squeeze %dma_start3A_25 : memref<1x40x128xi32, #tpu.memory_space<hbm>> -> memref<40x128xi32, #tpu.memory_space<hbm>>
      %dma_start3A_27 = arith.constant 0 : i32
      %dma_start3A_28 = arith.constant 0 : i32
      %dma_start3A_29 = tpu.memref_slice %arg2[%add3A, %dma_start3A_27, %dma_start3A_28] : memref<32x40x128xi32, #tpu.memory_space<hbm>> -> memref<1x40x128xi32, #tpu.memory_space<hbm>>
      %dma_start3A_30 = tpu.memref_squeeze %dma_start3A_29 : memref<1x40x128xi32, #tpu.memory_space<hbm>> -> memref<40x128xi32, #tpu.memory_space<hbm>>
      tpu.enqueue_dma source(%dma_start3A_30 : memref<40x128xi32, #tpu.memory_space<hbm>>) target(%arg5 : memref<40x128xi32, #tpu.memory_space<vmem>>) target_semaphore(%run_scoped3A : memref<!tpu.dma_semaphore, #tpu.memory_space<semaphore_mem>>)
      %dma_wait3A = arith.constant 0 : i32
      %dma_wait3A_31 = arith.constant 0 : i32
      %dma_wait3A_32 = tpu.memref_slice %arg2[%add3A, %dma_wait3A, %dma_wait3A_31] : memref<32x40x128xi32, #tpu.memory_space<hbm>> -> memref<1x40x128xi32, #tpu.memory_space<hbm>>
      %dma_wait3A_33 = tpu.memref_squeeze %dma_wait3A_32 : memref<1x40x128xi32, #tpu.memory_space<hbm>> -> memref<40x128xi32, #tpu.memory_space<hbm>>
      %dma_wait3A_34 = arith.constant 0 : i32
      %dma_wait3A_35 = arith.constant 0 : i32
      %dma_wait3A_36 = tpu.memref_slice %arg2[%add3A, %dma_wait3A_34, %dma_wait3A_35] : memref<32x40x128xi32, #tpu.memory_space<hbm>> -> memref<1x40x128xi32, #tpu.memory_space<hbm>>
      %dma_wait3A_37 = tpu.memref_squeeze %dma_wait3A_36 : memref<1x40x128xi32, #tpu.memory_space<hbm>> -> memref<40x128xi32, #tpu.memory_space<hbm>>
      tpu.wait_dma2 semaphore(%run_scoped3A : memref<!tpu.dma_semaphore, #tpu.memory_space<semaphore_mem>>) src(%dma_wait3A_37 : memref<40x128xi32, #tpu.memory_space<hbm>>) dst(%arg5 : memref<40x128xi32, #tpu.memory_space<vmem>>)
      tpu.yield
    }) : () -> ()
    %mul3A_8 = arith.constant 5120 : i32
    %mul3A_9 = arith.muli %add3A, %mul3A_8 : i32
    "tpu.region"() ({
      %run_scoped3A = tpu.sem_alloc : memref<!tpu.dma_semaphore, #tpu.memory_space<semaphore_mem>>
      %dma_start3A = tpu.memref_slice %arg3[%mul3A_9] : memref<163840xf32, #tpu.memory_space<hbm>> -> memref<5120xf32, #tpu.memory_space<hbm>>
      %dma_start3A_24 = tpu.memref_slice %arg3[%mul3A_9] : memref<163840xf32, #tpu.memory_space<hbm>> -> memref<5120xf32, #tpu.memory_space<hbm>>
      tpu.enqueue_dma source(%dma_start3A_24 : memref<5120xf32, #tpu.memory_space<hbm>>) target(%arg6 : memref<5120xf32, #tpu.memory_space<vmem>>) target_semaphore(%run_scoped3A : memref<!tpu.dma_semaphore, #tpu.memory_space<semaphore_mem>>)
      %dma_wait3A = tpu.memref_slice %arg3[%mul3A_9] : memref<163840xf32, #tpu.memory_space<hbm>> -> memref<5120xf32, #tpu.memory_space<hbm>>
      %dma_wait3A_25 = tpu.memref_slice %arg3[%mul3A_9] : memref<163840xf32, #tpu.memory_space<hbm>> -> memref<5120xf32, #tpu.memory_space<hbm>>
      tpu.wait_dma2 semaphore(%run_scoped3A : memref<!tpu.dma_semaphore, #tpu.memory_space<semaphore_mem>>) src(%dma_wait3A_25 : memref<5120xf32, #tpu.memory_space<hbm>>) dst(%arg6 : memref<5120xf32, #tpu.memory_space<vmem>>)
      tpu.yield
    }) : () -> ()
    %barrier3A = arith.constant 0 : index
    tpu.barrier barrier_id(%barrier3A)
    %scan3A_10 = arith.constant 0 : i32
    %scan3A_11 = arith.constant 0 : i32
    %scan3A_12 = arith.constant 40 : i32
    %scan3A_13 = arith.addi %scan3A_11, %scan3A_12 : i32
    %scan3A_14 = arith.constant 1 : i32
    scf.for %scan3A_24 = %scan3A_11 to %scan3A_13 step %scan3A_14  : i32 {
      %mul3A_25 = arith.constant 128 : i32
      %mul3A_26 = arith.muli %scan3A_24, %mul3A_25 : i32
      "tpu.region"() ({
        %run_scoped3A = tpu.sem_alloc : memref<!tpu.dma_semaphore, #tpu.memory_space<semaphore_mem>>
        %dma_start3A = tpu.memref_slice %arg6[%mul3A_26] : memref<5120xf32, #tpu.memory_space<vmem>> -> memref<128xf32, #tpu.memory_space<vmem>>
        %dma_start3A_27 = arith.constant 0 : i32
        %dma_start3A_28 = tpu.memref_slice %arg5[%scan3A_24, %dma_start3A_27] : memref<40x128xi32, #tpu.memory_space<vmem>> -> memref<1x128xi32, #tpu.memory_space<vmem>>
        %dma_start3A_29 = tpu.memref_squeeze %dma_start3A_28 : memref<1x128xi32, #tpu.memory_space<vmem>> -> memref<128xi32, #tpu.memory_space<vmem>>
        %dma_start3A_30 = arith.constant 0 : i32
        %dma_start3A_31 = tpu.memref_slice %arg8[%dma_start3A_30] : memref<10240xf32, #tpu.memory_space<vmem_shared>> -> memref<10240xf32, #tpu.memory_space<vmem_shared>>
        tpu.enqueue_indirect_dma source(%dma_start3A : memref<128xf32, #tpu.memory_space<vmem>>) target(%dma_start3A_31 : memref<10240xf32, #tpu.memory_space<vmem_shared>>) offsets(%dma_start3A_29 : memref<128xi32, #tpu.memory_space<vmem>>) semaphore(%run_scoped3A : memref<!tpu.dma_semaphore, #tpu.memory_space<semaphore_mem>>) {add = true}
        %dma_wait3A = tpu.memref_slice %arg6[%mul3A_26] : memref<5120xf32, #tpu.memory_space<vmem>> -> memref<128xf32, #tpu.memory_space<vmem>>
        %dma_wait3A_32 = arith.constant 0 : i32
        %dma_wait3A_33 = tpu.memref_slice %arg5[%scan3A_24, %dma_wait3A_32] : memref<40x128xi32, #tpu.memory_space<vmem>> -> memref<1x128xi32, #tpu.memory_space<vmem>>
        %dma_wait3A_34 = tpu.memref_squeeze %dma_wait3A_33 : memref<1x128xi32, #tpu.memory_space<vmem>> -> memref<128xi32, #tpu.memory_space<vmem>>
        %dma_wait3A_35 = arith.constant 0 : i32
        %dma_wait3A_36 = tpu.memref_slice %arg8[%dma_wait3A_35] : memref<10240xf32, #tpu.memory_space<vmem_shared>> -> memref<10240xf32, #tpu.memory_space<vmem_shared>>
        tpu.wait_indirect_dma semaphore(%run_scoped3A : memref<!tpu.dma_semaphore, #tpu.memory_space<semaphore_mem>>) src(%dma_wait3A : memref<128xf32, #tpu.memory_space<vmem>>) dst(%dma_wait3A_36 : memref<10240xf32, #tpu.memory_space<vmem_shared>>)
        tpu.yield
      }) : () -> ()
    }
    %scan3A_15 = arith.constant 40 : i32
    %barrier3A_16 = arith.constant 0 : index
    tpu.barrier barrier_id(%barrier3A_16)
    %mul3A_17 = arith.constant 640 : i32
    %mul3A_18 = arith.muli %arg1, %mul3A_17 : i32
    "tpu.region"() ({
      %run_scoped3A = tpu.sem_alloc : memref<!tpu.dma_semaphore, #tpu.memory_space<semaphore_mem>>
      %dma_start3A = tpu.memref_slice %arg8[%mul3A_18] : memref<10240xf32, #tpu.memory_space<vmem_shared>> -> memref<640xf32, #tpu.memory_space<vmem_shared>>
      %dma_start3A_24 = tpu.memref_slice %arg8[%mul3A_18] : memref<10240xf32, #tpu.memory_space<vmem_shared>> -> memref<640xf32, #tpu.memory_space<vmem_shared>>
      tpu.enqueue_dma source(%dma_start3A_24 : memref<640xf32, #tpu.memory_space<vmem_shared>>) target(%arg7 : memref<640xf32, #tpu.memory_space<vmem>>) target_semaphore(%run_scoped3A : memref<!tpu.dma_semaphore, #tpu.memory_space<semaphore_mem>>)
      %dma_wait3A = tpu.memref_slice %arg8[%mul3A_18] : memref<10240xf32, #tpu.memory_space<vmem_shared>> -> memref<640xf32, #tpu.memory_space<vmem_shared>>
      %dma_wait3A_25 = tpu.memref_slice %arg8[%mul3A_18] : memref<10240xf32, #tpu.memory_space<vmem_shared>> -> memref<640xf32, #tpu.memory_space<vmem_shared>>
      tpu.wait_dma2 semaphore(%run_scoped3A : memref<!tpu.dma_semaphore, #tpu.memory_space<semaphore_mem>>) src(%dma_wait3A_25 : memref<640xf32, #tpu.memory_space<vmem_shared>>) dst(%arg7 : memref<640xf32, #tpu.memory_space<vmem>>)
      tpu.yield
    }) : () -> ()
    %mul3A_19 = arith.constant 10240 : i32
    %mul3A_20 = arith.muli %arg0, %mul3A_19 : i32
    %mul3A_21 = arith.constant 640 : i32
    %mul3A_22 = arith.muli %arg1, %mul3A_21 : i32
    %add3A_23 = arith.addi %mul3A_20, %mul3A_22 : i32
    "tpu.region"() ({
      %run_scoped3A = tpu.sem_alloc : memref<!tpu.dma_semaphore, #tpu.memory_space<semaphore_mem>>
      %dma_start3A = tpu.memref_slice %arg4[%add3A_23] : memref<20480xf32, #tpu.memory_space<hbm>> -> memref<640xf32, #tpu.memory_space<hbm>>
      %dma_start3A_24 = tpu.memref_slice %arg4[%add3A_23] : memref<20480xf32, #tpu.memory_space<hbm>> -> memref<640xf32, #tpu.memory_space<hbm>>
      tpu.enqueue_dma source(%arg7 : memref<640xf32, #tpu.memory_space<vmem>>) target(%dma_start3A_24 : memref<640xf32, #tpu.memory_space<hbm>>) target_semaphore(%run_scoped3A : memref<!tpu.dma_semaphore, #tpu.memory_space<semaphore_mem>>)
      %dma_wait3A = tpu.memref_slice %arg4[%add3A_23] : memref<20480xf32, #tpu.memory_space<hbm>> -> memref<640xf32, #tpu.memory_space<hbm>>
      %dma_wait3A_25 = tpu.memref_slice %arg4[%add3A_23] : memref<20480xf32, #tpu.memory_space<hbm>> -> memref<640xf32, #tpu.memory_space<hbm>>
      tpu.wait_dma2 semaphore(%run_scoped3A : memref<!tpu.dma_semaphore, #tpu.memory_space<semaphore_mem>>) src(%arg7 : memref<640xf32, #tpu.memory_space<vmem>>) dst(%dma_wait3A_25 : memref<640xf32, #tpu.memory_space<hbm>>)
      tpu.yield
    }) : () -> ()
    return
  }
}

#map = affine_map<(d0, d1) -> (0, 0)>
#map1 = affine_map<(d0, d1) -> (0)>
module attributes {stable_mosaic.version = 14 : i64} {
  func.func @body(%arg0: i32, %arg1: i32, %arg2: memref<2x163840xi32, #tpu.memory_space<hbm>>, %arg3: memref<163840xi32, #tpu.memory_space<hbm>>, %arg4: memref<163840xf32, #tpu.memory_space<hbm>>, %arg5: memref<20000x128xf32, #tpu.memory_space<hbm>>, %arg6: memref<20480x128xf32, #tpu.memory_space<hbm>>, %arg7: memref<64xi32, #tpu.memory_space<vmem>>, %arg8: memref<64xi32, #tpu.memory_space<vmem>>, %arg9: memref<64xi32, #tpu.memory_space<vmem>>, %arg10: memref<64xi32, #tpu.memory_space<vmem>>, %arg11: memref<64xi32, #tpu.memory_space<vmem>>, %arg12: memref<64xi32, #tpu.memory_space<vmem>>, %arg13: memref<64xi32, #tpu.memory_space<vmem>>, %arg14: memref<64xi32, #tpu.memory_space<vmem>>, %arg15: memref<64xf32, #tpu.memory_space<vmem>>, %arg16: memref<64xf32, #tpu.memory_space<vmem>>, %arg17: memref<64xf32, #tpu.memory_space<vmem>>, %arg18: memref<64xf32, #tpu.memory_space<vmem>>, %arg19: memref<64x128xf32, #tpu.memory_space<vmem>>, %arg20: memref<64x128xf32, #tpu.memory_space<vmem>>, %arg21: memref<64x128xf32, #tpu.memory_space<vmem>>, %arg22: memref<64x128xf32, #tpu.memory_space<vmem>>, %arg23: memref<10240x128xf32, #tpu.memory_space<vmem_shared>>, %arg24: memref<!tpu.dma_semaphore, #tpu.memory_space<semaphore_mem>>, %arg25: memref<!tpu.dma_semaphore, #tpu.memory_space<semaphore_mem>>, %arg26: memref<!tpu.dma_semaphore, #tpu.memory_space<semaphore_mem>>, %arg27: memref<!tpu.dma_semaphore, #tpu.memory_space<semaphore_mem>>, %arg28: memref<!tpu.dma_semaphore, #tpu.memory_space<semaphore_mem>>, %arg29: memref<!tpu.dma_semaphore, #tpu.memory_space<semaphore_mem>>, %arg30: memref<!tpu.dma_semaphore, #tpu.memory_space<semaphore_mem>>, %arg31: memref<!tpu.dma_semaphore, #tpu.memory_space<semaphore_mem>>, %arg32: memref<!tpu.dma_semaphore, #tpu.memory_space<semaphore_mem>>, %arg33: memref<!tpu.dma_semaphore, #tpu.memory_space<semaphore_mem>>, %arg34: memref<!tpu.dma_semaphore, #tpu.memory_space<semaphore_mem>>, %arg35: memref<!tpu.dma_semaphore, #tpu.memory_space<semaphore_mem>>, %arg36: memref<!tpu.dma_semaphore, #tpu.memory_space<semaphore_mem>>, %arg37: memref<!tpu.dma_semaphore, #tpu.memory_space<semaphore_mem>>, %arg38: memref<!tpu.dma_semaphore, #tpu.memory_space<semaphore_mem>>, %arg39: memref<!tpu.dma_semaphore, #tpu.memory_space<semaphore_mem>>) attributes {dimension_semantics = [#tpu.dimension_semantics<core_parallel>, #tpu.dimension_semantics<subcore_parallel>], iteration_bounds = array<i64: 2, 16>, scalar_prefetch = 0 : i64, scratch_operands = 33 : i64, tpu.core_type = #tpu.core_type<sc_vector_subcore>, window_params = [{transform_indices = #map}, {transform_indices = #map1}, {transform_indices = #map1}, {transform_indices = #map}, {transform_indices = #map}]} {
    %mul3A = arith.constant 10240 : i32
    %mul3A_0 = arith.muli %arg1, %mul3A : i32
    %scan3A = arith.constant 0 : i32
    %scan3A_1 = arith.constant 0 : i32
    %scan3A_2 = arith.constant 64 : i32
    %scan3A_3 = arith.addi %scan3A_1, %scan3A_2 : i32
    %scan3A_4 = arith.constant 1 : i32
    scf.for %scan3A_258 = %scan3A_1 to %scan3A_3 step %scan3A_4  : i32 {
      %broadcast_in_dim3A = arith.constant 0.000000e+00 : f32
      %broadcast_in_dim3A_259 = vector.broadcast %broadcast_in_dim3A : f32 to vector<16xf32>
      %swap3A = arith.index_cast %scan3A_258 : i32 to index
      %swap3A_260 = arith.constant 0 : index
      %swap3A_261 = tpu.vector_load %arg19[%swap3A, %swap3A_260] {strides = array<i32>} : memref<64x128xf32, #tpu.memory_space<vmem>>, vector<16xf32>,
      tpu.vector_store %arg19[%swap3A, %swap3A_260], %broadcast_in_dim3A_259 {strides = array<i32>} : memref<64x128xf32, #tpu.memory_space<vmem>>, vector<16xf32>,
      %broadcast_in_dim3A_262 = arith.constant 0.000000e+00 : f32
      %broadcast_in_dim3A_263 = vector.broadcast %broadcast_in_dim3A_262 : f32 to vector<16xf32>
      %swap3A_264 = arith.index_cast %scan3A_258 : i32 to index
      %swap3A_265 = arith.constant 16 : index
      %swap3A_266 = tpu.vector_load %arg19[%swap3A_264, %swap3A_265] {strides = array<i32>} : memref<64x128xf32, #tpu.memory_space<vmem>>, vector<16xf32>,
      tpu.vector_store %arg19[%swap3A_264, %swap3A_265], %broadcast_in_dim3A_263 {strides = array<i32>} : memref<64x128xf32, #tpu.memory_space<vmem>>, vector<16xf32>,
      %broadcast_in_dim3A_267 = arith.constant 0.000000e+00 : f32
      %broadcast_in_dim3A_268 = vector.broadcast %broadcast_in_dim3A_267 : f32 to vector<16xf32>
      %swap3A_269 = arith.index_cast %scan3A_258 : i32 to index
      %swap3A_270 = arith.constant 32 : index
      %swap3A_271 = tpu.vector_load %arg19[%swap3A_269, %swap3A_270] {strides = array<i32>} : memref<64x128xf32, #tpu.memory_space<vmem>>, vector<16xf32>,
      tpu.vector_store %arg19[%swap3A_269, %swap3A_270], %broadcast_in_dim3A_268 {strides = array<i32>} : memref<64x128xf32, #tpu.memory_space<vmem>>, vector<16xf32>,
      %broadcast_in_dim3A_272 = arith.constant 0.000000e+00 : f32
      %broadcast_in_dim3A_273 = vector.broadcast %broadcast_in_dim3A_272 : f32 to vector<16xf32>
      %swap3A_274 = arith.index_cast %scan3A_258 : i32 to index
      %swap3A_275 = arith.constant 48 : index
      %swap3A_276 = tpu.vector_load %arg19[%swap3A_274, %swap3A_275] {strides = array<i32>} : memref<64x128xf32, #tpu.memory_space<vmem>>, vector<16xf32>,
      tpu.vector_store %arg19[%swap3A_274, %swap3A_275], %broadcast_in_dim3A_273 {strides = array<i32>} : memref<64x128xf32, #tpu.memory_space<vmem>>, vector<16xf32>,
      %broadcast_in_dim3A_277 = arith.constant 0.000000e+00 : f32
      %broadcast_in_dim3A_278 = vector.broadcast %broadcast_in_dim3A_277 : f32 to vector<16xf32>
      %swap3A_279 = arith.index_cast %scan3A_258 : i32 to index
      %swap3A_280 = arith.constant 64 : index
      %swap3A_281 = tpu.vector_load %arg19[%swap3A_279, %swap3A_280] {strides = array<i32>} : memref<64x128xf32, #tpu.memory_space<vmem>>, vector<16xf32>,
      tpu.vector_store %arg19[%swap3A_279, %swap3A_280], %broadcast_in_dim3A_278 {strides = array<i32>} : memref<64x128xf32, #tpu.memory_space<vmem>>, vector<16xf32>,
      %broadcast_in_dim3A_282 = arith.constant 0.000000e+00 : f32
      %broadcast_in_dim3A_283 = vector.broadcast %broadcast_in_dim3A_282 : f32 to vector<16xf32>
      %swap3A_284 = arith.index_cast %scan3A_258 : i32 to index
      %swap3A_285 = arith.constant 80 : index
      %swap3A_286 = tpu.vector_load %arg19[%swap3A_284, %swap3A_285] {strides = array<i32>} : memref<64x128xf32, #tpu.memory_space<vmem>>, vector<16xf32>,
      tpu.vector_store %arg19[%swap3A_284, %swap3A_285], %broadcast_in_dim3A_283 {strides = array<i32>} : memref<64x128xf32, #tpu.memory_space<vmem>>, vector<16xf32>,
      %broadcast_in_dim3A_287 = arith.constant 0.000000e+00 : f32
      %broadcast_in_dim3A_288 = vector.broadcast %broadcast_in_dim3A_287 : f32 to vector<16xf32>
      %swap3A_289 = arith.index_cast %scan3A_258 : i32 to index
      %swap3A_290 = arith.constant 96 : index
      %swap3A_291 = tpu.vector_load %arg19[%swap3A_289, %swap3A_290] {strides = array<i32>} : memref<64x128xf32, #tpu.memory_space<vmem>>, vector<16xf32>,
      tpu.vector_store %arg19[%swap3A_289, %swap3A_290], %broadcast_in_dim3A_288 {strides = array<i32>} : memref<64x128xf32, #tpu.memory_space<vmem>>, vector<16xf32>,
      %broadcast_in_dim3A_292 = arith.constant 0.000000e+00 : f32
      %broadcast_in_dim3A_293 = vector.broadcast %broadcast_in_dim3A_292 : f32 to vector<16xf32>
      %swap3A_294 = arith.index_cast %scan3A_258 : i32 to index
      %swap3A_295 = arith.constant 112 : index
      %swap3A_296 = tpu.vector_load %arg19[%swap3A_294, %swap3A_295] {strides = array<i32>} : memref<64x128xf32, #tpu.memory_space<vmem>>, vector<16xf32>,
      tpu.vector_store %arg19[%swap3A_294, %swap3A_295], %broadcast_in_dim3A_293 {strides = array<i32>} : memref<64x128xf32, #tpu.memory_space<vmem>>, vector<16xf32>,
    }
    %scan3A_5 = arith.constant 64 : i32
    %mul3A_6 = arith.constant 640 : i32
    %mul3A_7 = arith.muli %arg1, %mul3A_6 : i32
    %add3A = arith.constant 0 : i32
    %add3A_8 = arith.addi %mul3A_7, %add3A : i32
    "tpu.region"() ({
      %run_scoped3A = tpu.sem_alloc : memref<!tpu.dma_semaphore, #tpu.memory_space<semaphore_mem>>
      %dma_start3A_258 = arith.constant 0 : i32
      %dma_start3A_259 = tpu.memref_slice %arg23[%add3A_8, %dma_start3A_258] : memref<10240x128xf32, #tpu.memory_space<vmem_shared>> -> memref<64x128xf32, #tpu.memory_space<vmem_shared>>
      %dma_start3A_260 = arith.constant 0 : i32
      %dma_start3A_261 = tpu.memref_slice %arg23[%add3A_8, %dma_start3A_260] : memref<10240x128xf32, #tpu.memory_space<vmem_shared>> -> memref<64x128xf32, #tpu.memory_space<vmem_shared>>
      tpu.enqueue_dma source(%arg19 : memref<64x128xf32, #tpu.memory_space<vmem>>) target(%dma_start3A_261 : memref<64x128xf32, #tpu.memory_space<vmem_shared>>) target_semaphore(%run_scoped3A : memref<!tpu.dma_semaphore, #tpu.memory_space<semaphore_mem>>)
      %dma_wait3A_262 = arith.constant 0 : i32
      %dma_wait3A_263 = tpu.memref_slice %arg23[%add3A_8, %dma_wait3A_262] : memref<10240x128xf32, #tpu.memory_space<vmem_shared>> -> memref<64x128xf32, #tpu.memory_space<vmem_shared>>
      %dma_wait3A_264 = arith.constant 0 : i32
      %dma_wait3A_265 = tpu.memref_slice %arg23[%add3A_8, %dma_wait3A_264] : memref<10240x128xf32, #tpu.memory_space<vmem_shared>> -> memref<64x128xf32, #tpu.memory_space<vmem_shared>>
      tpu.wait_dma2 semaphore(%run_scoped3A : memref<!tpu.dma_semaphore, #tpu.memory_space<semaphore_mem>>) src(%arg19 : memref<64x128xf32, #tpu.memory_space<vmem>>) dst(%dma_wait3A_265 : memref<64x128xf32, #tpu.memory_space<vmem_shared>>)
      tpu.yield
    }) : () -> ()
    %mul3A_9 = arith.constant 640 : i32
    %mul3A_10 = arith.muli %arg1, %mul3A_9 : i32
    %add3A_11 = arith.constant 64 : i32
    %add3A_12 = arith.addi %mul3A_10, %add3A_11 : i32
    "tpu.region"() ({
      %run_scoped3A = tpu.sem_alloc : memref<!tpu.dma_semaphore, #tpu.memory_space<semaphore_mem>>
      %dma_start3A_258 = arith.constant 0 : i32
      %dma_start3A_259 = tpu.memref_slice %arg23[%add3A_12, %dma_start3A_258] : memref<10240x128xf32, #tpu.memory_space<vmem_shared>> -> memref<64x128xf32, #tpu.memory_space<vmem_shared>>
      %dma_start3A_260 = arith.constant 0 : i32
      %dma_start3A_261 = tpu.memref_slice %arg23[%add3A_12, %dma_start3A_260] : memref<10240x128xf32, #tpu.memory_space<vmem_shared>> -> memref<64x128xf32, #tpu.memory_space<vmem_shared>>
      tpu.enqueue_dma source(%arg19 : memref<64x128xf32, #tpu.memory_space<vmem>>) target(%dma_start3A_261 : memref<64x128xf32, #tpu.memory_space<vmem_shared>>) target_semaphore(%run_scoped3A : memref<!tpu.dma_semaphore, #tpu.memory_space<semaphore_mem>>)
      %dma_wait3A_262 = arith.constant 0 : i32
      %dma_wait3A_263 = tpu.memref_slice %arg23[%add3A_12, %dma_wait3A_262] : memref<10240x128xf32, #tpu.memory_space<vmem_shared>> -> memref<64x128xf32, #tpu.memory_space<vmem_shared>>
      %dma_wait3A_264 = arith.constant 0 : i32
      %dma_wait3A_265 = tpu.memref_slice %arg23[%add3A_12, %dma_wait3A_264] : memref<10240x128xf32, #tpu.memory_space<vmem_shared>> -> memref<64x128xf32, #tpu.memory_space<vmem_shared>>
      tpu.wait_dma2 semaphore(%run_scoped3A : memref<!tpu.dma_semaphore, #tpu.memory_space<semaphore_mem>>) src(%arg19 : memref<64x128xf32, #tpu.memory_space<vmem>>) dst(%dma_wait3A_265 : memref<64x128xf32, #tpu.memory_space<vmem_shared>>)
      tpu.yield
    }) : () -> ()
    %mul3A_13 = arith.constant 640 : i32
    %mul3A_14 = arith.muli %arg1, %mul3A_13 : i32
    %add3A_15 = arith.constant 128 : i32
    %add3A_16 = arith.addi %mul3A_14, %add3A_15 : i32
    "tpu.region"() ({
      %run_scoped3A = tpu.sem_alloc : memref<!tpu.dma_semaphore, #tpu.memory_space<semaphore_mem>>
      %dma_start3A_258 = arith.constant 0 : i32
      %dma_start3A_259 = tpu.memref_slice %arg23[%add3A_16, %dma_start3A_258] : memref<10240x128xf32, #tpu.memory_space<vmem_shared>> -> memref<64x128xf32, #tpu.memory_space<vmem_shared>>
      %dma_start3A_260 = arith.constant 0 : i32
      %dma_start3A_261 = tpu.memref_slice %arg23[%add3A_16, %dma_start3A_260] : memref<10240x128xf32, #tpu.memory_space<vmem_shared>> -> memref<64x128xf32, #tpu.memory_space<vmem_shared>>
      tpu.enqueue_dma source(%arg19 : memref<64x128xf32, #tpu.memory_space<vmem>>) target(%dma_start3A_261 : memref<64x128xf32, #tpu.memory_space<vmem_shared>>) target_semaphore(%run_scoped3A : memref<!tpu.dma_semaphore, #tpu.memory_space<semaphore_mem>>)
      %dma_wait3A_262 = arith.constant 0 : i32
      %dma_wait3A_263 = tpu.memref_slice %arg23[%add3A_16, %dma_wait3A_262] : memref<10240x128xf32, #tpu.memory_space<vmem_shared>> -> memref<64x128xf32, #tpu.memory_space<vmem_shared>>
      %dma_wait3A_264 = arith.constant 0 : i32
      %dma_wait3A_265 = tpu.memref_slice %arg23[%add3A_16, %dma_wait3A_264] : memref<10240x128xf32, #tpu.memory_space<vmem_shared>> -> memref<64x128xf32, #tpu.memory_space<vmem_shared>>
      tpu.wait_dma2 semaphore(%run_scoped3A : memref<!tpu.dma_semaphore, #tpu.memory_space<semaphore_mem>>) src(%arg19 : memref<64x128xf32, #tpu.memory_space<vmem>>) dst(%dma_wait3A_265 : memref<64x128xf32, #tpu.memory_space<vmem_shared>>)
      tpu.yield
    }) : () -> ()
    %mul3A_17 = arith.constant 640 : i32
    %mul3A_18 = arith.muli %arg1, %mul3A_17 : i32
    %add3A_19 = arith.constant 192 : i32
    %add3A_20 = arith.addi %mul3A_18, %add3A_19 : i32
    "tpu.region"() ({
      %run_scoped3A = tpu.sem_alloc : memref<!tpu.dma_semaphore, #tpu.memory_space<semaphore_mem>>
      %dma_start3A_258 = arith.constant 0 : i32
      %dma_start3A_259 = tpu.memref_slice %arg23[%add3A_20, %dma_start3A_258] : memref<10240x128xf32, #tpu.memory_space<vmem_shared>> -> memref<64x128xf32, #tpu.memory_space<vmem_shared>>
      %dma_start3A_260 = arith.constant 0 : i32
      %dma_start3A_261 = tpu.memref_slice %arg23[%add3A_20, %dma_start3A_260] : memref<10240x128xf32, #tpu.memory_space<vmem_shared>> -> memref<64x128xf32, #tpu.memory_space<vmem_shared>>
      tpu.enqueue_dma source(%arg19 : memref<64x128xf32, #tpu.memory_space<vmem>>) target(%dma_start3A_261 : memref<64x128xf32, #tpu.memory_space<vmem_shared>>) target_semaphore(%run_scoped3A : memref<!tpu.dma_semaphore, #tpu.memory_space<semaphore_mem>>)
      %dma_wait3A_262 = arith.constant 0 : i32
      %dma_wait3A_263 = tpu.memref_slice %arg23[%add3A_20, %dma_wait3A_262] : memref<10240x128xf32, #tpu.memory_space<vmem_shared>> -> memref<64x128xf32, #tpu.memory_space<vmem_shared>>
      %dma_wait3A_264 = arith.constant 0 : i32
      %dma_wait3A_265 = tpu.memref_slice %arg23[%add3A_20, %dma_wait3A_264] : memref<10240x128xf32, #tpu.memory_space<vmem_shared>> -> memref<64x128xf32, #tpu.memory_space<vmem_shared>>
      tpu.wait_dma2 semaphore(%run_scoped3A : memref<!tpu.dma_semaphore, #tpu.memory_space<semaphore_mem>>) src(%arg19 : memref<64x128xf32, #tpu.memory_space<vmem>>) dst(%dma_wait3A_265 : memref<64x128xf32, #tpu.memory_space<vmem_shared>>)
      tpu.yield
    }) : () -> ()
    %mul3A_21 = arith.constant 640 : i32
    %mul3A_22 = arith.muli %arg1, %mul3A_21 : i32
    %add3A_23 = arith.constant 256 : i32
    %add3A_24 = arith.addi %mul3A_22, %add3A_23 : i32
    "tpu.region"() ({
      %run_scoped3A = tpu.sem_alloc : memref<!tpu.dma_semaphore, #tpu.memory_space<semaphore_mem>>
      %dma_start3A_258 = arith.constant 0 : i32
      %dma_start3A_259 = tpu.memref_slice %arg23[%add3A_24, %dma_start3A_258] : memref<10240x128xf32, #tpu.memory_space<vmem_shared>> -> memref<64x128xf32, #tpu.memory_space<vmem_shared>>
      %dma_start3A_260 = arith.constant 0 : i32
      %dma_start3A_261 = tpu.memref_slice %arg23[%add3A_24, %dma_start3A_260] : memref<10240x128xf32, #tpu.memory_space<vmem_shared>> -> memref<64x128xf32, #tpu.memory_space<vmem_shared>>
      tpu.enqueue_dma source(%arg19 : memref<64x128xf32, #tpu.memory_space<vmem>>) target(%dma_start3A_261 : memref<64x128xf32, #tpu.memory_space<vmem_shared>>) target_semaphore(%run_scoped3A : memref<!tpu.dma_semaphore, #tpu.memory_space<semaphore_mem>>)
      %dma_wait3A_262 = arith.constant 0 : i32
      %dma_wait3A_263 = tpu.memref_slice %arg23[%add3A_24, %dma_wait3A_262] : memref<10240x128xf32, #tpu.memory_space<vmem_shared>> -> memref<64x128xf32, #tpu.memory_space<vmem_shared>>
      %dma_wait3A_264 = arith.constant 0 : i32
      %dma_wait3A_265 = tpu.memref_slice %arg23[%add3A_24, %dma_wait3A_264] : memref<10240x128xf32, #tpu.memory_space<vmem_shared>> -> memref<64x128xf32, #tpu.memory_space<vmem_shared>>
      tpu.wait_dma2 semaphore(%run_scoped3A : memref<!tpu.dma_semaphore, #tpu.memory_space<semaphore_mem>>) src(%arg19 : memref<64x128xf32, #tpu.memory_space<vmem>>) dst(%dma_wait3A_265 : memref<64x128xf32, #tpu.memory_space<vmem_shared>>)
      tpu.yield
    }) : () -> ()
    %mul3A_25 = arith.constant 640 : i32
    %mul3A_26 = arith.muli %arg1, %mul3A_25 : i32
    %add3A_27 = arith.constant 320 : i32
    %add3A_28 = arith.addi %mul3A_26, %add3A_27 : i32
    "tpu.region"() ({
      %run_scoped3A = tpu.sem_alloc : memref<!tpu.dma_semaphore, #tpu.memory_space<semaphore_mem>>
      %dma_start3A_258 = arith.constant 0 : i32
      %dma_start3A_259 = tpu.memref_slice %arg23[%add3A_28, %dma_start3A_258] : memref<10240x128xf32, #tpu.memory_space<vmem_shared>> -> memref<64x128xf32, #tpu.memory_space<vmem_shared>>
      %dma_start3A_260 = arith.constant 0 : i32
      %dma_start3A_261 = tpu.memref_slice %arg23[%add3A_28, %dma_start3A_260] : memref<10240x128xf32, #tpu.memory_space<vmem_shared>> -> memref<64x128xf32, #tpu.memory_space<vmem_shared>>
      tpu.enqueue_dma source(%arg19 : memref<64x128xf32, #tpu.memory_space<vmem>>) target(%dma_start3A_261 : memref<64x128xf32, #tpu.memory_space<vmem_shared>>) target_semaphore(%run_scoped3A : memref<!tpu.dma_semaphore, #tpu.memory_space<semaphore_mem>>)
      %dma_wait3A_262 = arith.constant 0 : i32
      %dma_wait3A_263 = tpu.memref_slice %arg23[%add3A_28, %dma_wait3A_262] : memref<10240x128xf32, #tpu.memory_space<vmem_shared>> -> memref<64x128xf32, #tpu.memory_space<vmem_shared>>
      %dma_wait3A_264 = arith.constant 0 : i32
      %dma_wait3A_265 = tpu.memref_slice %arg23[%add3A_28, %dma_wait3A_264] : memref<10240x128xf32, #tpu.memory_space<vmem_shared>> -> memref<64x128xf32, #tpu.memory_space<vmem_shared>>
      tpu.wait_dma2 semaphore(%run_scoped3A : memref<!tpu.dma_semaphore, #tpu.memory_space<semaphore_mem>>) src(%arg19 : memref<64x128xf32, #tpu.memory_space<vmem>>) dst(%dma_wait3A_265 : memref<64x128xf32, #tpu.memory_space<vmem_shared>>)
      tpu.yield
    }) : () -> ()
    %mul3A_29 = arith.constant 640 : i32
    %mul3A_30 = arith.muli %arg1, %mul3A_29 : i32
    %add3A_31 = arith.constant 384 : i32
    %add3A_32 = arith.addi %mul3A_30, %add3A_31 : i32
    "tpu.region"() ({
      %run_scoped3A = tpu.sem_alloc : memref<!tpu.dma_semaphore, #tpu.memory_space<semaphore_mem>>
      %dma_start3A_258 = arith.constant 0 : i32
      %dma_start3A_259 = tpu.memref_slice %arg23[%add3A_32, %dma_start3A_258] : memref<10240x128xf32, #tpu.memory_space<vmem_shared>> -> memref<64x128xf32, #tpu.memory_space<vmem_shared>>
      %dma_start3A_260 = arith.constant 0 : i32
      %dma_start3A_261 = tpu.memref_slice %arg23[%add3A_32, %dma_start3A_260] : memref<10240x128xf32, #tpu.memory_space<vmem_shared>> -> memref<64x128xf32, #tpu.memory_space<vmem_shared>>
      tpu.enqueue_dma source(%arg19 : memref<64x128xf32, #tpu.memory_space<vmem>>) target(%dma_start3A_261 : memref<64x128xf32, #tpu.memory_space<vmem_shared>>) target_semaphore(%run_scoped3A : memref<!tpu.dma_semaphore, #tpu.memory_space<semaphore_mem>>)
      %dma_wait3A_262 = arith.constant 0 : i32
      %dma_wait3A_263 = tpu.memref_slice %arg23[%add3A_32, %dma_wait3A_262] : memref<10240x128xf32, #tpu.memory_space<vmem_shared>> -> memref<64x128xf32, #tpu.memory_space<vmem_shared>>
      %dma_wait3A_264 = arith.constant 0 : i32
      %dma_wait3A_265 = tpu.memref_slice %arg23[%add3A_32, %dma_wait3A_264] : memref<10240x128xf32, #tpu.memory_space<vmem_shared>> -> memref<64x128xf32, #tpu.memory_space<vmem_shared>>
      tpu.wait_dma2 semaphore(%run_scoped3A : memref<!tpu.dma_semaphore, #tpu.memory_space<semaphore_mem>>) src(%arg19 : memref<64x128xf32, #tpu.memory_space<vmem>>) dst(%dma_wait3A_265 : memref<64x128xf32, #tpu.memory_space<vmem_shared>>)
      tpu.yield
    }) : () -> ()
    %mul3A_33 = arith.constant 640 : i32
    %mul3A_34 = arith.muli %arg1, %mul3A_33 : i32
    %add3A_35 = arith.constant 448 : i32
    %add3A_36 = arith.addi %mul3A_34, %add3A_35 : i32
    "tpu.region"() ({
      %run_scoped3A = tpu.sem_alloc : memref<!tpu.dma_semaphore, #tpu.memory_space<semaphore_mem>>
      %dma_start3A_258 = arith.constant 0 : i32
      %dma_start3A_259 = tpu.memref_slice %arg23[%add3A_36, %dma_start3A_258] : memref<10240x128xf32, #tpu.memory_space<vmem_shared>> -> memref<64x128xf32, #tpu.memory_space<vmem_shared>>
      %dma_start3A_260 = arith.constant 0 : i32
      %dma_start3A_261 = tpu.memref_slice %arg23[%add3A_36, %dma_start3A_260] : memref<10240x128xf32, #tpu.memory_space<vmem_shared>> -> memref<64x128xf32, #tpu.memory_space<vmem_shared>>
      tpu.enqueue_dma source(%arg19 : memref<64x128xf32, #tpu.memory_space<vmem>>) target(%dma_start3A_261 : memref<64x128xf32, #tpu.memory_space<vmem_shared>>) target_semaphore(%run_scoped3A : memref<!tpu.dma_semaphore, #tpu.memory_space<semaphore_mem>>)
      %dma_wait3A_262 = arith.constant 0 : i32
      %dma_wait3A_263 = tpu.memref_slice %arg23[%add3A_36, %dma_wait3A_262] : memref<10240x128xf32, #tpu.memory_space<vmem_shared>> -> memref<64x128xf32, #tpu.memory_space<vmem_shared>>
      %dma_wait3A_264 = arith.constant 0 : i32
      %dma_wait3A_265 = tpu.memref_slice %arg23[%add3A_36, %dma_wait3A_264] : memref<10240x128xf32, #tpu.memory_space<vmem_shared>> -> memref<64x128xf32, #tpu.memory_space<vmem_shared>>
      tpu.wait_dma2 semaphore(%run_scoped3A : memref<!tpu.dma_semaphore, #tpu.memory_space<semaphore_mem>>) src(%arg19 : memref<64x128xf32, #tpu.memory_space<vmem>>) dst(%dma_wait3A_265 : memref<64x128xf32, #tpu.memory_space<vmem_shared>>)
      tpu.yield
    }) : () -> ()
    %mul3A_37 = arith.constant 640 : i32
    %mul3A_38 = arith.muli %arg1, %mul3A_37 : i32
    %add3A_39 = arith.constant 512 : i32
    %add3A_40 = arith.addi %mul3A_38, %add3A_39 : i32
    "tpu.region"() ({
      %run_scoped3A = tpu.sem_alloc : memref<!tpu.dma_semaphore, #tpu.memory_space<semaphore_mem>>
      %dma_start3A_258 = arith.constant 0 : i32
      %dma_start3A_259 = tpu.memref_slice %arg23[%add3A_40, %dma_start3A_258] : memref<10240x128xf32, #tpu.memory_space<vmem_shared>> -> memref<64x128xf32, #tpu.memory_space<vmem_shared>>
      %dma_start3A_260 = arith.constant 0 : i32
      %dma_start3A_261 = tpu.memref_slice %arg23[%add3A_40, %dma_start3A_260] : memref<10240x128xf32, #tpu.memory_space<vmem_shared>> -> memref<64x128xf32, #tpu.memory_space<vmem_shared>>
      tpu.enqueue_dma source(%arg19 : memref<64x128xf32, #tpu.memory_space<vmem>>) target(%dma_start3A_261 : memref<64x128xf32, #tpu.memory_space<vmem_shared>>) target_semaphore(%run_scoped3A : memref<!tpu.dma_semaphore, #tpu.memory_space<semaphore_mem>>)
      %dma_wait3A_262 = arith.constant 0 : i32
      %dma_wait3A_263 = tpu.memref_slice %arg23[%add3A_40, %dma_wait3A_262] : memref<10240x128xf32, #tpu.memory_space<vmem_shared>> -> memref<64x128xf32, #tpu.memory_space<vmem_shared>>
      %dma_wait3A_264 = arith.constant 0 : i32
      %dma_wait3A_265 = tpu.memref_slice %arg23[%add3A_40, %dma_wait3A_264] : memref<10240x128xf32, #tpu.memory_space<vmem_shared>> -> memref<64x128xf32, #tpu.memory_space<vmem_shared>>
      tpu.wait_dma2 semaphore(%run_scoped3A : memref<!tpu.dma_semaphore, #tpu.memory_space<semaphore_mem>>) src(%arg19 : memref<64x128xf32, #tpu.memory_space<vmem>>) dst(%dma_wait3A_265 : memref<64x128xf32, #tpu.memory_space<vmem_shared>>)
      tpu.yield
    }) : () -> ()
    %mul3A_41 = arith.constant 640 : i32
    %mul3A_42 = arith.muli %arg1, %mul3A_41 : i32
    %add3A_43 = arith.constant 576 : i32
    %add3A_44 = arith.addi %mul3A_42, %add3A_43 : i32
    "tpu.region"() ({
      %run_scoped3A = tpu.sem_alloc : memref<!tpu.dma_semaphore, #tpu.memory_space<semaphore_mem>>
      %dma_start3A_258 = arith.constant 0 : i32
      %dma_start3A_259 = tpu.memref_slice %arg23[%add3A_44, %dma_start3A_258] : memref<10240x128xf32, #tpu.memory_space<vmem_shared>> -> memref<64x128xf32, #tpu.memory_space<vmem_shared>>
      %dma_start3A_260 = arith.constant 0 : i32
      %dma_start3A_261 = tpu.memref_slice %arg23[%add3A_44, %dma_start3A_260] : memref<10240x128xf32, #tpu.memory_space<vmem_shared>> -> memref<64x128xf32, #tpu.memory_space<vmem_shared>>
      tpu.enqueue_dma source(%arg19 : memref<64x128xf32, #tpu.memory_space<vmem>>) target(%dma_start3A_261 : memref<64x128xf32, #tpu.memory_space<vmem_shared>>) target_semaphore(%run_scoped3A : memref<!tpu.dma_semaphore, #tpu.memory_space<semaphore_mem>>)
      %dma_wait3A_262 = arith.constant 0 : i32
      %dma_wait3A_263 = tpu.memref_slice %arg23[%add3A_44, %dma_wait3A_262] : memref<10240x128xf32, #tpu.memory_space<vmem_shared>> -> memref<64x128xf32, #tpu.memory_space<vmem_shared>>
      %dma_wait3A_264 = arith.constant 0 : i32
      %dma_wait3A_265 = tpu.memref_slice %arg23[%add3A_44, %dma_wait3A_264] : memref<10240x128xf32, #tpu.memory_space<vmem_shared>> -> memref<64x128xf32, #tpu.memory_space<vmem_shared>>
      tpu.wait_dma2 semaphore(%run_scoped3A : memref<!tpu.dma_semaphore, #tpu.memory_space<semaphore_mem>>) src(%arg19 : memref<64x128xf32, #tpu.memory_space<vmem>>) dst(%dma_wait3A_265 : memref<64x128xf32, #tpu.memory_space<vmem_shared>>)
      tpu.yield
    }) : () -> ()
    %barrier3A = arith.constant 0 : index
    tpu.barrier barrier_id(%barrier3A)
    %add3A_45 = arith.constant 0 : i32
    %add3A_46 = arith.addi %mul3A_0, %add3A_45 : i32
    %dma_start3A = tpu.memref_slice %arg2[%arg0, %add3A_46] : memref<2x163840xi32, #tpu.memory_space<hbm>> -> memref<1x64xi32, #tpu.memory_space<hbm>>
    %dma_start3A_47 = tpu.memref_squeeze %dma_start3A : memref<1x64xi32, #tpu.memory_space<hbm>> -> memref<64xi32, #tpu.memory_space<hbm>>
    %dma_start3A_48 = tpu.memref_slice %arg2[%arg0, %add3A_46] : memref<2x163840xi32, #tpu.memory_space<hbm>> -> memref<1x64xi32, #tpu.memory_space<hbm>>
    %dma_start3A_49 = tpu.memref_squeeze %dma_start3A_48 : memref<1x64xi32, #tpu.memory_space<hbm>> -> memref<64xi32, #tpu.memory_space<hbm>>
    tpu.enqueue_dma source(%dma_start3A_49 : memref<64xi32, #tpu.memory_space<hbm>>) target(%arg7 : memref<64xi32, #tpu.memory_space<vmem>>) target_semaphore(%arg32 : memref<!tpu.dma_semaphore, #tpu.memory_space<semaphore_mem>>)
    %add3A_50 = arith.constant 0 : i32
    %add3A_51 = arith.addi %mul3A_0, %add3A_50 : i32
    %dma_start3A_52 = tpu.memref_slice %arg4[%add3A_51] : memref<163840xf32, #tpu.memory_space<hbm>> -> memref<64xf32, #tpu.memory_space<hbm>>
    %dma_start3A_53 = tpu.memref_slice %arg4[%add3A_51] : memref<163840xf32, #tpu.memory_space<hbm>> -> memref<64xf32, #tpu.memory_space<hbm>>
    tpu.enqueue_dma source(%dma_start3A_53 : memref<64xf32, #tpu.memory_space<hbm>>) target(%arg15 : memref<64xf32, #tpu.memory_space<vmem>>) target_semaphore(%arg32 : memref<!tpu.dma_semaphore, #tpu.memory_space<semaphore_mem>>)
    %add3A_54 = arith.constant 0 : i32
    %add3A_55 = arith.addi %mul3A_0, %add3A_54 : i32
    %dma_start3A_56 = tpu.memref_slice %arg3[%add3A_55] : memref<163840xi32, #tpu.memory_space<hbm>> -> memref<64xi32, #tpu.memory_space<hbm>>
    %dma_start3A_57 = tpu.memref_slice %arg3[%add3A_55] : memref<163840xi32, #tpu.memory_space<hbm>> -> memref<64xi32, #tpu.memory_space<hbm>>
    tpu.enqueue_dma source(%dma_start3A_57 : memref<64xi32, #tpu.memory_space<hbm>>) target(%arg11 : memref<64xi32, #tpu.memory_space<vmem>>) target_semaphore(%arg36 : memref<!tpu.dma_semaphore, #tpu.memory_space<semaphore_mem>>)
    %add3A_58 = arith.constant 64 : i32
    %add3A_59 = arith.addi %mul3A_0, %add3A_58 : i32
    %dma_start3A_60 = tpu.memref_slice %arg2[%arg0, %add3A_59] : memref<2x163840xi32, #tpu.memory_space<hbm>> -> memref<1x64xi32, #tpu.memory_space<hbm>>
    %dma_start3A_61 = tpu.memref_squeeze %dma_start3A_60 : memref<1x64xi32, #tpu.memory_space<hbm>> -> memref<64xi32, #tpu.memory_space<hbm>>
    %dma_start3A_62 = tpu.memref_slice %arg2[%arg0, %add3A_59] : memref<2x163840xi32, #tpu.memory_space<hbm>> -> memref<1x64xi32, #tpu.memory_space<hbm>>
    %dma_start3A_63 = tpu.memref_squeeze %dma_start3A_62 : memref<1x64xi32, #tpu.memory_space<hbm>> -> memref<64xi32, #tpu.memory_space<hbm>>
    tpu.enqueue_dma source(%dma_start3A_63 : memref<64xi32, #tpu.memory_space<hbm>>) target(%arg8 : memref<64xi32, #tpu.memory_space<vmem>>) target_semaphore(%arg33 : memref<!tpu.dma_semaphore, #tpu.memory_space<semaphore_mem>>)
    %add3A_64 = arith.constant 64 : i32
    %add3A_65 = arith.addi %mul3A_0, %add3A_64 : i32
    %dma_start3A_66 = tpu.memref_slice %arg4[%add3A_65] : memref<163840xf32, #tpu.memory_space<hbm>> -> memref<64xf32, #tpu.memory_space<hbm>>
    %dma_start3A_67 = tpu.memref_slice %arg4[%add3A_65] : memref<163840xf32, #tpu.memory_space<hbm>> -> memref<64xf32, #tpu.memory_space<hbm>>
    tpu.enqueue_dma source(%dma_start3A_67 : memref<64xf32, #tpu.memory_space<hbm>>) target(%arg16 : memref<64xf32, #tpu.memory_space<vmem>>) target_semaphore(%arg33 : memref<!tpu.dma_semaphore, #tpu.memory_space<semaphore_mem>>)
    %add3A_68 = arith.constant 64 : i32
    %add3A_69 = arith.addi %mul3A_0, %add3A_68 : i32
    %dma_start3A_70 = tpu.memref_slice %arg3[%add3A_69] : memref<163840xi32, #tpu.memory_space<hbm>> -> memref<64xi32, #tpu.memory_space<hbm>>
    %dma_start3A_71 = tpu.memref_slice %arg3[%add3A_69] : memref<163840xi32, #tpu.memory_space<hbm>> -> memref<64xi32, #tpu.memory_space<hbm>>
    tpu.enqueue_dma source(%dma_start3A_71 : memref<64xi32, #tpu.memory_space<hbm>>) target(%arg12 : memref<64xi32, #tpu.memory_space<vmem>>) target_semaphore(%arg37 : memref<!tpu.dma_semaphore, #tpu.memory_space<semaphore_mem>>)
    %add3A_72 = arith.constant 128 : i32
    %add3A_73 = arith.addi %mul3A_0, %add3A_72 : i32
    %dma_start3A_74 = tpu.memref_slice %arg2[%arg0, %add3A_73] : memref<2x163840xi32, #tpu.memory_space<hbm>> -> memref<1x64xi32, #tpu.memory_space<hbm>>
    %dma_start3A_75 = tpu.memref_squeeze %dma_start3A_74 : memref<1x64xi32, #tpu.memory_space<hbm>> -> memref<64xi32, #tpu.memory_space<hbm>>
    %dma_start3A_76 = tpu.memref_slice %arg2[%arg0, %add3A_73] : memref<2x163840xi32, #tpu.memory_space<hbm>> -> memref<1x64xi32, #tpu.memory_space<hbm>>
    %dma_start3A_77 = tpu.memref_squeeze %dma_start3A_76 : memref<1x64xi32, #tpu.memory_space<hbm>> -> memref<64xi32, #tpu.memory_space<hbm>>
    tpu.enqueue_dma source(%dma_start3A_77 : memref<64xi32, #tpu.memory_space<hbm>>) target(%arg9 : memref<64xi32, #tpu.memory_space<vmem>>) target_semaphore(%arg34 : memref<!tpu.dma_semaphore, #tpu.memory_space<semaphore_mem>>)
    %add3A_78 = arith.constant 128 : i32
    %add3A_79 = arith.addi %mul3A_0, %add3A_78 : i32
    %dma_start3A_80 = tpu.memref_slice %arg4[%add3A_79] : memref<163840xf32, #tpu.memory_space<hbm>> -> memref<64xf32, #tpu.memory_space<hbm>>
    %dma_start3A_81 = tpu.memref_slice %arg4[%add3A_79] : memref<163840xf32, #tpu.memory_space<hbm>> -> memref<64xf32, #tpu.memory_space<hbm>>
    tpu.enqueue_dma source(%dma_start3A_81 : memref<64xf32, #tpu.memory_space<hbm>>) target(%arg17 : memref<64xf32, #tpu.memory_space<vmem>>) target_semaphore(%arg34 : memref<!tpu.dma_semaphore, #tpu.memory_space<semaphore_mem>>)
    %add3A_82 = arith.constant 128 : i32
    %add3A_83 = arith.addi %mul3A_0, %add3A_82 : i32
    %dma_start3A_84 = tpu.memref_slice %arg3[%add3A_83] : memref<163840xi32, #tpu.memory_space<hbm>> -> memref<64xi32, #tpu.memory_space<hbm>>
    %dma_start3A_85 = tpu.memref_slice %arg3[%add3A_83] : memref<163840xi32, #tpu.memory_space<hbm>> -> memref<64xi32, #tpu.memory_space<hbm>>
    tpu.enqueue_dma source(%dma_start3A_85 : memref<64xi32, #tpu.memory_space<hbm>>) target(%arg13 : memref<64xi32, #tpu.memory_space<vmem>>) target_semaphore(%arg38 : memref<!tpu.dma_semaphore, #tpu.memory_space<semaphore_mem>>)
    %add3A_86 = arith.constant 192 : i32
    %add3A_87 = arith.addi %mul3A_0, %add3A_86 : i32
    %dma_start3A_88 = tpu.memref_slice %arg2[%arg0, %add3A_87] : memref<2x163840xi32, #tpu.memory_space<hbm>> -> memref<1x64xi32, #tpu.memory_space<hbm>>
    %dma_start3A_89 = tpu.memref_squeeze %dma_start3A_88 : memref<1x64xi32, #tpu.memory_space<hbm>> -> memref<64xi32, #tpu.memory_space<hbm>>
    %dma_start3A_90 = tpu.memref_slice %arg2[%arg0, %add3A_87] : memref<2x163840xi32, #tpu.memory_space<hbm>> -> memref<1x64xi32, #tpu.memory_space<hbm>>
    %dma_start3A_91 = tpu.memref_squeeze %dma_start3A_90 : memref<1x64xi32, #tpu.memory_space<hbm>> -> memref<64xi32, #tpu.memory_space<hbm>>
    tpu.enqueue_dma source(%dma_start3A_91 : memref<64xi32, #tpu.memory_space<hbm>>) target(%arg10 : memref<64xi32, #tpu.memory_space<vmem>>) target_semaphore(%arg35 : memref<!tpu.dma_semaphore, #tpu.memory_space<semaphore_mem>>)
    %add3A_92 = arith.constant 192 : i32
    %add3A_93 = arith.addi %mul3A_0, %add3A_92 : i32
    %dma_start3A_94 = tpu.memref_slice %arg4[%add3A_93] : memref<163840xf32, #tpu.memory_space<hbm>> -> memref<64xf32, #tpu.memory_space<hbm>>
    %dma_start3A_95 = tpu.memref_slice %arg4[%add3A_93] : memref<163840xf32, #tpu.memory_space<hbm>> -> memref<64xf32, #tpu.memory_space<hbm>>
    tpu.enqueue_dma source(%dma_start3A_95 : memref<64xf32, #tpu.memory_space<hbm>>) target(%arg18 : memref<64xf32, #tpu.memory_space<vmem>>) target_semaphore(%arg35 : memref<!tpu.dma_semaphore, #tpu.memory_space<semaphore_mem>>)
    %add3A_96 = arith.constant 192 : i32
    %add3A_97 = arith.addi %mul3A_0, %add3A_96 : i32
    %dma_start3A_98 = tpu.memref_slice %arg3[%add3A_97] : memref<163840xi32, #tpu.memory_space<hbm>> -> memref<64xi32, #tpu.memory_space<hbm>>
    %dma_start3A_99 = tpu.memref_slice %arg3[%add3A_97] : memref<163840xi32, #tpu.memory_space<hbm>> -> memref<64xi32, #tpu.memory_space<hbm>>
    tpu.enqueue_dma source(%dma_start3A_99 : memref<64xi32, #tpu.memory_space<hbm>>) target(%arg14 : memref<64xi32, #tpu.memory_space<vmem>>) target_semaphore(%arg39 : memref<!tpu.dma_semaphore, #tpu.memory_space<semaphore_mem>>)
    %add3A_100 = arith.constant 0 : i32
    %add3A_101 = arith.addi %mul3A_0, %add3A_100 : i32
    %dma_wait3A = tpu.memref_slice %arg2[%arg0, %add3A_101] : memref<2x163840xi32, #tpu.memory_space<hbm>> -> memref<1x64xi32, #tpu.memory_space<hbm>>
    %dma_wait3A_102 = tpu.memref_squeeze %dma_wait3A : memref<1x64xi32, #tpu.memory_space<hbm>> -> memref<64xi32, #tpu.memory_space<hbm>>
    %dma_wait3A_103 = tpu.memref_slice %arg2[%arg0, %add3A_101] : memref<2x163840xi32, #tpu.memory_space<hbm>> -> memref<1x64xi32, #tpu.memory_space<hbm>>
    %dma_wait3A_104 = tpu.memref_squeeze %dma_wait3A_103 : memref<1x64xi32, #tpu.memory_space<hbm>> -> memref<64xi32, #tpu.memory_space<hbm>>
    tpu.wait_dma2 semaphore(%arg32 : memref<!tpu.dma_semaphore, #tpu.memory_space<semaphore_mem>>) src(%dma_wait3A_104 : memref<64xi32, #tpu.memory_space<hbm>>) dst(%arg7 : memref<64xi32, #tpu.memory_space<vmem>>)
    %add3A_105 = arith.constant 0 : i32
    %add3A_106 = arith.addi %mul3A_0, %add3A_105 : i32
    %dma_wait3A_107 = tpu.memref_slice %arg4[%add3A_106] : memref<163840xf32, #tpu.memory_space<hbm>> -> memref<64xf32, #tpu.memory_space<hbm>>
    %dma_wait3A_108 = tpu.memref_slice %arg4[%add3A_106] : memref<163840xf32, #tpu.memory_space<hbm>> -> memref<64xf32, #tpu.memory_space<hbm>>
    tpu.wait_dma2 semaphore(%arg32 : memref<!tpu.dma_semaphore, #tpu.memory_space<semaphore_mem>>) src(%dma_wait3A_108 : memref<64xf32, #tpu.memory_space<hbm>>) dst(%arg15 : memref<64xf32, #tpu.memory_space<vmem>>)
    %dma_start3A_109 = arith.constant 0 : i32
    %dma_start3A_110 = arith.constant 0 : i32
    %dma_start3A_111 = tpu.memref_slice %arg5[%dma_start3A_109, %dma_start3A_110] : memref<20000x128xf32, #tpu.memory_space<hbm>> -> memref<20000x128xf32, #tpu.memory_space<hbm>>
    tpu.enqueue_indirect_dma source(%dma_start3A_111 : memref<20000x128xf32, #tpu.memory_space<hbm>>) target(%arg19 : memref<64x128xf32, #tpu.memory_space<vmem>>) offsets(%arg7 : memref<64xi32, #tpu.memory_space<vmem>>) semaphore(%arg24 : memref<!tpu.dma_semaphore, #tpu.memory_space<semaphore_mem>>)
    %add3A_112 = arith.constant 64 : i32
    %add3A_113 = arith.addi %mul3A_0, %add3A_112 : i32
    %dma_wait3A_114 = tpu.memref_slice %arg2[%arg0, %add3A_113] : memref<2x163840xi32, #tpu.memory_space<hbm>> -> memref<1x64xi32, #tpu.memory_space<hbm>>
    %dma_wait3A_115 = tpu.memref_squeeze %dma_wait3A_114 : memref<1x64xi32, #tpu.memory_space<hbm>> -> memref<64xi32, #tpu.memory_space<hbm>>
    %dma_wait3A_116 = tpu.memref_slice %arg2[%arg0, %add3A_113] : memref<2x163840xi32, #tpu.memory_space<hbm>> -> memref<1x64xi32, #tpu.memory_space<hbm>>
    %dma_wait3A_117 = tpu.memref_squeeze %dma_wait3A_116 : memref<1x64xi32, #tpu.memory_space<hbm>> -> memref<64xi32, #tpu.memory_space<hbm>>
    tpu.wait_dma2 semaphore(%arg33 : memref<!tpu.dma_semaphore, #tpu.memory_space<semaphore_mem>>) src(%dma_wait3A_117 : memref<64xi32, #tpu.memory_space<hbm>>) dst(%arg8 : memref<64xi32, #tpu.memory_space<vmem>>)
    %add3A_118 = arith.constant 64 : i32
    %add3A_119 = arith.addi %mul3A_0, %add3A_118 : i32
    %dma_wait3A_120 = tpu.memref_slice %arg4[%add3A_119] : memref<163840xf32, #tpu.memory_space<hbm>> -> memref<64xf32, #tpu.memory_space<hbm>>
    %dma_wait3A_121 = tpu.memref_slice %arg4[%add3A_119] : memref<163840xf32, #tpu.memory_space<hbm>> -> memref<64xf32, #tpu.memory_space<hbm>>
    tpu.wait_dma2 semaphore(%arg33 : memref<!tpu.dma_semaphore, #tpu.memory_space<semaphore_mem>>) src(%dma_wait3A_121 : memref<64xf32, #tpu.memory_space<hbm>>) dst(%arg16 : memref<64xf32, #tpu.memory_space<vmem>>)
    %dma_start3A_122 = arith.constant 0 : i32
    %dma_start3A_123 = arith.constant 0 : i32
    %dma_start3A_124 = tpu.memref_slice %arg5[%dma_start3A_122, %dma_start3A_123] : memref<20000x128xf32, #tpu.memory_space<hbm>> -> memref<20000x128xf32, #tpu.memory_space<hbm>>
    tpu.enqueue_indirect_dma source(%dma_start3A_124 : memref<20000x128xf32, #tpu.memory_space<hbm>>) target(%arg20 : memref<64x128xf32, #tpu.memory_space<vmem>>) offsets(%arg8 : memref<64xi32, #tpu.memory_space<vmem>>) semaphore(%arg25 : memref<!tpu.dma_semaphore, #tpu.memory_space<semaphore_mem>>)
    %add3A_125 = arith.constant 128 : i32
    %add3A_126 = arith.addi %mul3A_0, %add3A_125 : i32
    %dma_wait3A_127 = tpu.memref_slice %arg2[%arg0, %add3A_126] : memref<2x163840xi32, #tpu.memory_space<hbm>> -> memref<1x64xi32, #tpu.memory_space<hbm>>
    %dma_wait3A_128 = tpu.memref_squeeze %dma_wait3A_127 : memref<1x64xi32, #tpu.memory_space<hbm>> -> memref<64xi32, #tpu.memory_space<hbm>>
    %dma_wait3A_129 = tpu.memref_slice %arg2[%arg0, %add3A_126] : memref<2x163840xi32, #tpu.memory_space<hbm>> -> memref<1x64xi32, #tpu.memory_space<hbm>>
    %dma_wait3A_130 = tpu.memref_squeeze %dma_wait3A_129 : memref<1x64xi32, #tpu.memory_space<hbm>> -> memref<64xi32, #tpu.memory_space<hbm>>
    tpu.wait_dma2 semaphore(%arg34 : memref<!tpu.dma_semaphore, #tpu.memory_space<semaphore_mem>>) src(%dma_wait3A_130 : memref<64xi32, #tpu.memory_space<hbm>>) dst(%arg9 : memref<64xi32, #tpu.memory_space<vmem>>)
    %add3A_131 = arith.constant 128 : i32
    %add3A_132 = arith.addi %mul3A_0, %add3A_131 : i32
    %dma_wait3A_133 = tpu.memref_slice %arg4[%add3A_132] : memref<163840xf32, #tpu.memory_space<hbm>> -> memref<64xf32, #tpu.memory_space<hbm>>
    %dma_wait3A_134 = tpu.memref_slice %arg4[%add3A_132] : memref<163840xf32, #tpu.memory_space<hbm>> -> memref<64xf32, #tpu.memory_space<hbm>>
    tpu.wait_dma2 semaphore(%arg34 : memref<!tpu.dma_semaphore, #tpu.memory_space<semaphore_mem>>) src(%dma_wait3A_134 : memref<64xf32, #tpu.memory_space<hbm>>) dst(%arg17 : memref<64xf32, #tpu.memory_space<vmem>>)
    %dma_start3A_135 = arith.constant 0 : i32
    %dma_start3A_136 = arith.constant 0 : i32
    %dma_start3A_137 = tpu.memref_slice %arg5[%dma_start3A_135, %dma_start3A_136] : memref<20000x128xf32, #tpu.memory_space<hbm>> -> memref<20000x128xf32, #tpu.memory_space<hbm>>
    tpu.enqueue_indirect_dma source(%dma_start3A_137 : memref<20000x128xf32, #tpu.memory_space<hbm>>) target(%arg21 : memref<64x128xf32, #tpu.memory_space<vmem>>) offsets(%arg9 : memref<64xi32, #tpu.memory_space<vmem>>) semaphore(%arg26 : memref<!tpu.dma_semaphore, #tpu.memory_space<semaphore_mem>>)
    %scan3A_138 = arith.constant 0 : i32
    %scan3A_139 = arith.constant 0 : i32
    %scan3A_140 = arith.constant 40 : i32
    %scan3A_141 = arith.addi %scan3A_139, %scan3A_140 : i32
    %scan3A_142 = arith.constant 1 : i32
    scf.for %scan3A_258 = %scan3A_139 to %scan3A_141 step %scan3A_142  : i32 {
      %mul3A_259 = arith.constant 4 : i32
      %mul3A_260 = arith.muli %scan3A_258, %mul3A_259 : i32
      %add3A_261 = arith.constant 0 : i32
      %add3A_262 = arith.addi %mul3A_260, %add3A_261 : i32
      %dma_wait3A_263 = arith.constant 0 : i32
      %dma_wait3A_264 = arith.constant 0 : i32
      %dma_wait3A_265 = tpu.memref_slice %arg5[%dma_wait3A_263, %dma_wait3A_264] : memref<20000x128xf32, #tpu.memory_space<hbm>> -> memref<20000x128xf32, #tpu.memory_space<hbm>>
      tpu.wait_indirect_dma semaphore(%arg24 : memref<!tpu.dma_semaphore, #tpu.memory_space<semaphore_mem>>) src(%dma_wait3A_265 : memref<20000x128xf32, #tpu.memory_space<hbm>>) dst(%arg19 : memref<64x128xf32, #tpu.memory_space<vmem>>)
      %parallel_loop3A = arith.constant 0 : i32
      %parallel_loop3A_266 = arith.constant 64 : i32
      %parallel_loop3A_267 = arith.constant 1 : i32
      scf.for %parallel_loop3A_409 = %parallel_loop3A to %parallel_loop3A_266 step %parallel_loop3A_267  : i32 {
        %parallel_loop3A_410 = vector.broadcast %parallel_loop3A_409 : i32 to vector<16xi32>
        %parallel_loop3A_411 = tpu.vector_load_idx %arg15[%parallel_loop3A_410] : memref<64xf32, #tpu.memory_space<vmem>>[vector<16xi32>], vector<16xf32>,
        %parallel_loop3A_412 = arith.index_cast %parallel_loop3A_409 : i32 to index
        %parallel_loop3A_413 = arith.constant 0 : index
        %parallel_loop3A_414 = tpu.vector_load %arg19[%parallel_loop3A_412, %parallel_loop3A_413] {strides = array<i32>} : memref<64x128xf32, #tpu.memory_space<vmem>>, vector<16xf32>,
        %parallel_loop3A_415 = arith.mulf %parallel_loop3A_414, %parallel_loop3A_411 : vector<16xf32>
        %parallel_loop3A_416 = arith.index_cast %parallel_loop3A_409 : i32 to index
        %parallel_loop3A_417 = arith.constant 0 : index
        %parallel_loop3A_418 = tpu.vector_load %arg19[%parallel_loop3A_416, %parallel_loop3A_417] {strides = array<i32>} : memref<64x128xf32, #tpu.memory_space<vmem>>, vector<16xf32>,
        tpu.vector_store %arg19[%parallel_loop3A_416, %parallel_loop3A_417], %parallel_loop3A_415 {strides = array<i32>} : memref<64x128xf32, #tpu.memory_space<vmem>>, vector<16xf32>,
        %parallel_loop3A_419 = arith.index_cast %parallel_loop3A_409 : i32 to index
        %parallel_loop3A_420 = arith.constant 16 : index
        %parallel_loop3A_421 = tpu.vector_load %arg19[%parallel_loop3A_419, %parallel_loop3A_420] {strides = array<i32>} : memref<64x128xf32, #tpu.memory_space<vmem>>, vector<16xf32>,
        %parallel_loop3A_422 = arith.mulf %parallel_loop3A_421, %parallel_loop3A_411 : vector<16xf32>
        %parallel_loop3A_423 = arith.index_cast %parallel_loop3A_409 : i32 to index
        %parallel_loop3A_424 = arith.constant 16 : index
        %parallel_loop3A_425 = tpu.vector_load %arg19[%parallel_loop3A_423, %parallel_loop3A_424] {strides = array<i32>} : memref<64x128xf32, #tpu.memory_space<vmem>>, vector<16xf32>,
        tpu.vector_store %arg19[%parallel_loop3A_423, %parallel_loop3A_424], %parallel_loop3A_422 {strides = array<i32>} : memref<64x128xf32, #tpu.memory_space<vmem>>, vector<16xf32>,
        %parallel_loop3A_426 = arith.index_cast %parallel_loop3A_409 : i32 to index
        %parallel_loop3A_427 = arith.constant 32 : index
        %parallel_loop3A_428 = tpu.vector_load %arg19[%parallel_loop3A_426, %parallel_loop3A_427] {strides = array<i32>} : memref<64x128xf32, #tpu.memory_space<vmem>>, vector<16xf32>,
        %parallel_loop3A_429 = arith.mulf %parallel_loop3A_428, %parallel_loop3A_411 : vector<16xf32>
        %parallel_loop3A_430 = arith.index_cast %parallel_loop3A_409 : i32 to index
        %parallel_loop3A_431 = arith.constant 32 : index
        %parallel_loop3A_432 = tpu.vector_load %arg19[%parallel_loop3A_430, %parallel_loop3A_431] {strides = array<i32>} : memref<64x128xf32, #tpu.memory_space<vmem>>, vector<16xf32>,
        tpu.vector_store %arg19[%parallel_loop3A_430, %parallel_loop3A_431], %parallel_loop3A_429 {strides = array<i32>} : memref<64x128xf32, #tpu.memory_space<vmem>>, vector<16xf32>,
        %parallel_loop3A_433 = arith.index_cast %parallel_loop3A_409 : i32 to index
        %parallel_loop3A_434 = arith.constant 48 : index
        %parallel_loop3A_435 = tpu.vector_load %arg19[%parallel_loop3A_433, %parallel_loop3A_434] {strides = array<i32>} : memref<64x128xf32, #tpu.memory_space<vmem>>, vector<16xf32>,
        %parallel_loop3A_436 = arith.mulf %parallel_loop3A_435, %parallel_loop3A_411 : vector<16xf32>
        %parallel_loop3A_437 = arith.index_cast %parallel_loop3A_409 : i32 to index
        %parallel_loop3A_438 = arith.constant 48 : index
        %parallel_loop3A_439 = tpu.vector_load %arg19[%parallel_loop3A_437, %parallel_loop3A_438] {strides = array<i32>} : memref<64x128xf32, #tpu.memory_space<vmem>>, vector<16xf32>,
        tpu.vector_store %arg19[%parallel_loop3A_437, %parallel_loop3A_438], %parallel_loop3A_436 {strides = array<i32>} : memref<64x128xf32, #tpu.memory_space<vmem>>, vector<16xf32>,
        %parallel_loop3A_440 = arith.index_cast %parallel_loop3A_409 : i32 to index
        %parallel_loop3A_441 = arith.constant 64 : index
        %parallel_loop3A_442 = tpu.vector_load %arg19[%parallel_loop3A_440, %parallel_loop3A_441] {strides = array<i32>} : memref<64x128xf32, #tpu.memory_space<vmem>>, vector<16xf32>,
        %parallel_loop3A_443 = arith.mulf %parallel_loop3A_442, %parallel_loop3A_411 : vector<16xf32>
        %parallel_loop3A_444 = arith.index_cast %parallel_loop3A_409 : i32 to index
        %parallel_loop3A_445 = arith.constant 64 : index
        %parallel_loop3A_446 = tpu.vector_load %arg19[%parallel_loop3A_444, %parallel_loop3A_445] {strides = array<i32>} : memref<64x128xf32, #tpu.memory_space<vmem>>, vector<16xf32>,
        tpu.vector_store %arg19[%parallel_loop3A_444, %parallel_loop3A_445], %parallel_loop3A_443 {strides = array<i32>} : memref<64x128xf32, #tpu.memory_space<vmem>>, vector<16xf32>,
        %parallel_loop3A_447 = arith.index_cast %parallel_loop3A_409 : i32 to index
        %parallel_loop3A_448 = arith.constant 80 : index
        %parallel_loop3A_449 = tpu.vector_load %arg19[%parallel_loop3A_447, %parallel_loop3A_448] {strides = array<i32>} : memref<64x128xf32, #tpu.memory_space<vmem>>, vector<16xf32>,
        %parallel_loop3A_450 = arith.mulf %parallel_loop3A_449, %parallel_loop3A_411 : vector<16xf32>
        %parallel_loop3A_451 = arith.index_cast %parallel_loop3A_409 : i32 to index
        %parallel_loop3A_452 = arith.constant 80 : index
        %parallel_loop3A_453 = tpu.vector_load %arg19[%parallel_loop3A_451, %parallel_loop3A_452] {strides = array<i32>} : memref<64x128xf32, #tpu.memory_space<vmem>>, vector<16xf32>,
        tpu.vector_store %arg19[%parallel_loop3A_451, %parallel_loop3A_452], %parallel_loop3A_450 {strides = array<i32>} : memref<64x128xf32, #tpu.memory_space<vmem>>, vector<16xf32>,
        %parallel_loop3A_454 = arith.index_cast %parallel_loop3A_409 : i32 to index
        %parallel_loop3A_455 = arith.constant 96 : index
        %parallel_loop3A_456 = tpu.vector_load %arg19[%parallel_loop3A_454, %parallel_loop3A_455] {strides = array<i32>} : memref<64x128xf32, #tpu.memory_space<vmem>>, vector<16xf32>,
        %parallel_loop3A_457 = arith.mulf %parallel_loop3A_456, %parallel_loop3A_411 : vector<16xf32>
        %parallel_loop3A_458 = arith.index_cast %parallel_loop3A_409 : i32 to index
        %parallel_loop3A_459 = arith.constant 96 : index
        %parallel_loop3A_460 = tpu.vector_load %arg19[%parallel_loop3A_458, %parallel_loop3A_459] {strides = array<i32>} : memref<64x128xf32, #tpu.memory_space<vmem>>, vector<16xf32>,
        tpu.vector_store %arg19[%parallel_loop3A_458, %parallel_loop3A_459], %parallel_loop3A_457 {strides = array<i32>} : memref<64x128xf32, #tpu.memory_space<vmem>>, vector<16xf32>,
        %parallel_loop3A_461 = arith.index_cast %parallel_loop3A_409 : i32 to index
        %parallel_loop3A_462 = arith.constant 112 : index
        %parallel_loop3A_463 = tpu.vector_load %arg19[%parallel_loop3A_461, %parallel_loop3A_462] {strides = array<i32>} : memref<64x128xf32, #tpu.memory_space<vmem>>, vector<16xf32>,
        %parallel_loop3A_464 = arith.mulf %parallel_loop3A_463, %parallel_loop3A_411 : vector<16xf32>
        %parallel_loop3A_465 = arith.index_cast %parallel_loop3A_409 : i32 to index
        %parallel_loop3A_466 = arith.constant 112 : index
        %parallel_loop3A_467 = tpu.vector_load %arg19[%parallel_loop3A_465, %parallel_loop3A_466] {strides = array<i32>} : memref<64x128xf32, #tpu.memory_space<vmem>>, vector<16xf32>,
        tpu.vector_store %arg19[%parallel_loop3A_465, %parallel_loop3A_466], %parallel_loop3A_464 {strides = array<i32>} : memref<64x128xf32, #tpu.memory_space<vmem>>, vector<16xf32>,
      } {sc.loop_unroll_factor = 4 : i64, sc.parallel_access}
      %gt3A = arith.constant 0 : i32
      %gt3A_268 = arith.cmpi sgt, %add3A_262, %gt3A : i32
      %convert_element_type3A = arith.extui %gt3A_268 : i1 to i32
      %cond3A = arith.constant 0 : i32
      %cond3A_269 = arith.cmpi ne, %convert_element_type3A, %cond3A : i32
      scf.if %cond3A_269 {
        %dma_wait3A_409 = arith.constant 0 : i32
        %dma_wait3A_410 = arith.constant 0 : i32
        %dma_wait3A_411 = tpu.memref_slice %arg23[%dma_wait3A_409, %dma_wait3A_410] : memref<10240x128xf32, #tpu.memory_space<vmem_shared>> -> memref<10240x128xf32, #tpu.memory_space<vmem_shared>>
        tpu.wait_indirect_dma semaphore(%arg31 : memref<!tpu.dma_semaphore, #tpu.memory_space<semaphore_mem>>) src(%arg22 : memref<64x128xf32, #tpu.memory_space<vmem>>) dst(%dma_wait3A_411 : memref<10240x128xf32, #tpu.memory_space<vmem_shared>>)
        %add3A_412 = arith.constant 4 : i32
        %add3A_413 = arith.addi %add3A_262, %add3A_412 : i32
        %sub3A_414 = arith.constant 1 : i32
        %sub3A_415 = arith.subi %add3A_413, %sub3A_414 : i32
        %lt3A_416 = arith.constant 160 : i32
        %lt3A_417 = arith.cmpi slt, %sub3A_415, %lt3A_416 : i32
        %convert_element_type3A_418 = arith.extui %lt3A_417 : i1 to i32
        %cond3A_419 = arith.constant 0 : i32
        %cond3A_420 = arith.cmpi ne, %convert_element_type3A_418, %cond3A_419 : i32
        scf.if %cond3A_420 {
          %add3A_421 = arith.constant 4 : i32
          %add3A_422 = arith.addi %add3A_262, %add3A_421 : i32
          %sub3A_423 = arith.constant 1 : i32
          %sub3A_424 = arith.subi %add3A_422, %sub3A_423 : i32
          %mul3A_425 = arith.constant 64 : i32
          %mul3A_426 = arith.muli %sub3A_424, %mul3A_425 : i32
          %add3A_427 = arith.addi %mul3A_0, %mul3A_426 : i32
          %dma_start3A_428 = tpu.memref_slice %arg3[%add3A_427] : memref<163840xi32, #tpu.memory_space<hbm>> -> memref<64xi32, #tpu.memory_space<hbm>>
          %dma_start3A_429 = tpu.memref_slice %arg3[%add3A_427] : memref<163840xi32, #tpu.memory_space<hbm>> -> memref<64xi32, #tpu.memory_space<hbm>>
          tpu.enqueue_dma source(%dma_start3A_429 : memref<64xi32, #tpu.memory_space<hbm>>) target(%arg14 : memref<64xi32, #tpu.memory_space<vmem>>) target_semaphore(%arg39 : memref<!tpu.dma_semaphore, #tpu.memory_space<semaphore_mem>>)
        } else {
        }
      } else {
      }
      %add3A_270 = arith.constant 4 : i32
      %add3A_271 = arith.addi %add3A_262, %add3A_270 : i32
      %sub3A = arith.constant 1 : i32
      %sub3A_272 = arith.subi %add3A_271, %sub3A : i32
      %lt3A = arith.constant 160 : i32
      %lt3A_273 = arith.cmpi slt, %sub3A_272, %lt3A : i32
      %convert_element_type3A_274 = arith.extui %lt3A_273 : i1 to i32
      %cond3A_275 = arith.constant 0 : i32
      %cond3A_276 = arith.cmpi ne, %convert_element_type3A_274, %cond3A_275 : i32
      scf.if %cond3A_276 {
        %add3A_409 = arith.constant 4 : i32
        %add3A_410 = arith.addi %add3A_262, %add3A_409 : i32
        %sub3A_411 = arith.constant 1 : i32
        %sub3A_412 = arith.subi %add3A_410, %sub3A_411 : i32
        %mul3A_413 = arith.constant 64 : i32
        %mul3A_414 = arith.muli %sub3A_412, %mul3A_413 : i32
        %add3A_415 = arith.addi %mul3A_0, %mul3A_414 : i32
        %dma_wait3A_416 = tpu.memref_slice %arg2[%arg0, %add3A_415] : memref<2x163840xi32, #tpu.memory_space<hbm>> -> memref<1x64xi32, #tpu.memory_space<hbm>>
        %dma_wait3A_417 = tpu.memref_squeeze %dma_wait3A_416 : memref<1x64xi32, #tpu.memory_space<hbm>> -> memref<64xi32, #tpu.memory_space<hbm>>
        %dma_wait3A_418 = tpu.memref_slice %arg2[%arg0, %add3A_415] : memref<2x163840xi32, #tpu.memory_space<hbm>> -> memref<1x64xi32, #tpu.memory_space<hbm>>
        %dma_wait3A_419 = tpu.memref_squeeze %dma_wait3A_418 : memref<1x64xi32, #tpu.memory_space<hbm>> -> memref<64xi32, #tpu.memory_space<hbm>>
        tpu.wait_dma2 semaphore(%arg35 : memref<!tpu.dma_semaphore, #tpu.memory_space<semaphore_mem>>) src(%dma_wait3A_419 : memref<64xi32, #tpu.memory_space<hbm>>) dst(%arg10 : memref<64xi32, #tpu.memory_space<vmem>>)
        %mul3A_420 = arith.constant 64 : i32
        %mul3A_421 = arith.muli %sub3A_412, %mul3A_420 : i32
        %add3A_422 = arith.addi %mul3A_0, %mul3A_421 : i32
        %dma_wait3A_423 = tpu.memref_slice %arg4[%add3A_422] : memref<163840xf32, #tpu.memory_space<hbm>> -> memref<64xf32, #tpu.memory_space<hbm>>
        %dma_wait3A_424 = tpu.memref_slice %arg4[%add3A_422] : memref<163840xf32, #tpu.memory_space<hbm>> -> memref<64xf32, #tpu.memory_space<hbm>>
        tpu.wait_dma2 semaphore(%arg35 : memref<!tpu.dma_semaphore, #tpu.memory_space<semaphore_mem>>) src(%dma_wait3A_424 : memref<64xf32, #tpu.memory_space<hbm>>) dst(%arg18 : memref<64xf32, #tpu.memory_space<vmem>>)
        %dma_start3A_425 = arith.constant 0 : i32
        %dma_start3A_426 = arith.constant 0 : i32
        %dma_start3A_427 = tpu.memref_slice %arg5[%dma_start3A_425, %dma_start3A_426] : memref<20000x128xf32, #tpu.memory_space<hbm>> -> memref<20000x128xf32, #tpu.memory_space<hbm>>
        tpu.enqueue_indirect_dma source(%dma_start3A_427 : memref<20000x128xf32, #tpu.memory_space<hbm>>) target(%arg22 : memref<64x128xf32, #tpu.memory_space<vmem>>) offsets(%arg10 : memref<64xi32, #tpu.memory_space<vmem>>) semaphore(%arg27 : memref<!tpu.dma_semaphore, #tpu.memory_space<semaphore_mem>>)
      } else {
      }
      %add3A_277 = arith.constant 4 : i32
      %add3A_278 = arith.addi %add3A_262, %add3A_277 : i32
      %lt3A_279 = arith.constant 160 : i32
      %lt3A_280 = arith.cmpi slt, %add3A_278, %lt3A_279 : i32
      %convert_element_type3A_281 = arith.extui %lt3A_280 : i1 to i32
      %cond3A_282 = arith.constant 0 : i32
      %cond3A_283 = arith.cmpi ne, %convert_element_type3A_281, %cond3A_282 : i32
      scf.if %cond3A_283 {
        %add3A_409 = arith.constant 4 : i32
        %add3A_410 = arith.addi %add3A_262, %add3A_409 : i32
        %mul3A_411 = arith.constant 64 : i32
        %mul3A_412 = arith.muli %add3A_410, %mul3A_411 : i32
        %add3A_413 = arith.addi %mul3A_0, %mul3A_412 : i32
        %dma_start3A_414 = tpu.memref_slice %arg2[%arg0, %add3A_413] : memref<2x163840xi32, #tpu.memory_space<hbm>> -> memref<1x64xi32, #tpu.memory_space<hbm>>
        %dma_start3A_415 = tpu.memref_squeeze %dma_start3A_414 : memref<1x64xi32, #tpu.memory_space<hbm>> -> memref<64xi32, #tpu.memory_space<hbm>>
        %dma_start3A_416 = tpu.memref_slice %arg2[%arg0, %add3A_413] : memref<2x163840xi32, #tpu.memory_space<hbm>> -> memref<1x64xi32, #tpu.memory_space<hbm>>
        %dma_start3A_417 = tpu.memref_squeeze %dma_start3A_416 : memref<1x64xi32, #tpu.memory_space<hbm>> -> memref<64xi32, #tpu.memory_space<hbm>>
        tpu.enqueue_dma source(%dma_start3A_417 : memref<64xi32, #tpu.memory_space<hbm>>) target(%arg7 : memref<64xi32, #tpu.memory_space<vmem>>) target_semaphore(%arg32 : memref<!tpu.dma_semaphore, #tpu.memory_space<semaphore_mem>>)
        %mul3A_418 = arith.constant 64 : i32
        %mul3A_419 = arith.muli %add3A_410, %mul3A_418 : i32
        %add3A_420 = arith.addi %mul3A_0, %mul3A_419 : i32
        %dma_start3A_421 = tpu.memref_slice %arg4[%add3A_420] : memref<163840xf32, #tpu.memory_space<hbm>> -> memref<64xf32, #tpu.memory_space<hbm>>
        %dma_start3A_422 = tpu.memref_slice %arg4[%add3A_420] : memref<163840xf32, #tpu.memory_space<hbm>> -> memref<64xf32, #tpu.memory_space<hbm>>
        tpu.enqueue_dma source(%dma_start3A_422 : memref<64xf32, #tpu.memory_space<hbm>>) target(%arg15 : memref<64xf32, #tpu.memory_space<vmem>>) target_semaphore(%arg32 : memref<!tpu.dma_semaphore, #tpu.memory_space<semaphore_mem>>)
      } else {
      }
      %mul3A_284 = arith.constant 64 : i32
      %mul3A_285 = arith.muli %add3A_262, %mul3A_284 : i32
      %add3A_286 = arith.addi %mul3A_0, %mul3A_285 : i32
      %dma_wait3A_287 = tpu.memref_slice %arg3[%add3A_286] : memref<163840xi32, #tpu.memory_space<hbm>> -> memref<64xi32, #tpu.memory_space<hbm>>
      %dma_wait3A_288 = tpu.memref_slice %arg3[%add3A_286] : memref<163840xi32, #tpu.memory_space<hbm>> -> memref<64xi32, #tpu.memory_space<hbm>>
      tpu.wait_dma2 semaphore(%arg36 : memref<!tpu.dma_semaphore, #tpu.memory_space<semaphore_mem>>) src(%dma_wait3A_288 : memref<64xi32, #tpu.memory_space<hbm>>) dst(%arg11 : memref<64xi32, #tpu.memory_space<vmem>>)
      %dma_start3A_289 = arith.constant 0 : i32
      %dma_start3A_290 = arith.constant 0 : i32
      %dma_start3A_291 = tpu.memref_slice %arg23[%dma_start3A_289, %dma_start3A_290] : memref<10240x128xf32, #tpu.memory_space<vmem_shared>> -> memref<10240x128xf32, #tpu.memory_space<vmem_shared>>
      tpu.enqueue_indirect_dma source(%arg19 : memref<64x128xf32, #tpu.memory_space<vmem>>) target(%dma_start3A_291 : memref<10240x128xf32, #tpu.memory_space<vmem_shared>>) offsets(%arg11 : memref<64xi32, #tpu.memory_space<vmem>>) semaphore(%arg28 : memref<!tpu.dma_semaphore, #tpu.memory_space<semaphore_mem>>) {add = true}
      %mul3A_292 = arith.constant 4 : i32
      %mul3A_293 = arith.muli %scan3A_258, %mul3A_292 : i32
      %add3A_294 = arith.constant 1 : i32
      %add3A_295 = arith.addi %mul3A_293, %add3A_294 : i32
      %dma_wait3A_296 = arith.constant 0 : i32
      %dma_wait3A_297 = arith.constant 0 : i32
      %dma_wait3A_298 = tpu.memref_slice %arg5[%dma_wait3A_296, %dma_wait3A_297] : memref<20000x128xf32, #tpu.memory_space<hbm>> -> memref<20000x128xf32, #tpu.memory_space<hbm>>
      tpu.wait_indirect_dma semaphore(%arg25 : memref<!tpu.dma_semaphore, #tpu.memory_space<semaphore_mem>>) src(%dma_wait3A_298 : memref<20000x128xf32, #tpu.memory_space<hbm>>) dst(%arg20 : memref<64x128xf32, #tpu.memory_space<vmem>>)
      %parallel_loop3A_299 = arith.constant 0 : i32
      %parallel_loop3A_300 = arith.constant 64 : i32
      %parallel_loop3A_301 = arith.constant 1 : i32
      scf.for %parallel_loop3A_409 = %parallel_loop3A_299 to %parallel_loop3A_300 step %parallel_loop3A_301  : i32 {
        %parallel_loop3A_410 = vector.broadcast %parallel_loop3A_409 : i32 to vector<16xi32>
        %parallel_loop3A_411 = tpu.vector_load_idx %arg16[%parallel_loop3A_410] : memref<64xf32, #tpu.memory_space<vmem>>[vector<16xi32>], vector<16xf32>,
        %parallel_loop3A_412 = arith.index_cast %parallel_loop3A_409 : i32 to index
        %parallel_loop3A_413 = arith.constant 0 : index
        %parallel_loop3A_414 = tpu.vector_load %arg20[%parallel_loop3A_412, %parallel_loop3A_413] {strides = array<i32>} : memref<64x128xf32, #tpu.memory_space<vmem>>, vector<16xf32>,
        %parallel_loop3A_415 = arith.mulf %parallel_loop3A_414, %parallel_loop3A_411 : vector<16xf32>
        %parallel_loop3A_416 = arith.index_cast %parallel_loop3A_409 : i32 to index
        %parallel_loop3A_417 = arith.constant 0 : index
        %parallel_loop3A_418 = tpu.vector_load %arg20[%parallel_loop3A_416, %parallel_loop3A_417] {strides = array<i32>} : memref<64x128xf32, #tpu.memory_space<vmem>>, vector<16xf32>,
        tpu.vector_store %arg20[%parallel_loop3A_416, %parallel_loop3A_417], %parallel_loop3A_415 {strides = array<i32>} : memref<64x128xf32, #tpu.memory_space<vmem>>, vector<16xf32>,
        %parallel_loop3A_419 = arith.index_cast %parallel_loop3A_409 : i32 to index
        %parallel_loop3A_420 = arith.constant 16 : index
        %parallel_loop3A_421 = tpu.vector_load %arg20[%parallel_loop3A_419, %parallel_loop3A_420] {strides = array<i32>} : memref<64x128xf32, #tpu.memory_space<vmem>>, vector<16xf32>,
        %parallel_loop3A_422 = arith.mulf %parallel_loop3A_421, %parallel_loop3A_411 : vector<16xf32>
        %parallel_loop3A_423 = arith.index_cast %parallel_loop3A_409 : i32 to index
        %parallel_loop3A_424 = arith.constant 16 : index
        %parallel_loop3A_425 = tpu.vector_load %arg20[%parallel_loop3A_423, %parallel_loop3A_424] {strides = array<i32>} : memref<64x128xf32, #tpu.memory_space<vmem>>, vector<16xf32>,
        tpu.vector_store %arg20[%parallel_loop3A_423, %parallel_loop3A_424], %parallel_loop3A_422 {strides = array<i32>} : memref<64x128xf32, #tpu.memory_space<vmem>>, vector<16xf32>,
        %parallel_loop3A_426 = arith.index_cast %parallel_loop3A_409 : i32 to index
        %parallel_loop3A_427 = arith.constant 32 : index
        %parallel_loop3A_428 = tpu.vector_load %arg20[%parallel_loop3A_426, %parallel_loop3A_427] {strides = array<i32>} : memref<64x128xf32, #tpu.memory_space<vmem>>, vector<16xf32>,
        %parallel_loop3A_429 = arith.mulf %parallel_loop3A_428, %parallel_loop3A_411 : vector<16xf32>
        %parallel_loop3A_430 = arith.index_cast %parallel_loop3A_409 : i32 to index
        %parallel_loop3A_431 = arith.constant 32 : index
        %parallel_loop3A_432 = tpu.vector_load %arg20[%parallel_loop3A_430, %parallel_loop3A_431] {strides = array<i32>} : memref<64x128xf32, #tpu.memory_space<vmem>>, vector<16xf32>,
        tpu.vector_store %arg20[%parallel_loop3A_430, %parallel_loop3A_431], %parallel_loop3A_429 {strides = array<i32>} : memref<64x128xf32, #tpu.memory_space<vmem>>, vector<16xf32>,
        %parallel_loop3A_433 = arith.index_cast %parallel_loop3A_409 : i32 to index
        %parallel_loop3A_434 = arith.constant 48 : index
        %parallel_loop3A_435 = tpu.vector_load %arg20[%parallel_loop3A_433, %parallel_loop3A_434] {strides = array<i32>} : memref<64x128xf32, #tpu.memory_space<vmem>>, vector<16xf32>,
        %parallel_loop3A_436 = arith.mulf %parallel_loop3A_435, %parallel_loop3A_411 : vector<16xf32>
        %parallel_loop3A_437 = arith.index_cast %parallel_loop3A_409 : i32 to index
        %parallel_loop3A_438 = arith.constant 48 : index
        %parallel_loop3A_439 = tpu.vector_load %arg20[%parallel_loop3A_437, %parallel_loop3A_438] {strides = array<i32>} : memref<64x128xf32, #tpu.memory_space<vmem>>, vector<16xf32>,
        tpu.vector_store %arg20[%parallel_loop3A_437, %parallel_loop3A_438], %parallel_loop3A_436 {strides = array<i32>} : memref<64x128xf32, #tpu.memory_space<vmem>>, vector<16xf32>,
        %parallel_loop3A_440 = arith.index_cast %parallel_loop3A_409 : i32 to index
        %parallel_loop3A_441 = arith.constant 64 : index
        %parallel_loop3A_442 = tpu.vector_load %arg20[%parallel_loop3A_440, %parallel_loop3A_441] {strides = array<i32>} : memref<64x128xf32, #tpu.memory_space<vmem>>, vector<16xf32>,
        %parallel_loop3A_443 = arith.mulf %parallel_loop3A_442, %parallel_loop3A_411 : vector<16xf32>
        %parallel_loop3A_444 = arith.index_cast %parallel_loop3A_409 : i32 to index
        %parallel_loop3A_445 = arith.constant 64 : index
        %parallel_loop3A_446 = tpu.vector_load %arg20[%parallel_loop3A_444, %parallel_loop3A_445] {strides = array<i32>} : memref<64x128xf32, #tpu.memory_space<vmem>>, vector<16xf32>,
        tpu.vector_store %arg20[%parallel_loop3A_444, %parallel_loop3A_445], %parallel_loop3A_443 {strides = array<i32>} : memref<64x128xf32, #tpu.memory_space<vmem>>, vector<16xf32>,
        %parallel_loop3A_447 = arith.index_cast %parallel_loop3A_409 : i32 to index
        %parallel_loop3A_448 = arith.constant 80 : index
        %parallel_loop3A_449 = tpu.vector_load %arg20[%parallel_loop3A_447, %parallel_loop3A_448] {strides = array<i32>} : memref<64x128xf32, #tpu.memory_space<vmem>>, vector<16xf32>,
        %parallel_loop3A_450 = arith.mulf %parallel_loop3A_449, %parallel_loop3A_411 : vector<16xf32>
        %parallel_loop3A_451 = arith.index_cast %parallel_loop3A_409 : i32 to index
        %parallel_loop3A_452 = arith.constant 80 : index
        %parallel_loop3A_453 = tpu.vector_load %arg20[%parallel_loop3A_451, %parallel_loop3A_452] {strides = array<i32>} : memref<64x128xf32, #tpu.memory_space<vmem>>, vector<16xf32>,
        tpu.vector_store %arg20[%parallel_loop3A_451, %parallel_loop3A_452], %parallel_loop3A_450 {strides = array<i32>} : memref<64x128xf32, #tpu.memory_space<vmem>>, vector<16xf32>,
        %parallel_loop3A_454 = arith.index_cast %parallel_loop3A_409 : i32 to index
        %parallel_loop3A_455 = arith.constant 96 : index
        %parallel_loop3A_456 = tpu.vector_load %arg20[%parallel_loop3A_454, %parallel_loop3A_455] {strides = array<i32>} : memref<64x128xf32, #tpu.memory_space<vmem>>, vector<16xf32>,
        %parallel_loop3A_457 = arith.mulf %parallel_loop3A_456, %parallel_loop3A_411 : vector<16xf32>
        %parallel_loop3A_458 = arith.index_cast %parallel_loop3A_409 : i32 to index
        %parallel_loop3A_459 = arith.constant 96 : index
        %parallel_loop3A_460 = tpu.vector_load %arg20[%parallel_loop3A_458, %parallel_loop3A_459] {strides = array<i32>} : memref<64x128xf32, #tpu.memory_space<vmem>>, vector<16xf32>,
        tpu.vector_store %arg20[%parallel_loop3A_458, %parallel_loop3A_459], %parallel_loop3A_457 {strides = array<i32>} : memref<64x128xf32, #tpu.memory_space<vmem>>, vector<16xf32>,
        %parallel_loop3A_461 = arith.index_cast %parallel_loop3A_409 : i32 to index
        %parallel_loop3A_462 = arith.constant 112 : index
        %parallel_loop3A_463 = tpu.vector_load %arg20[%parallel_loop3A_461, %parallel_loop3A_462] {strides = array<i32>} : memref<64x128xf32, #tpu.memory_space<vmem>>, vector<16xf32>,
        %parallel_loop3A_464 = arith.mulf %parallel_loop3A_463, %parallel_loop3A_411 : vector<16xf32>
        %parallel_loop3A_465 = arith.index_cast %parallel_loop3A_409 : i32 to index
        %parallel_loop3A_466 = arith.constant 112 : index
        %parallel_loop3A_467 = tpu.vector_load %arg20[%parallel_loop3A_465, %parallel_loop3A_466] {strides = array<i32>} : memref<64x128xf32, #tpu.memory_space<vmem>>, vector<16xf32>,
        tpu.vector_store %arg20[%parallel_loop3A_465, %parallel_loop3A_466], %parallel_loop3A_464 {strides = array<i32>} : memref<64x128xf32, #tpu.memory_space<vmem>>, vector<16xf32>,
      } {sc.loop_unroll_factor = 4 : i64, sc.parallel_access}
      %gt3A_302 = arith.constant 0 : i32
      %gt3A_303 = arith.cmpi sgt, %add3A_295, %gt3A_302 : i32
      %convert_element_type3A_304 = arith.extui %gt3A_303 : i1 to i32
      %cond3A_305 = arith.constant 0 : i32
      %cond3A_306 = arith.cmpi ne, %convert_element_type3A_304, %cond3A_305 : i32
      scf.if %cond3A_306 {
        %dma_wait3A_409 = arith.constant 0 : i32
        %dma_wait3A_410 = arith.constant 0 : i32
        %dma_wait3A_411 = tpu.memref_slice %arg23[%dma_wait3A_409, %dma_wait3A_410] : memref<10240x128xf32, #tpu.memory_space<vmem_shared>> -> memref<10240x128xf32, #tpu.memory_space<vmem_shared>>
        tpu.wait_indirect_dma semaphore(%arg28 : memref<!tpu.dma_semaphore, #tpu.memory_space<semaphore_mem>>) src(%arg19 : memref<64x128xf32, #tpu.memory_space<vmem>>) dst(%dma_wait3A_411 : memref<10240x128xf32, #tpu.memory_space<vmem_shared>>)
        %add3A_412 = arith.constant 4 : i32
        %add3A_413 = arith.addi %add3A_295, %add3A_412 : i32
        %sub3A_414 = arith.constant 1 : i32
        %sub3A_415 = arith.subi %add3A_413, %sub3A_414 : i32
        %lt3A_416 = arith.constant 160 : i32
        %lt3A_417 = arith.cmpi slt, %sub3A_415, %lt3A_416 : i32
        %convert_element_type3A_418 = arith.extui %lt3A_417 : i1 to i32
        %cond3A_419 = arith.constant 0 : i32
        %cond3A_420 = arith.cmpi ne, %convert_element_type3A_418, %cond3A_419 : i32
        scf.if %cond3A_420 {
          %add3A_421 = arith.constant 4 : i32
          %add3A_422 = arith.addi %add3A_295, %add3A_421 : i32
          %sub3A_423 = arith.constant 1 : i32
          %sub3A_424 = arith.subi %add3A_422, %sub3A_423 : i32
          %mul3A_425 = arith.constant 64 : i32
          %mul3A_426 = arith.muli %sub3A_424, %mul3A_425 : i32
          %add3A_427 = arith.addi %mul3A_0, %mul3A_426 : i32
          %dma_start3A_428 = tpu.memref_slice %arg3[%add3A_427] : memref<163840xi32, #tpu.memory_space<hbm>> -> memref<64xi32, #tpu.memory_space<hbm>>
          %dma_start3A_429 = tpu.memref_slice %arg3[%add3A_427] : memref<163840xi32, #tpu.memory_space<hbm>> -> memref<64xi32, #tpu.memory_space<hbm>>
          tpu.enqueue_dma source(%dma_start3A_429 : memref<64xi32, #tpu.memory_space<hbm>>) target(%arg11 : memref<64xi32, #tpu.memory_space<vmem>>) target_semaphore(%arg36 : memref<!tpu.dma_semaphore, #tpu.memory_space<semaphore_mem>>)
        } else {
        }
      } else {
      }
      %add3A_307 = arith.constant 4 : i32
      %add3A_308 = arith.addi %add3A_295, %add3A_307 : i32
      %sub3A_309 = arith.constant 1 : i32
      %sub3A_310 = arith.subi %add3A_308, %sub3A_309 : i32
      %lt3A_311 = arith.constant 160 : i32
      %lt3A_312 = arith.cmpi slt, %sub3A_310, %lt3A_311 : i32
      %convert_element_type3A_313 = arith.extui %lt3A_312 : i1 to i32
      %cond3A_314 = arith.constant 0 : i32
      %cond3A_315 = arith.cmpi ne, %convert_element_type3A_313, %cond3A_314 : i32
      scf.if %cond3A_315 {
        %add3A_409 = arith.constant 4 : i32
        %add3A_410 = arith.addi %add3A_295, %add3A_409 : i32
        %sub3A_411 = arith.constant 1 : i32
        %sub3A_412 = arith.subi %add3A_410, %sub3A_411 : i32
        %mul3A_413 = arith.constant 64 : i32
        %mul3A_414 = arith.muli %sub3A_412, %mul3A_413 : i32
        %add3A_415 = arith.addi %mul3A_0, %mul3A_414 : i32
        %dma_wait3A_416 = tpu.memref_slice %arg2[%arg0, %add3A_415] : memref<2x163840xi32, #tpu.memory_space<hbm>> -> memref<1x64xi32, #tpu.memory_space<hbm>>
        %dma_wait3A_417 = tpu.memref_squeeze %dma_wait3A_416 : memref<1x64xi32, #tpu.memory_space<hbm>> -> memref<64xi32, #tpu.memory_space<hbm>>
        %dma_wait3A_418 = tpu.memref_slice %arg2[%arg0, %add3A_415] : memref<2x163840xi32, #tpu.memory_space<hbm>> -> memref<1x64xi32, #tpu.memory_space<hbm>>
        %dma_wait3A_419 = tpu.memref_squeeze %dma_wait3A_418 : memref<1x64xi32, #tpu.memory_space<hbm>> -> memref<64xi32, #tpu.memory_space<hbm>>
        tpu.wait_dma2 semaphore(%arg32 : memref<!tpu.dma_semaphore, #tpu.memory_space<semaphore_mem>>) src(%dma_wait3A_419 : memref<64xi32, #tpu.memory_space<hbm>>) dst(%arg7 : memref<64xi32, #tpu.memory_space<vmem>>)
        %mul3A_420 = arith.constant 64 : i32
        %mul3A_421 = arith.muli %sub3A_412, %mul3A_420 : i32
        %add3A_422 = arith.addi %mul3A_0, %mul3A_421 : i32
        %dma_wait3A_423 = tpu.memref_slice %arg4[%add3A_422] : memref<163840xf32, #tpu.memory_space<hbm>> -> memref<64xf32, #tpu.memory_space<hbm>>
        %dma_wait3A_424 = tpu.memref_slice %arg4[%add3A_422] : memref<163840xf32, #tpu.memory_space<hbm>> -> memref<64xf32, #tpu.memory_space<hbm>>
        tpu.wait_dma2 semaphore(%arg32 : memref<!tpu.dma_semaphore, #tpu.memory_space<semaphore_mem>>) src(%dma_wait3A_424 : memref<64xf32, #tpu.memory_space<hbm>>) dst(%arg15 : memref<64xf32, #tpu.memory_space<vmem>>)
        %dma_start3A_425 = arith.constant 0 : i32
        %dma_start3A_426 = arith.constant 0 : i32
        %dma_start3A_427 = tpu.memref_slice %arg5[%dma_start3A_425, %dma_start3A_426] : memref<20000x128xf32, #tpu.memory_space<hbm>> -> memref<20000x128xf32, #tpu.memory_space<hbm>>
        tpu.enqueue_indirect_dma source(%dma_start3A_427 : memref<20000x128xf32, #tpu.memory_space<hbm>>) target(%arg19 : memref<64x128xf32, #tpu.memory_space<vmem>>) offsets(%arg7 : memref<64xi32, #tpu.memory_space<vmem>>) semaphore(%arg24 : memref<!tpu.dma_semaphore, #tpu.memory_space<semaphore_mem>>)
      } else {
      }
      %add3A_316 = arith.constant 4 : i32
      %add3A_317 = arith.addi %add3A_295, %add3A_316 : i32
      %lt3A_318 = arith.constant 160 : i32
      %lt3A_319 = arith.cmpi slt, %add3A_317, %lt3A_318 : i32
      %convert_element_type3A_320 = arith.extui %lt3A_319 : i1 to i32
      %cond3A_321 = arith.constant 0 : i32
      %cond3A_322 = arith.cmpi ne, %convert_element_type3A_320, %cond3A_321 : i32
      scf.if %cond3A_322 {
        %add3A_409 = arith.constant 4 : i32
        %add3A_410 = arith.addi %add3A_295, %add3A_409 : i32
        %mul3A_411 = arith.constant 64 : i32
        %mul3A_412 = arith.muli %add3A_410, %mul3A_411 : i32
        %add3A_413 = arith.addi %mul3A_0, %mul3A_412 : i32
        %dma_start3A_414 = tpu.memref_slice %arg2[%arg0, %add3A_413] : memref<2x163840xi32, #tpu.memory_space<hbm>> -> memref<1x64xi32, #tpu.memory_space<hbm>>
        %dma_start3A_415 = tpu.memref_squeeze %dma_start3A_414 : memref<1x64xi32, #tpu.memory_space<hbm>> -> memref<64xi32, #tpu.memory_space<hbm>>
        %dma_start3A_416 = tpu.memref_slice %arg2[%arg0, %add3A_413] : memref<2x163840xi32, #tpu.memory_space<hbm>> -> memref<1x64xi32, #tpu.memory_space<hbm>>
        %dma_start3A_417 = tpu.memref_squeeze %dma_start3A_416 : memref<1x64xi32, #tpu.memory_space<hbm>> -> memref<64xi32, #tpu.memory_space<hbm>>
        tpu.enqueue_dma source(%dma_start3A_417 : memref<64xi32, #tpu.memory_space<hbm>>) target(%arg8 : memref<64xi32, #tpu.memory_space<vmem>>) target_semaphore(%arg33 : memref<!tpu.dma_semaphore, #tpu.memory_space<semaphore_mem>>)
        %mul3A_418 = arith.constant 64 : i32
        %mul3A_419 = arith.muli %add3A_410, %mul3A_418 : i32
        %add3A_420 = arith.addi %mul3A_0, %mul3A_419 : i32
        %dma_start3A_421 = tpu.memref_slice %arg4[%add3A_420] : memref<163840xf32, #tpu.memory_space<hbm>> -> memref<64xf32, #tpu.memory_space<hbm>>
        %dma_start3A_422 = tpu.memref_slice %arg4[%add3A_420] : memref<163840xf32, #tpu.memory_space<hbm>> -> memref<64xf32, #tpu.memory_space<hbm>>
        tpu.enqueue_dma source(%dma_start3A_422 : memref<64xf32, #tpu.memory_space<hbm>>) target(%arg16 : memref<64xf32, #tpu.memory_space<vmem>>) target_semaphore(%arg33 : memref<!tpu.dma_semaphore, #tpu.memory_space<semaphore_mem>>)
      } else {
      }
      %mul3A_323 = arith.constant 64 : i32
      %mul3A_324 = arith.muli %add3A_295, %mul3A_323 : i32
      %add3A_325 = arith.addi %mul3A_0, %mul3A_324 : i32
      %dma_wait3A_326 = tpu.memref_slice %arg3[%add3A_325] : memref<163840xi32, #tpu.memory_space<hbm>> -> memref<64xi32, #tpu.memory_space<hbm>>
      %dma_wait3A_327 = tpu.memref_slice %arg3[%add3A_325] : memref<163840xi32, #tpu.memory_space<hbm>> -> memref<64xi32, #tpu.memory_space<hbm>>
      tpu.wait_dma2 semaphore(%arg37 : memref<!tpu.dma_semaphore, #tpu.memory_space<semaphore_mem>>) src(%dma_wait3A_327 : memref<64xi32, #tpu.memory_space<hbm>>) dst(%arg12 : memref<64xi32, #tpu.memory_space<vmem>>)
      %dma_start3A_328 = arith.constant 0 : i32
      %dma_start3A_329 = arith.constant 0 : i32
      %dma_start3A_330 = tpu.memref_slice %arg23[%dma_start3A_328, %dma_start3A_329] : memref<10240x128xf32, #tpu.memory_space<vmem_shared>> -> memref<10240x128xf32, #tpu.memory_space<vmem_shared>>
      tpu.enqueue_indirect_dma source(%arg20 : memref<64x128xf32, #tpu.memory_space<vmem>>) target(%dma_start3A_330 : memref<10240x128xf32, #tpu.memory_space<vmem_shared>>) offsets(%arg12 : memref<64xi32, #tpu.memory_space<vmem>>) semaphore(%arg29 : memref<!tpu.dma_semaphore, #tpu.memory_space<semaphore_mem>>) {add = true}
      %mul3A_331 = arith.constant 4 : i32
      %mul3A_332 = arith.muli %scan3A_258, %mul3A_331 : i32
      %add3A_333 = arith.constant 2 : i32
      %add3A_334 = arith.addi %mul3A_332, %add3A_333 : i32
      %dma_wait3A_335 = arith.constant 0 : i32
      %dma_wait3A_336 = arith.constant 0 : i32
      %dma_wait3A_337 = tpu.memref_slice %arg5[%dma_wait3A_335, %dma_wait3A_336] : memref<20000x128xf32, #tpu.memory_space<hbm>> -> memref<20000x128xf32, #tpu.memory_space<hbm>>
      tpu.wait_indirect_dma semaphore(%arg26 : memref<!tpu.dma_semaphore, #tpu.memory_space<semaphore_mem>>) src(%dma_wait3A_337 : memref<20000x128xf32, #tpu.memory_space<hbm>>) dst(%arg21 : memref<64x128xf32, #tpu.memory_space<vmem>>)
      %parallel_loop3A_338 = arith.constant 0 : i32
      %parallel_loop3A_339 = arith.constant 64 : i32
      %parallel_loop3A_340 = arith.constant 1 : i32
      scf.for %parallel_loop3A_409 = %parallel_loop3A_338 to %parallel_loop3A_339 step %parallel_loop3A_340  : i32 {
        %parallel_loop3A_410 = vector.broadcast %parallel_loop3A_409 : i32 to vector<16xi32>
        %parallel_loop3A_411 = tpu.vector_load_idx %arg17[%parallel_loop3A_410] : memref<64xf32, #tpu.memory_space<vmem>>[vector<16xi32>], vector<16xf32>,
        %parallel_loop3A_412 = arith.index_cast %parallel_loop3A_409 : i32 to index
        %parallel_loop3A_413 = arith.constant 0 : index
        %parallel_loop3A_414 = tpu.vector_load %arg21[%parallel_loop3A_412, %parallel_loop3A_413] {strides = array<i32>} : memref<64x128xf32, #tpu.memory_space<vmem>>, vector<16xf32>,
        %parallel_loop3A_415 = arith.mulf %parallel_loop3A_414, %parallel_loop3A_411 : vector<16xf32>
        %parallel_loop3A_416 = arith.index_cast %parallel_loop3A_409 : i32 to index
        %parallel_loop3A_417 = arith.constant 0 : index
        %parallel_loop3A_418 = tpu.vector_load %arg21[%parallel_loop3A_416, %parallel_loop3A_417] {strides = array<i32>} : memref<64x128xf32, #tpu.memory_space<vmem>>, vector<16xf32>,
        tpu.vector_store %arg21[%parallel_loop3A_416, %parallel_loop3A_417], %parallel_loop3A_415 {strides = array<i32>} : memref<64x128xf32, #tpu.memory_space<vmem>>, vector<16xf32>,
        %parallel_loop3A_419 = arith.index_cast %parallel_loop3A_409 : i32 to index
        %parallel_loop3A_420 = arith.constant 16 : index
        %parallel_loop3A_421 = tpu.vector_load %arg21[%parallel_loop3A_419, %parallel_loop3A_420] {strides = array<i32>} : memref<64x128xf32, #tpu.memory_space<vmem>>, vector<16xf32>,
        %parallel_loop3A_422 = arith.mulf %parallel_loop3A_421, %parallel_loop3A_411 : vector<16xf32>
        %parallel_loop3A_423 = arith.index_cast %parallel_loop3A_409 : i32 to index
        %parallel_loop3A_424 = arith.constant 16 : index
        %parallel_loop3A_425 = tpu.vector_load %arg21[%parallel_loop3A_423, %parallel_loop3A_424] {strides = array<i32>} : memref<64x128xf32, #tpu.memory_space<vmem>>, vector<16xf32>,
        tpu.vector_store %arg21[%parallel_loop3A_423, %parallel_loop3A_424], %parallel_loop3A_422 {strides = array<i32>} : memref<64x128xf32, #tpu.memory_space<vmem>>, vector<16xf32>,
        %parallel_loop3A_426 = arith.index_cast %parallel_loop3A_409 : i32 to index
        %parallel_loop3A_427 = arith.constant 32 : index
        %parallel_loop3A_428 = tpu.vector_load %arg21[%parallel_loop3A_426, %parallel_loop3A_427] {strides = array<i32>} : memref<64x128xf32, #tpu.memory_space<vmem>>, vector<16xf32>,
        %parallel_loop3A_429 = arith.mulf %parallel_loop3A_428, %parallel_loop3A_411 : vector<16xf32>
        %parallel_loop3A_430 = arith.index_cast %parallel_loop3A_409 : i32 to index
        %parallel_loop3A_431 = arith.constant 32 : index
        %parallel_loop3A_432 = tpu.vector_load %arg21[%parallel_loop3A_430, %parallel_loop3A_431] {strides = array<i32>} : memref<64x128xf32, #tpu.memory_space<vmem>>, vector<16xf32>,
        tpu.vector_store %arg21[%parallel_loop3A_430, %parallel_loop3A_431], %parallel_loop3A_429 {strides = array<i32>} : memref<64x128xf32, #tpu.memory_space<vmem>>, vector<16xf32>,
        %parallel_loop3A_433 = arith.index_cast %parallel_loop3A_409 : i32 to index
        %parallel_loop3A_434 = arith.constant 48 : index
        %parallel_loop3A_435 = tpu.vector_load %arg21[%parallel_loop3A_433, %parallel_loop3A_434] {strides = array<i32>} : memref<64x128xf32, #tpu.memory_space<vmem>>, vector<16xf32>,
        %parallel_loop3A_436 = arith.mulf %parallel_loop3A_435, %parallel_loop3A_411 : vector<16xf32>
        %parallel_loop3A_437 = arith.index_cast %parallel_loop3A_409 : i32 to index
        %parallel_loop3A_438 = arith.constant 48 : index
        %parallel_loop3A_439 = tpu.vector_load %arg21[%parallel_loop3A_437, %parallel_loop3A_438] {strides = array<i32>} : memref<64x128xf32, #tpu.memory_space<vmem>>, vector<16xf32>,
        tpu.vector_store %arg21[%parallel_loop3A_437, %parallel_loop3A_438], %parallel_loop3A_436 {strides = array<i32>} : memref<64x128xf32, #tpu.memory_space<vmem>>, vector<16xf32>,
        %parallel_loop3A_440 = arith.index_cast %parallel_loop3A_409 : i32 to index
        %parallel_loop3A_441 = arith.constant 64 : index
        %parallel_loop3A_442 = tpu.vector_load %arg21[%parallel_loop3A_440, %parallel_loop3A_441] {strides = array<i32>} : memref<64x128xf32, #tpu.memory_space<vmem>>, vector<16xf32>,
        %parallel_loop3A_443 = arith.mulf %parallel_loop3A_442, %parallel_loop3A_411 : vector<16xf32>
        %parallel_loop3A_444 = arith.index_cast %parallel_loop3A_409 : i32 to index
        %parallel_loop3A_445 = arith.constant 64 : index
        %parallel_loop3A_446 = tpu.vector_load %arg21[%parallel_loop3A_444, %parallel_loop3A_445] {strides = array<i32>} : memref<64x128xf32, #tpu.memory_space<vmem>>, vector<16xf32>,
        tpu.vector_store %arg21[%parallel_loop3A_444, %parallel_loop3A_445], %parallel_loop3A_443 {strides = array<i32>} : memref<64x128xf32, #tpu.memory_space<vmem>>, vector<16xf32>,
        %parallel_loop3A_447 = arith.index_cast %parallel_loop3A_409 : i32 to index
        %parallel_loop3A_448 = arith.constant 80 : index
        %parallel_loop3A_449 = tpu.vector_load %arg21[%parallel_loop3A_447, %parallel_loop3A_448] {strides = array<i32>} : memref<64x128xf32, #tpu.memory_space<vmem>>, vector<16xf32>,
        %parallel_loop3A_450 = arith.mulf %parallel_loop3A_449, %parallel_loop3A_411 : vector<16xf32>
        %parallel_loop3A_451 = arith.index_cast %parallel_loop3A_409 : i32 to index
        %parallel_loop3A_452 = arith.constant 80 : index
        %parallel_loop3A_453 = tpu.vector_load %arg21[%parallel_loop3A_451, %parallel_loop3A_452] {strides = array<i32>} : memref<64x128xf32, #tpu.memory_space<vmem>>, vector<16xf32>,
        tpu.vector_store %arg21[%parallel_loop3A_451, %parallel_loop3A_452], %parallel_loop3A_450 {strides = array<i32>} : memref<64x128xf32, #tpu.memory_space<vmem>>, vector<16xf32>,
        %parallel_loop3A_454 = arith.index_cast %parallel_loop3A_409 : i32 to index
        %parallel_loop3A_455 = arith.constant 96 : index
        %parallel_loop3A_456 = tpu.vector_load %arg21[%parallel_loop3A_454, %parallel_loop3A_455] {strides = array<i32>} : memref<64x128xf32, #tpu.memory_space<vmem>>, vector<16xf32>,
        %parallel_loop3A_457 = arith.mulf %parallel_loop3A_456, %parallel_loop3A_411 : vector<16xf32>
        %parallel_loop3A_458 = arith.index_cast %parallel_loop3A_409 : i32 to index
        %parallel_loop3A_459 = arith.constant 96 : index
        %parallel_loop3A_460 = tpu.vector_load %arg21[%parallel_loop3A_458, %parallel_loop3A_459] {strides = array<i32>} : memref<64x128xf32, #tpu.memory_space<vmem>>, vector<16xf32>,
        tpu.vector_store %arg21[%parallel_loop3A_458, %parallel_loop3A_459], %parallel_loop3A_457 {strides = array<i32>} : memref<64x128xf32, #tpu.memory_space<vmem>>, vector<16xf32>,
        %parallel_loop3A_461 = arith.index_cast %parallel_loop3A_409 : i32 to index
        %parallel_loop3A_462 = arith.constant 112 : index
        %parallel_loop3A_463 = tpu.vector_load %arg21[%parallel_loop3A_461, %parallel_loop3A_462] {strides = array<i32>} : memref<64x128xf32, #tpu.memory_space<vmem>>, vector<16xf32>,
        %parallel_loop3A_464 = arith.mulf %parallel_loop3A_463, %parallel_loop3A_411 : vector<16xf32>
        %parallel_loop3A_465 = arith.index_cast %parallel_loop3A_409 : i32 to index
        %parallel_loop3A_466 = arith.constant 112 : index
        %parallel_loop3A_467 = tpu.vector_load %arg21[%parallel_loop3A_465, %parallel_loop3A_466] {strides = array<i32>} : memref<64x128xf32, #tpu.memory_space<vmem>>, vector<16xf32>,
        tpu.vector_store %arg21[%parallel_loop3A_465, %parallel_loop3A_466], %parallel_loop3A_464 {strides = array<i32>} : memref<64x128xf32, #tpu.memory_space<vmem>>, vector<16xf32>,
      } {sc.loop_unroll_factor = 4 : i64, sc.parallel_access}
      %gt3A_341 = arith.constant 0 : i32
      %gt3A_342 = arith.cmpi sgt, %add3A_334, %gt3A_341 : i32
      %convert_element_type3A_343 = arith.extui %gt3A_342 : i1 to i32
      %cond3A_344 = arith.constant 0 : i32
      %cond3A_345 = arith.cmpi ne, %convert_element_type3A_343, %cond3A_344 : i32
      scf.if %cond3A_345 {
        %dma_wait3A_409 = arith.constant 0 : i32
        %dma_wait3A_410 = arith.constant 0 : i32
        %dma_wait3A_411 = tpu.memref_slice %arg23[%dma_wait3A_409, %dma_wait3A_410] : memref<10240x128xf32, #tpu.memory_space<vmem_shared>> -> memref<10240x128xf32, #tpu.memory_space<vmem_shared>>
        tpu.wait_indirect_dma semaphore(%arg29 : memref<!tpu.dma_semaphore, #tpu.memory_space<semaphore_mem>>) src(%arg20 : memref<64x128xf32, #tpu.memory_space<vmem>>) dst(%dma_wait3A_411 : memref<10240x128xf32, #tpu.memory_space<vmem_shared>>)
        %add3A_412 = arith.constant 4 : i32
        %add3A_413 = arith.addi %add3A_334, %add3A_412 : i32
        %sub3A_414 = arith.constant 1 : i32
        %sub3A_415 = arith.subi %add3A_413, %sub3A_414 : i32
        %lt3A_416 = arith.constant 160 : i32
        %lt3A_417 = arith.cmpi slt, %sub3A_415, %lt3A_416 : i32
        %convert_element_type3A_418 = arith.extui %lt3A_417 : i1 to i32
        %cond3A_419 = arith.constant 0 : i32
        %cond3A_420 = arith.cmpi ne, %convert_element_type3A_418, %cond3A_419 : i32
        scf.if %cond3A_420 {
          %add3A_421 = arith.constant 4 : i32
          %add3A_422 = arith.addi %add3A_334, %add3A_421 : i32
          %sub3A_423 = arith.constant 1 : i32
          %sub3A_424 = arith.subi %add3A_422, %sub3A_423 : i32
          %mul3A_425 = arith.constant 64 : i32
          %mul3A_426 = arith.muli %sub3A_424, %mul3A_425 : i32
          %add3A_427 = arith.addi %mul3A_0, %mul3A_426 : i32
          %dma_start3A_428 = tpu.memref_slice %arg3[%add3A_427] : memref<163840xi32, #tpu.memory_space<hbm>> -> memref<64xi32, #tpu.memory_space<hbm>>
          %dma_start3A_429 = tpu.memref_slice %arg3[%add3A_427] : memref<163840xi32, #tpu.memory_space<hbm>> -> memref<64xi32, #tpu.memory_space<hbm>>
          tpu.enqueue_dma source(%dma_start3A_429 : memref<64xi32, #tpu.memory_space<hbm>>) target(%arg12 : memref<64xi32, #tpu.memory_space<vmem>>) target_semaphore(%arg37 : memref<!tpu.dma_semaphore, #tpu.memory_space<semaphore_mem>>)
        } else {
        }
      } else {
      }
      %add3A_346 = arith.constant 4 : i32
      %add3A_347 = arith.addi %add3A_334, %add3A_346 : i32
      %sub3A_348 = arith.constant 1 : i32
      %sub3A_349 = arith.subi %add3A_347, %sub3A_348 : i32
      %lt3A_350 = arith.constant 160 : i32
      %lt3A_351 = arith.cmpi slt, %sub3A_349, %lt3A_350 : i32
      %convert_element_type3A_352 = arith.extui %lt3A_351 : i1 to i32
      %cond3A_353 = arith.constant 0 : i32
      %cond3A_354 = arith.cmpi ne, %convert_element_type3A_352, %cond3A_353 : i32
      scf.if %cond3A_354 {
        %add3A_409 = arith.constant 4 : i32
        %add3A_410 = arith.addi %add3A_334, %add3A_409 : i32
        %sub3A_411 = arith.constant 1 : i32
        %sub3A_412 = arith.subi %add3A_410, %sub3A_411 : i32
        %mul3A_413 = arith.constant 64 : i32
        %mul3A_414 = arith.muli %sub3A_412, %mul3A_413 : i32
        %add3A_415 = arith.addi %mul3A_0, %mul3A_414 : i32
        %dma_wait3A_416 = tpu.memref_slice %arg2[%arg0, %add3A_415] : memref<2x163840xi32, #tpu.memory_space<hbm>> -> memref<1x64xi32, #tpu.memory_space<hbm>>
        %dma_wait3A_417 = tpu.memref_squeeze %dma_wait3A_416 : memref<1x64xi32, #tpu.memory_space<hbm>> -> memref<64xi32, #tpu.memory_space<hbm>>
        %dma_wait3A_418 = tpu.memref_slice %arg2[%arg0, %add3A_415] : memref<2x163840xi32, #tpu.memory_space<hbm>> -> memref<1x64xi32, #tpu.memory_space<hbm>>
        %dma_wait3A_419 = tpu.memref_squeeze %dma_wait3A_418 : memref<1x64xi32, #tpu.memory_space<hbm>> -> memref<64xi32, #tpu.memory_space<hbm>>
        tpu.wait_dma2 semaphore(%arg33 : memref<!tpu.dma_semaphore, #tpu.memory_space<semaphore_mem>>) src(%dma_wait3A_419 : memref<64xi32, #tpu.memory_space<hbm>>) dst(%arg8 : memref<64xi32, #tpu.memory_space<vmem>>)
        %mul3A_420 = arith.constant 64 : i32
        %mul3A_421 = arith.muli %sub3A_412, %mul3A_420 : i32
        %add3A_422 = arith.addi %mul3A_0, %mul3A_421 : i32
        %dma_wait3A_423 = tpu.memref_slice %arg4[%add3A_422] : memref<163840xf32, #tpu.memory_space<hbm>> -> memref<64xf32, #tpu.memory_space<hbm>>
        %dma_wait3A_424 = tpu.memref_slice %arg4[%add3A_422] : memref<163840xf32, #tpu.memory_space<hbm>> -> memref<64xf32, #tpu.memory_space<hbm>>
        tpu.wait_dma2 semaphore(%arg33 : memref<!tpu.dma_semaphore, #tpu.memory_space<semaphore_mem>>) src(%dma_wait3A_424 : memref<64xf32, #tpu.memory_space<hbm>>) dst(%arg16 : memref<64xf32, #tpu.memory_space<vmem>>)
        %dma_start3A_425 = arith.constant 0 : i32
        %dma_start3A_426 = arith.constant 0 : i32
        %dma_start3A_427 = tpu.memref_slice %arg5[%dma_start3A_425, %dma_start3A_426] : memref<20000x128xf32, #tpu.memory_space<hbm>> -> memref<20000x128xf32, #tpu.memory_space<hbm>>
        tpu.enqueue_indirect_dma source(%dma_start3A_427 : memref<20000x128xf32, #tpu.memory_space<hbm>>) target(%arg20 : memref<64x128xf32, #tpu.memory_space<vmem>>) offsets(%arg8 : memref<64xi32, #tpu.memory_space<vmem>>) semaphore(%arg25 : memref<!tpu.dma_semaphore, #tpu.memory_space<semaphore_mem>>)
      } else {
      }
      %add3A_355 = arith.constant 4 : i32
      %add3A_356 = arith.addi %add3A_334, %add3A_355 : i32
      %lt3A_357 = arith.constant 160 : i32
      %lt3A_358 = arith.cmpi slt, %add3A_356, %lt3A_357 : i32
      %convert_element_type3A_359 = arith.extui %lt3A_358 : i1 to i32
      %cond3A_360 = arith.constant 0 : i32
      %cond3A_361 = arith.cmpi ne, %convert_element_type3A_359, %cond3A_360 : i32
      scf.if %cond3A_361 {
        %add3A_409 = arith.constant 4 : i32
        %add3A_410 = arith.addi %add3A_334, %add3A_409 : i32
        %mul3A_411 = arith.constant 64 : i32
        %mul3A_412 = arith.muli %add3A_410, %mul3A_411 : i32
        %add3A_413 = arith.addi %mul3A_0, %mul3A_412 : i32
        %dma_start3A_414 = tpu.memref_slice %arg2[%arg0, %add3A_413] : memref<2x163840xi32, #tpu.memory_space<hbm>> -> memref<1x64xi32, #tpu.memory_space<hbm>>
        %dma_start3A_415 = tpu.memref_squeeze %dma_start3A_414 : memref<1x64xi32, #tpu.memory_space<hbm>> -> memref<64xi32, #tpu.memory_space<hbm>>
        %dma_start3A_416 = tpu.memref_slice %arg2[%arg0, %add3A_413] : memref<2x163840xi32, #tpu.memory_space<hbm>> -> memref<1x64xi32, #tpu.memory_space<hbm>>
        %dma_start3A_417 = tpu.memref_squeeze %dma_start3A_416 : memref<1x64xi32, #tpu.memory_space<hbm>> -> memref<64xi32, #tpu.memory_space<hbm>>
        tpu.enqueue_dma source(%dma_start3A_417 : memref<64xi32, #tpu.memory_space<hbm>>) target(%arg9 : memref<64xi32, #tpu.memory_space<vmem>>) target_semaphore(%arg34 : memref<!tpu.dma_semaphore, #tpu.memory_space<semaphore_mem>>)
        %mul3A_418 = arith.constant 64 : i32
        %mul3A_419 = arith.muli %add3A_410, %mul3A_418 : i32
        %add3A_420 = arith.addi %mul3A_0, %mul3A_419 : i32
        %dma_start3A_421 = tpu.memref_slice %arg4[%add3A_420] : memref<163840xf32, #tpu.memory_space<hbm>> -> memref<64xf32, #tpu.memory_space<hbm>>
        %dma_start3A_422 = tpu.memref_slice %arg4[%add3A_420] : memref<163840xf32, #tpu.memory_space<hbm>> -> memref<64xf32, #tpu.memory_space<hbm>>
        tpu.enqueue_dma source(%dma_start3A_422 : memref<64xf32, #tpu.memory_space<hbm>>) target(%arg17 : memref<64xf32, #tpu.memory_space<vmem>>) target_semaphore(%arg34 : memref<!tpu.dma_semaphore, #tpu.memory_space<semaphore_mem>>)
      } else {
      }
      %mul3A_362 = arith.constant 64 : i32
      %mul3A_363 = arith.muli %add3A_334, %mul3A_362 : i32
      %add3A_364 = arith.addi %mul3A_0, %mul3A_363 : i32
      %dma_wait3A_365 = tpu.memref_slice %arg3[%add3A_364] : memref<163840xi32, #tpu.memory_space<hbm>> -> memref<64xi32, #tpu.memory_space<hbm>>
      %dma_wait3A_366 = tpu.memref_slice %arg3[%add3A_364] : memref<163840xi32, #tpu.memory_space<hbm>> -> memref<64xi32, #tpu.memory_space<hbm>>
      tpu.wait_dma2 semaphore(%arg38 : memref<!tpu.dma_semaphore, #tpu.memory_space<semaphore_mem>>) src(%dma_wait3A_366 : memref<64xi32, #tpu.memory_space<hbm>>) dst(%arg13 : memref<64xi32, #tpu.memory_space<vmem>>)
      %dma_start3A_367 = arith.constant 0 : i32
      %dma_start3A_368 = arith.constant 0 : i32
      %dma_start3A_369 = tpu.memref_slice %arg23[%dma_start3A_367, %dma_start3A_368] : memref<10240x128xf32, #tpu.memory_space<vmem_shared>> -> memref<10240x128xf32, #tpu.memory_space<vmem_shared>>
      tpu.enqueue_indirect_dma source(%arg21 : memref<64x128xf32, #tpu.memory_space<vmem>>) target(%dma_start3A_369 : memref<10240x128xf32, #tpu.memory_space<vmem_shared>>) offsets(%arg13 : memref<64xi32, #tpu.memory_space<vmem>>) semaphore(%arg30 : memref<!tpu.dma_semaphore, #tpu.memory_space<semaphore_mem>>) {add = true}
      %mul3A_370 = arith.constant 4 : i32
      %mul3A_371 = arith.muli %scan3A_258, %mul3A_370 : i32
      %add3A_372 = arith.constant 3 : i32
      %add3A_373 = arith.addi %mul3A_371, %add3A_372 : i32
      %dma_wait3A_374 = arith.constant 0 : i32
      %dma_wait3A_375 = arith.constant 0 : i32
      %dma_wait3A_376 = tpu.memref_slice %arg5[%dma_wait3A_374, %dma_wait3A_375] : memref<20000x128xf32, #tpu.memory_space<hbm>> -> memref<20000x128xf32, #tpu.memory_space<hbm>>
      tpu.wait_indirect_dma semaphore(%arg27 : memref<!tpu.dma_semaphore, #tpu.memory_space<semaphore_mem>>) src(%dma_wait3A_376 : memref<20000x128xf32, #tpu.memory_space<hbm>>) dst(%arg22 : memref<64x128xf32, #tpu.memory_space<vmem>>)
      %parallel_loop3A_377 = arith.constant 0 : i32
      %parallel_loop3A_378 = arith.constant 64 : i32
      %parallel_loop3A_379 = arith.constant 1 : i32
      scf.for %parallel_loop3A_409 = %parallel_loop3A_377 to %parallel_loop3A_378 step %parallel_loop3A_379  : i32 {
        %parallel_loop3A_410 = vector.broadcast %parallel_loop3A_409 : i32 to vector<16xi32>
        %parallel_loop3A_411 = tpu.vector_load_idx %arg18[%parallel_loop3A_410] : memref<64xf32, #tpu.memory_space<vmem>>[vector<16xi32>], vector<16xf32>,
        %parallel_loop3A_412 = arith.index_cast %parallel_loop3A_409 : i32 to index
        %parallel_loop3A_413 = arith.constant 0 : index
        %parallel_loop3A_414 = tpu.vector_load %arg22[%parallel_loop3A_412, %parallel_loop3A_413] {strides = array<i32>} : memref<64x128xf32, #tpu.memory_space<vmem>>, vector<16xf32>,
        %parallel_loop3A_415 = arith.mulf %parallel_loop3A_414, %parallel_loop3A_411 : vector<16xf32>
        %parallel_loop3A_416 = arith.index_cast %parallel_loop3A_409 : i32 to index
        %parallel_loop3A_417 = arith.constant 0 : index
        %parallel_loop3A_418 = tpu.vector_load %arg22[%parallel_loop3A_416, %parallel_loop3A_417] {strides = array<i32>} : memref<64x128xf32, #tpu.memory_space<vmem>>, vector<16xf32>,
        tpu.vector_store %arg22[%parallel_loop3A_416, %parallel_loop3A_417], %parallel_loop3A_415 {strides = array<i32>} : memref<64x128xf32, #tpu.memory_space<vmem>>, vector<16xf32>,
        %parallel_loop3A_419 = arith.index_cast %parallel_loop3A_409 : i32 to index
        %parallel_loop3A_420 = arith.constant 16 : index
        %parallel_loop3A_421 = tpu.vector_load %arg22[%parallel_loop3A_419, %parallel_loop3A_420] {strides = array<i32>} : memref<64x128xf32, #tpu.memory_space<vmem>>, vector<16xf32>,
        %parallel_loop3A_422 = arith.mulf %parallel_loop3A_421, %parallel_loop3A_411 : vector<16xf32>
        %parallel_loop3A_423 = arith.index_cast %parallel_loop3A_409 : i32 to index
        %parallel_loop3A_424 = arith.constant 16 : index
        %parallel_loop3A_425 = tpu.vector_load %arg22[%parallel_loop3A_423, %parallel_loop3A_424] {strides = array<i32>} : memref<64x128xf32, #tpu.memory_space<vmem>>, vector<16xf32>,
        tpu.vector_store %arg22[%parallel_loop3A_423, %parallel_loop3A_424], %parallel_loop3A_422 {strides = array<i32>} : memref<64x128xf32, #tpu.memory_space<vmem>>, vector<16xf32>,
        %parallel_loop3A_426 = arith.index_cast %parallel_loop3A_409 : i32 to index
        %parallel_loop3A_427 = arith.constant 32 : index
        %parallel_loop3A_428 = tpu.vector_load %arg22[%parallel_loop3A_426, %parallel_loop3A_427] {strides = array<i32>} : memref<64x128xf32, #tpu.memory_space<vmem>>, vector<16xf32>,
        %parallel_loop3A_429 = arith.mulf %parallel_loop3A_428, %parallel_loop3A_411 : vector<16xf32>
        %parallel_loop3A_430 = arith.index_cast %parallel_loop3A_409 : i32 to index
        %parallel_loop3A_431 = arith.constant 32 : index
        %parallel_loop3A_432 = tpu.vector_load %arg22[%parallel_loop3A_430, %parallel_loop3A_431] {strides = array<i32>} : memref<64x128xf32, #tpu.memory_space<vmem>>, vector<16xf32>,
        tpu.vector_store %arg22[%parallel_loop3A_430, %parallel_loop3A_431], %parallel_loop3A_429 {strides = array<i32>} : memref<64x128xf32, #tpu.memory_space<vmem>>, vector<16xf32>,
        %parallel_loop3A_433 = arith.index_cast %parallel_loop3A_409 : i32 to index
        %parallel_loop3A_434 = arith.constant 48 : index
        %parallel_loop3A_435 = tpu.vector_load %arg22[%parallel_loop3A_433, %parallel_loop3A_434] {strides = array<i32>} : memref<64x128xf32, #tpu.memory_space<vmem>>, vector<16xf32>,
        %parallel_loop3A_436 = arith.mulf %parallel_loop3A_435, %parallel_loop3A_411 : vector<16xf32>
        %parallel_loop3A_437 = arith.index_cast %parallel_loop3A_409 : i32 to index
        %parallel_loop3A_438 = arith.constant 48 : index
        %parallel_loop3A_439 = tpu.vector_load %arg22[%parallel_loop3A_437, %parallel_loop3A_438] {strides = array<i32>} : memref<64x128xf32, #tpu.memory_space<vmem>>, vector<16xf32>,
        tpu.vector_store %arg22[%parallel_loop3A_437, %parallel_loop3A_438], %parallel_loop3A_436 {strides = array<i32>} : memref<64x128xf32, #tpu.memory_space<vmem>>, vector<16xf32>,
        %parallel_loop3A_440 = arith.index_cast %parallel_loop3A_409 : i32 to index
        %parallel_loop3A_441 = arith.constant 64 : index
        %parallel_loop3A_442 = tpu.vector_load %arg22[%parallel_loop3A_440, %parallel_loop3A_441] {strides = array<i32>} : memref<64x128xf32, #tpu.memory_space<vmem>>, vector<16xf32>,
        %parallel_loop3A_443 = arith.mulf %parallel_loop3A_442, %parallel_loop3A_411 : vector<16xf32>
        %parallel_loop3A_444 = arith.index_cast %parallel_loop3A_409 : i32 to index
        %parallel_loop3A_445 = arith.constant 64 : index
        %parallel_loop3A_446 = tpu.vector_load %arg22[%parallel_loop3A_444, %parallel_loop3A_445] {strides = array<i32>} : memref<64x128xf32, #tpu.memory_space<vmem>>, vector<16xf32>,
        tpu.vector_store %arg22[%parallel_loop3A_444, %parallel_loop3A_445], %parallel_loop3A_443 {strides = array<i32>} : memref<64x128xf32, #tpu.memory_space<vmem>>, vector<16xf32>,
        %parallel_loop3A_447 = arith.index_cast %parallel_loop3A_409 : i32 to index
        %parallel_loop3A_448 = arith.constant 80 : index
        %parallel_loop3A_449 = tpu.vector_load %arg22[%parallel_loop3A_447, %parallel_loop3A_448] {strides = array<i32>} : memref<64x128xf32, #tpu.memory_space<vmem>>, vector<16xf32>,
        %parallel_loop3A_450 = arith.mulf %parallel_loop3A_449, %parallel_loop3A_411 : vector<16xf32>
        %parallel_loop3A_451 = arith.index_cast %parallel_loop3A_409 : i32 to index
        %parallel_loop3A_452 = arith.constant 80 : index
        %parallel_loop3A_453 = tpu.vector_load %arg22[%parallel_loop3A_451, %parallel_loop3A_452] {strides = array<i32>} : memref<64x128xf32, #tpu.memory_space<vmem>>, vector<16xf32>,
        tpu.vector_store %arg22[%parallel_loop3A_451, %parallel_loop3A_452], %parallel_loop3A_450 {strides = array<i32>} : memref<64x128xf32, #tpu.memory_space<vmem>>, vector<16xf32>,
        %parallel_loop3A_454 = arith.index_cast %parallel_loop3A_409 : i32 to index
        %parallel_loop3A_455 = arith.constant 96 : index
        %parallel_loop3A_456 = tpu.vector_load %arg22[%parallel_loop3A_454, %parallel_loop3A_455] {strides = array<i32>} : memref<64x128xf32, #tpu.memory_space<vmem>>, vector<16xf32>,
        %parallel_loop3A_457 = arith.mulf %parallel_loop3A_456, %parallel_loop3A_411 : vector<16xf32>
        %parallel_loop3A_458 = arith.index_cast %parallel_loop3A_409 : i32 to index
        %parallel_loop3A_459 = arith.constant 96 : index
        %parallel_loop3A_460 = tpu.vector_load %arg22[%parallel_loop3A_458, %parallel_loop3A_459] {strides = array<i32>} : memref<64x128xf32, #tpu.memory_space<vmem>>, vector<16xf32>,
        tpu.vector_store %arg22[%parallel_loop3A_458, %parallel_loop3A_459], %parallel_loop3A_457 {strides = array<i32>} : memref<64x128xf32, #tpu.memory_space<vmem>>, vector<16xf32>,
        %parallel_loop3A_461 = arith.index_cast %parallel_loop3A_409 : i32 to index
        %parallel_loop3A_462 = arith.constant 112 : index
        %parallel_loop3A_463 = tpu.vector_load %arg22[%parallel_loop3A_461, %parallel_loop3A_462] {strides = array<i32>} : memref<64x128xf32, #tpu.memory_space<vmem>>, vector<16xf32>,
        %parallel_loop3A_464 = arith.mulf %parallel_loop3A_463, %parallel_loop3A_411 : vector<16xf32>
        %parallel_loop3A_465 = arith.index_cast %parallel_loop3A_409 : i32 to index
        %parallel_loop3A_466 = arith.constant 112 : index
        %parallel_loop3A_467 = tpu.vector_load %arg22[%parallel_loop3A_465, %parallel_loop3A_466] {strides = array<i32>} : memref<64x128xf32, #tpu.memory_space<vmem>>, vector<16xf32>,
        tpu.vector_store %arg22[%parallel_loop3A_465, %parallel_loop3A_466], %parallel_loop3A_464 {strides = array<i32>} : memref<64x128xf32, #tpu.memory_space<vmem>>, vector<16xf32>,
      } {sc.loop_unroll_factor = 4 : i64, sc.parallel_access}
      %gt3A_380 = arith.constant 0 : i32
      %gt3A_381 = arith.cmpi sgt, %add3A_373, %gt3A_380 : i32
      %convert_element_type3A_382 = arith.extui %gt3A_381 : i1 to i32
      %cond3A_383 = arith.constant 0 : i32
      %cond3A_384 = arith.cmpi ne, %convert_element_type3A_382, %cond3A_383 : i32
      scf.if %cond3A_384 {
        %dma_wait3A_409 = arith.constant 0 : i32
        %dma_wait3A_410 = arith.constant 0 : i32
        %dma_wait3A_411 = tpu.memref_slice %arg23[%dma_wait3A_409, %dma_wait3A_410] : memref<10240x128xf32, #tpu.memory_space<vmem_shared>> -> memref<10240x128xf32, #tpu.memory_space<vmem_shared>>
        tpu.wait_indirect_dma semaphore(%arg30 : memref<!tpu.dma_semaphore, #tpu.memory_space<semaphore_mem>>) src(%arg21 : memref<64x128xf32, #tpu.memory_space<vmem>>) dst(%dma_wait3A_411 : memref<10240x128xf32, #tpu.memory_space<vmem_shared>>)
        %add3A_412 = arith.constant 4 : i32
        %add3A_413 = arith.addi %add3A_373, %add3A_412 : i32
        %sub3A_414 = arith.constant 1 : i32
        %sub3A_415 = arith.subi %add3A_413, %sub3A_414 : i32
        %lt3A_416 = arith.constant 160 : i32
        %lt3A_417 = arith.cmpi slt, %sub3A_415, %lt3A_416 : i32
        %convert_element_type3A_418 = arith.extui %lt3A_417 : i1 to i32
        %cond3A_419 = arith.constant 0 : i32
        %cond3A_420 = arith.cmpi ne, %convert_element_type3A_418, %cond3A_419 : i32
        scf.if %cond3A_420 {
          %add3A_421 = arith.constant 4 : i32
          %add3A_422 = arith.addi %add3A_373, %add3A_421 : i32
          %sub3A_423 = arith.constant 1 : i32
          %sub3A_424 = arith.subi %add3A_422, %sub3A_423 : i32
          %mul3A_425 = arith.constant 64 : i32
          %mul3A_426 = arith.muli %sub3A_424, %mul3A_425 : i32
          %add3A_427 = arith.addi %mul3A_0, %mul3A_426 : i32
          %dma_start3A_428 = tpu.memref_slice %arg3[%add3A_427] : memref<163840xi32, #tpu.memory_space<hbm>> -> memref<64xi32, #tpu.memory_space<hbm>>
          %dma_start3A_429 = tpu.memref_slice %arg3[%add3A_427] : memref<163840xi32, #tpu.memory_space<hbm>> -> memref<64xi32, #tpu.memory_space<hbm>>
          tpu.enqueue_dma source(%dma_start3A_429 : memref<64xi32, #tpu.memory_space<hbm>>) target(%arg13 : memref<64xi32, #tpu.memory_space<vmem>>) target_semaphore(%arg38 : memref<!tpu.dma_semaphore, #tpu.memory_space<semaphore_mem>>)
        } else {
        }
      } else {
      }
      %add3A_385 = arith.constant 4 : i32
      %add3A_386 = arith.addi %add3A_373, %add3A_385 : i32
      %sub3A_387 = arith.constant 1 : i32
      %sub3A_388 = arith.subi %add3A_386, %sub3A_387 : i32
      %lt3A_389 = arith.constant 160 : i32
      %lt3A_390 = arith.cmpi slt, %sub3A_388, %lt3A_389 : i32
      %convert_element_type3A_391 = arith.extui %lt3A_390 : i1 to i32
      %cond3A_392 = arith.constant 0 : i32
      %cond3A_393 = arith.cmpi ne, %convert_element_type3A_391, %cond3A_392 : i32
      scf.if %cond3A_393 {
        %add3A_409 = arith.constant 4 : i32
        %add3A_410 = arith.addi %add3A_373, %add3A_409 : i32
        %sub3A_411 = arith.constant 1 : i32
        %sub3A_412 = arith.subi %add3A_410, %sub3A_411 : i32
        %mul3A_413 = arith.constant 64 : i32
        %mul3A_414 = arith.muli %sub3A_412, %mul3A_413 : i32
        %add3A_415 = arith.addi %mul3A_0, %mul3A_414 : i32
        %dma_wait3A_416 = tpu.memref_slice %arg2[%arg0, %add3A_415] : memref<2x163840xi32, #tpu.memory_space<hbm>> -> memref<1x64xi32, #tpu.memory_space<hbm>>
        %dma_wait3A_417 = tpu.memref_squeeze %dma_wait3A_416 : memref<1x64xi32, #tpu.memory_space<hbm>> -> memref<64xi32, #tpu.memory_space<hbm>>
        %dma_wait3A_418 = tpu.memref_slice %arg2[%arg0, %add3A_415] : memref<2x163840xi32, #tpu.memory_space<hbm>> -> memref<1x64xi32, #tpu.memory_space<hbm>>
        %dma_wait3A_419 = tpu.memref_squeeze %dma_wait3A_418 : memref<1x64xi32, #tpu.memory_space<hbm>> -> memref<64xi32, #tpu.memory_space<hbm>>
        tpu.wait_dma2 semaphore(%arg34 : memref<!tpu.dma_semaphore, #tpu.memory_space<semaphore_mem>>) src(%dma_wait3A_419 : memref<64xi32, #tpu.memory_space<hbm>>) dst(%arg9 : memref<64xi32, #tpu.memory_space<vmem>>)
        %mul3A_420 = arith.constant 64 : i32
        %mul3A_421 = arith.muli %sub3A_412, %mul3A_420 : i32
        %add3A_422 = arith.addi %mul3A_0, %mul3A_421 : i32
        %dma_wait3A_423 = tpu.memref_slice %arg4[%add3A_422] : memref<163840xf32, #tpu.memory_space<hbm>> -> memref<64xf32, #tpu.memory_space<hbm>>
        %dma_wait3A_424 = tpu.memref_slice %arg4[%add3A_422] : memref<163840xf32, #tpu.memory_space<hbm>> -> memref<64xf32, #tpu.memory_space<hbm>>
        tpu.wait_dma2 semaphore(%arg34 : memref<!tpu.dma_semaphore, #tpu.memory_space<semaphore_mem>>) src(%dma_wait3A_424 : memref<64xf32, #tpu.memory_space<hbm>>) dst(%arg17 : memref<64xf32, #tpu.memory_space<vmem>>)
        %dma_start3A_425 = arith.constant 0 : i32
        %dma_start3A_426 = arith.constant 0 : i32
        %dma_start3A_427 = tpu.memref_slice %arg5[%dma_start3A_425, %dma_start3A_426] : memref<20000x128xf32, #tpu.memory_space<hbm>> -> memref<20000x128xf32, #tpu.memory_space<hbm>>
        tpu.enqueue_indirect_dma source(%dma_start3A_427 : memref<20000x128xf32, #tpu.memory_space<hbm>>) target(%arg21 : memref<64x128xf32, #tpu.memory_space<vmem>>) offsets(%arg9 : memref<64xi32, #tpu.memory_space<vmem>>) semaphore(%arg26 : memref<!tpu.dma_semaphore, #tpu.memory_space<semaphore_mem>>)
      } else {
      }
      %add3A_394 = arith.constant 4 : i32
      %add3A_395 = arith.addi %add3A_373, %add3A_394 : i32
      %lt3A_396 = arith.constant 160 : i32
      %lt3A_397 = arith.cmpi slt, %add3A_395, %lt3A_396 : i32
      %convert_element_type3A_398 = arith.extui %lt3A_397 : i1 to i32
      %cond3A_399 = arith.constant 0 : i32
      %cond3A_400 = arith.cmpi ne, %convert_element_type3A_398, %cond3A_399 : i32
      scf.if %cond3A_400 {
        %add3A_409 = arith.constant 4 : i32
        %add3A_410 = arith.addi %add3A_373, %add3A_409 : i32
        %mul3A_411 = arith.constant 64 : i32
        %mul3A_412 = arith.muli %add3A_410, %mul3A_411 : i32
        %add3A_413 = arith.addi %mul3A_0, %mul3A_412 : i32
        %dma_start3A_414 = tpu.memref_slice %arg2[%arg0, %add3A_413] : memref<2x163840xi32, #tpu.memory_space<hbm>> -> memref<1x64xi32, #tpu.memory_space<hbm>>
        %dma_start3A_415 = tpu.memref_squeeze %dma_start3A_414 : memref<1x64xi32, #tpu.memory_space<hbm>> -> memref<64xi32, #tpu.memory_space<hbm>>
        %dma_start3A_416 = tpu.memref_slice %arg2[%arg0, %add3A_413] : memref<2x163840xi32, #tpu.memory_space<hbm>> -> memref<1x64xi32, #tpu.memory_space<hbm>>
        %dma_start3A_417 = tpu.memref_squeeze %dma_start3A_416 : memref<1x64xi32, #tpu.memory_space<hbm>> -> memref<64xi32, #tpu.memory_space<hbm>>
        tpu.enqueue_dma source(%dma_start3A_417 : memref<64xi32, #tpu.memory_space<hbm>>) target(%arg10 : memref<64xi32, #tpu.memory_space<vmem>>) target_semaphore(%arg35 : memref<!tpu.dma_semaphore, #tpu.memory_space<semaphore_mem>>)
        %mul3A_418 = arith.constant 64 : i32
        %mul3A_419 = arith.muli %add3A_410, %mul3A_418 : i32
        %add3A_420 = arith.addi %mul3A_0, %mul3A_419 : i32
        %dma_start3A_421 = tpu.memref_slice %arg4[%add3A_420] : memref<163840xf32, #tpu.memory_space<hbm>> -> memref<64xf32, #tpu.memory_space<hbm>>
        %dma_start3A_422 = tpu.memref_slice %arg4[%add3A_420] : memref<163840xf32, #tpu.memory_space<hbm>> -> memref<64xf32, #tpu.memory_space<hbm>>
        tpu.enqueue_dma source(%dma_start3A_422 : memref<64xf32, #tpu.memory_space<hbm>>) target(%arg18 : memref<64xf32, #tpu.memory_space<vmem>>) target_semaphore(%arg35 : memref<!tpu.dma_semaphore, #tpu.memory_space<semaphore_mem>>)
      } else {
      }
      %mul3A_401 = arith.constant 64 : i32
      %mul3A_402 = arith.muli %add3A_373, %mul3A_401 : i32
      %add3A_403 = arith.addi %mul3A_0, %mul3A_402 : i32
      %dma_wait3A_404 = tpu.memref_slice %arg3[%add3A_403] : memref<163840xi32, #tpu.memory_space<hbm>> -> memref<64xi32, #tpu.memory_space<hbm>>
      %dma_wait3A_405 = tpu.memref_slice %arg3[%add3A_403] : memref<163840xi32, #tpu.memory_space<hbm>> -> memref<64xi32, #tpu.memory_space<hbm>>
      tpu.wait_dma2 semaphore(%arg39 : memref<!tpu.dma_semaphore, #tpu.memory_space<semaphore_mem>>) src(%dma_wait3A_405 : memref<64xi32, #tpu.memory_space<hbm>>) dst(%arg14 : memref<64xi32, #tpu.memory_space<vmem>>)
      %dma_start3A_406 = arith.constant 0 : i32
      %dma_start3A_407 = arith.constant 0 : i32
      %dma_start3A_408 = tpu.memref_slice %arg23[%dma_start3A_406, %dma_start3A_407] : memref<10240x128xf32, #tpu.memory_space<vmem_shared>> -> memref<10240x128xf32, #tpu.memory_space<vmem_shared>>
      tpu.enqueue_indirect_dma source(%arg22 : memref<64x128xf32, #tpu.memory_space<vmem>>) target(%dma_start3A_408 : memref<10240x128xf32, #tpu.memory_space<vmem_shared>>) offsets(%arg14 : memref<64xi32, #tpu.memory_space<vmem>>) semaphore(%arg31 : memref<!tpu.dma_semaphore, #tpu.memory_space<semaphore_mem>>) {add = true}
    }
    %scan3A_143 = arith.constant 40 : i32
    %dma_wait3A_144 = arith.constant 0 : i32
    %dma_wait3A_145 = arith.constant 0 : i32
    %dma_wait3A_146 = tpu.memref_slice %arg23[%dma_wait3A_144, %dma_wait3A_145] : memref<10240x128xf32, #tpu.memory_space<vmem_shared>> -> memref<10240x128xf32, #tpu.memory_space<vmem_shared>>
    tpu.wait_indirect_dma semaphore(%arg31 : memref<!tpu.dma_semaphore, #tpu.memory_space<semaphore_mem>>) src(%arg22 : memref<64x128xf32, #tpu.memory_space<vmem>>) dst(%dma_wait3A_146 : memref<10240x128xf32, #tpu.memory_space<vmem_shared>>)
    %barrier3A_147 = arith.constant 0 : index
    tpu.barrier barrier_id(%barrier3A_147)
    %mul3A_148 = arith.constant 640 : i32
    %mul3A_149 = arith.muli %arg1, %mul3A_148 : i32
    %add3A_150 = arith.constant 0 : i32
    %add3A_151 = arith.addi %mul3A_149, %add3A_150 : i32
    "tpu.region"() ({
      %run_scoped3A = tpu.sem_alloc : memref<!tpu.dma_semaphore, #tpu.memory_space<semaphore_mem>>
      %dma_start3A_258 = arith.constant 0 : i32
      %dma_start3A_259 = tpu.memref_slice %arg23[%add3A_151, %dma_start3A_258] : memref<10240x128xf32, #tpu.memory_space<vmem_shared>> -> memref<64x128xf32, #tpu.memory_space<vmem_shared>>
      %dma_start3A_260 = arith.constant 0 : i32
      %dma_start3A_261 = tpu.memref_slice %arg23[%add3A_151, %dma_start3A_260] : memref<10240x128xf32, #tpu.memory_space<vmem_shared>> -> memref<64x128xf32, #tpu.memory_space<vmem_shared>>
      tpu.enqueue_dma source(%dma_start3A_261 : memref<64x128xf32, #tpu.memory_space<vmem_shared>>) target(%arg19 : memref<64x128xf32, #tpu.memory_space<vmem>>) target_semaphore(%run_scoped3A : memref<!tpu.dma_semaphore, #tpu.memory_space<semaphore_mem>>)
      %dma_wait3A_262 = arith.constant 0 : i32
      %dma_wait3A_263 = tpu.memref_slice %arg23[%add3A_151, %dma_wait3A_262] : memref<10240x128xf32, #tpu.memory_space<vmem_shared>> -> memref<64x128xf32, #tpu.memory_space<vmem_shared>>
      %dma_wait3A_264 = arith.constant 0 : i32
      %dma_wait3A_265 = tpu.memref_slice %arg23[%add3A_151, %dma_wait3A_264] : memref<10240x128xf32, #tpu.memory_space<vmem_shared>> -> memref<64x128xf32, #tpu.memory_space<vmem_shared>>
      tpu.wait_dma2 semaphore(%run_scoped3A : memref<!tpu.dma_semaphore, #tpu.memory_space<semaphore_mem>>) src(%dma_wait3A_265 : memref<64x128xf32, #tpu.memory_space<vmem_shared>>) dst(%arg19 : memref<64x128xf32, #tpu.memory_space<vmem>>)
      tpu.yield
    }) : () -> ()
    %mul3A_152 = arith.constant 10240 : i32
    %mul3A_153 = arith.muli %arg0, %mul3A_152 : i32
    %mul3A_154 = arith.constant 640 : i32
    %mul3A_155 = arith.muli %arg1, %mul3A_154 : i32
    %add3A_156 = arith.addi %mul3A_153, %mul3A_155 : i32
    %add3A_157 = arith.constant 0 : i32
    %add3A_158 = arith.addi %add3A_156, %add3A_157 : i32
    "tpu.region"() ({
      %run_scoped3A = tpu.sem_alloc : memref<!tpu.dma_semaphore, #tpu.memory_space<semaphore_mem>>
      %dma_start3A_258 = arith.constant 0 : i32
      %dma_start3A_259 = tpu.memref_slice %arg6[%add3A_158, %dma_start3A_258] : memref<20480x128xf32, #tpu.memory_space<hbm>> -> memref<64x128xf32, #tpu.memory_space<hbm>>
      %dma_start3A_260 = arith.constant 0 : i32
      %dma_start3A_261 = tpu.memref_slice %arg6[%add3A_158, %dma_start3A_260] : memref<20480x128xf32, #tpu.memory_space<hbm>> -> memref<64x128xf32, #tpu.memory_space<hbm>>
      tpu.enqueue_dma source(%arg19 : memref<64x128xf32, #tpu.memory_space<vmem>>) target(%dma_start3A_261 : memref<64x128xf32, #tpu.memory_space<hbm>>) target_semaphore(%run_scoped3A : memref<!tpu.dma_semaphore, #tpu.memory_space<semaphore_mem>>)
      %dma_wait3A_262 = arith.constant 0 : i32
      %dma_wait3A_263 = tpu.memref_slice %arg6[%add3A_158, %dma_wait3A_262] : memref<20480x128xf32, #tpu.memory_space<hbm>> -> memref<64x128xf32, #tpu.memory_space<hbm>>
      %dma_wait3A_264 = arith.constant 0 : i32
      %dma_wait3A_265 = tpu.memref_slice %arg6[%add3A_158, %dma_wait3A_264] : memref<20480x128xf32, #tpu.memory_space<hbm>> -> memref<64x128xf32, #tpu.memory_space<hbm>>
      tpu.wait_dma2 semaphore(%run_scoped3A : memref<!tpu.dma_semaphore, #tpu.memory_space<semaphore_mem>>) src(%arg19 : memref<64x128xf32, #tpu.memory_space<vmem>>) dst(%dma_wait3A_265 : memref<64x128xf32, #tpu.memory_space<hbm>>)
      tpu.yield
    }) : () -> ()
    %mul3A_159 = arith.constant 640 : i32
    %mul3A_160 = arith.muli %arg1, %mul3A_159 : i32
    %add3A_161 = arith.constant 64 : i32
    %add3A_162 = arith.addi %mul3A_160, %add3A_161 : i32
    "tpu.region"() ({
      %run_scoped3A = tpu.sem_alloc : memref<!tpu.dma_semaphore, #tpu.memory_space<semaphore_mem>>
      %dma_start3A_258 = arith.constant 0 : i32
      %dma_start3A_259 = tpu.memref_slice %arg23[%add3A_162, %dma_start3A_258] : memref<10240x128xf32, #tpu.memory_space<vmem_shared>> -> memref<64x128xf32, #tpu.memory_space<vmem_shared>>
      %dma_start3A_260 = arith.constant 0 : i32
      %dma_start3A_261 = tpu.memref_slice %arg23[%add3A_162, %dma_start3A_260] : memref<10240x128xf32, #tpu.memory_space<vmem_shared>> -> memref<64x128xf32, #tpu.memory_space<vmem_shared>>
      tpu.enqueue_dma source(%dma_start3A_261 : memref<64x128xf32, #tpu.memory_space<vmem_shared>>) target(%arg19 : memref<64x128xf32, #tpu.memory_space<vmem>>) target_semaphore(%run_scoped3A : memref<!tpu.dma_semaphore, #tpu.memory_space<semaphore_mem>>)
      %dma_wait3A_262 = arith.constant 0 : i32
      %dma_wait3A_263 = tpu.memref_slice %arg23[%add3A_162, %dma_wait3A_262] : memref<10240x128xf32, #tpu.memory_space<vmem_shared>> -> memref<64x128xf32, #tpu.memory_space<vmem_shared>>
      %dma_wait3A_264 = arith.constant 0 : i32
      %dma_wait3A_265 = tpu.memref_slice %arg23[%add3A_162, %dma_wait3A_264] : memref<10240x128xf32, #tpu.memory_space<vmem_shared>> -> memref<64x128xf32, #tpu.memory_space<vmem_shared>>
      tpu.wait_dma2 semaphore(%run_scoped3A : memref<!tpu.dma_semaphore, #tpu.memory_space<semaphore_mem>>) src(%dma_wait3A_265 : memref<64x128xf32, #tpu.memory_space<vmem_shared>>) dst(%arg19 : memref<64x128xf32, #tpu.memory_space<vmem>>)
      tpu.yield
    }) : () -> ()
    %mul3A_163 = arith.constant 10240 : i32
    %mul3A_164 = arith.muli %arg0, %mul3A_163 : i32
    %mul3A_165 = arith.constant 640 : i32
    %mul3A_166 = arith.muli %arg1, %mul3A_165 : i32
    %add3A_167 = arith.addi %mul3A_164, %mul3A_166 : i32
    %add3A_168 = arith.constant 64 : i32
    %add3A_169 = arith.addi %add3A_167, %add3A_168 : i32
    "tpu.region"() ({
      %run_scoped3A = tpu.sem_alloc : memref<!tpu.dma_semaphore, #tpu.memory_space<semaphore_mem>>
      %dma_start3A_258 = arith.constant 0 : i32
      %dma_start3A_259 = tpu.memref_slice %arg6[%add3A_169, %dma_start3A_258] : memref<20480x128xf32, #tpu.memory_space<hbm>> -> memref<64x128xf32, #tpu.memory_space<hbm>>
      %dma_start3A_260 = arith.constant 0 : i32
      %dma_start3A_261 = tpu.memref_slice %arg6[%add3A_169, %dma_start3A_260] : memref<20480x128xf32, #tpu.memory_space<hbm>> -> memref<64x128xf32, #tpu.memory_space<hbm>>
      tpu.enqueue_dma source(%arg19 : memref<64x128xf32, #tpu.memory_space<vmem>>) target(%dma_start3A_261 : memref<64x128xf32, #tpu.memory_space<hbm>>) target_semaphore(%run_scoped3A : memref<!tpu.dma_semaphore, #tpu.memory_space<semaphore_mem>>)
      %dma_wait3A_262 = arith.constant 0 : i32
      %dma_wait3A_263 = tpu.memref_slice %arg6[%add3A_169, %dma_wait3A_262] : memref<20480x128xf32, #tpu.memory_space<hbm>> -> memref<64x128xf32, #tpu.memory_space<hbm>>
      %dma_wait3A_264 = arith.constant 0 : i32
      %dma_wait3A_265 = tpu.memref_slice %arg6[%add3A_169, %dma_wait3A_264] : memref<20480x128xf32, #tpu.memory_space<hbm>> -> memref<64x128xf32, #tpu.memory_space<hbm>>
      tpu.wait_dma2 semaphore(%run_scoped3A : memref<!tpu.dma_semaphore, #tpu.memory_space<semaphore_mem>>) src(%arg19 : memref<64x128xf32, #tpu.memory_space<vmem>>) dst(%dma_wait3A_265 : memref<64x128xf32, #tpu.memory_space<hbm>>)
      tpu.yield
    }) : () -> ()
    %mul3A_170 = arith.constant 640 : i32
    %mul3A_171 = arith.muli %arg1, %mul3A_170 : i32
    %add3A_172 = arith.constant 128 : i32
    %add3A_173 = arith.addi %mul3A_171, %add3A_172 : i32
    "tpu.region"() ({
      %run_scoped3A = tpu.sem_alloc : memref<!tpu.dma_semaphore, #tpu.memory_space<semaphore_mem>>
      %dma_start3A_258 = arith.constant 0 : i32
      %dma_start3A_259 = tpu.memref_slice %arg23[%add3A_173, %dma_start3A_258] : memref<10240x128xf32, #tpu.memory_space<vmem_shared>> -> memref<64x128xf32, #tpu.memory_space<vmem_shared>>
      %dma_start3A_260 = arith.constant 0 : i32
      %dma_start3A_261 = tpu.memref_slice %arg23[%add3A_173, %dma_start3A_260] : memref<10240x128xf32, #tpu.memory_space<vmem_shared>> -> memref<64x128xf32, #tpu.memory_space<vmem_shared>>
      tpu.enqueue_dma source(%dma_start3A_261 : memref<64x128xf32, #tpu.memory_space<vmem_shared>>) target(%arg19 : memref<64x128xf32, #tpu.memory_space<vmem>>) target_semaphore(%run_scoped3A : memref<!tpu.dma_semaphore, #tpu.memory_space<semaphore_mem>>)
      %dma_wait3A_262 = arith.constant 0 : i32
      %dma_wait3A_263 = tpu.memref_slice %arg23[%add3A_173, %dma_wait3A_262] : memref<10240x128xf32, #tpu.memory_space<vmem_shared>> -> memref<64x128xf32, #tpu.memory_space<vmem_shared>>
      %dma_wait3A_264 = arith.constant 0 : i32
      %dma_wait3A_265 = tpu.memref_slice %arg23[%add3A_173, %dma_wait3A_264] : memref<10240x128xf32, #tpu.memory_space<vmem_shared>> -> memref<64x128xf32, #tpu.memory_space<vmem_shared>>
      tpu.wait_dma2 semaphore(%run_scoped3A : memref<!tpu.dma_semaphore, #tpu.memory_space<semaphore_mem>>) src(%dma_wait3A_265 : memref<64x128xf32, #tpu.memory_space<vmem_shared>>) dst(%arg19 : memref<64x128xf32, #tpu.memory_space<vmem>>)
      tpu.yield
    }) : () -> ()
    %mul3A_174 = arith.constant 10240 : i32
    %mul3A_175 = arith.muli %arg0, %mul3A_174 : i32
    %mul3A_176 = arith.constant 640 : i32
    %mul3A_177 = arith.muli %arg1, %mul3A_176 : i32
    %add3A_178 = arith.addi %mul3A_175, %mul3A_177 : i32
    %add3A_179 = arith.constant 128 : i32
    %add3A_180 = arith.addi %add3A_178, %add3A_179 : i32
    "tpu.region"() ({
      %run_scoped3A = tpu.sem_alloc : memref<!tpu.dma_semaphore, #tpu.memory_space<semaphore_mem>>
      %dma_start3A_258 = arith.constant 0 : i32
      %dma_start3A_259 = tpu.memref_slice %arg6[%add3A_180, %dma_start3A_258] : memref<20480x128xf32, #tpu.memory_space<hbm>> -> memref<64x128xf32, #tpu.memory_space<hbm>>
      %dma_start3A_260 = arith.constant 0 : i32
      %dma_start3A_261 = tpu.memref_slice %arg6[%add3A_180, %dma_start3A_260] : memref<20480x128xf32, #tpu.memory_space<hbm>> -> memref<64x128xf32, #tpu.memory_space<hbm>>
      tpu.enqueue_dma source(%arg19 : memref<64x128xf32, #tpu.memory_space<vmem>>) target(%dma_start3A_261 : memref<64x128xf32, #tpu.memory_space<hbm>>) target_semaphore(%run_scoped3A : memref<!tpu.dma_semaphore, #tpu.memory_space<semaphore_mem>>)
      %dma_wait3A_262 = arith.constant 0 : i32
      %dma_wait3A_263 = tpu.memref_slice %arg6[%add3A_180, %dma_wait3A_262] : memref<20480x128xf32, #tpu.memory_space<hbm>> -> memref<64x128xf32, #tpu.memory_space<hbm>>
      %dma_wait3A_264 = arith.constant 0 : i32
      %dma_wait3A_265 = tpu.memref_slice %arg6[%add3A_180, %dma_wait3A_264] : memref<20480x128xf32, #tpu.memory_space<hbm>> -> memref<64x128xf32, #tpu.memory_space<hbm>>
      tpu.wait_dma2 semaphore(%run_scoped3A : memref<!tpu.dma_semaphore, #tpu.memory_space<semaphore_mem>>) src(%arg19 : memref<64x128xf32, #tpu.memory_space<vmem>>) dst(%dma_wait3A_265 : memref<64x128xf32, #tpu.memory_space<hbm>>)
      tpu.yield
    }) : () -> ()
    %mul3A_181 = arith.constant 640 : i32
    %mul3A_182 = arith.muli %arg1, %mul3A_181 : i32
    %add3A_183 = arith.constant 192 : i32
    %add3A_184 = arith.addi %mul3A_182, %add3A_183 : i32
    "tpu.region"() ({
      %run_scoped3A = tpu.sem_alloc : memref<!tpu.dma_semaphore, #tpu.memory_space<semaphore_mem>>
      %dma_start3A_258 = arith.constant 0 : i32
      %dma_start3A_259 = tpu.memref_slice %arg23[%add3A_184, %dma_start3A_258] : memref<10240x128xf32, #tpu.memory_space<vmem_shared>> -> memref<64x128xf32, #tpu.memory_space<vmem_shared>>
      %dma_start3A_260 = arith.constant 0 : i32
      %dma_start3A_261 = tpu.memref_slice %arg23[%add3A_184, %dma_start3A_260] : memref<10240x128xf32, #tpu.memory_space<vmem_shared>> -> memref<64x128xf32, #tpu.memory_space<vmem_shared>>
      tpu.enqueue_dma source(%dma_start3A_261 : memref<64x128xf32, #tpu.memory_space<vmem_shared>>) target(%arg19 : memref<64x128xf32, #tpu.memory_space<vmem>>) target_semaphore(%run_scoped3A : memref<!tpu.dma_semaphore, #tpu.memory_space<semaphore_mem>>)
      %dma_wait3A_262 = arith.constant 0 : i32
      %dma_wait3A_263 = tpu.memref_slice %arg23[%add3A_184, %dma_wait3A_262] : memref<10240x128xf32, #tpu.memory_space<vmem_shared>> -> memref<64x128xf32, #tpu.memory_space<vmem_shared>>
      %dma_wait3A_264 = arith.constant 0 : i32
      %dma_wait3A_265 = tpu.memref_slice %arg23[%add3A_184, %dma_wait3A_264] : memref<10240x128xf32, #tpu.memory_space<vmem_shared>> -> memref<64x128xf32, #tpu.memory_space<vmem_shared>>
      tpu.wait_dma2 semaphore(%run_scoped3A : memref<!tpu.dma_semaphore, #tpu.memory_space<semaphore_mem>>) src(%dma_wait3A_265 : memref<64x128xf32, #tpu.memory_space<vmem_shared>>) dst(%arg19 : memref<64x128xf32, #tpu.memory_space<vmem>>)
      tpu.yield
    }) : () -> ()
    %mul3A_185 = arith.constant 10240 : i32
    %mul3A_186 = arith.muli %arg0, %mul3A_185 : i32
    %mul3A_187 = arith.constant 640 : i32
    %mul3A_188 = arith.muli %arg1, %mul3A_187 : i32
    %add3A_189 = arith.addi %mul3A_186, %mul3A_188 : i32
    %add3A_190 = arith.constant 192 : i32
    %add3A_191 = arith.addi %add3A_189, %add3A_190 : i32
    "tpu.region"() ({
      %run_scoped3A = tpu.sem_alloc : memref<!tpu.dma_semaphore, #tpu.memory_space<semaphore_mem>>
      %dma_start3A_258 = arith.constant 0 : i32
      %dma_start3A_259 = tpu.memref_slice %arg6[%add3A_191, %dma_start3A_258] : memref<20480x128xf32, #tpu.memory_space<hbm>> -> memref<64x128xf32, #tpu.memory_space<hbm>>
      %dma_start3A_260 = arith.constant 0 : i32
      %dma_start3A_261 = tpu.memref_slice %arg6[%add3A_191, %dma_start3A_260] : memref<20480x128xf32, #tpu.memory_space<hbm>> -> memref<64x128xf32, #tpu.memory_space<hbm>>
      tpu.enqueue_dma source(%arg19 : memref<64x128xf32, #tpu.memory_space<vmem>>) target(%dma_start3A_261 : memref<64x128xf32, #tpu.memory_space<hbm>>) target_semaphore(%run_scoped3A : memref<!tpu.dma_semaphore, #tpu.memory_space<semaphore_mem>>)
      %dma_wait3A_262 = arith.constant 0 : i32
      %dma_wait3A_263 = tpu.memref_slice %arg6[%add3A_191, %dma_wait3A_262] : memref<20480x128xf32, #tpu.memory_space<hbm>> -> memref<64x128xf32, #tpu.memory_space<hbm>>
      %dma_wait3A_264 = arith.constant 0 : i32
      %dma_wait3A_265 = tpu.memref_slice %arg6[%add3A_191, %dma_wait3A_264] : memref<20480x128xf32, #tpu.memory_space<hbm>> -> memref<64x128xf32, #tpu.memory_space<hbm>>
      tpu.wait_dma2 semaphore(%run_scoped3A : memref<!tpu.dma_semaphore, #tpu.memory_space<semaphore_mem>>) src(%arg19 : memref<64x128xf32, #tpu.memory_space<vmem>>) dst(%dma_wait3A_265 : memref<64x128xf32, #tpu.memory_space<hbm>>)
      tpu.yield
    }) : () -> ()
    %mul3A_192 = arith.constant 640 : i32
    %mul3A_193 = arith.muli %arg1, %mul3A_192 : i32
    %add3A_194 = arith.constant 256 : i32
    %add3A_195 = arith.addi %mul3A_193, %add3A_194 : i32
    "tpu.region"() ({
      %run_scoped3A = tpu.sem_alloc : memref<!tpu.dma_semaphore, #tpu.memory_space<semaphore_mem>>
      %dma_start3A_258 = arith.constant 0 : i32
      %dma_start3A_259 = tpu.memref_slice %arg23[%add3A_195, %dma_start3A_258] : memref<10240x128xf32, #tpu.memory_space<vmem_shared>> -> memref<64x128xf32, #tpu.memory_space<vmem_shared>>
      %dma_start3A_260 = arith.constant 0 : i32
      %dma_start3A_261 = tpu.memref_slice %arg23[%add3A_195, %dma_start3A_260] : memref<10240x128xf32, #tpu.memory_space<vmem_shared>> -> memref<64x128xf32, #tpu.memory_space<vmem_shared>>
      tpu.enqueue_dma source(%dma_start3A_261 : memref<64x128xf32, #tpu.memory_space<vmem_shared>>) target(%arg19 : memref<64x128xf32, #tpu.memory_space<vmem>>) target_semaphore(%run_scoped3A : memref<!tpu.dma_semaphore, #tpu.memory_space<semaphore_mem>>)
      %dma_wait3A_262 = arith.constant 0 : i32
      %dma_wait3A_263 = tpu.memref_slice %arg23[%add3A_195, %dma_wait3A_262] : memref<10240x128xf32, #tpu.memory_space<vmem_shared>> -> memref<64x128xf32, #tpu.memory_space<vmem_shared>>
      %dma_wait3A_264 = arith.constant 0 : i32
      %dma_wait3A_265 = tpu.memref_slice %arg23[%add3A_195, %dma_wait3A_264] : memref<10240x128xf32, #tpu.memory_space<vmem_shared>> -> memref<64x128xf32, #tpu.memory_space<vmem_shared>>
      tpu.wait_dma2 semaphore(%run_scoped3A : memref<!tpu.dma_semaphore, #tpu.memory_space<semaphore_mem>>) src(%dma_wait3A_265 : memref<64x128xf32, #tpu.memory_space<vmem_shared>>) dst(%arg19 : memref<64x128xf32, #tpu.memory_space<vmem>>)
      tpu.yield
    }) : () -> ()
    %mul3A_196 = arith.constant 10240 : i32
    %mul3A_197 = arith.muli %arg0, %mul3A_196 : i32
    %mul3A_198 = arith.constant 640 : i32
    %mul3A_199 = arith.muli %arg1, %mul3A_198 : i32
    %add3A_200 = arith.addi %mul3A_197, %mul3A_199 : i32
    %add3A_201 = arith.constant 256 : i32
    %add3A_202 = arith.addi %add3A_200, %add3A_201 : i32
    "tpu.region"() ({
      %run_scoped3A = tpu.sem_alloc : memref<!tpu.dma_semaphore, #tpu.memory_space<semaphore_mem>>
      %dma_start3A_258 = arith.constant 0 : i32
      %dma_start3A_259 = tpu.memref_slice %arg6[%add3A_202, %dma_start3A_258] : memref<20480x128xf32, #tpu.memory_space<hbm>> -> memref<64x128xf32, #tpu.memory_space<hbm>>
      %dma_start3A_260 = arith.constant 0 : i32
      %dma_start3A_261 = tpu.memref_slice %arg6[%add3A_202, %dma_start3A_260] : memref<20480x128xf32, #tpu.memory_space<hbm>> -> memref<64x128xf32, #tpu.memory_space<hbm>>
      tpu.enqueue_dma source(%arg19 : memref<64x128xf32, #tpu.memory_space<vmem>>) target(%dma_start3A_261 : memref<64x128xf32, #tpu.memory_space<hbm>>) target_semaphore(%run_scoped3A : memref<!tpu.dma_semaphore, #tpu.memory_space<semaphore_mem>>)
      %dma_wait3A_262 = arith.constant 0 : i32
      %dma_wait3A_263 = tpu.memref_slice %arg6[%add3A_202, %dma_wait3A_262] : memref<20480x128xf32, #tpu.memory_space<hbm>> -> memref<64x128xf32, #tpu.memory_space<hbm>>
      %dma_wait3A_264 = arith.constant 0 : i32
      %dma_wait3A_265 = tpu.memref_slice %arg6[%add3A_202, %dma_wait3A_264] : memref<20480x128xf32, #tpu.memory_space<hbm>> -> memref<64x128xf32, #tpu.memory_space<hbm>>
      tpu.wait_dma2 semaphore(%run_scoped3A : memref<!tpu.dma_semaphore, #tpu.memory_space<semaphore_mem>>) src(%arg19 : memref<64x128xf32, #tpu.memory_space<vmem>>) dst(%dma_wait3A_265 : memref<64x128xf32, #tpu.memory_space<hbm>>)
      tpu.yield
    }) : () -> ()
    %mul3A_203 = arith.constant 640 : i32
    %mul3A_204 = arith.muli %arg1, %mul3A_203 : i32
    %add3A_205 = arith.constant 320 : i32
    %add3A_206 = arith.addi %mul3A_204, %add3A_205 : i32
    "tpu.region"() ({
      %run_scoped3A = tpu.sem_alloc : memref<!tpu.dma_semaphore, #tpu.memory_space<semaphore_mem>>
      %dma_start3A_258 = arith.constant 0 : i32
      %dma_start3A_259 = tpu.memref_slice %arg23[%add3A_206, %dma_start3A_258] : memref<10240x128xf32, #tpu.memory_space<vmem_shared>> -> memref<64x128xf32, #tpu.memory_space<vmem_shared>>
      %dma_start3A_260 = arith.constant 0 : i32
      %dma_start3A_261 = tpu.memref_slice %arg23[%add3A_206, %dma_start3A_260] : memref<10240x128xf32, #tpu.memory_space<vmem_shared>> -> memref<64x128xf32, #tpu.memory_space<vmem_shared>>
      tpu.enqueue_dma source(%dma_start3A_261 : memref<64x128xf32, #tpu.memory_space<vmem_shared>>) target(%arg19 : memref<64x128xf32, #tpu.memory_space<vmem>>) target_semaphore(%run_scoped3A : memref<!tpu.dma_semaphore, #tpu.memory_space<semaphore_mem>>)
      %dma_wait3A_262 = arith.constant 0 : i32
      %dma_wait3A_263 = tpu.memref_slice %arg23[%add3A_206, %dma_wait3A_262] : memref<10240x128xf32, #tpu.memory_space<vmem_shared>> -> memref<64x128xf32, #tpu.memory_space<vmem_shared>>
      %dma_wait3A_264 = arith.constant 0 : i32
      %dma_wait3A_265 = tpu.memref_slice %arg23[%add3A_206, %dma_wait3A_264] : memref<10240x128xf32, #tpu.memory_space<vmem_shared>> -> memref<64x128xf32, #tpu.memory_space<vmem_shared>>
      tpu.wait_dma2 semaphore(%run_scoped3A : memref<!tpu.dma_semaphore, #tpu.memory_space<semaphore_mem>>) src(%dma_wait3A_265 : memref<64x128xf32, #tpu.memory_space<vmem_shared>>) dst(%arg19 : memref<64x128xf32, #tpu.memory_space<vmem>>)
      tpu.yield
    }) : () -> ()
    %mul3A_207 = arith.constant 10240 : i32
    %mul3A_208 = arith.muli %arg0, %mul3A_207 : i32
    %mul3A_209 = arith.constant 640 : i32
    %mul3A_210 = arith.muli %arg1, %mul3A_209 : i32
    %add3A_211 = arith.addi %mul3A_208, %mul3A_210 : i32
    %add3A_212 = arith.constant 320 : i32
    %add3A_213 = arith.addi %add3A_211, %add3A_212 : i32
    "tpu.region"() ({
      %run_scoped3A = tpu.sem_alloc : memref<!tpu.dma_semaphore, #tpu.memory_space<semaphore_mem>>
      %dma_start3A_258 = arith.constant 0 : i32
      %dma_start3A_259 = tpu.memref_slice %arg6[%add3A_213, %dma_start3A_258] : memref<20480x128xf32, #tpu.memory_space<hbm>> -> memref<64x128xf32, #tpu.memory_space<hbm>>
      %dma_start3A_260 = arith.constant 0 : i32
      %dma_start3A_261 = tpu.memref_slice %arg6[%add3A_213, %dma_start3A_260] : memref<20480x128xf32, #tpu.memory_space<hbm>> -> memref<64x128xf32, #tpu.memory_space<hbm>>
      tpu.enqueue_dma source(%arg19 : memref<64x128xf32, #tpu.memory_space<vmem>>) target(%dma_start3A_261 : memref<64x128xf32, #tpu.memory_space<hbm>>) target_semaphore(%run_scoped3A : memref<!tpu.dma_semaphore, #tpu.memory_space<semaphore_mem>>)
      %dma_wait3A_262 = arith.constant 0 : i32
      %dma_wait3A_263 = tpu.memref_slice %arg6[%add3A_213, %dma_wait3A_262] : memref<20480x128xf32, #tpu.memory_space<hbm>> -> memref<64x128xf32, #tpu.memory_space<hbm>>
      %dma_wait3A_264 = arith.constant 0 : i32
      %dma_wait3A_265 = tpu.memref_slice %arg6[%add3A_213, %dma_wait3A_264] : memref<20480x128xf32, #tpu.memory_space<hbm>> -> memref<64x128xf32, #tpu.memory_space<hbm>>
      tpu.wait_dma2 semaphore(%run_scoped3A : memref<!tpu.dma_semaphore, #tpu.memory_space<semaphore_mem>>) src(%arg19 : memref<64x128xf32, #tpu.memory_space<vmem>>) dst(%dma_wait3A_265 : memref<64x128xf32, #tpu.memory_space<hbm>>)
      tpu.yield
    }) : () -> ()
    %mul3A_214 = arith.constant 640 : i32
    %mul3A_215 = arith.muli %arg1, %mul3A_214 : i32
    %add3A_216 = arith.constant 384 : i32
    %add3A_217 = arith.addi %mul3A_215, %add3A_216 : i32
    "tpu.region"() ({
      %run_scoped3A = tpu.sem_alloc : memref<!tpu.dma_semaphore, #tpu.memory_space<semaphore_mem>>
      %dma_start3A_258 = arith.constant 0 : i32
      %dma_start3A_259 = tpu.memref_slice %arg23[%add3A_217, %dma_start3A_258] : memref<10240x128xf32, #tpu.memory_space<vmem_shared>> -> memref<64x128xf32, #tpu.memory_space<vmem_shared>>
      %dma_start3A_260 = arith.constant 0 : i32
      %dma_start3A_261 = tpu.memref_slice %arg23[%add3A_217, %dma_start3A_260] : memref<10240x128xf32, #tpu.memory_space<vmem_shared>> -> memref<64x128xf32, #tpu.memory_space<vmem_shared>>
      tpu.enqueue_dma source(%dma_start3A_261 : memref<64x128xf32, #tpu.memory_space<vmem_shared>>) target(%arg19 : memref<64x128xf32, #tpu.memory_space<vmem>>) target_semaphore(%run_scoped3A : memref<!tpu.dma_semaphore, #tpu.memory_space<semaphore_mem>>)
      %dma_wait3A_262 = arith.constant 0 : i32
      %dma_wait3A_263 = tpu.memref_slice %arg23[%add3A_217, %dma_wait3A_262] : memref<10240x128xf32, #tpu.memory_space<vmem_shared>> -> memref<64x128xf32, #tpu.memory_space<vmem_shared>>
      %dma_wait3A_264 = arith.constant 0 : i32
      %dma_wait3A_265 = tpu.memref_slice %arg23[%add3A_217, %dma_wait3A_264] : memref<10240x128xf32, #tpu.memory_space<vmem_shared>> -> memref<64x128xf32, #tpu.memory_space<vmem_shared>>
      tpu.wait_dma2 semaphore(%run_scoped3A : memref<!tpu.dma_semaphore, #tpu.memory_space<semaphore_mem>>) src(%dma_wait3A_265 : memref<64x128xf32, #tpu.memory_space<vmem_shared>>) dst(%arg19 : memref<64x128xf32, #tpu.memory_space<vmem>>)
      tpu.yield
    }) : () -> ()
    %mul3A_218 = arith.constant 10240 : i32
    %mul3A_219 = arith.muli %arg0, %mul3A_218 : i32
    %mul3A_220 = arith.constant 640 : i32
    %mul3A_221 = arith.muli %arg1, %mul3A_220 : i32
    %add3A_222 = arith.addi %mul3A_219, %mul3A_221 : i32
    %add3A_223 = arith.constant 384 : i32
    %add3A_224 = arith.addi %add3A_222, %add3A_223 : i32
    "tpu.region"() ({
      %run_scoped3A = tpu.sem_alloc : memref<!tpu.dma_semaphore, #tpu.memory_space<semaphore_mem>>
      %dma_start3A_258 = arith.constant 0 : i32
      %dma_start3A_259 = tpu.memref_slice %arg6[%add3A_224, %dma_start3A_258] : memref<20480x128xf32, #tpu.memory_space<hbm>> -> memref<64x128xf32, #tpu.memory_space<hbm>>
      %dma_start3A_260 = arith.constant 0 : i32
      %dma_start3A_261 = tpu.memref_slice %arg6[%add3A_224, %dma_start3A_260] : memref<20480x128xf32, #tpu.memory_space<hbm>> -> memref<64x128xf32, #tpu.memory_space<hbm>>
      tpu.enqueue_dma source(%arg19 : memref<64x128xf32, #tpu.memory_space<vmem>>) target(%dma_start3A_261 : memref<64x128xf32, #tpu.memory_space<hbm>>) target_semaphore(%run_scoped3A : memref<!tpu.dma_semaphore, #tpu.memory_space<semaphore_mem>>)
      %dma_wait3A_262 = arith.constant 0 : i32
      %dma_wait3A_263 = tpu.memref_slice %arg6[%add3A_224, %dma_wait3A_262] : memref<20480x128xf32, #tpu.memory_space<hbm>> -> memref<64x128xf32, #tpu.memory_space<hbm>>
      %dma_wait3A_264 = arith.constant 0 : i32
      %dma_wait3A_265 = tpu.memref_slice %arg6[%add3A_224, %dma_wait3A_264] : memref<20480x128xf32, #tpu.memory_space<hbm>> -> memref<64x128xf32, #tpu.memory_space<hbm>>
      tpu.wait_dma2 semaphore(%run_scoped3A : memref<!tpu.dma_semaphore, #tpu.memory_space<semaphore_mem>>) src(%arg19 : memref<64x128xf32, #tpu.memory_space<vmem>>) dst(%dma_wait3A_265 : memref<64x128xf32, #tpu.memory_space<hbm>>)
      tpu.yield
    }) : () -> ()
    %mul3A_225 = arith.constant 640 : i32
    %mul3A_226 = arith.muli %arg1, %mul3A_225 : i32
    %add3A_227 = arith.constant 448 : i32
    %add3A_228 = arith.addi %mul3A_226, %add3A_227 : i32
    "tpu.region"() ({
      %run_scoped3A = tpu.sem_alloc : memref<!tpu.dma_semaphore, #tpu.memory_space<semaphore_mem>>
      %dma_start3A_258 = arith.constant 0 : i32
      %dma_start3A_259 = tpu.memref_slice %arg23[%add3A_228, %dma_start3A_258] : memref<10240x128xf32, #tpu.memory_space<vmem_shared>> -> memref<64x128xf32, #tpu.memory_space<vmem_shared>>
      %dma_start3A_260 = arith.constant 0 : i32
      %dma_start3A_261 = tpu.memref_slice %arg23[%add3A_228, %dma_start3A_260] : memref<10240x128xf32, #tpu.memory_space<vmem_shared>> -> memref<64x128xf32, #tpu.memory_space<vmem_shared>>
      tpu.enqueue_dma source(%dma_start3A_261 : memref<64x128xf32, #tpu.memory_space<vmem_shared>>) target(%arg19 : memref<64x128xf32, #tpu.memory_space<vmem>>) target_semaphore(%run_scoped3A : memref<!tpu.dma_semaphore, #tpu.memory_space<semaphore_mem>>)
      %dma_wait3A_262 = arith.constant 0 : i32
      %dma_wait3A_263 = tpu.memref_slice %arg23[%add3A_228, %dma_wait3A_262] : memref<10240x128xf32, #tpu.memory_space<vmem_shared>> -> memref<64x128xf32, #tpu.memory_space<vmem_shared>>
      %dma_wait3A_264 = arith.constant 0 : i32
      %dma_wait3A_265 = tpu.memref_slice %arg23[%add3A_228, %dma_wait3A_264] : memref<10240x128xf32, #tpu.memory_space<vmem_shared>> -> memref<64x128xf32, #tpu.memory_space<vmem_shared>>
      tpu.wait_dma2 semaphore(%run_scoped3A : memref<!tpu.dma_semaphore, #tpu.memory_space<semaphore_mem>>) src(%dma_wait3A_265 : memref<64x128xf32, #tpu.memory_space<vmem_shared>>) dst(%arg19 : memref<64x128xf32, #tpu.memory_space<vmem>>)
      tpu.yield
    }) : () -> ()
    %mul3A_229 = arith.constant 10240 : i32
    %mul3A_230 = arith.muli %arg0, %mul3A_229 : i32
    %mul3A_231 = arith.constant 640 : i32
    %mul3A_232 = arith.muli %arg1, %mul3A_231 : i32
    %add3A_233 = arith.addi %mul3A_230, %mul3A_232 : i32
    %add3A_234 = arith.constant 448 : i32
    %add3A_235 = arith.addi %add3A_233, %add3A_234 : i32
    "tpu.region"() ({
      %run_scoped3A = tpu.sem_alloc : memref<!tpu.dma_semaphore, #tpu.memory_space<semaphore_mem>>
      %dma_start3A_258 = arith.constant 0 : i32
      %dma_start3A_259 = tpu.memref_slice %arg6[%add3A_235, %dma_start3A_258] : memref<20480x128xf32, #tpu.memory_space<hbm>> -> memref<64x128xf32, #tpu.memory_space<hbm>>
      %dma_start3A_260 = arith.constant 0 : i32
      %dma_start3A_261 = tpu.memref_slice %arg6[%add3A_235, %dma_start3A_260] : memref<20480x128xf32, #tpu.memory_space<hbm>> -> memref<64x128xf32, #tpu.memory_space<hbm>>
      tpu.enqueue_dma source(%arg19 : memref<64x128xf32, #tpu.memory_space<vmem>>) target(%dma_start3A_261 : memref<64x128xf32, #tpu.memory_space<hbm>>) target_semaphore(%run_scoped3A : memref<!tpu.dma_semaphore, #tpu.memory_space<semaphore_mem>>)
      %dma_wait3A_262 = arith.constant 0 : i32
      %dma_wait3A_263 = tpu.memref_slice %arg6[%add3A_235, %dma_wait3A_262] : memref<20480x128xf32, #tpu.memory_space<hbm>> -> memref<64x128xf32, #tpu.memory_space<hbm>>
      %dma_wait3A_264 = arith.constant 0 : i32
      %dma_wait3A_265 = tpu.memref_slice %arg6[%add3A_235, %dma_wait3A_264] : memref<20480x128xf32, #tpu.memory_space<hbm>> -> memref<64x128xf32, #tpu.memory_space<hbm>>
      tpu.wait_dma2 semaphore(%run_scoped3A : memref<!tpu.dma_semaphore, #tpu.memory_space<semaphore_mem>>) src(%arg19 : memref<64x128xf32, #tpu.memory_space<vmem>>) dst(%dma_wait3A_265 : memref<64x128xf32, #tpu.memory_space<hbm>>)
      tpu.yield
    }) : () -> ()
    %mul3A_236 = arith.constant 640 : i32
    %mul3A_237 = arith.muli %arg1, %mul3A_236 : i32
    %add3A_238 = arith.constant 512 : i32
    %add3A_239 = arith.addi %mul3A_237, %add3A_238 : i32
    "tpu.region"() ({
      %run_scoped3A = tpu.sem_alloc : memref<!tpu.dma_semaphore, #tpu.memory_space<semaphore_mem>>
      %dma_start3A_258 = arith.constant 0 : i32
      %dma_start3A_259 = tpu.memref_slice %arg23[%add3A_239, %dma_start3A_258] : memref<10240x128xf32, #tpu.memory_space<vmem_shared>> -> memref<64x128xf32, #tpu.memory_space<vmem_shared>>
      %dma_start3A_260 = arith.constant 0 : i32
      %dma_start3A_261 = tpu.memref_slice %arg23[%add3A_239, %dma_start3A_260] : memref<10240x128xf32, #tpu.memory_space<vmem_shared>> -> memref<64x128xf32, #tpu.memory_space<vmem_shared>>
      tpu.enqueue_dma source(%dma_start3A_261 : memref<64x128xf32, #tpu.memory_space<vmem_shared>>) target(%arg19 : memref<64x128xf32, #tpu.memory_space<vmem>>) target_semaphore(%run_scoped3A : memref<!tpu.dma_semaphore, #tpu.memory_space<semaphore_mem>>)
      %dma_wait3A_262 = arith.constant 0 : i32
      %dma_wait3A_263 = tpu.memref_slice %arg23[%add3A_239, %dma_wait3A_262] : memref<10240x128xf32, #tpu.memory_space<vmem_shared>> -> memref<64x128xf32, #tpu.memory_space<vmem_shared>>
      %dma_wait3A_264 = arith.constant 0 : i32
      %dma_wait3A_265 = tpu.memref_slice %arg23[%add3A_239, %dma_wait3A_264] : memref<10240x128xf32, #tpu.memory_space<vmem_shared>> -> memref<64x128xf32, #tpu.memory_space<vmem_shared>>
      tpu.wait_dma2 semaphore(%run_scoped3A : memref<!tpu.dma_semaphore, #tpu.memory_space<semaphore_mem>>) src(%dma_wait3A_265 : memref<64x128xf32, #tpu.memory_space<vmem_shared>>) dst(%arg19 : memref<64x128xf32, #tpu.memory_space<vmem>>)
      tpu.yield
    }) : () -> ()
    %mul3A_240 = arith.constant 10240 : i32
    %mul3A_241 = arith.muli %arg0, %mul3A_240 : i32
    %mul3A_242 = arith.constant 640 : i32
    %mul3A_243 = arith.muli %arg1, %mul3A_242 : i32
    %add3A_244 = arith.addi %mul3A_241, %mul3A_243 : i32
    %add3A_245 = arith.constant 512 : i32
    %add3A_246 = arith.addi %add3A_244, %add3A_245 : i32
    "tpu.region"() ({
      %run_scoped3A = tpu.sem_alloc : memref<!tpu.dma_semaphore, #tpu.memory_space<semaphore_mem>>
      %dma_start3A_258 = arith.constant 0 : i32
      %dma_start3A_259 = tpu.memref_slice %arg6[%add3A_246, %dma_start3A_258] : memref<20480x128xf32, #tpu.memory_space<hbm>> -> memref<64x128xf32, #tpu.memory_space<hbm>>
      %dma_start3A_260 = arith.constant 0 : i32
      %dma_start3A_261 = tpu.memref_slice %arg6[%add3A_246, %dma_start3A_260] : memref<20480x128xf32, #tpu.memory_space<hbm>> -> memref<64x128xf32, #tpu.memory_space<hbm>>
      tpu.enqueue_dma source(%arg19 : memref<64x128xf32, #tpu.memory_space<vmem>>) target(%dma_start3A_261 : memref<64x128xf32, #tpu.memory_space<hbm>>) target_semaphore(%run_scoped3A : memref<!tpu.dma_semaphore, #tpu.memory_space<semaphore_mem>>)
      %dma_wait3A_262 = arith.constant 0 : i32
      %dma_wait3A_263 = tpu.memref_slice %arg6[%add3A_246, %dma_wait3A_262] : memref<20480x128xf32, #tpu.memory_space<hbm>> -> memref<64x128xf32, #tpu.memory_space<hbm>>
      %dma_wait3A_264 = arith.constant 0 : i32
      %dma_wait3A_265 = tpu.memref_slice %arg6[%add3A_246, %dma_wait3A_264] : memref<20480x128xf32, #tpu.memory_space<hbm>> -> memref<64x128xf32, #tpu.memory_space<hbm>>
      tpu.wait_dma2 semaphore(%run_scoped3A : memref<!tpu.dma_semaphore, #tpu.memory_space<semaphore_mem>>) src(%arg19 : memref<64x128xf32, #tpu.memory_space<vmem>>) dst(%dma_wait3A_265 : memref<64x128xf32, #tpu.memory_space<hbm>>)
      tpu.yield
    }) : () -> ()
    %mul3A_247 = arith.constant 640 : i32
    %mul3A_248 = arith.muli %arg1, %mul3A_247 : i32
    %add3A_249 = arith.constant 576 : i32
    %add3A_250 = arith.addi %mul3A_248, %add3A_249 : i32
    "tpu.region"() ({
      %run_scoped3A = tpu.sem_alloc : memref<!tpu.dma_semaphore, #tpu.memory_space<semaphore_mem>>
      %dma_start3A_258 = arith.constant 0 : i32
      %dma_start3A_259 = tpu.memref_slice %arg23[%add3A_250, %dma_start3A_258] : memref<10240x128xf32, #tpu.memory_space<vmem_shared>> -> memref<64x128xf32, #tpu.memory_space<vmem_shared>>
      %dma_start3A_260 = arith.constant 0 : i32
      %dma_start3A_261 = tpu.memref_slice %arg23[%add3A_250, %dma_start3A_260] : memref<10240x128xf32, #tpu.memory_space<vmem_shared>> -> memref<64x128xf32, #tpu.memory_space<vmem_shared>>
      tpu.enqueue_dma source(%dma_start3A_261 : memref<64x128xf32, #tpu.memory_space<vmem_shared>>) target(%arg19 : memref<64x128xf32, #tpu.memory_space<vmem>>) target_semaphore(%run_scoped3A : memref<!tpu.dma_semaphore, #tpu.memory_space<semaphore_mem>>)
      %dma_wait3A_262 = arith.constant 0 : i32
      %dma_wait3A_263 = tpu.memref_slice %arg23[%add3A_250, %dma_wait3A_262] : memref<10240x128xf32, #tpu.memory_space<vmem_shared>> -> memref<64x128xf32, #tpu.memory_space<vmem_shared>>
      %dma_wait3A_264 = arith.constant 0 : i32
      %dma_wait3A_265 = tpu.memref_slice %arg23[%add3A_250, %dma_wait3A_264] : memref<10240x128xf32, #tpu.memory_space<vmem_shared>> -> memref<64x128xf32, #tpu.memory_space<vmem_shared>>
      tpu.wait_dma2 semaphore(%run_scoped3A : memref<!tpu.dma_semaphore, #tpu.memory_space<semaphore_mem>>) src(%dma_wait3A_265 : memref<64x128xf32, #tpu.memory_space<vmem_shared>>) dst(%arg19 : memref<64x128xf32, #tpu.memory_space<vmem>>)
      tpu.yield
    }) : () -> ()
    %mul3A_251 = arith.constant 10240 : i32
    %mul3A_252 = arith.muli %arg0, %mul3A_251 : i32
    %mul3A_253 = arith.constant 640 : i32
    %mul3A_254 = arith.muli %arg1, %mul3A_253 : i32
    %add3A_255 = arith.addi %mul3A_252, %mul3A_254 : i32
    %add3A_256 = arith.constant 576 : i32
    %add3A_257 = arith.addi %add3A_255, %add3A_256 : i32
    "tpu.region"() ({
      %run_scoped3A = tpu.sem_alloc : memref<!tpu.dma_semaphore, #tpu.memory_space<semaphore_mem>>
      %dma_start3A_258 = arith.constant 0 : i32
      %dma_start3A_259 = tpu.memref_slice %arg6[%add3A_257, %dma_start3A_258] : memref<20480x128xf32, #tpu.memory_space<hbm>> -> memref<64x128xf32, #tpu.memory_space<hbm>>
      %dma_start3A_260 = arith.constant 0 : i32
      %dma_start3A_261 = tpu.memref_slice %arg6[%add3A_257, %dma_start3A_260] : memref<20480x128xf32, #tpu.memory_space<hbm>> -> memref<64x128xf32, #tpu.memory_space<hbm>>
      tpu.enqueue_dma source(%arg19 : memref<64x128xf32, #tpu.memory_space<vmem>>) target(%dma_start3A_261 : memref<64x128xf32, #tpu.memory_space<hbm>>) target_semaphore(%run_scoped3A : memref<!tpu.dma_semaphore, #tpu.memory_space<semaphore_mem>>)
      %dma_wait3A_262 = arith.constant 0 : i32
      %dma_wait3A_263 = tpu.memref_slice %arg6[%add3A_257, %dma_wait3A_262] : memref<20480x128xf32, #tpu.memory_space<hbm>> -> memref<64x128xf32, #tpu.memory_space<hbm>>
      %dma_wait3A_264 = arith.constant 0 : i32
      %dma_wait3A_265 = tpu.memref_slice %arg6[%add3A_257, %dma_wait3A_264] : memref<20480x128xf32, #tpu.memory_space<hbm>> -> memref<64x128xf32, #tpu.memory_space<hbm>>
      tpu.wait_dma2 semaphore(%run_scoped3A : memref<!tpu.dma_semaphore, #tpu.memory_space<semaphore_mem>>) src(%arg19 : memref<64x128xf32, #tpu.memory_space<vmem>>) dst(%dma_wait3A_265 : memref<64x128xf32, #tpu.memory_space<hbm>>)
      tpu.yield
    }) : () -> ()
    return
  }
}

module attributes {stable_mosaic.version = 14 : i64} {
  func.func @_s1_body(%arg0: i32, %arg1: memref<1000x256xf32, #tpu.memory_space<vmem>>, %arg2: memref<256x256xf32, #tpu.memory_space<vmem>>, %arg3: memref<1x256xf32, #tpu.memory_space<vmem>>, %arg4: memref<1000x256xf32, #tpu.memory_space<vmem>>, %arg5: memref<1x256xf32, #tpu.memory_space<vmem>>, %arg6: memref<1x256xf32, #tpu.memory_space<vmem>>) attributes {dimension_semantics = [#tpu.dimension_semantics<arbitrary>], iteration_bounds = array<i64: 10>, scalar_prefetch = 0 : i64, scratch_operands = 0 : i64, tpu.core_type = #tpu.core_type<tc>, window_params = [{transform_indices = @transform_0, window_bounds = array<i64: 1000, 256>}, {pipeline_mode = #tpu.pipeline_mode<synchronous>, transform_indices = @transform_1, window_bounds = array<i64: 256, 256>}, {pipeline_mode = #tpu.pipeline_mode<synchronous>, transform_indices = @transform_2, window_bounds = array<i64: 1, 256>}, {transform_indices = @transform_3, window_bounds = array<i64: 1000, 256>}, {pipeline_mode = #tpu.pipeline_mode<synchronous>, transform_indices = @transform_4, window_bounds = array<i64: 1, 256>}, {pipeline_mode = #tpu.pipeline_mode<synchronous>, transform_indices = @transform_5, window_bounds = array<i64: 1, 256>}]} {
    %get3A = arith.constant 0 : index
    %get3A_0 = arith.constant 0 : index
    %get3A_1 = vector.load %arg1[%get3A, %get3A_0] : memref<1000x256xf32, #tpu.memory_space<vmem>>, vector<1000x256xf32>
    %get3A_2 = arith.constant 0 : index
    %get3A_3 = arith.constant 0 : index
    %get3A_4 = vector.load %arg2[%get3A_2, %get3A_3] : memref<256x256xf32, #tpu.memory_space<vmem>>, vector<256x256xf32>
    %dot_general3A = arith.constant dense<0.000000e+00> : vector<1000x256xf32>
    %dot_general3A_5 = tpu.matmul %get3A_1, %get3A_4, %dot_general3A {dimension_numbers = #tpu.dot_dimension_numbers<[1], [0], [0], [1], [0, 0, 1, 1], [], []>, transpose_lhs_hint = false} : vector<1000x256xf32>, vector<256x256xf32>, vector<1000x256xf32> -> vector<1000x256xf32>
    %get3A_6 = arith.constant 0 : index
    %get3A_7 = arith.constant 0 : index
    %get3A_8 = vector.load %arg3[%get3A_6, %get3A_7] : memref<1x256xf32, #tpu.memory_space<vmem>>, vector<1x256xf32>
    %add3A = vector.broadcast %get3A_8 : vector<1x256xf32> to vector<1000x256xf32>
    %add3A_9 = arith.addf %dot_general3A_5, %add3A : vector<1000x256xf32>
    %swap3A = arith.constant 0 : index
    %swap3A_10 = arith.constant 0 : index
    %swap3A_11 = vector.load %arg4[%swap3A, %swap3A_10] : memref<1000x256xf32, #tpu.memory_space<vmem>>, vector<1000x256xf32>
    tpu.vector_store %arg4[%swap3A, %swap3A_10], %add3A_9 {strides = array<i32>} : memref<1000x256xf32, #tpu.memory_space<vmem>>, vector<1000x256xf32>,
    %eq3A = arith.constant 0 : i32
    %eq3A_12 = arith.cmpi eq, %arg0, %eq3A : i32
    %convert_element_type3A = arith.extui %eq3A_12 : i1 to i32
    %cond3A = arith.constant 0 : i32
    %cond3A_13 = arith.cmpi ne, %convert_element_type3A, %cond3A : i32
    scf.if %cond3A_13 {
      %broadcast_in_dim3A_32 = arith.constant 0.000000e+00 : f32
      %broadcast_in_dim3A_33 = vector.broadcast %broadcast_in_dim3A_32 : f32 to vector<1x256xf32>
      %swap3A_34 = arith.constant 0 : index
      %swap3A_35 = arith.constant 0 : index
      %swap3A_36 = vector.load %arg5[%swap3A_34, %swap3A_35] : memref<1x256xf32, #tpu.memory_space<vmem>>, vector<1x256xf32>
      tpu.vector_store %arg5[%swap3A_34, %swap3A_35], %broadcast_in_dim3A_33 {strides = array<i32>} : memref<1x256xf32, #tpu.memory_space<vmem>>, vector<1x256xf32>,
      %broadcast_in_dim3A_37 = arith.constant 0.000000e+00 : f32
      %broadcast_in_dim3A_38 = vector.broadcast %broadcast_in_dim3A_37 : f32 to vector<1x256xf32>
      %swap3A_39 = arith.constant 0 : index
      %swap3A_40 = arith.constant 0 : index
      %swap3A_41 = vector.load %arg6[%swap3A_39, %swap3A_40] : memref<1x256xf32, #tpu.memory_space<vmem>>, vector<1x256xf32>
      tpu.vector_store %arg6[%swap3A_39, %swap3A_40], %broadcast_in_dim3A_38 {strides = array<i32>} : memref<1x256xf32, #tpu.memory_space<vmem>>, vector<1x256xf32>,
    } else {
    }
    %get3A_14 = arith.constant 0 : index
    %get3A_15 = arith.constant 0 : index
    %get3A_16 = vector.load %arg5[%get3A_14, %get3A_15] : memref<1x256xf32, #tpu.memory_space<vmem>>, vector<1x256xf32>
    %reduce_sum3A = arith.constant dense<0.000000e+00> : vector<256xf32>
    %reduce_sum3A_17 = vector.multi_reduction <add>, %add3A_9, %reduce_sum3A [0] : vector<1000x256xf32> to vector<256xf32>
    %broadcast_in_dim3A = vector.shape_cast %reduce_sum3A_17 : vector<256xf32> to vector<1x256xf32>
    %add3A_18 = arith.addf %get3A_16, %broadcast_in_dim3A : vector<1x256xf32>
    %swap3A_19 = arith.constant 0 : index
    %swap3A_20 = arith.constant 0 : index
    %swap3A_21 = vector.load %arg5[%swap3A_19, %swap3A_20] : memref<1x256xf32, #tpu.memory_space<vmem>>, vector<1x256xf32>
    tpu.vector_store %arg5[%swap3A_19, %swap3A_20], %add3A_18 {strides = array<i32>} : memref<1x256xf32, #tpu.memory_space<vmem>>, vector<1x256xf32>,
    %get3A_22 = arith.constant 0 : index
    %get3A_23 = arith.constant 0 : index
    %get3A_24 = vector.load %arg6[%get3A_22, %get3A_23] : memref<1x256xf32, #tpu.memory_space<vmem>>, vector<1x256xf32>
    %mul3A = arith.mulf %add3A_9, %add3A_9 : vector<1000x256xf32>
    %reduce_sum3A_25 = arith.constant dense<0.000000e+00> : vector<256xf32>
    %reduce_sum3A_26 = vector.multi_reduction <add>, %mul3A, %reduce_sum3A_25 [0] : vector<1000x256xf32> to vector<256xf32>
    %broadcast_in_dim3A_27 = vector.shape_cast %reduce_sum3A_26 : vector<256xf32> to vector<1x256xf32>
    %add3A_28 = arith.addf %get3A_24, %broadcast_in_dim3A_27 : vector<1x256xf32>
    %swap3A_29 = arith.constant 0 : index
    %swap3A_30 = arith.constant 0 : index
    %swap3A_31 = vector.load %arg6[%swap3A_29, %swap3A_30] : memref<1x256xf32, #tpu.memory_space<vmem>>, vector<1x256xf32>
    tpu.vector_store %arg6[%swap3A_29, %swap3A_30], %add3A_28 {strides = array<i32>} : memref<1x256xf32, #tpu.memory_space<vmem>>, vector<1x256xf32>,
    return
  }
  func.func @transform_0(%arg0: i32) -> (i32, i32) {
    %c0_i32 = arith.constant 0 : i32
    %c0_i32_0 = arith.constant 0 : i32
    return %arg0, %c0_i32 : i32, i32
  }
  func.func @transform_1(%arg0: i32) -> (i32, i32) {
    %c0_i32 = arith.constant 0 : i32
    %c0_i32_0 = arith.constant 0 : i32
    %c0_i32_1 = arith.constant 0 : i32
    return %c0_i32, %c0_i32_0 : i32, i32
  }
  func.func @transform_2(%arg0: i32) -> (i32, i32) {
    %c0_i32 = arith.constant 0 : i32
    %c0_i32_0 = arith.constant 0 : i32
    %c0_i32_1 = arith.constant 0 : i32
    return %c0_i32, %c0_i32_0 : i32, i32
  }
  func.func @transform_3(%arg0: i32) -> (i32, i32) {
    %c0_i32 = arith.constant 0 : i32
    %c0_i32_0 = arith.constant 0 : i32
    return %arg0, %c0_i32 : i32, i32
  }
  func.func @transform_4(%arg0: i32) -> (i32, i32) {
    %c0_i32 = arith.constant 0 : i32
    %c0_i32_0 = arith.constant 0 : i32
    %c0_i32_1 = arith.constant 0 : i32
    return %c0_i32, %c0_i32_0 : i32, i32
  }
  func.func @transform_5(%arg0: i32) -> (i32, i32) {
    %c0_i32 = arith.constant 0 : i32
    %c0_i32_0 = arith.constant 0 : i32
    %c0_i32_1 = arith.constant 0 : i32
    return %c0_i32, %c0_i32_0 : i32, i32
  }
}

module attributes {stable_mosaic.version = 14 : i64} {
  func.func @body(%arg0: i32, %arg1: memref<1000x256xf32, #tpu.memory_space<vmem>>, %arg2: memref<1x256xf32, #tpu.memory_space<vmem>>, %arg3: memref<1x256xf32, #tpu.memory_space<vmem>>, %arg4: memref<1x256xf32, #tpu.memory_space<vmem>>, %arg5: memref<1x256xf32, #tpu.memory_space<vmem>>, %arg6: memref<256x256xf32, #tpu.memory_space<vmem>>, %arg7: memref<1000x1xf32, #tpu.memory_space<vmem>>, %arg8: memref<1000x1xf32, #tpu.memory_space<vmem>>, %arg9: memref<2x1000x128xf32, #tpu.memory_space<vmem>>) attributes {dimension_semantics = [#tpu.dimension_semantics<arbitrary>], iteration_bounds = array<i64: 10>, scalar_prefetch = 0 : i64, scratch_operands = 0 : i64, tpu.core_type = #tpu.core_type<tc>, window_params = [{transform_indices = @transform_0, window_bounds = array<i64: 1000, 256>}, {pipeline_mode = #tpu.pipeline_mode<synchronous>, transform_indices = @transform_1, window_bounds = array<i64: 1, 256>}, {pipeline_mode = #tpu.pipeline_mode<synchronous>, transform_indices = @transform_2, window_bounds = array<i64: 1, 256>}, {pipeline_mode = #tpu.pipeline_mode<synchronous>, transform_indices = @transform_3, window_bounds = array<i64: 1, 256>}, {pipeline_mode = #tpu.pipeline_mode<synchronous>, transform_indices = @transform_4, window_bounds = array<i64: 1, 256>}, {pipeline_mode = #tpu.pipeline_mode<synchronous>, transform_indices = @transform_5, window_bounds = array<i64: 256, 256>}, {transform_indices = @transform_6, window_bounds = array<i64: 1000, 1>}, {transform_indices = @transform_7, window_bounds = array<i64: 1000, 1>}, {transform_indices = @transform_8, window_bounds = array<i64: 2, 1000, 128>}]} {
    %get3A = arith.constant 0 : index
    %get3A_0 = arith.constant 0 : index
    %get3A_1 = vector.load %arg2[%get3A, %get3A_0] : memref<1x256xf32, #tpu.memory_space<vmem>>, vector<1x256xf32>
    %mul3A = arith.constant 9.99999974E-5 : f32
    %mul3A_2 = vector.broadcast %mul3A : f32 to vector<1x256xf32>
    %mul3A_3 = arith.mulf %get3A_1, %mul3A_2 : vector<1x256xf32>
    %get3A_4 = arith.constant 0 : index
    %get3A_5 = arith.constant 0 : index
    %get3A_6 = vector.load %arg3[%get3A_4, %get3A_5] : memref<1x256xf32, #tpu.memory_space<vmem>>, vector<1x256xf32>
    %mul3A_7 = arith.constant 9.99999974E-5 : f32
    %mul3A_8 = vector.broadcast %mul3A_7 : f32 to vector<1x256xf32>
    %mul3A_9 = arith.mulf %get3A_6, %mul3A_8 : vector<1x256xf32>
    %mul3A_10 = arith.mulf %mul3A_3, %mul3A_3 : vector<1x256xf32>
    %sub3A = arith.subf %mul3A_9, %mul3A_10 : vector<1x256xf32>
    %add3A = arith.constant 9.99999974E-6 : f32
    %add3A_11 = vector.broadcast %add3A : f32 to vector<1x256xf32>
    %add3A_12 = arith.addf %sub3A, %add3A_11 : vector<1x256xf32>
    %rsqrt3A = math.rsqrt %add3A_12 : vector<1x256xf32>
    %get3A_13 = arith.constant 0 : index
    %get3A_14 = arith.constant 0 : index
    %get3A_15 = vector.load %arg1[%get3A_13, %get3A_14] : memref<1000x256xf32, #tpu.memory_space<vmem>>, vector<1000x256xf32>
    %sub3A_16 = vector.broadcast %mul3A_3 : vector<1x256xf32> to vector<1000x256xf32>
    %sub3A_17 = arith.subf %get3A_15, %sub3A_16 : vector<1000x256xf32>
    %mul3A_18 = vector.broadcast %rsqrt3A : vector<1x256xf32> to vector<1000x256xf32>
    %mul3A_19 = arith.mulf %sub3A_17, %mul3A_18 : vector<1000x256xf32>
    %get3A_20 = arith.constant 0 : index
    %get3A_21 = arith.constant 0 : index
    %get3A_22 = vector.load %arg4[%get3A_20, %get3A_21] : memref<1x256xf32, #tpu.memory_space<vmem>>, vector<1x256xf32>
    %mul3A_23 = vector.broadcast %get3A_22 : vector<1x256xf32> to vector<1000x256xf32>
    %mul3A_24 = arith.mulf %mul3A_19, %mul3A_23 : vector<1000x256xf32>
    %get3A_25 = arith.constant 0 : index
    %get3A_26 = arith.constant 0 : index
    %get3A_27 = vector.load %arg5[%get3A_25, %get3A_26] : memref<1x256xf32, #tpu.memory_space<vmem>>, vector<1x256xf32>
    %add3A_28 = vector.broadcast %get3A_27 : vector<1x256xf32> to vector<1000x256xf32>
    %add3A_29 = arith.addf %mul3A_24, %add3A_28 : vector<1000x256xf32>
    %ge3A = arith.constant 0.000000e+00 : f32
    %ge3A_30 = vector.broadcast %ge3A : f32 to vector<1000x256xf32>
    %ge3A_31 = arith.cmpf oge, %add3A_29, %ge3A_30 : vector<1000x256xf32>
    %mul3A_32 = arith.constant 0.00999999977 : f32
    %mul3A_33 = vector.broadcast %mul3A_32 : f32 to vector<1000x256xf32>
    %mul3A_34 = arith.mulf %mul3A_33, %add3A_29 : vector<1000x256xf32>
    %select_n3A = arith.select %ge3A_31, %add3A_29, %mul3A_34 : vector<1000x256xi1>, vector<1000x256xf32>
    %get3A_35 = arith.constant 0 : index
    %get3A_36 = arith.constant 0 : index
    %get3A_37 = vector.load %arg6[%get3A_35, %get3A_36] : memref<256x256xf32, #tpu.memory_space<vmem>>, vector<256x256xf32>
    %dot_general3A = arith.constant dense<0.000000e+00> : vector<1000x256xf32>
    %dot_general3A_38 = tpu.matmul %select_n3A, %get3A_37, %dot_general3A {dimension_numbers = #tpu.dot_dimension_numbers<[1], [0], [0], [1], [0, 0, 1, 1], [], []>, transpose_lhs_hint = false} : vector<1000x256xf32>, vector<256x256xf32>, vector<1000x256xf32> -> vector<1000x256xf32>
    %get3A_39 = arith.constant 0 : index
    %get3A_40 = arith.constant 0 : index
    %get3A_41 = vector.load %arg7[%get3A_39, %get3A_40] : memref<1000x1xf32, #tpu.memory_space<vmem>>, vector<1000x1xf32>
    %get3A_42 = arith.constant 0 : index
    %get3A_43 = arith.constant 0 : index
    %get3A_44 = vector.load %arg8[%get3A_42, %get3A_43] : memref<1000x1xf32, #tpu.memory_space<vmem>>, vector<1000x1xf32>
    %add3A_45 = arith.addf %get3A_41, %get3A_44 : vector<1000x1xf32>
    %add3A_46 = arith.constant 1.000000e+00 : f32
    %add3A_47 = vector.broadcast %add3A_46 : f32 to vector<1000x1xf32>
    %add3A_48 = arith.addf %add3A_45, %add3A_47 : vector<1000x1xf32>
    %rsqrt3A_49 = math.rsqrt %add3A_48 : vector<1000x1xf32>
    %mul3A_50 = vector.broadcast %rsqrt3A_49 : vector<1000x1xf32> to vector<1000x256xf32>
    %mul3A_51 = arith.mulf %dot_general3A_38, %mul3A_50 : vector<1000x256xf32>
    %slice3A = vector.extract_strided_slice %mul3A_51 {offsets = [0, 0], sizes = [1000, 128], strides = [1, 1]} : vector<1000x256xf32> to vector<1000x128xf32>
    %swap3A = arith.constant 0 : index
    %swap3A_52 = arith.constant 0 : index
    %swap3A_53 = arith.constant 0 : index
    %swap3A_54 = vector.load %arg9[%swap3A, %swap3A_52, %swap3A_53] : memref<2x1000x128xf32, #tpu.memory_space<vmem>>, vector<1x1000x128xf32>
    %swap3A_55 = vector.shape_cast %swap3A_54 : vector<1x1000x128xf32> to vector<1000x128xf32>
    %swap3A_56 = vector.shape_cast %slice3A : vector<1000x128xf32> to vector<1x1000x128xf32>
    tpu.vector_store %arg9[%swap3A, %swap3A_52, %swap3A_53], %swap3A_56 {strides = array<i32>} : memref<2x1000x128xf32, #tpu.memory_space<vmem>>, vector<1x1000x128xf32>,
    %slice3A_57 = vector.extract_strided_slice %mul3A_51 {offsets = [0, 128], sizes = [1000, 128], strides = [1, 1]} : vector<1000x256xf32> to vector<1000x128xf32>
    %swap3A_58 = arith.constant 1 : index
    %swap3A_59 = arith.constant 0 : index
    %swap3A_60 = arith.constant 0 : index
    %swap3A_61 = vector.load %arg9[%swap3A_58, %swap3A_59, %swap3A_60] : memref<2x1000x128xf32, #tpu.memory_space<vmem>>, vector<1x1000x128xf32>
    %swap3A_62 = vector.shape_cast %swap3A_61 : vector<1x1000x128xf32> to vector<1000x128xf32>
    %swap3A_63 = vector.shape_cast %slice3A_57 : vector<1000x128xf32> to vector<1x1000x128xf32>
    tpu.vector_store %arg9[%swap3A_58, %swap3A_59, %swap3A_60], %swap3A_63 {strides = array<i32>} : memref<2x1000x128xf32, #tpu.memory_space<vmem>>, vector<1x1000x128xf32>,
    return
  }
  func.func @transform_0(%arg0: i32) -> (i32, i32) {
    %c0_i32 = arith.constant 0 : i32
    %c0_i32_0 = arith.constant 0 : i32
    return %arg0, %c0_i32 : i32, i32
  }
  func.func @transform_1(%arg0: i32) -> (i32, i32) {
    %c0_i32 = arith.constant 0 : i32
    %c0_i32_0 = arith.constant 0 : i32
    %c0_i32_1 = arith.constant 0 : i32
    return %c0_i32, %c0_i32_0 : i32, i32
  }
  func.func @transform_2(%arg0: i32) -> (i32, i32) {
    %c0_i32 = arith.constant 0 : i32
    %c0_i32_0 = arith.constant 0 : i32
    %c0_i32_1 = arith.constant 0 : i32
    return %c0_i32, %c0_i32_0 : i32, i32
  }
  func.func @transform_3(%arg0: i32) -> (i32, i32) {
    %c0_i32 = arith.constant 0 : i32
    %c0_i32_0 = arith.constant 0 : i32
    %c0_i32_1 = arith.constant 0 : i32
    return %c0_i32, %c0_i32_0 : i32, i32
  }
  func.func @transform_4(%arg0: i32) -> (i32, i32) {
    %c0_i32 = arith.constant 0 : i32
    %c0_i32_0 = arith.constant 0 : i32
    %c0_i32_1 = arith.constant 0 : i32
    return %c0_i32, %c0_i32_0 : i32, i32
  }
  func.func @transform_5(%arg0: i32) -> (i32, i32) {
    %c0_i32 = arith.constant 0 : i32
    %c0_i32_0 = arith.constant 0 : i32
    %c0_i32_1 = arith.constant 0 : i32
    return %c0_i32, %c0_i32_0 : i32, i32
  }
  func.func @transform_6(%arg0: i32) -> (i32, i32) {
    %c0_i32 = arith.constant 0 : i32
    %c0_i32_0 = arith.constant 0 : i32
    return %arg0, %c0_i32 : i32, i32
  }
  func.func @transform_7(%arg0: i32) -> (i32, i32) {
    %c0_i32 = arith.constant 0 : i32
    %c0_i32_0 = arith.constant 0 : i32
    return %arg0, %c0_i32 : i32, i32
  }
  func.func @transform_8(%arg0: i32) -> (i32, i32, i32) {
    %c0_i32 = arith.constant 0 : i32
    %c0_i32_0 = arith.constant 0 : i32
    %c0_i32_1 = arith.constant 0 : i32
    return %c0_i32, %arg0, %c0_i32_0 : i32, i32, i32
  }
}

module attributes {stable_mosaic.version = 14 : i64} {
  func.func @body(%arg0: i32, %arg1: memref<1000x128xf32, #tpu.memory_space<vmem>>, %arg2: memref<1000x128xf32, #tpu.memory_space<vmem>>, %arg3: memref<1000x128xf32, #tpu.memory_space<vmem>>, %arg4: memref<1000x128xf32, #tpu.memory_space<vmem>>, %arg5: memref<1000x1xf32, #tpu.memory_space<vmem>>, %arg6: memref<1000x1xf32, #tpu.memory_space<vmem>>, %arg7: memref<1x256xf32, #tpu.memory_space<vmem>>, %arg8: memref<1000x256xf32, #tpu.memory_space<vmem>>) attributes {dimension_semantics = [#tpu.dimension_semantics<arbitrary>], iteration_bounds = array<i64: 10>, scalar_prefetch = 0 : i64, scratch_operands = 0 : i64, tpu.core_type = #tpu.core_type<tc>, window_params = [{transform_indices = @transform_0, window_bounds = array<i64: 1000, 128>}, {transform_indices = @transform_1, window_bounds = array<i64: 1000, 128>}, {transform_indices = @transform_2, window_bounds = array<i64: 1000, 128>}, {transform_indices = @transform_3, window_bounds = array<i64: 1000, 128>}, {transform_indices = @transform_4, window_bounds = array<i64: 1000, 1>}, {transform_indices = @transform_5, window_bounds = array<i64: 1000, 1>}, {pipeline_mode = #tpu.pipeline_mode<synchronous>, transform_indices = @transform_6, window_bounds = array<i64: 1, 256>}, {transform_indices = @transform_7, window_bounds = array<i64: 1000, 256>}]} {
    %get3A = arith.constant 0 : index
    %get3A_0 = arith.constant 0 : index
    %get3A_1 = vector.load %arg5[%get3A, %get3A_0] : memref<1000x1xf32, #tpu.memory_space<vmem>>, vector<1000x1xf32>
    %get3A_2 = arith.constant 0 : index
    %get3A_3 = arith.constant 0 : index
    %get3A_4 = vector.load %arg6[%get3A_2, %get3A_3] : memref<1000x1xf32, #tpu.memory_space<vmem>>, vector<1000x1xf32>
    %add3A = arith.addf %get3A_1, %get3A_4 : vector<1000x1xf32>
    %add3A_5 = arith.constant 1.000000e+00 : f32
    %add3A_6 = vector.broadcast %add3A_5 : f32 to vector<1000x1xf32>
    %add3A_7 = arith.addf %add3A, %add3A_6 : vector<1000x1xf32>
    %rsqrt3A = math.rsqrt %add3A_7 : vector<1000x1xf32>
    %get3A_8 = arith.constant 0 : index
    %get3A_9 = arith.constant 0 : index
    %get3A_10 = vector.load %arg1[%get3A_8, %get3A_9] : memref<1000x128xf32, #tpu.memory_space<vmem>>, vector<1000x128xf32>
    %get3A_11 = arith.constant 0 : index
    %get3A_12 = arith.constant 0 : index
    %get3A_13 = vector.load %arg3[%get3A_11, %get3A_12] : memref<1000x128xf32, #tpu.memory_space<vmem>>, vector<1000x128xf32>
    %add3A_14 = arith.addf %get3A_10, %get3A_13 : vector<1000x128xf32>
    %mul3A = vector.broadcast %rsqrt3A : vector<1000x1xf32> to vector<1000x128xf32>
    %mul3A_15 = arith.mulf %mul3A, %add3A_14 : vector<1000x128xf32>
    %get3A_16 = arith.constant 0 : index
    %get3A_17 = arith.constant 0 : index
    %get3A_18 = vector.load %arg7[%get3A_16, %get3A_17] : memref<1x256xf32, #tpu.memory_space<vmem>>, vector<1x128xf32>
    %add3A_19 = vector.broadcast %get3A_18 : vector<1x128xf32> to vector<1000x128xf32>
    %add3A_20 = arith.addf %mul3A_15, %add3A_19 : vector<1000x128xf32>
    %swap3A = arith.constant 0 : index
    %swap3A_21 = arith.constant 0 : index
    %swap3A_22 = vector.load %arg8[%swap3A, %swap3A_21] : memref<1000x256xf32, #tpu.memory_space<vmem>>, vector<1000x128xf32>
    tpu.vector_store %arg8[%swap3A, %swap3A_21], %add3A_20 {strides = array<i32>} : memref<1000x256xf32, #tpu.memory_space<vmem>>, vector<1000x128xf32>,
    %get3A_23 = arith.constant 0 : index
    %get3A_24 = arith.constant 0 : index
    %get3A_25 = vector.load %arg2[%get3A_23, %get3A_24] : memref<1000x128xf32, #tpu.memory_space<vmem>>, vector<1000x128xf32>
    %get3A_26 = arith.constant 0 : index
    %get3A_27 = arith.constant 0 : index
    %get3A_28 = vector.load %arg4[%get3A_26, %get3A_27] : memref<1000x128xf32, #tpu.memory_space<vmem>>, vector<1000x128xf32>
    %add3A_29 = arith.addf %get3A_25, %get3A_28 : vector<1000x128xf32>
    %mul3A_30 = vector.broadcast %rsqrt3A : vector<1000x1xf32> to vector<1000x128xf32>
    %mul3A_31 = arith.mulf %mul3A_30, %add3A_29 : vector<1000x128xf32>
    %get3A_32 = arith.constant 0 : index
    %get3A_33 = arith.constant 128 : index
    %get3A_34 = vector.load %arg7[%get3A_32, %get3A_33] : memref<1x256xf32, #tpu.memory_space<vmem>>, vector<1x128xf32>
    %add3A_35 = vector.broadcast %get3A_34 : vector<1x128xf32> to vector<1000x128xf32>
    %add3A_36 = arith.addf %mul3A_31, %add3A_35 : vector<1000x128xf32>
    %swap3A_37 = arith.constant 0 : index
    %swap3A_38 = arith.constant 128 : index
    %swap3A_39 = vector.load %arg8[%swap3A_37, %swap3A_38] : memref<1000x256xf32, #tpu.memory_space<vmem>>, vector<1000x128xf32>
    tpu.vector_store %arg8[%swap3A_37, %swap3A_38], %add3A_36 {strides = array<i32>} : memref<1000x256xf32, #tpu.memory_space<vmem>>, vector<1000x128xf32>,
    return
  }
  func.func @transform_0(%arg0: i32) -> (i32, i32) {
    %c0_i32 = arith.constant 0 : i32
    %c0_i32_0 = arith.constant 0 : i32
    return %arg0, %c0_i32 : i32, i32
  }
  func.func @transform_1(%arg0: i32) -> (i32, i32) {
    %c0_i32 = arith.constant 0 : i32
    %c0_i32_0 = arith.constant 0 : i32
    return %arg0, %c0_i32 : i32, i32
  }
  func.func @transform_2(%arg0: i32) -> (i32, i32) {
    %c0_i32 = arith.constant 0 : i32
    %c0_i32_0 = arith.constant 0 : i32
    return %arg0, %c0_i32 : i32, i32
  }
  func.func @transform_3(%arg0: i32) -> (i32, i32) {
    %c0_i32 = arith.constant 0 : i32
    %c0_i32_0 = arith.constant 0 : i32
    return %arg0, %c0_i32 : i32, i32
  }
  func.func @transform_4(%arg0: i32) -> (i32, i32) {
    %c0_i32 = arith.constant 0 : i32
    %c0_i32_0 = arith.constant 0 : i32
    return %arg0, %c0_i32 : i32, i32
  }
  func.func @transform_5(%arg0: i32) -> (i32, i32) {
    %c0_i32 = arith.constant 0 : i32
    %c0_i32_0 = arith.constant 0 : i32
    return %arg0, %c0_i32 : i32, i32
  }
  func.func @transform_6(%arg0: i32) -> (i32, i32) {
    %c0_i32 = arith.constant 0 : i32
    %c0_i32_0 = arith.constant 0 : i32
    %c0_i32_1 = arith.constant 0 : i32
    return %c0_i32, %c0_i32_0 : i32, i32
  }
  func.func @transform_7(%arg0: i32) -> (i32, i32) {
    %c0_i32 = arith.constant 0 : i32
    %c0_i32_0 = arith.constant 0 : i32
    return %arg0, %c0_i32 : i32, i32
  }
}

</mosaic_0001>

<sc_bundles>
// kernel: kernel.10.cloned.1.call-start
scs
__scs_entry_jumppad:
0x0: {  	(pc) =	sbr.rel $0x88, $3  }
0x1: {  	(tag) =	ssettag $0x0;
	lr =	simm.s32 $0x1  }
0x2: {  	[smem:$0x3F98] =	sst lr;
	_ =	strace $0xD0000000  }
0x3: {  	_ = 	snop  }
0x4: {  	_ = 	snop  }
0x5: {  	_ = 	snop  }
0x6: {  	_ = 	snop  }
0x7: {  	_ = 	snop  }
__scs_overlays_trampoline_lowered:
0x8: {  	[smem:$0x3FA7] =	sst s0  }
0x9: {  	[smem:$0x3FA8] =	sst s1  }
0xa: {  	[smem:$0x3FA9] =	sst s2  }
0xb: {  	[smem:$0x3FAA] =	sst s3  }
0xc: {  	[smem:$0x3FAB] =	sst s4  }
0xd: {  	[smem:$0x3FAC] =	sst s5  }
0xe: {  	[smem:$0x3FAD] =	sst s6  }
0xf: {  	[smem:$0x3FAE] =	sst s7  }
0x10: {  	[smem:$0x3FAF] =	sst s8  }
0x11: {  	[smem:$0x3FB0] =	sst s9;
	s0 =	simm.s32 @!p0 $0x0  }
0x12: {  	s1 =	sld [smem:$0x3F96];
	s0 =	simm.s32 @p0 $0x1  }
0x13: {  	[smem:$0x3FB1] =	sst s0;
	s0 =	simm.s32 @!p1 $0x0  }
0x14: {  	s2 =	sld [smem:$0x3F95];
	s0 =	simm.s32 @p1 $0x1  }
0x15: {  	[smem:$0x3FB2] =	sst s0;
	s0 =	simm.s32 @!p2 $0x0  }
0x16: {  	s3 =	sld [smem:$0x3FDB];
	s0 =	simm.s32 @p2 $0x1  }
0x17: {  	s4 =	simm.s32 $0x1BF5;
	[smem:$0x3FB4] =	sst s0  }
0x18: {  	s0 =	sld [smem:$0x3F97];
	_ =	swait.ge [sflag:s4], $0x0  }
0x19: {  	s7 =	sld [smem:$0x3F98]  }
0x1a: {  	s8 =	sadd.s32 $0xFFFFE003, lr  }
0x1b: {  	s9 =	sadd.s32 $0xFFFFFEF7, lr;
	s5 =	simm.s32 $0xFFFFFFFF;
	p2 =	slt.u32 s8, $0xFFFFF086  }
0x1c: {  	p1 =	slt.u32 s9, $0xF7A;
	s5 =	simm.s32 @!p2 $0x0  }
0x1d: {  	s5 =	simm.s32 @p1 $0x1;
	p0 =	seq.s32 s7, s2  }
0x1e: {  	s7 =	smul.u32 @!p0 $0xF7A, s2;
	p2 =	seq.s32 @!p0 s5, $0x0  }
0x1f: {  	s9 =	smul.u32 $0xF7A, s1;
	s8 =	simm.s32 @!p0 $0x1BF5;
	p2 =	por !p2, p0  }
0x20: {  	[sflag:s8] =	ssyncset.s32 @!p0 $0xFFFFF086;
	s6 =	sadd.s32 @!p0 s3, s7;
	s7 =	simm.s32 @!p0 $0x108  }
0x21: {  	s3 =	sadd.s32 s3, s9;
	s6 =	sadd.s32 @!p0 $0x88, s6;
	s7 =	simm.s32 @p2 $0x1082  }
0x22: {  	[simem:s7], [sflag:s8] =	dma.local @!p0 [hbm:s6], $0xF7A  }
0x23: {  	s9 =	sor.u32 $0xD0000000, s2;
	s6 =	simm.s32 $0x108;
	_ =	swait.ge @!p0 [sflag:s8], $0x0  }
0x24: {  	s3 =	sadd.s32 $0x88, s3;
	s6 =	simm.s32 @!p1 $0x1082;
	[sflag:s4] =	ssyncset.s32 $0xFFFFF086  }
0x25: {  	[simem:s6], [sflag:s4] =	dma.local [hbm:s3], $0xF7A  }
0x26: {  	[smem:$0x3F98] =	sst s1;
	(tag) =	ssettag s2;
	_ =	strace s9  }
0x27: {  	s1 =	sld [smem:$0x3FA8]  }
0x28: {  	s2 =	sld [smem:$0x3FA9]  }
0x29: {  	s4 =	sld [smem:$0x3FAB]  }
0x2a: {  	p0 =	seq.s32 s5, $0x0;
	s5 =	sld [smem:$0x3FAC]  }
0x2b: {  	s6 =	sld [smem:$0x3FAD]  }
0x2c: {  	s7 =	sld [smem:$0x3FAE]  }
0x2d: {  	s3 =	simm.s32 $0x108;
	s8 =	sld [smem:$0x3FAF]  }
0x2e: {  	s3 =	simm.s32 @!p0 $0x1082;
	s9 =	sld [smem:$0x3FB0]  }
0x2f: {  	lr =	sadd.s32 s0, s3;
	s0 =	sld [smem:$0x3FA7]  }
0x30: {  	s3 =	sld [smem:$0x3FAA]  }
0x31: {  	[smem:$0x3FB3] =	sst s10  }
0x32: {  	s10 =	sld [smem:$0x3FB1];
	_ =	sdelay $0x3  }
0x33: {  	p0 =	seq.s32 s10, $0x1;
	s10 =	sld [smem:$0x3FB3];
	_ =	sdelay $0x3  }
0x34: {  	[smem:$0x3FB3] =	sst s10  }
0x35: {  	s10 =	sld [smem:$0x3FB2];
	_ =	sdelay $0x3  }
0x36: {  	p1 =	seq.s32 s10, $0x1;
	s10 =	sld [smem:$0x3FB3];
	_ =	sdelay $0x3  }
0x37: {  	[smem:$0x3FB3] =	sst s10  }
0x38: {  	s10 =	sld [smem:$0x3FB4]  }
0x39: {  	_ = 	snop;
	(pc) =	sbr.ind lr, $3  }
0x3a: {  	_ = 	snop  }
0x3b: {  	_ = 	snop  }
0x3c: {  	p2 =	seq.s32 s10, $0x1;
	s10 =	sld [smem:$0x3FB3]  }
0x3d: {  	_ =	shalt  }
0x3e: {  	_ =	shalt  }
0x3f: {  	_ =	shalt  }
0x40: {  	_ =	shalt  }
0x41: {  	_ =	shalt  }
0x42: {  	_ =	shalt  }
0x43: {  	_ =	shalt  }
0x44: {  	_ =	shalt  }
0x45: {  	_ =	shalt  }
0x46: {  	_ =	shalt  }
0x47: {  	_ =	shalt  }
0x48: {  	_ =	shalt  }
0x49: {  	_ =	shalt  }
0x4a: {  	_ =	shalt  }
0x4b: {  	_ =	shalt  }
0x4c: {  	_ =	shalt  }
0x4d: {  	_ =	shalt  }
0x4e: {  	_ =	shalt  }
0x4f: {  	_ =	shalt  }
0x50: {  	_ =	shalt  }
0x51: {  	_ =	shalt  }
0x52: {  	_ =	shalt  }
0x53: {  	_ =	shalt  }
0x54: {  	_ =	shalt  }
0x55: {  	_ =	shalt  }
0x56: {  	_ =	shalt  }
0x57: {  	_ =	shalt  }
0x58: {  	_ =	shalt  }
0x59: {  	_ =	shalt  }
0x5a: {  	_ =	shalt  }
0x5b: {  	_ =	shalt  }
0x5c: {  	_ =	shalt  }
0x5d: {  	_ =	shalt  }
0x5e: {  	_ =	shalt  }
0x5f: {  	_ =	shalt  }
0x60: {  	_ =	shalt  }
0x61: {  	_ =	shalt  }
0x62: {  	_ =	shalt  }
0x63: {  	_ =	shalt  }
0x64: {  	_ =	shalt  }
0x65: {  	_ =	shalt  }
0x66: {  	_ =	shalt  }
0x67: {  	_ =	shalt  }
0x68: {  	_ =	shalt  }
0x69: {  	_ =	shalt  }
0x6a: {  	_ =	shalt  }
0x6b: {  	_ =	shalt  }
0x6c: {  	_ =	shalt  }
0x6d: {  	_ =	shalt  }
0x6e: {  	_ =	shalt  }
0x6f: {  	_ =	shalt  }
0x70: {  	_ =	shalt  }
0x71: {  	_ =	shalt  }
0x72: {  	_ =	shalt  }
0x73: {  	_ =	shalt  }
0x74: {  	_ =	shalt  }
0x75: {  	_ =	shalt  }
0x76: {  	_ =	shalt  }
0x77: {  	_ =	shalt  }
0x78: {  	_ =	shalt  }
0x79: {  	_ =	shalt  }
0x7a: {  	_ =	shalt  }
0x7b: {  	_ =	shalt  }
0x7c: {  	_ =	shalt  }
0x7d: {  	_ =	shalt  }
0x7e: {  	_ =	shalt  }
0x7f: {  	_ =	shalt  }
0x80: {  	_ =	shalt  }
0x81: {  	_ =	shalt  }
0x82: {  	_ =	shalt  }
0x83: {  	_ =	shalt  }
0x84: {  	_ =	shalt  }
0x85: {  	_ =	shalt  }
0x86: {  	_ =	shalt  }
0x87: {  	_ =	shalt  }
.Lfunc_end0:
.L_simem_size_0:
called_computation.1_lowered:
.L_overlay_start_0:
0x88: {  	s2 =	sld [smem:$0x3FD9]  }
0x89: {  	s3 =	sld [smem:$0x3FFE];
	_ =	sdelay $0x1  }
0x8a: {  	s1 =	srdreg.scid  }
0x8b: {  	s0 =	sand.u32 $0x1, s1  }
0x8c: {  	s17 =	sshll.u32 s0, $0xA;
	s2 =	sadd.s32 s3, s2  }
0x8d: {  	s2 =	sadd.s32 s2, s17  }
0x8e: {  	[smem:$0x3FBF] =	sst s2  }
0x8f: {  	_ = 	snop  }
0x90: {  	s2 =	sld [smem:$0x3FD0];
	(tm) =	ssettm $0x1  }
0x91: {  	s18 =	sld [smem:$0x3FFB];
	_ =	sdelay $0x3  }
0x92: {  	_ =	strace s18  }
0x93: {  	s3 =	sld [smem:$0x3FFC];
	_ =	sdelay $0x3  }
0x94: {  	_ =	strace s3  }
0x95: {  	s3 =	sld [smem:$0x3FFD];
	_ =	sdelay $0x3  }
0x96: {  	_ =	strace s3  }
0x97: {  	_ =	strace $0x8FFFFFFF  }
0x98: {  	s19 =	sld [smem:$0x3FDB];
	_ =	sdelay $0x1  }
0x99: {  	s4 =	simm.s32 $_scs_section_size  }
0x9a: {  	s5 =	simm.s32 $_size__tile_overlayer_lowered;
	s6 =	simm.s32 $_tile_overlayer_lowered  }
0x9b: {  	s22 =	simm.s32 $0x1BFF;
	s21 =	sshll.u32 s6, $0x1;
	s3 =	sadd.s32 s4, s19  }
0x9c: {  	s7 =	simm.s32 $0x0;
	s20 =	sshll.u32 s5, $0x1;
	s5 =	sadd.s32 s21, s3  }
0x9d: {  	[timem:s7], [sflag:s22] =	dma.local [hbm:s5], s20  }
0x9e: {  	_ =	swait.ge [sflag:s22], s20  }
0x9f: {  	s4 =	ssub.s32 $0x0, s20;
	[sflag:s22] =	ssyncset.done $0x0  }
0xa0: {  	[sflag:s22] =	ssyncadd.s32 s4;
	_ =	sdelay $0x1  }
0xa1: {  	s23 =	simm.s32 $0x1B8B  }
0xa2: {  	_ =	swait.ge [sflag:s23], $0x1  }
0xa3: {  	[sflag:s23] =	ssyncset.done $0x0  }
0xa4: {  	s25 =	simm.s32 $0x1B8E;
	s24 =	sld [smem:$0x3FFE];
	[sflag:s23] =	ssyncadd.s32 $0xFFFFFFFF  }
0xa5: {  	s26 =	simm.s32 $execute0_lowered;
	[smem:$0x3FD2] =	sst s25  }
0xa6: {  	s5 =	sshll.u32 s26, $0x1;
	_ =	strace $0x80000049;
	[dreg:$0x1] =	wrdreg $0xFFFFFFFF  }
0xa7: {  	s28 =	simm.s32 $_size_execute0_lowered;
	s3 =	sadd.s32 s3, s5;
	[dreg:$0x0] =	wrdreg $0x0  }
0xa8: {  	s5 =	sshll.u32 s28, $0x1;
	[dreg:$0x2] =	wrdreg s3  }
0xa9: {  	[dreg:$0x3] =	wrdreg s5  }
0xaa: {  	[dreg:$0x4] =	wrdreg $0xC0  }
0xab: {  	_ =	task [dreg:s7], $0x5FFFF  }
0xac: {  	[dreg:$0x1] =	wrdreg $0xFFFFFFFF  }
0xad: {  	[dreg:$0x0] =	wrdreg $0x60  }
0xae: {  	[dreg:$0x2] =	wrdreg s24  }
0xaf: {  	[dreg:$0x3] =	wrdreg s2  }
0xb0: {  	[dreg:$0x4] =	wrdreg $0x86000  }
0xb1: {  	[dreg:$0x5] =	wrdreg $0x9  }
0xb2: {  	_ =	task.clear_ibuf [dreg:s7], $0x6FFFF;
	_ =	strace $0x90000049  }
0xb3: {  	s29 =	simm.s32 $0x9;
	_ =	strace $0x8000004B  }
0xb4: {  	_ =	swait.ge [sflag:s29], $0x1  }
0xb5: {  	[sflag:s29] =	ssyncadd.s32 $0xFFFFFFFF  }
0xb6: {  	_ =	strace $0x9000004B  }
0xb7: {  	_ =	sfence  }
0xb8: {  	s30 =	sld [smem:$0x0];
	_ =	sdelay $0x2  }
0xb9: {  	s31 =	sshll.u32 s1, $0xD;
	s1 =	sshrl.u32 s1, $0x2  }
0xba: {  	s3 =	sand.u32 $0x4000, s31;
	s1 =	sadd.s32 s1, s30  }
0xbb: {  	s0 =	sor.u32 s3, s0;
	s1 =	sshll.u32 s1, $0x11  }
0xbc: {  	s0 =	sor.u32 s1, s0  }
0xbd: {  	s0 =	sadd.s32 $0x8F2B, s0  }
0xbe: {  	[sflag:s0] =	ssyncadd.remote.s32 $0x1  }
0xbf: {  	_ =	sfence.sel $0xFFFF  }
0xc0: {  	[dreg:$0x0] =	wrdreg $0xFFFFFFFF;
	(pc) =	sbr.abs _section_cstart, $3  }
0xc1: {  	[dreg:$0x1] =	wrdreg $0xFFFFFFFF  }
0xc2: {  	_ =	task.clear_ibuf [dreg:s7], $0x2FFFF;
	_ =	strace $0x9FFFFFFF  }
0xc3: {  	(tm) =	ssettm $0x7FFFFFFF  }
tec
execute0_lowered:
.L_overlay_start_1:
0x0: {  	(tag) =	ssettag $0x1  }
0x1: {  	s0 =	rddreg [dreg:$0x0]  }
0x2: {  	s2 =	rddreg [dreg:$0x1]  }
0x3: {  	s3 =	rddreg [dreg:$0x2];
	s9 =	stileid.u32  }
0x4: {  	s1 =	srdreg.scid;
	s4 =	smul.u32 $0x280, s9  }
0x5: {  	s5 =	simm.s32 $0x0;
	s1 =	sand.u32 $0x1, s1;
	s10 =	smul.u32 $0x50000, s9  }
0x6: {  	[smem:$0x7FF] =	sst s5;
	s5 =	sadd.s32 $0xCC00, s0;
	s12 =	smul.u32 $0x5000, s9  }
0x7: {  	s6 =	sadd.s32 $0x2200, s0;
	s7 =	sadd.s32 $0x7200, s0;
	s9 =	smul.u32 $0x2800, s9  }
0x8: {  	s8 =	smul.u32 $0x2800, s1;
	_ =	strace $0x8000004A;
	s11 =	ssub.s32 $0x2, s1  }
0x9: {  	s15 =	sshrl.u32 s10, $0x2;
	s19 =	sshrl.u32 s9, $0x3;
	s14 =	sor.u32 $0xC0, s9  }
0xa: {  	s4 =	sadd.s32 s4, s8;
	s8 =	sshll.u32 s1, $0x7;
	s17 =	sadd.s32 s15, s3  }
0xb: {  	s20 =	sadd.s32 s7, s19;
	s21 =	sadd.s32 s6, s19;
	[dreg:$0x9] =	wrdreg s14  }
0xc: {  	s23 =	sor.u32 $0x8, s19;
	s4 =	sshll.u32 s4, $0x4;
	[dreg:$0x6] =	wrdreg s20  }
0xd: {  	s16 =	sor.u32 s8, s12;
	s12 =	sadd.s32 $0xCC08, s0;
	[dreg:$0x7] =	wrdreg s21  }
0xe: {  	s20 =	sshrl.u32 s14, $0x3;
	s28 =	sadd.s32 $0xA000, s17;
	[dreg:$0x4] =	wrdreg s17  }
0xf: {  	s4 =	sadd.s32 s4, s0;
	s0 =	sadd.s32 s6, s23;
	[smem:$0x7FD] =	sst s28  }
0x10: {  	s18 =	sshrl.u32 s16, $0x3;
	s21 =	sadd.s32 s7, s20;
	[dreg:$0xb] =	wrdreg s0  }
0x11: {  	s24 =	sor.u32 $0x80, s9;
	s10 =	sadd.s32 s5, s18;
	[dreg:$0x10] =	wrdreg s21  }
0x12: {  	s1 =	sshrl.u32 s24, $0x3;
	s22 =	sadd.s32 s18, s12;
	[dreg:$0x5] =	wrdreg s10  }
0x13: {  	s13 =	sshrl.u32 s11, $0x1;
	s18 =	sadd.s32 s7, s1;
	[dreg:$0x8] =	wrdreg s22  }
0x14: {  	s25 =	sshll.u32 s24, $0x1;
	s1 =	sadd.s32 s6, s1;
	[dreg:$0xd] =	wrdreg s18  }
0x15: {  	s26 =	sshll.u32 s14, $0x1;
	s24 =	sadd.s32 $0x65800, s4;
	[dreg:$0xe] =	wrdreg s1  }
0x16: {  	s15 =	sor.u32 s8, s25;
	s25 =	sadd.s32 $0x65C00, s4;
	[dreg:$0x14] =	wrdreg s24  }
0x17: {  	s16 =	sand.u32 $0x7F100, s26;
	s26 =	sadd.s32 $0x66000, s4;
	[dreg:$0x15] =	wrdreg s25  }
0x18: {  	s11 =	ssub.s32 s11, s13;
	s13 =	sadd.s32 $0x66C00, s4;
	[dreg:$0x16] =	wrdreg s26  }
0x19: {  	s14 =	sadd.s32 $0x67000, s4;
	[dreg:$0x19] =	wrdreg s13  }
0x1a: {  	s0 =	sshrl.u32 s15, $0x3;
	s15 =	sadd.s32 $0x67400, s4;
	[dreg:$0x1a] =	wrdreg s14  }
0x1b: {  	s21 =	sadd.s32 $0x12000, s17;
	[dreg:$0x1b] =	wrdreg s15  }
0x1c: {  	s10 =	sadd.s32 s7, s23;
	[smem:$0x7FA] =	sst s21  }
0x1d: {  	s29 =	simm.s32 $0x400;
	s0 =	sadd.s32 s5, s0;
	[dreg:$0xa] =	wrdreg s10  }
0x1e: {  	s31 =	simm.s32 $0x480;
	s22 =	sadd.s32 $0x65000, s4;
	[dreg:$0xc] =	wrdreg s0  }
0x1f: {  	s30 =	simm.s32 $0x3;
	s23 =	sadd.s32 $0x65400, s4;
	[dreg:$0x12] =	wrdreg s22  }
0x20: {  	s1 =	sadd.s32 $0x66400, s4;
	s25 =	sadd.s32 $0x6000, s17;
	[dreg:$0x13] =	wrdreg s23  }
0x21: {  	s26 =	sadd.s32 $0x8000, s17;
	s18 =	sadd.s32 $0xC000, s17;
	[dreg:$0x17] =	wrdreg s1  }
0x22: {  	s24 =	sor.u32 $0x1C0, s9;
	s21 =	simm.s32 $0x280;
	[smem:$0x7F7] =	sst s18  }
0x23: {  	s14 =	simm.s32 $0x580;
	s13 =	simm.s32 $0x4;
	[smem:$0x7FB] =	sst s24  }
0x24: {  	s15 =	simm.s32 $0x7;
	s10 =	sor.u32 s8, s16;
	[dreg:$0x1f] =	wrdreg s25  }
0x25: {  	s16 =	smax.u32 s11, $0x1;
	s22 =	sadd.s32 $0x2000, s17;
	[smem:$0x7FC] =	sst s26  }
0x26: {  	s23 =	sadd.s32 $0x4000, s17;
	s1 =	simm.s32 $0x500;
	[dreg:$0x1c] =	wrdreg s16  }
0x27: {  	s18 =	simm.s32 $0x40;
	s24 =	simm.s32 $0xC;
	[dreg:$0x1d] =	wrdreg s22  }
0x28: {  	s19 =	sshrl.u32 s10, $0x3;
	s10 =	sadd.s32 $0x66800, s4;
	[dreg:$0x1e] =	wrdreg s23  }
0x29: {  	s11 =	simm.s32 $0xF;
	s0 =	sadd.s32 s19, s12;
	[dreg:$0x18] =	wrdreg s10  }
0x2a: {  	s4 =	simm.s32 $0xE;
	s19 =	sadd.s32 $0xE000, s17;
	[dreg:$0xf] =	wrdreg s0  }
0x2b: {  	s16 =	simm.s32 $0x0;
	s0 =	sadd.s32 s6, s20;
	[smem:$0x7F8] =	sst s19  }
0x2c: {  	s20 =	sadd.s32 $0x10000, s17;
	s19 =	simm.s32 $0x200;
	[dreg:$0x11] =	wrdreg s0  }
0x2d: {  	v0 =	vimm.f32 $0.0e+00;
	[smem:$0x7F9] =	sst s20;
	s0 =	simm.s32 $0x6;
	s20 =	simm.s32 $0x10  }
.LBB2_1:
0x2e: {  	[smem:$0x7F6] =	sst s16;
	s10 =	simm.s32 $0x0;
	s16 =	simm.s32 $0x200  }
.LBB2_2:
0x2f: {  	p0 =	sne.s32 s16, $0x7E00;
	[tilespmem:s10+$0x670] =	vst v0  }
0x30: {  	[tilespmem:s10+$0x600] =	vst v0  }
0x31: {  	[tilespmem:s10+$0x610] =	vst v0  }
.Ltmp0:
0x32: {  	[tilespmem:s10+$0x620] =	vst v0;
	(pc) =	sbr.rel @p0 .LBB2_2-.Ltmp0, $4  }
0x33: {  	[tilespmem:s10+$0x630] =	vst v0  }
0x34: {  	[tilespmem:s10+$0x640] =	vst v0  }
0x35: {  	[tilespmem:s10+$0x650] =	vst v0  }
0x36: {  	[tilespmem:s10+$0x660] =	vst v0;
	s10 =	sshra.s32 s16, $0x2;
	s16 =	sadd.s32 $0x200, s16  }
0x37: {  	[tilespmem:s10+$0x670] =	vst v0  }
0x38: {  	[tilespmem:s10+$0x600] =	vst v0  }
0x39: {  	[tilespmem:s10+$0x610] =	vst v0  }
0x3a: {  	[tilespmem:s10+$0x620] =	vst v0  }
0x3b: {  	[tilespmem:s10+$0x630] =	vst v0  }
0x3c: {  	[tilespmem:s10+$0x640] =	vst v0  }
0x3d: {  	[tilespmem:s10+$0x650] =	vst v0  }
0x3e: {  	[tilespmem:s10+$0x660] =	vst v0;
	s16 =	simm.s32 $0x600  }
0x3f: {  	[spmem:s17] =	stream.linear.scatter [tilespmem:s16], [sflag:$0x11], $0x2000, $0x38;
	[tilespmem:$0x1C600] =	vst v63  }
0x40: {  	s17 =	simm.s32 $0x11  }
0x41: {  	_ =	swait.ge [sflag:s17], $0x2000  }
0x42: {  	[sflag:s17] =	ssyncset.done $0x0  }
0x43: {  	[sflag:s17] =	ssyncadd.s32 $0xFFFFE000  }
0x44: {  	[spmem:s22] =	stream.linear.scatter [tilespmem:s16], [sflag:$0x11], $0x2000, $0x38;
	[tilespmem:$0x1C600] =	vst v63  }
0x45: {  	_ =	swait.ge [sflag:s17], $0x2000  }
0x46: {  	[sflag:s17] =	ssyncset.done $0x0  }
0x47: {  	[sflag:s17] =	ssyncadd.s32 $0xFFFFE000  }
0x48: {  	[spmem:s23] =	stream.linear.scatter [tilespmem:s16], [sflag:$0x11], $0x2000, $0x38;
	[tilespmem:$0x1C600] =	vst v63  }
0x49: {  	_ =	swait.ge [sflag:s17], $0x2000  }
0x4a: {  	[sflag:s17] =	ssyncset.done $0x0  }
0x4b: {  	[sflag:s17] =	ssyncadd.s32 $0xFFFFE000  }
0x4c: {  	[spmem:s25] =	stream.linear.scatter [tilespmem:s16], [sflag:$0x11], $0x2000, $0x38;
	[tilespmem:$0x1C600] =	vst v63  }
0x4d: {  	_ =	swait.ge [sflag:s17], $0x2000  }
0x4e: {  	[sflag:s17] =	ssyncset.done $0x0  }
0x4f: {  	[sflag:s17] =	ssyncadd.s32 $0xFFFFE000  }
0x50: {  	[spmem:s26] =	stream.linear.scatter [tilespmem:s16], [sflag:$0x11], $0x2000, $0x38;
	[tilespmem:$0x1C600] =	vst v63  }
0x51: {  	_ =	swait.ge [sflag:s17], $0x2000  }
0x52: {  	[sflag:s17] =	ssyncset.done $0x0  }
0x53: {  	[sflag:s17] =	ssyncadd.s32 $0xFFFFE000  }
0x54: {  	[spmem:s28] =	stream.linear.scatter [tilespmem:s16], [sflag:$0x11], $0x2000, $0x38;
	[tilespmem:$0x1C600] =	vst v63  }
0x55: {  	_ =	swait.ge [sflag:s17], $0x2000  }
0x56: {  	s28 =	sld [smem:$0x7F7]  }
0x57: {  	[sflag:s17] =	ssyncset.done $0x0  }
0x58: {  	[sflag:s17] =	ssyncadd.s32 $0xFFFFE000  }
0x59: {  	[spmem:s28] =	stream.linear.scatter [tilespmem:s16], [sflag:$0x11], $0x2000, $0x38;
	[tilespmem:$0x1C600] =	vst v63  }
0x5a: {  	_ =	swait.ge [sflag:s17], $0x2000  }
0x5b: {  	s22 =	sld [smem:$0x7F8]  }
0x5c: {  	[sflag:s17] =	ssyncset.done $0x0  }
0x5d: {  	[sflag:s17] =	ssyncadd.s32 $0xFFFFE000  }
0x5e: {  	[spmem:s22] =	stream.linear.scatter [tilespmem:s16], [sflag:$0x11], $0x2000, $0x38;
	[tilespmem:$0x1C600] =	vst v63  }
0x5f: {  	_ =	swait.ge [sflag:s17], $0x2000  }
0x60: {  	s23 =	sld [smem:$0x7F9]  }
0x61: {  	[sflag:s17] =	ssyncset.done $0x0  }
0x62: {  	[sflag:s17] =	ssyncadd.s32 $0xFFFFE000  }
0x63: {  	[spmem:s23] =	stream.linear.scatter [tilespmem:s16], [sflag:$0x11], $0x2000, $0x38;
	[tilespmem:$0x1C600] =	vst v63  }
0x64: {  	_ =	swait.ge [sflag:s17], $0x2000  }
0x65: {  	s25 =	sld [smem:$0x7FA]  }
0x66: {  	[sflag:s17] =	ssyncset.done $0x0  }
0x67: {  	[sflag:s17] =	ssyncadd.s32 $0xFFFFE000  }
0x68: {  	[spmem:s25] =	stream.linear.scatter [tilespmem:s16], [sflag:$0x11], $0x2000, $0x38;
	[tilespmem:$0x1C600] =	vst v63  }
0x69: {  	_ =	swait.ge [sflag:s17], $0x2000  }
0x6a: {  	[sflag:s17] =	ssyncset.done $0x0  }
0x6b: {  	[sflag:s17] =	ssyncadd.s32 $0xFFFFE000  }
0x6c: {  	[bflag:$0x0] =	sbarrier.arrive $0xFFFF  }
0x6d: {  	s25 =	simm.s32 $0x0;
	s26 =	rddreg [dreg:$0x5]  }
0x6e: {  	[tilespmem:s25], [sflag:$0x9] =	stream.linear.gather [hbm4b:s26+s25], $0x40, $0x38;
	[tilespmem:$0x1C600] =	vst v63  }
0x6f: {  	s28 =	rddreg [dreg:$0x6]  }
0x70: {  	[tilespmem:s29], [sflag:$0x9] =	stream.linear.gather [hbm4b:s28+s25], $0x40, $0x38;
	[tilespmem:$0x1C600] =	vst v63  }
0x71: {  	s17 =	rddreg [dreg:$0x7]  }
0x72: {  	[tilespmem:s19], [sflag:$0xD] =	stream.linear.gather [hbm4b:s17+s25], $0x40, $0x38;
	[tilespmem:$0x1C600] =	vst v63  }
0x73: {  	s22 =	rddreg [dreg:$0x8];
	s17 =	simm.s32 $0x80  }
0x74: {  	[tilespmem:s17], [sflag:$0xA] =	stream.linear.gather [hbm4b:s22+s25], $0x40, $0x38;
	[tilespmem:$0x1C600] =	vst v63  }
0x75: {  	s23 =	rddreg [dreg:$0xa]  }
0x76: {  	[tilespmem:s31], [sflag:$0xA] =	stream.linear.gather [hbm4b:s23+s25], $0x40, $0x38;
	[tilespmem:$0x1C600] =	vst v63  }
0x77: {  	s26 =	rddreg [dreg:$0xb]  }
0x78: {  	[tilespmem:s21], [sflag:$0xE] =	stream.linear.gather [hbm4b:s26+s25], $0x40, $0x38;
	[tilespmem:$0x1C600] =	vst v63  }
0x79: {  	s28 =	rddreg [dreg:$0xc];
	s22 =	simm.s32 $0x100  }
0x7a: {  	[tilespmem:s22], [sflag:$0xB] =	stream.linear.gather [hbm4b:s28+s25], $0x40, $0x38;
	[tilespmem:$0x1C600] =	vst v63  }
0x7b: {  	s23 =	rddreg [dreg:$0xd]  }
0x7c: {  	[tilespmem:s1], [sflag:$0xB] =	stream.linear.gather [hbm4b:s23+s25], $0x40, $0x38;
	[tilespmem:$0x1C600] =	vst v63  }
0x7d: {  	s26 =	rddreg [dreg:$0xe];
	s28 =	simm.s32 $0x300  }
0x7e: {  	[tilespmem:s28], [sflag:$0xF] =	stream.linear.gather [hbm4b:s26+s25], $0x40, $0x38;
	[tilespmem:$0x1C600] =	vst v63  }
0x7f: {  	s23 =	rddreg [dreg:$0xf];
	s26 =	simm.s32 $0x180  }
0x80: {  	[tilespmem:s26], [sflag:$0xC] =	stream.linear.gather [hbm4b:s23+s25], $0x40, $0x38;
	[tilespmem:$0x1C600] =	vst v63  }
0x81: {  	s28 =	rddreg [dreg:$0x10]  }
0x82: {  	[tilespmem:s14], [sflag:$0xC] =	stream.linear.gather [hbm4b:s28+s25], $0x40, $0x38;
	[tilespmem:$0x1C600] =	vst v63  }
0x83: {  	s23 =	rddreg [dreg:$0x11];
	s26 =	simm.s32 $0x380;
	s28 =	simm.s32 $0x9  }
0x84: {  	[tilespmem:s26], [sflag:$0x10] =	stream.linear.gather [hbm4b:s23+s25], $0x40, $0x38;
	[tilespmem:$0x1C600] =	vst v63  }
0x85: {  	_ =	swait.ge [sflag:s28], $0x40  }
0x86: {  	[sflag:s28] =	ssyncset.done $0x0  }
0x87: {  	[sflag:s28] =	ssyncadd.s32 $0xFFFFFFC0  }
0x88: {  	_ =	swait.ge [sflag:s28], $0x40  }
0x89: {  	[sflag:s28] =	ssyncset.done $0x0  }
0x8a: {  	s23 =	simm.s32 $0xA;
	[sflag:s28] =	ssyncadd.s32 $0xFFFFFFC0  }
0x8b: {  	[tilespmem:s16], [sflag:$0x1] =	stream.indirect.gather [hbm4b:s2+s18], $0x80, s25, s18, $0xb8;
	[tilespmem:$0x1C600] =	vst v63  }
0x8c: {  	_ =	swait.ge [sflag:s23], $0x40  }
0x8d: {  	[sflag:s23] =	ssyncset.done $0x0  }
0x8e: {  	[sflag:s23] =	ssyncadd.s32 $0xFFFFFFC0  }
0x8f: {  	_ =	swait.ge [sflag:s23], $0x40  }
0x90: {  	[sflag:s23] =	ssyncset.done $0x0  }
0x91: {  	s26 =	simm.s32 $0xB;
	s25 =	simm.s32 $0x2600;
	[sflag:s23] =	ssyncadd.s32 $0xFFFFFFC0  }
0x92: {  	[tilespmem:s25], [sflag:$0x2] =	stream.indirect.gather [hbm4b:s2+s18], $0x80, s17, s18, $0xb8;
	[tilespmem:$0x1C600] =	vst v63  }
0x93: {  	_ =	swait.ge [sflag:s26], $0x40  }
0x94: {  	[sflag:s26] =	ssyncset.done $0x0  }
0x95: {  	[sflag:s26] =	ssyncadd.s32 $0xFFFFFFC0  }
0x96: {  	_ =	swait.ge [sflag:s26], $0x40  }
0x97: {  	[sflag:s26] =	ssyncset.done $0x0  }
0x98: {  	s28 =	simm.s32 $0x4600;
	[sflag:s26] =	ssyncadd.s32 $0xFFFFFFC0  }
0x99: {  	[tilespmem:s28], [sflag:$0x3] =	stream.indirect.gather [hbm4b:s2+s18], $0x80, s22, s18, $0xb8;
	[tilespmem:$0x1C600] =	vst v63  }
0x9a: {  	s22 =	simm.s32 $0x0  }
.LBB2_4:
0x9b: {  	s10 =	simm.s32 $0x0  }
0x9c: {  	s16 =	simm.s32 $0x2;
	s17 =	simm.s32 $0x1;
	v1 =	vmov s10  }
0x9d: {  	v2 =	vmov s16;
	_ =	swait.ge [sflag:s17], $0x2000;
	v1 =	vand.u32 $0xFFFFFFFC, v1  }
0x9e: {  	v2 =	vand.u32 $0xFFFFFFFE, v2;
	[sflag:s17] =	ssyncset.done $0x0;
	v1 =	vbroadcast v1, $0x0  }
0x9f: {  	s16 =	simm.s32 $0x700;
	v2 =	vbroadcast v2, $0x0;
	[sflag:s17] =	ssyncadd.s32 $0xFFFFE000  }
0xa0: {  	v4 =	vld [tilespmem:s16+$0x70]  }
0xa1: {  	v5 =	vld [tilespmem:s16+$0xFFFFFF00]  }
0xa2: {  	s23 =	simm.s32 $0x1;
	v6 =	vld [tilespmem:s16+$0xFFFFFF10]  }
0xa3: {  	v3 =	vmov s23;
	v7 =	vld [tilespmem:s16+$0xFFFFFF20]  }
0xa4: {  	v3 =	vand.u32 $0xFFFFFFFD, v3;
	v1 =	vld.idx.msk [tilespmem:v1+s29+$0x0], $0xffff  }
0xa5: {  	v3 =	vbroadcast v3, $0x0;
	v2 =	vld.idx.msk [tilespmem:v2+s29+$0x0], $0xffff  }
0xa6: {  	v8 =	vld [tilespmem:s16+$0xFFFFFF30]  }
0xa7: {  	v9 =	vld [tilespmem:s16+$0xFFFFFF40]  }
0xa8: {  	v10 =	vld [tilespmem:s16+$0xFFFFFF50]  }
0xa9: {  	v11 =	vld [tilespmem:s16+$0xFFFFFF60];
	v5 =	vmul.f32 v5, v1  }
0xaa: {  	v13 =	vld [tilespmem:s16+$0x40];
	v4 =	vmul.f32 v4, v2  }
0xab: {  	v3 =	vld.idx.msk [tilespmem:v3+s29+$0x0], $0xffff;
	[tilespmem:s16+$0xFFFFFF00] =	vst v5;
	v5 =	vmul.f32 v6, v1  }
0xac: {  	v6 =	vld [tilespmem:s16+$0xFFFFFF70];
	[tilespmem:s16+$0x70] =	vst v4;
	v4 =	vmul.f32 v7, v1  }
0xad: {  	v7 =	vld [tilespmem:s16+$0xFFFFFF80];
	[tilespmem:s16+$0xFFFFFF10] =	vst v5;
	v5 =	vmul.f32 v8, v1  }
0xae: {  	v8 =	vld [tilespmem:s16+$0xFFFFFF90];
	[tilespmem:s16+$0xFFFFFF20] =	vst v4;
	v4 =	vmul.f32 v9, v1  }
0xaf: {  	v9 =	vld [tilespmem:s16+$0xFFFFFFA0];
	[tilespmem:s16+$0xFFFFFF30] =	vst v5;
	v5 =	vmul.f32 v10, v1  }
0xb0: {  	v10 =	vld [tilespmem:s16+$0xFFFFFFB0];
	[tilespmem:s16+$0xFFFFFF40] =	vst v4;
	v4 =	vmul.f32 v11, v1  }
0xb1: {  	v11 =	vld [tilespmem:s16+$0xFFFFFFC0];
	v6 =	vmul.f32 v6, v1;
	[tilespmem:s16+$0xFFFFFF50] =	vst v5  }
0xb2: {  	v5 =	vmul.f32 v7, v3;
	v7 =	vld [tilespmem:s16+$0xFFFFFFD0];
	[tilespmem:s16+$0xFFFFFF60] =	vst v4  }
0xb3: {  	s25 =	simm.s32 $0x3;
	v4 =	vld [tilespmem:s16+$0xFFFFFFE0];
	v8 =	vmul.f32 v8, v3;
	[tilespmem:s16+$0xFFFFFF70] =	vst v6  }
0xb4: {  	v12 =	vmov s25;
	v6 =	vld [tilespmem:s16+$0xFFFFFFF0];
	[tilespmem:s16+$0xFFFFFF80] =	vst v5;
	v5 =	vmul.f32 v9, v3  }
0xb5: {  	v9 =	vld [tilespmem:s16+$0x0];
	[tilespmem:s16+$0xFFFFFF90] =	vst v8;
	v8 =	vmul.f32 v10, v3  }
0xb6: {  	v10 =	vld [tilespmem:s16+$0x10];
	[tilespmem:s16+$0xFFFFFFA0] =	vst v5;
	v5 =	vmul.f32 v11, v3  }
0xb7: {  	[tilespmem:s16+$0xFFFFFFB0] =	vst v8;
	v7 =	vmul.f32 v7, v3;
	v8 =	vld [tilespmem:s16+$0x20]  }
0xb8: {  	v11 =	vld [tilespmem:s16+$0x30];
	v4 =	vmul.f32 v4, v3;
	[tilespmem:s16+$0xFFFFFFC0] =	vst v5  }
0xb9: {  	v1 =	vld.idx.msk [tilespmem:v12+s29+$0x0], $0xffff;
	v3 =	vmul.f32 v6, v3;
	[tilespmem:s16+$0xFFFFFFD0] =	vst v7  }
0xba: {  	[tilespmem:s16+$0xFFFFFFE0] =	vst v4;
	v5 =	vmul.f32 v9, v2;
	v4 =	vld [tilespmem:s16+$0x50]  }
0xbb: {  	s26 =	simm.s32 $0x4;
	[tilespmem:s16+$0xFFFFFFF0] =	vst v3;
	v6 =	vmul.f32 v10, v2;
	v3 =	vld [tilespmem:s16+$0x60]  }
0xbc: {  	s28 =	simm.s32 $0x7;
	v7 =	vmov s26;
	[tilespmem:s16+$0x0] =	vst v5;
	v9 =	vmul.f32 v8, v2;
	v8 =	vld [tilespmem:s16+$0x80]  }
0xbd: {  	s23 =	simm.s32 $0x5;
	v12 =	vand.u32 $0xFFFFFFFC, v7;
	v7 =	vld [tilespmem:s16+$0x90];
	v5 =	vmov s28;
	v10 =	vmul.f32 v11, v2;
	[tilespmem:s16+$0x10] =	vst v6  }
0xbe: {  	s10 =	simm.s32 $0x8;
	s25 =	simm.s32 $0x700;
	s26 =	simm.s32 $0x6;
	v11 =	vmul.f32 v13, v2;
	v6 =	vbroadcast v12, $0x0;
	v12 =	vmov s23;
	[tilespmem:s16+$0x20] =	vst v9;
	v9 =	vld [tilespmem:s16+$0xA0]  }
.LBB2_5:
0xbf: {  	p0 =	slt.u32 s10, $0x3C;
	v12 =	vand.u32 $0xFFFFFFFD, v12;
	v13 =	vmov s26;
	[tilespmem:s16+$0x30] =	vst v10;
	v4 =	vmul.f32 v4, v2;
	v10 =	vld [tilespmem:s16+$0xB0]  }
0xc0: {  	v12 =	vbroadcast v12, $0x0;
	v13 =	vand.u32 $0xFFFFFFFE, v13;
	[tilespmem:s16+$0x40] =	vst v11;
	v2 =	vmul.f32 v3, v2;
	v3 =	vld [tilespmem:s16+$0xC0]  }
0xc1: {  	v11 =	vbroadcast v13, $0x0;
	[tilespmem:s16+$0x50] =	vst v4;
	v4 =	vmul.f32 v8, v1;
	v8 =	vld [tilespmem:s16+$0xD0]  }
0xc2: {  	[tilespmem:s16+$0x60] =	vst v2;
	v2 =	vmul.f32 v7, v1;
	v7 =	vld [tilespmem:s16+$0xE0]  }
0xc3: {  	[tilespmem:s16+$0x80] =	vst v4;
	v4 =	vmul.f32 v9, v1;
	v9 =	vld [tilespmem:s16+$0xF0]  }
0xc4: {  	v5 =	vld.idx.msk [tilespmem:v5+s29+$0x0], $0xffff;
	[tilespmem:s16+$0x90] =	vst v2;
	v2 =	vmul.f32 v10, v1  }
0xc5: {  	v6 =	vld.idx.msk [tilespmem:v6+s29+$0x0], $0xffff;
	[tilespmem:s16+$0xA0] =	vst v4;
	v3 =	vmul.f32 v3, v1  }
0xc6: {  	v4 =	vld.idx.msk [tilespmem:v12+s29+$0x0], $0xffff;
	[tilespmem:s16+$0xB0] =	vst v2;
	v8 =	vmul.f32 v8, v1  }
0xc7: {  	s16 =	sadd.s32 $0x200, s16;
	v2 =	vld.idx.msk [tilespmem:v11+s29+$0x0], $0xffff;
	[tilespmem:s25+$0xC0] =	vst v3;
	v3 =	vmul.f32 v7, v1  }
0xc8: {  	v7 =	vld [tilespmem:s16+$0x70];
	[tilespmem:s25+$0xD0] =	vst v8;
	v9 =	vmul.f32 v9, v1  }
0xc9: {  	v8 =	vld [tilespmem:s16+$0xFFFFFF00];
	[tilespmem:s25+$0xE0] =	vst v3  }
0xca: {  	v1 =	vmov v5;
	v3 =	vld [tilespmem:s16+$0xFFFFFF10];
	[tilespmem:s25+$0xF0] =	vst v9;
	s25 =	smov.u32 s16  }
0xcb: {  	v5 =	vld [tilespmem:s16+$0xFFFFFF20]  }
0xcc: {  	v9 =	vld [tilespmem:s16+$0xFFFFFF30]  }
0xcd: {  	v10 =	vld [tilespmem:s16+$0xFFFFFF40];
	v7 =	vmul.f32 v7, v2  }
0xce: {  	v8 =	vmul.f32 v8, v6;
	v11 =	vld [tilespmem:s16+$0xFFFFFF50]  }
0xcf: {  	v3 =	vmul.f32 v3, v6;
	v12 =	vld [tilespmem:s16+$0xFFFFFF60];
	[tilespmem:s16+$0x70] =	vst v7  }
0xd0: {  	[tilespmem:s16+$0xFFFFFF00] =	vst v8;
	v5 =	vmul.f32 v5, v6;
	v7 =	vld [tilespmem:s16+$0xFFFFFF70]  }
0xd1: {  	[tilespmem:s16+$0xFFFFFF10] =	vst v3;
	v3 =	vmul.f32 v9, v6;
	v8 =	vld [tilespmem:s16+$0xFFFFFF80]  }
0xd2: {  	[tilespmem:s16+$0xFFFFFF20] =	vst v5;
	v5 =	vmul.f32 v10, v6;
	v9 =	vld [tilespmem:s16+$0xFFFFFF90]  }
0xd3: {  	[tilespmem:s16+$0xFFFFFF30] =	vst v3;
	v3 =	vmul.f32 v11, v6;
	v10 =	vld [tilespmem:s16+$0xFFFFFFA0]  }
0xd4: {  	[tilespmem:s16+$0xFFFFFF40] =	vst v5;
	v5 =	vmul.f32 v12, v6;
	v11 =	vld [tilespmem:s16+$0xFFFFFFB0]  }
0xd5: {  	[tilespmem:s16+$0xFFFFFF50] =	vst v3;
	v3 =	vmul.f32 v7, v6;
	v6 =	vld [tilespmem:s16+$0xFFFFFFC0]  }
0xd6: {  	[tilespmem:s16+$0xFFFFFF60] =	vst v5;
	v5 =	vmul.f32 v8, v4;
	v7 =	vld [tilespmem:s16+$0xFFFFFFD0]  }
0xd7: {  	[tilespmem:s16+$0xFFFFFF70] =	vst v3;
	v3 =	vmul.f32 v9, v4;
	v8 =	vld [tilespmem:s16+$0xFFFFFFE0]  }
0xd8: {  	[tilespmem:s16+$0xFFFFFF80] =	vst v5;
	v5 =	vmul.f32 v10, v4;
	v9 =	vld [tilespmem:s16+$0xFFFFFFF0]  }
0xd9: {  	[tilespmem:s16+$0xFFFFFF90] =	vst v3;
	v3 =	vmul.f32 v11, v4;
	v10 =	vld [tilespmem:s16+$0x0]  }
0xda: {  	[tilespmem:s16+$0xFFFFFFA0] =	vst v5;
	v5 =	vmul.f32 v6, v4;
	v6 =	vld [tilespmem:s16+$0x10]  }
0xdb: {  	[tilespmem:s16+$0xFFFFFFB0] =	vst v3;
	v3 =	vmul.f32 v7, v4;
	v7 =	vld [tilespmem:s16+$0x20]  }
0xdc: {  	[tilespmem:s16+$0xFFFFFFC0] =	vst v5;
	v5 =	vmul.f32 v8, v4;
	v11 =	vld [tilespmem:s16+$0x30]  }
0xdd: {  	[tilespmem:s16+$0xFFFFFFD0] =	vst v3;
	v3 =	vmul.f32 v9, v4;
	v9 =	vld [tilespmem:s16+$0x40]  }
.Ltmp1:
0xde: {  	[tilespmem:s16+$0xFFFFFFE0] =	vst v5;
	v5 =	vmul.f32 v10, v2;
	v4 =	vld [tilespmem:s16+$0x50];
	(pc) =	sbr.rel @p0 .LBB2_5-.Ltmp1, $4  }
0xdf: {  	[tilespmem:s16+$0xFFFFFFF0] =	vst v3;
	v6 =	vmul.f32 v6, v2;
	v3 =	vld [tilespmem:s16+$0x60]  }
0xe0: {  	s23 =	sadd.s32 $0x3, s10;
	v10 =	vmov s10;
	[tilespmem:s16+$0x0] =	vst v5;
	v13 =	vmul.f32 v7, v2;
	v8 =	vld [tilespmem:s16+$0x80]  }
0xe1: {  	s26 =	sadd.s32 $0x1, s10;
	v12 =	vand.u32 $0xFFFFFFFC, v10;
	v5 =	vmov s23;
	[tilespmem:s16+$0x10] =	vst v6;
	v10 =	vmul.f32 v11, v2;
	v7 =	vld [tilespmem:s16+$0x90]  }
0xe2: {  	v6 =	vbroadcast v12, $0x0;
	v12 =	vmov s26;
	s26 =	sadd.s32 $0x2, s10;
	s10 =	sadd.s32 $0x4, s10;
	[tilespmem:s16+$0x20] =	vst v13;
	v11 =	vmul.f32 v9, v2;
	v9 =	vld [tilespmem:s16+$0xA0]  }
0xe3: {  	v13 =	vld [tilespmem:s16+$0xB0]  }
0xe4: {  	v15 =	vld [tilespmem:s16+$0xC0]  }
0xe5: {  	v14 =	vmov s26;
	v16 =	vld [tilespmem:s16+$0xD0]  }
0xe6: {  	v17 =	vld [tilespmem:s16+$0xE0];
	[tilespmem:s16+$0x30] =	vst v10;
	v4 =	vmul.f32 v4, v2;
	v14 =	vand.u32 $0xFFFFFFFE, v14  }
0xe7: {  	v12 =	vand.u32 $0xFFFFFFFD, v12;
	v5 =	vld.idx.msk [tilespmem:v5+s29+$0x0], $0xffff;
	[tilespmem:s16+$0x40] =	vst v11;
	v2 =	vmul.f32 v3, v2;
	v14 =	vbroadcast v14, $0x0  }
0xe8: {  	s10 =	sadd.s32 $0x200, s16;
	v12 =	vbroadcast v12, $0x0;
	v3 =	vld.idx.msk [tilespmem:v6+s29+$0x0], $0xffff;
	v8 =	vmul.f32 v8, v1;
	[tilespmem:s16+$0x50] =	vst v4  }
0xe9: {  	v10 =	vld [tilespmem:s10+$0xFFFFFF00];
	v4 =	vmul.f32 v7, v1;
	[tilespmem:s16+$0x60] =	vst v2  }
0xea: {  	[tilespmem:s16+$0x80] =	vst v8;
	v8 =	vld [tilespmem:s16+$0xF0];
	v2 =	vmul.f32 v9, v1  }
0xeb: {  	v11 =	vld [tilespmem:s10+$0xFFFFFF10];
	[tilespmem:s16+$0x90] =	vst v4;
	v4 =	vmul.f32 v13, v1  }
0xec: {  	v9 =	vld [tilespmem:s10+$0x70];
	[tilespmem:s16+$0xA0] =	vst v2;
	v2 =	vmul.f32 v15, v1  }
0xed: {  	[tilespmem:s16+$0xB0] =	vst v4;
	v4 =	vmul.f32 v16, v1;
	v7 =	vld.idx.msk [tilespmem:v14+s29+$0x0], $0xffff  }
0xee: {  	v6 =	vld.idx.msk [tilespmem:v12+s29+$0x0], $0xffff;
	[tilespmem:s25+$0xC0] =	vst v2;
	v2 =	vmul.f32 v17, v1  }
0xef: {  	v12 =	vld [tilespmem:s10+$0xFFFFFF20];
	[tilespmem:s25+$0xD0] =	vst v4;
	v1 =	vmul.f32 v8, v1  }
0xf0: {  	v4 =	vld [tilespmem:s10+$0xFFFFFF30];
	[tilespmem:s25+$0xE0] =	vst v2  }
0xf1: {  	v2 =	vld [tilespmem:s10+$0xFFFFFF40];
	[tilespmem:s25+$0xF0] =	vst v1;
	v1 =	vmul.f32 v10, v3  }
0xf2: {  	v8 =	vmul.f32 v9, v7;
	v9 =	vld [tilespmem:s10+$0xFFFFFF50]  }
0xf3: {  	v10 =	vmul.f32 v11, v3;
	v11 =	vld [tilespmem:s10+$0xFFFFFF60];
	[tilespmem:s10+$0xFFFFFF00] =	vst v1  }
0xf4: {  	v1 =	vmul.f32 v12, v3;
	[tilespmem:s10+$0x70] =	vst v8;
	v8 =	vld [tilespmem:s10+$0xFFFFFF70]  }
0xf5: {  	[tilespmem:s10+$0xFFFFFF10] =	vst v10;
	v10 =	vld [tilespmem:s10+$0xFFFFFF80];
	v4 =	vmul.f32 v4, v3  }
0xf6: {  	[tilespmem:s10+$0xFFFFFF20] =	vst v1;
	v1 =	vmul.f32 v2, v3;
	v2 =	vld [tilespmem:s10+$0xFFFFFF90]  }
0xf7: {  	[tilespmem:s10+$0xFFFFFF30] =	vst v4;
	v4 =	vmul.f32 v9, v3;
	v9 =	vld [tilespmem:s10+$0xFFFFFFA0]  }
0xf8: {  	[tilespmem:s10+$0xFFFFFF40] =	vst v1;
	v1 =	vmul.f32 v11, v3;
	v11 =	vld [tilespmem:s10+$0xFFFFFFB0]  }
0xf9: {  	[tilespmem:s10+$0xFFFFFF50] =	vst v4;
	v3 =	vmul.f32 v8, v3;
	v4 =	vld [tilespmem:s10+$0xFFFFFFC0]  }
0xfa: {  	[tilespmem:s10+$0xFFFFFF60] =	vst v1;
	v1 =	vmul.f32 v10, v6;
	v8 =	vld [tilespmem:s10+$0xFFFFFFD0]  }
0xfb: {  	v2 =	vmul.f32 v2, v6;
	[tilespmem:s10+$0xFFFFFF70] =	vst v3;
	v3 =	vld [tilespmem:s10+$0xFFFFFFE0]  }
0xfc: {  	[tilespmem:s10+$0xFFFFFF80] =	vst v1;
	v1 =	vmul.f32 v9, v6;
	v9 =	vld [tilespmem:s10+$0xFFFFFFF0]  }
0xfd: {  	v10 =	vld [tilespmem:s10+$0x0];
	[tilespmem:s10+$0xFFFFFF90] =	vst v2;
	v2 =	vmul.f32 v11, v6  }
0xfe: {  	[tilespmem:s10+$0xFFFFFFA0] =	vst v1;
	v1 =	vmul.f32 v4, v6;
	v4 =	vld [tilespmem:s10+$0x10]  }
0xff: {  	[tilespmem:s10+$0xFFFFFFB0] =	vst v2;
	v2 =	vmul.f32 v8, v6;
	v8 =	vld [tilespmem:s10+$0x20]  }
0x100: {  	[tilespmem:s10+$0xFFFFFFC0] =	vst v1;
	v1 =	vmul.f32 v3, v6;
	v3 =	vld [tilespmem:s10+$0x30]  }
0x101: {  	[tilespmem:s10+$0xFFFFFFD0] =	vst v2;
	v2 =	vmul.f32 v9, v6;
	v6 =	vld [tilespmem:s10+$0x40]  }
0x102: {  	v9 =	vld [tilespmem:s10+$0x50];
	[tilespmem:s10+$0xFFFFFFE0] =	vst v1;
	v1 =	vmul.f32 v10, v7  }
0x103: {  	[tilespmem:s10+$0xFFFFFFF0] =	vst v2;
	v2 =	vmul.f32 v4, v7;
	v4 =	vld [tilespmem:s10+$0x60]  }
0x104: {  	[tilespmem:s10+$0x0] =	vst v1;
	v1 =	vmul.f32 v8, v7;
	v8 =	vld [tilespmem:s10+$0x80]  }
0x105: {  	[tilespmem:s10+$0x10] =	vst v2;
	v2 =	vmul.f32 v3, v7;
	v3 =	vld [tilespmem:s10+$0x90]  }
0x106: {  	[tilespmem:s10+$0x20] =	vst v1;
	v1 =	vmul.f32 v6, v7;
	v6 =	vld [tilespmem:s10+$0xA0]  }
0x107: {  	[tilespmem:s10+$0x30] =	vst v2;
	v2 =	vmul.f32 v9, v7;
	v9 =	vld [tilespmem:s10+$0xB0]  }
0x108: {  	[tilespmem:s10+$0x40] =	vst v1;
	v1 =	vmul.f32 v4, v7;
	v4 =	vld [tilespmem:s10+$0xC0]  }
0x109: {  	v7 =	vld [tilespmem:s10+$0xD0];
	[tilespmem:s10+$0x50] =	vst v2;
	v2 =	vmul.f32 v8, v5  }
0x10a: {  	[tilespmem:s10+$0x60] =	vst v1;
	v1 =	vmul.f32 v3, v5;
	v3 =	vld [tilespmem:s10+$0xE0]  }
0x10b: {  	[tilespmem:s10+$0x80] =	vst v2;
	v2 =	vmul.f32 v6, v5;
	v6 =	vld [tilespmem:s10+$0xF0]  }
0x10c: {  	[tilespmem:s10+$0x90] =	vst v1;
	v1 =	vmul.f32 v9, v5  }
0x10d: {  	[tilespmem:s10+$0xA0] =	vst v2;
	v2 =	vmul.f32 v4, v5  }
0x10e: {  	[tilespmem:s10+$0xB0] =	vst v1;
	v1 =	vmul.f32 v7, v5  }
0x10f: {  	[tilespmem:s10+$0xC0] =	vst v2;
	v2 =	vmul.f32 v3, v5  }
0x110: {  	[tilespmem:s10+$0xD0] =	vst v1;
	v1 =	vmul.f32 v6, v5  }
0x111: {  	p0 =	seq.s32 s22, $0x0;
	[tilespmem:s10+$0xE0] =	vst v2  }
0x112: {  	[tilespmem:s10+$0xF0] =	vst v1;
	s10 =	simm.s32 @!p0 $0x8  }
0x113: {  	_ =	swait.ge @!p0 [sflag:s10], $0x2000  }
0x114: {  	s16 =	sshll.u32 @!p0 s22, $0x8;
	s17 =	rddreg [dreg:$0x9]  }
0x115: {  	[sflag:s10] =	ssyncset.done @!p0 $0x0;
	s16 =	sadd.s32 @!p0 s16, s17  }
0x116: {  	[sflag:s10] =	ssyncadd.s32 @!p0 $0xFFFFE000;
	s10 =	sshrl.u32 @!p0 s16, $0x3  }
0x117: {  	s23 =	simm.s32 @!p0 $0x380;
	s16 =	simm.s32 @!p0 $0x0;
	s10 =	sadd.s32 @!p0 s6, s10  }
0x118: {  	[tilespmem:s23], [sflag:$0x10] =	stream.linear.gather @!p0 [hbm4b:s10+s16], $0x40, $0x38;
	[tilespmem:$0x1C600] =	vst v63  }
0x119: {  	s23 =	sshll.u32 s22, $0x2  }
0x11a: {  	p0 =	seq.s32 s22, $0x27;
	_ =	swait.ge [sflag:s24], $0x40;
	s10 =	sadd.s32 $0x4, s23  }
0x11b: {  	[sflag:s24] =	ssyncset.done $0x0;
	s10 =	sshll.u32 @!p0 s10, $0x6  }
0x11c: {  	[sflag:s24] =	ssyncadd.s32 $0xFFFFFFC0;
	s10 =	sadd.s32 @!p0 s9, s10  }
0x11d: {  	_ =	swait.ge [sflag:s24], $0x40;
	s16 =	sshll.u32 @!p0 s10, $0x1  }
0x11e: {  	s26 =	simm.s32 $0x6600;
	[sflag:s24] =	ssyncset.done $0x0;
	s16 =	sor.u32 @!p0 s8, s16  }
0x11f: {  	s25 =	simm.s32 $0x180;
	[sflag:s24] =	ssyncadd.s32 $0xFFFFFFC0;
	s16 =	sshrl.u32 @!p0 s16, $0x3  }
0x120: {  	[tilespmem:s26], [sflag:$0x4] =	stream.indirect.gather [hbm4b:s2+s18], $0x80, s25, s18, $0xb8;
	[tilespmem:$0x1C600] =	vst v63  }
0x121: {  	s23 =	simm.s32 @!p0 $0x0;
	s16 =	sadd.s32 @!p0 s5, s16  }
0x122: {  	[tilespmem:s23], [sflag:$0x9] =	stream.linear.gather @!p0 [hbm4b:s16+s23], $0x40, $0x38;
	[tilespmem:$0x1C600] =	vst v63  }
0x123: {  	s16 =	sshrl.u32 @!p0 s10, $0x3  }
0x124: {  	s17 =	simm.s32 $0x0;
	s25 =	simm.s32 @!p0 $0x400;
	s10 =	sadd.s32 @!p0 s7, s16  }
0x125: {  	[tilespmem:s25], [sflag:$0x9] =	stream.linear.gather @!p0 [hbm4b:s10+s23], $0x40, $0x38;
	[tilespmem:$0x1C600] =	vst v63  }
0x126: {  	v1 =	vmov s17;
	s25 =	simm.s32 $0xD  }
0x127: {  	v1 =	vand.u32 $0xFFFFFFFC, v1;
	_ =	swait.ge [sflag:s25], $0x40  }
0x128: {  	s17 =	simm.s32 $0x2;
	v1 =	vbroadcast v1, $0x0;
	[sflag:s25] =	ssyncset.done $0x0  }
0x129: {  	s26 =	simm.s32 $0x600;
	s23 =	simm.s32 $0x2;
	[sflag:s25] =	ssyncadd.s32 $0xFFFFFFC0  }
0x12a: {  	[spmem:s3] =	stream.indirect.scatter.add.f32 [tilespmem:s26], [sflag:$0x5], $0x80, s19, s18, $0xb8;
	[tilespmem:$0x1C600] =	vst v63  }
0x12b: {  	v2 =	vmov s23;
	_ =	swait.ge [sflag:s17], $0x2000  }
0x12c: {  	v2 =	vand.u32 $0xFFFFFFFE, v2;
	[sflag:s17] =	ssyncset.done $0x0  }
0x12d: {  	v2 =	vbroadcast v2, $0x0;
	[sflag:s17] =	ssyncadd.s32 $0xFFFFE000  }
0x12e: {  	s25 =	simm.s32 $0x2700;
	v1 =	vld.idx.msk [tilespmem:v1+s31+$0x0], $0xffff  }
0x12f: {  	v4 =	vld [tilespmem:s25+$0x70]  }
0x130: {  	s23 =	simm.s32 $0x1;
	v5 =	vld [tilespmem:s25+$0xFFFFFF00]  }
0x131: {  	v3 =	vmov s23;
	v6 =	vld [tilespmem:s25+$0xFFFFFF10]  }
0x132: {  	v3 =	vand.u32 $0xFFFFFFFD, v3;
	v7 =	vld [tilespmem:s25+$0xFFFFFF20]  }
0x133: {  	v3 =	vbroadcast v3, $0x0;
	v2 =	vld.idx.msk [tilespmem:v2+s31+$0x0], $0xffff  }
0x134: {  	v8 =	vld [tilespmem:s25+$0xFFFFFF30]  }
0x135: {  	v9 =	vld [tilespmem:s25+$0xFFFFFF40]  }
0x136: {  	v10 =	vld [tilespmem:s25+$0xFFFFFF50]  }
0x137: {  	v11 =	vld [tilespmem:s25+$0xFFFFFF60];
	v5 =	vmul.f32 v5, v1  }
0x138: {  	v13 =	vld [tilespmem:s25+$0x40];
	v4 =	vmul.f32 v4, v2  }
0x139: {  	v3 =	vld.idx.msk [tilespmem:v3+s31+$0x0], $0xffff;
	[tilespmem:s25+$0xFFFFFF00] =	vst v5;
	v5 =	vmul.f32 v6, v1  }
0x13a: {  	v6 =	vld [tilespmem:s25+$0xFFFFFF70];
	[tilespmem:s25+$0x70] =	vst v4;
	v4 =	vmul.f32 v7, v1  }
0x13b: {  	v7 =	vld [tilespmem:s25+$0xFFFFFF80];
	[tilespmem:s25+$0xFFFFFF10] =	vst v5;
	v5 =	vmul.f32 v8, v1  }
0x13c: {  	v8 =	vld [tilespmem:s25+$0xFFFFFF90];
	[tilespmem:s25+$0xFFFFFF20] =	vst v4;
	v4 =	vmul.f32 v9, v1  }
0x13d: {  	v9 =	vld [tilespmem:s25+$0xFFFFFFA0];
	[tilespmem:s25+$0xFFFFFF30] =	vst v5;
	v5 =	vmul.f32 v10, v1  }
0x13e: {  	v10 =	vld [tilespmem:s25+$0xFFFFFFB0];
	[tilespmem:s25+$0xFFFFFF40] =	vst v4;
	v4 =	vmul.f32 v11, v1  }
0x13f: {  	v11 =	vld [tilespmem:s25+$0xFFFFFFC0];
	v6 =	vmul.f32 v6, v1;
	[tilespmem:s25+$0xFFFFFF50] =	vst v5  }
0x140: {  	v5 =	vmul.f32 v7, v3;
	v7 =	vld [tilespmem:s25+$0xFFFFFFD0];
	[tilespmem:s25+$0xFFFFFF60] =	vst v4  }
0x141: {  	s26 =	simm.s32 $0x3;
	v4 =	vld [tilespmem:s25+$0xFFFFFFE0];
	v8 =	vmul.f32 v8, v3;
	[tilespmem:s25+$0xFFFFFF70] =	vst v6  }
0x142: {  	v12 =	vmov s26;
	v6 =	vld [tilespmem:s25+$0xFFFFFFF0];
	[tilespmem:s25+$0xFFFFFF80] =	vst v5;
	v5 =	vmul.f32 v9, v3  }
0x143: {  	v9 =	vld [tilespmem:s25+$0x0];
	[tilespmem:s25+$0xFFFFFF90] =	vst v8;
	v8 =	vmul.f32 v10, v3  }
0x144: {  	v10 =	vld [tilespmem:s25+$0x10];
	[tilespmem:s25+$0xFFFFFFA0] =	vst v5;
	v5 =	vmul.f32 v11, v3  }
0x145: {  	[tilespmem:s25+$0xFFFFFFB0] =	vst v8;
	v7 =	vmul.f32 v7, v3;
	v8 =	vld [tilespmem:s25+$0x20]  }
0x146: {  	v11 =	vld [tilespmem:s25+$0x30];
	[tilespmem:s25+$0xFFFFFFC0] =	vst v5;
	v4 =	vmul.f32 v4, v3  }
0x147: {  	v1 =	vld.idx.msk [tilespmem:v12+s31+$0x0], $0xffff;
	v3 =	vmul.f32 v6, v3;
	[tilespmem:s25+$0xFFFFFFD0] =	vst v7  }
0x148: {  	v5 =	vmul.f32 v9, v2;
	[tilespmem:s25+$0xFFFFFFE0] =	vst v4;
	v4 =	vld [tilespmem:s25+$0x50]  }
0x149: {  	s17 =	simm.s32 $0x4;
	[tilespmem:s25+$0xFFFFFFF0] =	vst v3;
	v6 =	vmul.f32 v10, v2;
	v3 =	vld [tilespmem:s25+$0x60]  }
0x14a: {  	s23 =	simm.s32 $0x7;
	v7 =	vmov s17;
	[tilespmem:s25+$0x0] =	vst v5;
	v9 =	vmul.f32 v8, v2;
	v8 =	vld [tilespmem:s25+$0x80]  }
0x14b: {  	s26 =	simm.s32 $0x5;
	v12 =	vand.u32 $0xFFFFFFFC, v7;
	v7 =	vld [tilespmem:s25+$0x90];
	v5 =	vmov s23;
	v10 =	vmul.f32 v11, v2;
	[tilespmem:s25+$0x10] =	vst v6  }
0x14c: {  	s28 =	simm.s32 $0x6;
	s10 =	simm.s32 $0x8;
	v11 =	vmul.f32 v13, v2;
	v6 =	vbroadcast v12, $0x0;
	v12 =	vmov s26;
	s26 =	simm.s32 $0x2700;
	[tilespmem:s25+$0x20] =	vst v9;
	v9 =	vld [tilespmem:s25+$0xA0]  }
.LBB2_7:
0x14d: {  	p1 =	slt.u32 s10, $0x3C;
	v12 =	vand.u32 $0xFFFFFFFD, v12;
	v13 =	vmov s28;
	[tilespmem:s25+$0x30] =	vst v10;
	v4 =	vmul.f32 v4, v2;
	v10 =	vld [tilespmem:s25+$0xB0]  }
0x14e: {  	v12 =	vbroadcast v12, $0x0;
	v13 =	vand.u32 $0xFFFFFFFE, v13;
	[tilespmem:s25+$0x40] =	vst v11;
	v2 =	vmul.f32 v3, v2;
	v3 =	vld [tilespmem:s25+$0xC0]  }
0x14f: {  	v11 =	vbroadcast v13, $0x0;
	[tilespmem:s25+$0x50] =	vst v4;
	v4 =	vmul.f32 v8, v1;
	v8 =	vld [tilespmem:s25+$0xD0]  }
0x150: {  	[tilespmem:s25+$0x60] =	vst v2;
	v2 =	vmul.f32 v7, v1;
	v7 =	vld [tilespmem:s25+$0xE0]  }
0x151: {  	[tilespmem:s25+$0x80] =	vst v4;
	v4 =	vmul.f32 v9, v1;
	v9 =	vld [tilespmem:s25+$0xF0]  }
0x152: {  	v5 =	vld.idx.msk [tilespmem:v5+s31+$0x0], $0xffff;
	[tilespmem:s25+$0x90] =	vst v2;
	v2 =	vmul.f32 v10, v1  }
0x153: {  	v6 =	vld.idx.msk [tilespmem:v6+s31+$0x0], $0xffff;
	[tilespmem:s25+$0xA0] =	vst v4;
	v3 =	vmul.f32 v3, v1  }
0x154: {  	v4 =	vld.idx.msk [tilespmem:v12+s31+$0x0], $0xffff;
	[tilespmem:s25+$0xB0] =	vst v2;
	v8 =	vmul.f32 v8, v1  }
0x155: {  	s25 =	sadd.s32 $0x200, s25;
	v2 =	vld.idx.msk [tilespmem:v11+s31+$0x0], $0xffff;
	[tilespmem:s26+$0xC0] =	vst v3;
	v3 =	vmul.f32 v7, v1  }
0x156: {  	v7 =	vld [tilespmem:s25+$0x70];
	[tilespmem:s26+$0xD0] =	vst v8;
	v9 =	vmul.f32 v9, v1  }
0x157: {  	v8 =	vld [tilespmem:s25+$0xFFFFFF00];
	[tilespmem:s26+$0xE0] =	vst v3  }
0x158: {  	v1 =	vmov v5;
	v3 =	vld [tilespmem:s25+$0xFFFFFF10];
	[tilespmem:s26+$0xF0] =	vst v9;
	s26 =	smov.u32 s25  }
0x159: {  	v5 =	vld [tilespmem:s25+$0xFFFFFF20]  }
0x15a: {  	v9 =	vld [tilespmem:s25+$0xFFFFFF30]  }
0x15b: {  	v10 =	vld [tilespmem:s25+$0xFFFFFF40];
	v7 =	vmul.f32 v7, v2  }
0x15c: {  	v8 =	vmul.f32 v8, v6;
	v11 =	vld [tilespmem:s25+$0xFFFFFF50]  }
0x15d: {  	v3 =	vmul.f32 v3, v6;
	v12 =	vld [tilespmem:s25+$0xFFFFFF60];
	[tilespmem:s25+$0x70] =	vst v7  }
0x15e: {  	[tilespmem:s25+$0xFFFFFF00] =	vst v8;
	v5 =	vmul.f32 v5, v6;
	v7 =	vld [tilespmem:s25+$0xFFFFFF70]  }
0x15f: {  	[tilespmem:s25+$0xFFFFFF10] =	vst v3;
	v3 =	vmul.f32 v9, v6;
	v8 =	vld [tilespmem:s25+$0xFFFFFF80]  }
0x160: {  	[tilespmem:s25+$0xFFFFFF20] =	vst v5;
	v5 =	vmul.f32 v10, v6;
	v9 =	vld [tilespmem:s25+$0xFFFFFF90]  }
0x161: {  	[tilespmem:s25+$0xFFFFFF30] =	vst v3;
	v3 =	vmul.f32 v11, v6;
	v10 =	vld [tilespmem:s25+$0xFFFFFFA0]  }
0x162: {  	[tilespmem:s25+$0xFFFFFF40] =	vst v5;
	v5 =	vmul.f32 v12, v6;
	v11 =	vld [tilespmem:s25+$0xFFFFFFB0]  }
0x163: {  	[tilespmem:s25+$0xFFFFFF50] =	vst v3;
	v3 =	vmul.f32 v7, v6;
	v6 =	vld [tilespmem:s25+$0xFFFFFFC0]  }
0x164: {  	[tilespmem:s25+$0xFFFFFF60] =	vst v5;
	v5 =	vmul.f32 v8, v4;
	v7 =	vld [tilespmem:s25+$0xFFFFFFD0]  }
0x165: {  	[tilespmem:s25+$0xFFFFFF70] =	vst v3;
	v3 =	vmul.f32 v9, v4;
	v8 =	vld [tilespmem:s25+$0xFFFFFFE0]  }
0x166: {  	[tilespmem:s25+$0xFFFFFF80] =	vst v5;
	v5 =	vmul.f32 v10, v4;
	v9 =	vld [tilespmem:s25+$0xFFFFFFF0]  }
0x167: {  	[tilespmem:s25+$0xFFFFFF90] =	vst v3;
	v3 =	vmul.f32 v11, v4;
	v10 =	vld [tilespmem:s25+$0x0]  }
0x168: {  	[tilespmem:s25+$0xFFFFFFA0] =	vst v5;
	v5 =	vmul.f32 v6, v4;
	v6 =	vld [tilespmem:s25+$0x10]  }
0x169: {  	[tilespmem:s25+$0xFFFFFFB0] =	vst v3;
	v3 =	vmul.f32 v7, v4;
	v7 =	vld [tilespmem:s25+$0x20]  }
0x16a: {  	[tilespmem:s25+$0xFFFFFFC0] =	vst v5;
	v5 =	vmul.f32 v8, v4;
	v11 =	vld [tilespmem:s25+$0x30]  }
0x16b: {  	[tilespmem:s25+$0xFFFFFFD0] =	vst v3;
	v3 =	vmul.f32 v9, v4;
	v9 =	vld [tilespmem:s25+$0x40]  }
.Ltmp2:
0x16c: {  	[tilespmem:s25+$0xFFFFFFE0] =	vst v5;
	v5 =	vmul.f32 v10, v2;
	v4 =	vld [tilespmem:s25+$0x50];
	(pc) =	sbr.rel @p1 .LBB2_7-.Ltmp2, $4  }
0x16d: {  	[tilespmem:s25+$0xFFFFFFF0] =	vst v3;
	v6 =	vmul.f32 v6, v2;
	v3 =	vld [tilespmem:s25+$0x60]  }
0x16e: {  	s23 =	sadd.s32 $0x3, s10;
	v10 =	vmov s10;
	[tilespmem:s25+$0x0] =	vst v5;
	v13 =	vmul.f32 v7, v2;
	v8 =	vld [tilespmem:s25+$0x80]  }
0x16f: {  	s28 =	sadd.s32 $0x1, s10;
	v12 =	vand.u32 $0xFFFFFFFC, v10;
	v5 =	vmov s23;
	[tilespmem:s25+$0x10] =	vst v6;
	v10 =	vmul.f32 v11, v2;
	v7 =	vld [tilespmem:s25+$0x90]  }
0x170: {  	v6 =	vbroadcast v12, $0x0;
	v12 =	vmov s28;
	s28 =	sadd.s32 $0x2, s10;
	s10 =	sadd.s32 $0x4, s10;
	[tilespmem:s25+$0x20] =	vst v13;
	v11 =	vmul.f32 v9, v2;
	v9 =	vld [tilespmem:s25+$0xA0]  }
0x171: {  	v13 =	vld [tilespmem:s25+$0xB0]  }
0x172: {  	v15 =	vld [tilespmem:s25+$0xC0]  }
0x173: {  	v14 =	vmov s28;
	v16 =	vld [tilespmem:s25+$0xD0]  }
0x174: {  	v17 =	vld [tilespmem:s25+$0xE0];
	[tilespmem:s25+$0x30] =	vst v10;
	v4 =	vmul.f32 v4, v2;
	v14 =	vand.u32 $0xFFFFFFFE, v14  }
0x175: {  	v12 =	vand.u32 $0xFFFFFFFD, v12;
	v5 =	vld.idx.msk [tilespmem:v5+s31+$0x0], $0xffff;
	[tilespmem:s25+$0x40] =	vst v11;
	v2 =	vmul.f32 v3, v2;
	v14 =	vbroadcast v14, $0x0  }
0x176: {  	s10 =	sadd.s32 $0x200, s25;
	v12 =	vbroadcast v12, $0x0;
	v3 =	vld.idx.msk [tilespmem:v6+s31+$0x0], $0xffff;
	v8 =	vmul.f32 v8, v1;
	[tilespmem:s25+$0x50] =	vst v4  }
0x177: {  	v10 =	vld [tilespmem:s10+$0xFFFFFF00];
	v4 =	vmul.f32 v7, v1;
	[tilespmem:s25+$0x60] =	vst v2  }
0x178: {  	[tilespmem:s25+$0x80] =	vst v8;
	v8 =	vld [tilespmem:s25+$0xF0];
	v2 =	vmul.f32 v9, v1  }
0x179: {  	v11 =	vld [tilespmem:s10+$0xFFFFFF10];
	[tilespmem:s25+$0x90] =	vst v4;
	v4 =	vmul.f32 v13, v1  }
0x17a: {  	v9 =	vld [tilespmem:s10+$0x70];
	[tilespmem:s25+$0xA0] =	vst v2;
	v2 =	vmul.f32 v15, v1  }
0x17b: {  	[tilespmem:s25+$0xB0] =	vst v4;
	v4 =	vmul.f32 v16, v1;
	v7 =	vld.idx.msk [tilespmem:v14+s31+$0x0], $0xffff  }
0x17c: {  	v6 =	vld.idx.msk [tilespmem:v12+s31+$0x0], $0xffff;
	[tilespmem:s26+$0xC0] =	vst v2;
	v2 =	vmul.f32 v17, v1  }
0x17d: {  	v12 =	vld [tilespmem:s10+$0xFFFFFF20];
	[tilespmem:s26+$0xD0] =	vst v4;
	v1 =	vmul.f32 v8, v1  }
0x17e: {  	v4 =	vld [tilespmem:s10+$0xFFFFFF30];
	[tilespmem:s26+$0xE0] =	vst v2  }
0x17f: {  	v2 =	vld [tilespmem:s10+$0xFFFFFF40];
	[tilespmem:s26+$0xF0] =	vst v1;
	v1 =	vmul.f32 v10, v3  }
0x180: {  	v8 =	vmul.f32 v9, v7;
	v9 =	vld [tilespmem:s10+$0xFFFFFF50]  }
0x181: {  	v10 =	vmul.f32 v11, v3;
	v11 =	vld [tilespmem:s10+$0xFFFFFF60];
	[tilespmem:s10+$0xFFFFFF00] =	vst v1  }
0x182: {  	v1 =	vmul.f32 v12, v3;
	[tilespmem:s10+$0x70] =	vst v8;
	v8 =	vld [tilespmem:s10+$0xFFFFFF70]  }
0x183: {  	[tilespmem:s10+$0xFFFFFF10] =	vst v10;
	v10 =	vld [tilespmem:s10+$0xFFFFFF80];
	v4 =	vmul.f32 v4, v3  }
0x184: {  	[tilespmem:s10+$0xFFFFFF20] =	vst v1;
	v1 =	vmul.f32 v2, v3;
	v2 =	vld [tilespmem:s10+$0xFFFFFF90]  }
0x185: {  	[tilespmem:s10+$0xFFFFFF30] =	vst v4;
	v4 =	vmul.f32 v9, v3;
	v9 =	vld [tilespmem:s10+$0xFFFFFFA0]  }
0x186: {  	[tilespmem:s10+$0xFFFFFF40] =	vst v1;
	v1 =	vmul.f32 v11, v3;
	v11 =	vld [tilespmem:s10+$0xFFFFFFB0]  }
0x187: {  	[tilespmem:s10+$0xFFFFFF50] =	vst v4;
	v3 =	vmul.f32 v8, v3;
	v4 =	vld [tilespmem:s10+$0xFFFFFFC0]  }
0x188: {  	[tilespmem:s10+$0xFFFFFF60] =	vst v1;
	v1 =	vmul.f32 v10, v6;
	v8 =	vld [tilespmem:s10+$0xFFFFFFD0]  }
0x189: {  	v2 =	vmul.f32 v2, v6;
	[tilespmem:s10+$0xFFFFFF70] =	vst v3;
	v3 =	vld [tilespmem:s10+$0xFFFFFFE0]  }
0x18a: {  	[tilespmem:s10+$0xFFFFFF80] =	vst v1;
	v1 =	vmul.f32 v9, v6;
	v9 =	vld [tilespmem:s10+$0xFFFFFFF0]  }
0x18b: {  	v10 =	vld [tilespmem:s10+$0x0];
	[tilespmem:s10+$0xFFFFFF90] =	vst v2;
	v2 =	vmul.f32 v11, v6  }
0x18c: {  	[tilespmem:s10+$0xFFFFFFA0] =	vst v1;
	v1 =	vmul.f32 v4, v6;
	v4 =	vld [tilespmem:s10+$0x10]  }
0x18d: {  	[tilespmem:s10+$0xFFFFFFB0] =	vst v2;
	v2 =	vmul.f32 v8, v6;
	v8 =	vld [tilespmem:s10+$0x20]  }
0x18e: {  	[tilespmem:s10+$0xFFFFFFC0] =	vst v1;
	v1 =	vmul.f32 v3, v6;
	v3 =	vld [tilespmem:s10+$0x30]  }
0x18f: {  	[tilespmem:s10+$0xFFFFFFD0] =	vst v2;
	v2 =	vmul.f32 v9, v6;
	v6 =	vld [tilespmem:s10+$0x40]  }
0x190: {  	v9 =	vld [tilespmem:s10+$0x50];
	[tilespmem:s10+$0xFFFFFFE0] =	vst v1;
	v1 =	vmul.f32 v10, v7  }
0x191: {  	[tilespmem:s10+$0xFFFFFFF0] =	vst v2;
	v2 =	vmul.f32 v4, v7;
	v4 =	vld [tilespmem:s10+$0x60]  }
0x192: {  	[tilespmem:s10+$0x0] =	vst v1;
	v1 =	vmul.f32 v8, v7;
	v8 =	vld [tilespmem:s10+$0x80]  }
0x193: {  	[tilespmem:s10+$0x10] =	vst v2;
	v2 =	vmul.f32 v3, v7;
	v3 =	vld [tilespmem:s10+$0x90]  }
0x194: {  	[tilespmem:s10+$0x20] =	vst v1;
	v1 =	vmul.f32 v6, v7;
	v6 =	vld [tilespmem:s10+$0xA0]  }
0x195: {  	[tilespmem:s10+$0x30] =	vst v2;
	v2 =	vmul.f32 v9, v7;
	v9 =	vld [tilespmem:s10+$0xB0]  }
0x196: {  	[tilespmem:s10+$0x40] =	vst v1;
	v1 =	vmul.f32 v4, v7;
	v4 =	vld [tilespmem:s10+$0xC0]  }
0x197: {  	v7 =	vld [tilespmem:s10+$0xD0];
	[tilespmem:s10+$0x50] =	vst v2;
	v2 =	vmul.f32 v8, v5  }
0x198: {  	[tilespmem:s10+$0x60] =	vst v1;
	v1 =	vmul.f32 v3, v5;
	v3 =	vld [tilespmem:s10+$0xE0]  }
0x199: {  	[tilespmem:s10+$0x80] =	vst v2;
	v2 =	vmul.f32 v6, v5;
	v6 =	vld [tilespmem:s10+$0xF0]  }
0x19a: {  	[tilespmem:s10+$0x90] =	vst v1;
	v1 =	vmul.f32 v9, v5  }
0x19b: {  	[tilespmem:s10+$0xA0] =	vst v2;
	v2 =	vmul.f32 v4, v5  }
0x19c: {  	[tilespmem:s10+$0xB0] =	vst v1;
	v1 =	vmul.f32 v7, v5  }
0x19d: {  	[tilespmem:s10+$0xC0] =	vst v2;
	v2 =	vmul.f32 v3, v5  }
0x19e: {  	[tilespmem:s10+$0xD0] =	vst v1;
	v1 =	vmul.f32 v6, v5  }
0x19f: {  	[tilespmem:s10+$0xE0] =	vst v2  }
0x1a0: {  	s26 =	simm.s32 $0x5;
	[tilespmem:s10+$0xF0] =	vst v1  }
0x1a1: {  	_ =	swait.ge [sflag:s26], $0x2000  }
0x1a2: {  	s23 =	simm.s32 @!p0 $0x0;
	[sflag:s26] =	ssyncset.done $0x0  }
0x1a3: {  	s10 =	sadd.s32 @!p0 s6, s16;
	s16 =	simm.s32 @!p0 $0x200;
	[sflag:s26] =	ssyncadd.s32 $0xFFFFE000  }
0x1a4: {  	[tilespmem:s16], [sflag:$0xD] =	stream.linear.gather @!p0 [hbm4b:s10+s23], $0x40, $0x38;
	[tilespmem:$0x1C600] =	vst v63  }
0x1a5: {  	s10 =	simm.s32 @!p0 $0x9  }
0x1a6: {  	_ =	swait.ge @!p0 [sflag:s10], $0x40  }
0x1a7: {  	[sflag:s10] =	ssyncset.done @!p0 $0x0  }
0x1a8: {  	[sflag:s10] =	ssyncadd.s32 @!p0 $0xFFFFFFC0  }
0x1a9: {  	_ =	swait.ge @!p0 [sflag:s10], $0x40  }
0x1aa: {  	[sflag:s10] =	ssyncset.done @!p0 $0x0  }
0x1ab: {  	s16 =	simm.s32 @!p0 $0x600;
	[sflag:s10] =	ssyncadd.s32 @!p0 $0xFFFFFFC0;
	s10 =	simm.s32 @!p0 $0x40  }
0x1ac: {  	[tilespmem:s16], [sflag:$0x1] =	stream.indirect.gather @!p0 [hbm4b:s2+s10], $0x80, s23, s10, $0xb8;
	[tilespmem:$0x1C600] =	vst v63  }
0x1ad: {  	s16 =	sshll.u32 @!p0 s22, $0x8  }
0x1ae: {  	s26 =	sadd.s32 @!p0 $0x140, s16  }
0x1af: {  	s10 =	sadd.s32 @!p0 s9, s26  }
0x1b0: {  	s25 =	sshll.u32 @!p0 s10, $0x1  }
0x1b1: {  	s25 =	sand.u32 @!p0 $0x7FFFFE00, s25  }
0x1b2: {  	s25 =	sor.u32 @!p0 s8, s25  }
0x1b3: {  	s25 =	sshrl.u32 @!p0 s25, $0x3  }
0x1b4: {  	s28 =	simm.s32 @!p0 $0x80;
	s10 =	sshrl.u32 @!p0 s10, $0x3;
	s25 =	sadd.s32 @!p0 s25, s12  }
0x1b5: {  	[tilespmem:s28], [sflag:$0xA] =	stream.linear.gather @!p0 [hbm4b:s25+s23], $0x40, $0x38;
	[tilespmem:$0x1C600] =	vst v63  }
0x1b6: {  	s17 =	simm.s32 $0x0;
	s10 =	sadd.s32 @!p0 s7, s10;
	s25 =	simm.s32 @!p0 $0x480  }
0x1b7: {  	v1 =	vmov s17;
	[tilespmem:s25], [sflag:$0xA] =	stream.linear.gather @!p0 [hbm4b:s10+s23], $0x40, $0x38;
	[tilespmem:$0x1C600] =	vst v63  }
0x1b8: {  	v1 =	vand.u32 $0xFFFFFFFC, v1;
	_ =	swait.ge [sflag:s4], $0x40  }
0x1b9: {  	v1 =	vbroadcast v1, $0x0;
	[sflag:s4] =	ssyncset.done $0x0  }
0x1ba: {  	s23 =	simm.s32 $0x2;
	s25 =	simm.s32 $0x2600;
	[sflag:s4] =	ssyncadd.s32 $0xFFFFFFC0  }
0x1bb: {  	[spmem:s3] =	stream.indirect.scatter.add.f32 [tilespmem:s25], [sflag:$0x6], $0x80, s21, s18, $0xb8;
	[tilespmem:$0x1C600] =	vst v63  }
0x1bc: {  	v2 =	vmov s23;
	_ =	swait.ge [sflag:s30], $0x2000  }
0x1bd: {  	v2 =	vand.u32 $0xFFFFFFFE, v2;
	[sflag:s30] =	ssyncset.done $0x0  }
0x1be: {  	v2 =	vbroadcast v2, $0x0;
	[sflag:s30] =	ssyncadd.s32 $0xFFFFE000  }
0x1bf: {  	s25 =	simm.s32 $0x4700;
	v1 =	vld.idx.msk [tilespmem:v1+s1+$0x0], $0xffff  }
0x1c0: {  	s17 =	simm.s32 $0x1;
	v4 =	vld [tilespmem:s25+$0x70]  }
0x1c1: {  	v3 =	vmov s17;
	v5 =	vld [tilespmem:s25+$0xFFFFFF00]  }
0x1c2: {  	v3 =	vand.u32 $0xFFFFFFFD, v3;
	v6 =	vld [tilespmem:s25+$0xFFFFFF10]  }
0x1c3: {  	v3 =	vbroadcast v3, $0x0;
	v7 =	vld [tilespmem:s25+$0xFFFFFF20]  }
0x1c4: {  	v2 =	vld.idx.msk [tilespmem:v2+s1+$0x0], $0xffff  }
0x1c5: {  	v8 =	vld [tilespmem:s25+$0xFFFFFF30]  }
0x1c6: {  	v9 =	vld [tilespmem:s25+$0xFFFFFF40]  }
0x1c7: {  	v10 =	vld [tilespmem:s25+$0xFFFFFF50]  }
0x1c8: {  	v11 =	vld [tilespmem:s25+$0xFFFFFF60];
	v5 =	vmul.f32 v5, v1  }
0x1c9: {  	v3 =	vld.idx.msk [tilespmem:v3+s1+$0x0], $0xffff;
	v4 =	vmul.f32 v4, v2  }
0x1ca: {  	v13 =	vld [tilespmem:s25+$0x40];
	[tilespmem:s25+$0xFFFFFF00] =	vst v5;
	v5 =	vmul.f32 v6, v1  }
0x1cb: {  	v6 =	vld [tilespmem:s25+$0xFFFFFF70];
	[tilespmem:s25+$0x70] =	vst v4;
	v4 =	vmul.f32 v7, v1  }
0x1cc: {  	v7 =	vld [tilespmem:s25+$0xFFFFFF80];
	[tilespmem:s25+$0xFFFFFF10] =	vst v5;
	v5 =	vmul.f32 v8, v1  }
0x1cd: {  	v8 =	vld [tilespmem:s25+$0xFFFFFF90];
	[tilespmem:s25+$0xFFFFFF20] =	vst v4;
	v4 =	vmul.f32 v9, v1  }
0x1ce: {  	v9 =	vld [tilespmem:s25+$0xFFFFFFA0];
	[tilespmem:s25+$0xFFFFFF30] =	vst v5;
	v5 =	vmul.f32 v10, v1  }
0x1cf: {  	v10 =	vld [tilespmem:s25+$0xFFFFFFB0];
	[tilespmem:s25+$0xFFFFFF40] =	vst v4;
	v4 =	vmul.f32 v11, v1  }
0x1d0: {  	v11 =	vld [tilespmem:s25+$0xFFFFFFC0];
	v6 =	vmul.f32 v6, v1;
	[tilespmem:s25+$0xFFFFFF50] =	vst v5  }
0x1d1: {  	v5 =	vmul.f32 v7, v3;
	v7 =	vld [tilespmem:s25+$0xFFFFFFD0];
	[tilespmem:s25+$0xFFFFFF60] =	vst v4  }
0x1d2: {  	s23 =	simm.s32 $0x3;
	v4 =	vld [tilespmem:s25+$0xFFFFFFE0];
	v8 =	vmul.f32 v8, v3;
	[tilespmem:s25+$0xFFFFFF70] =	vst v6  }
0x1d3: {  	v12 =	vmov s23;
	v6 =	vld [tilespmem:s25+$0xFFFFFFF0];
	[tilespmem:s25+$0xFFFFFF80] =	vst v5;
	v5 =	vmul.f32 v9, v3  }
0x1d4: {  	v9 =	vld [tilespmem:s25+$0x0];
	[tilespmem:s25+$0xFFFFFF90] =	vst v8;
	v8 =	vmul.f32 v10, v3  }
0x1d5: {  	v10 =	vld [tilespmem:s25+$0x10];
	[tilespmem:s25+$0xFFFFFFA0] =	vst v5;
	v5 =	vmul.f32 v11, v3  }
0x1d6: {  	[tilespmem:s25+$0xFFFFFFB0] =	vst v8;
	v7 =	vmul.f32 v7, v3;
	v8 =	vld [tilespmem:s25+$0x20]  }
0x1d7: {  	v11 =	vld [tilespmem:s25+$0x30];
	[tilespmem:s25+$0xFFFFFFC0] =	vst v5;
	v4 =	vmul.f32 v4, v3  }
0x1d8: {  	v1 =	vld.idx.msk [tilespmem:v12+s1+$0x0], $0xffff;
	v3 =	vmul.f32 v6, v3;
	[tilespmem:s25+$0xFFFFFFD0] =	vst v7  }
0x1d9: {  	v5 =	vmul.f32 v9, v2;
	[tilespmem:s25+$0xFFFFFFE0] =	vst v4;
	v4 =	vld [tilespmem:s25+$0x50]  }
0x1da: {  	s17 =	simm.s32 $0x4;
	[tilespmem:s25+$0xFFFFFFF0] =	vst v3;
	v6 =	vmul.f32 v10, v2;
	v3 =	vld [tilespmem:s25+$0x60]  }
0x1db: {  	s23 =	simm.s32 $0x7;
	v7 =	vmov s17;
	[tilespmem:s25+$0x0] =	vst v5;
	v9 =	vmul.f32 v8, v2;
	v8 =	vld [tilespmem:s25+$0x80]  }
0x1dc: {  	s26 =	simm.s32 @p0 $0x2840;
	s17 =	simm.s32 $0x5;
	v12 =	vand.u32 $0xFFFFFFFC, v7;
	v7 =	vld [tilespmem:s25+$0x90];
	v5 =	vmov s23;
	v10 =	vmul.f32 v11, v2;
	[tilespmem:s25+$0x10] =	vst v6  }
0x1dd: {  	s28 =	simm.s32 $0x8;
	s10 =	simm.s32 $0x4700;
	s23 =	simm.s32 $0x6;
	v11 =	vmul.f32 v13, v2;
	v6 =	vbroadcast v12, $0x0;
	v12 =	vmov s17;
	[tilespmem:s25+$0x20] =	vst v9;
	v9 =	vld [tilespmem:s25+$0xA0]  }
.LBB2_9:
0x1de: {  	p1 =	slt.u32 s28, $0x3C;
	v12 =	vand.u32 $0xFFFFFFFD, v12;
	v13 =	vmov s23;
	[tilespmem:s25+$0x30] =	vst v10;
	v4 =	vmul.f32 v4, v2;
	v10 =	vld [tilespmem:s25+$0xB0]  }
0x1df: {  	v12 =	vbroadcast v12, $0x0;
	v13 =	vand.u32 $0xFFFFFFFE, v13;
	[tilespmem:s25+$0x40] =	vst v11;
	v2 =	vmul.f32 v3, v2;
	v3 =	vld [tilespmem:s25+$0xC0]  }
0x1e0: {  	v11 =	vbroadcast v13, $0x0;
	[tilespmem:s25+$0x50] =	vst v4;
	v4 =	vmul.f32 v8, v1;
	v8 =	vld [tilespmem:s25+$0xD0]  }
0x1e1: {  	[tilespmem:s25+$0x60] =	vst v2;
	v2 =	vmul.f32 v7, v1;
	v7 =	vld [tilespmem:s25+$0xE0]  }
0x1e2: {  	[tilespmem:s25+$0x80] =	vst v4;
	v4 =	vmul.f32 v9, v1;
	v9 =	vld [tilespmem:s25+$0xF0]  }
0x1e3: {  	v5 =	vld.idx.msk [tilespmem:v5+s1+$0x0], $0xffff;
	[tilespmem:s25+$0x90] =	vst v2;
	v2 =	vmul.f32 v10, v1  }
0x1e4: {  	v6 =	vld.idx.msk [tilespmem:v6+s1+$0x0], $0xffff;
	[tilespmem:s25+$0xA0] =	vst v4;
	v3 =	vmul.f32 v3, v1  }
0x1e5: {  	v4 =	vld.idx.msk [tilespmem:v12+s1+$0x0], $0xffff;
	[tilespmem:s25+$0xB0] =	vst v2;
	v8 =	vmul.f32 v8, v1  }
0x1e6: {  	s25 =	sadd.s32 $0x200, s25;
	v2 =	vld.idx.msk [tilespmem:v11+s1+$0x0], $0xffff;
	[tilespmem:s10+$0xC0] =	vst v3;
	v3 =	vmul.f32 v7, v1  }
0x1e7: {  	v7 =	vld [tilespmem:s25+$0x70];
	[tilespmem:s10+$0xD0] =	vst v8;
	v9 =	vmul.f32 v9, v1  }
0x1e8: {  	v8 =	vld [tilespmem:s25+$0xFFFFFF00];
	[tilespmem:s10+$0xE0] =	vst v3  }
0x1e9: {  	v1 =	vmov v5;
	v3 =	vld [tilespmem:s25+$0xFFFFFF10];
	[tilespmem:s10+$0xF0] =	vst v9;
	s10 =	smov.u32 s25  }
0x1ea: {  	v5 =	vld [tilespmem:s25+$0xFFFFFF20]  }
0x1eb: {  	v9 =	vld [tilespmem:s25+$0xFFFFFF30]  }
0x1ec: {  	v10 =	vld [tilespmem:s25+$0xFFFFFF40];
	v7 =	vmul.f32 v7, v2  }
0x1ed: {  	v8 =	vmul.f32 v8, v6;
	v11 =	vld [tilespmem:s25+$0xFFFFFF50]  }
0x1ee: {  	v3 =	vmul.f32 v3, v6;
	v12 =	vld [tilespmem:s25+$0xFFFFFF60];
	[tilespmem:s25+$0x70] =	vst v7  }
0x1ef: {  	[tilespmem:s25+$0xFFFFFF00] =	vst v8;
	v5 =	vmul.f32 v5, v6;
	v7 =	vld [tilespmem:s25+$0xFFFFFF70]  }
0x1f0: {  	[tilespmem:s25+$0xFFFFFF10] =	vst v3;
	v3 =	vmul.f32 v9, v6;
	v8 =	vld [tilespmem:s25+$0xFFFFFF80]  }
0x1f1: {  	[tilespmem:s25+$0xFFFFFF20] =	vst v5;
	v5 =	vmul.f32 v10, v6;
	v9 =	vld [tilespmem:s25+$0xFFFFFF90]  }
0x1f2: {  	[tilespmem:s25+$0xFFFFFF30] =	vst v3;
	v3 =	vmul.f32 v11, v6;
	v10 =	vld [tilespmem:s25+$0xFFFFFFA0]  }
0x1f3: {  	[tilespmem:s25+$0xFFFFFF40] =	vst v5;
	v5 =	vmul.f32 v12, v6;
	v11 =	vld [tilespmem:s25+$0xFFFFFFB0]  }
0x1f4: {  	[tilespmem:s25+$0xFFFFFF50] =	vst v3;
	v3 =	vmul.f32 v7, v6;
	v6 =	vld [tilespmem:s25+$0xFFFFFFC0]  }
0x1f5: {  	[tilespmem:s25+$0xFFFFFF60] =	vst v5;
	v5 =	vmul.f32 v8, v4;
	v7 =	vld [tilespmem:s25+$0xFFFFFFD0]  }
0x1f6: {  	[tilespmem:s25+$0xFFFFFF70] =	vst v3;
	v3 =	vmul.f32 v9, v4;
	v8 =	vld [tilespmem:s25+$0xFFFFFFE0]  }
0x1f7: {  	[tilespmem:s25+$0xFFFFFF80] =	vst v5;
	v5 =	vmul.f32 v10, v4;
	v9 =	vld [tilespmem:s25+$0xFFFFFFF0]  }
0x1f8: {  	[tilespmem:s25+$0xFFFFFF90] =	vst v3;
	v3 =	vmul.f32 v11, v4;
	v10 =	vld [tilespmem:s25+$0x0]  }
0x1f9: {  	[tilespmem:s25+$0xFFFFFFA0] =	vst v5;
	v5 =	vmul.f32 v6, v4;
	v6 =	vld [tilespmem:s25+$0x10]  }
0x1fa: {  	[tilespmem:s25+$0xFFFFFFB0] =	vst v3;
	v3 =	vmul.f32 v7, v4;
	v7 =	vld [tilespmem:s25+$0x20]  }
0x1fb: {  	[tilespmem:s25+$0xFFFFFFC0] =	vst v5;
	v5 =	vmul.f32 v8, v4;
	v11 =	vld [tilespmem:s25+$0x30]  }
0x1fc: {  	[tilespmem:s25+$0xFFFFFFD0] =	vst v3;
	v3 =	vmul.f32 v9, v4;
	v9 =	vld [tilespmem:s25+$0x40]  }
.Ltmp3:
0x1fd: {  	[tilespmem:s25+$0xFFFFFFE0] =	vst v5;
	v5 =	vmul.f32 v10, v2;
	v4 =	vld [tilespmem:s25+$0x50];
	(pc) =	sbr.rel @p1 .LBB2_9-.Ltmp3, $4  }
0x1fe: {  	[tilespmem:s25+$0xFFFFFFF0] =	vst v3;
	v6 =	vmul.f32 v6, v2;
	v3 =	vld [tilespmem:s25+$0x60]  }
0x1ff: {  	s23 =	sadd.s32 $0x3, s28;
	v10 =	vmov s28;
	[tilespmem:s25+$0x0] =	vst v5;
	v13 =	vmul.f32 v7, v2;
	v8 =	vld [tilespmem:s25+$0x80]  }
0x200: {  	s17 =	sadd.s32 $0x1, s28;
	v12 =	vand.u32 $0xFFFFFFFC, v10;
	v5 =	vmov s23;
	[tilespmem:s25+$0x10] =	vst v6;
	v10 =	vmul.f32 v11, v2;
	v7 =	vld [tilespmem:s25+$0x90]  }
0x201: {  	s23 =	sadd.s32 $0x2, s28;
	s28 =	sadd.s32 $0x4, s28;
	v6 =	vbroadcast v12, $0x0;
	v12 =	vmov s17;
	[tilespmem:s25+$0x20] =	vst v13;
	v11 =	vmul.f32 v9, v2;
	v9 =	vld [tilespmem:s25+$0xA0]  }
0x202: {  	v13 =	vld [tilespmem:s25+$0xB0]  }
0x203: {  	v15 =	vld [tilespmem:s25+$0xC0]  }
0x204: {  	v14 =	vmov s23;
	v16 =	vld [tilespmem:s25+$0xD0]  }
0x205: {  	v17 =	vld [tilespmem:s25+$0xE0];
	[tilespmem:s25+$0x30] =	vst v10;
	v4 =	vmul.f32 v4, v2;
	v14 =	vand.u32 $0xFFFFFFFE, v14  }
0x206: {  	v12 =	vand.u32 $0xFFFFFFFD, v12;
	v5 =	vld.idx.msk [tilespmem:v5+s1+$0x0], $0xffff;
	[tilespmem:s25+$0x40] =	vst v11;
	v2 =	vmul.f32 v3, v2;
	v14 =	vbroadcast v14, $0x0  }
0x207: {  	s28 =	sadd.s32 $0x200, s25;
	v12 =	vbroadcast v12, $0x0;
	v3 =	vld.idx.msk [tilespmem:v6+s1+$0x0], $0xffff;
	v8 =	vmul.f32 v8, v1;
	[tilespmem:s25+$0x50] =	vst v4  }
0x208: {  	v10 =	vld [tilespmem:s28+$0xFFFFFF00];
	v4 =	vmul.f32 v7, v1;
	[tilespmem:s25+$0x60] =	vst v2  }
0x209: {  	[tilespmem:s25+$0x80] =	vst v8;
	v8 =	vld [tilespmem:s25+$0xF0];
	v2 =	vmul.f32 v9, v1  }
0x20a: {  	v11 =	vld [tilespmem:s28+$0xFFFFFF10];
	[tilespmem:s25+$0x90] =	vst v4;
	v4 =	vmul.f32 v13, v1  }
0x20b: {  	v9 =	vld [tilespmem:s28+$0x70];
	[tilespmem:s25+$0xA0] =	vst v2;
	v2 =	vmul.f32 v15, v1  }
0x20c: {  	[tilespmem:s25+$0xB0] =	vst v4;
	v4 =	vmul.f32 v16, v1;
	v7 =	vld.idx.msk [tilespmem:v14+s1+$0x0], $0xffff  }
0x20d: {  	v6 =	vld.idx.msk [tilespmem:v12+s1+$0x0], $0xffff;
	[tilespmem:s10+$0xC0] =	vst v2;
	v2 =	vmul.f32 v17, v1  }
0x20e: {  	v12 =	vld [tilespmem:s28+$0xFFFFFF20];
	[tilespmem:s10+$0xD0] =	vst v4;
	v1 =	vmul.f32 v8, v1  }
0x20f: {  	v4 =	vld [tilespmem:s28+$0xFFFFFF30];
	[tilespmem:s10+$0xE0] =	vst v2  }
0x210: {  	v2 =	vld [tilespmem:s28+$0xFFFFFF40];
	[tilespmem:s10+$0xF0] =	vst v1;
	v1 =	vmul.f32 v10, v3  }
0x211: {  	v8 =	vmul.f32 v9, v7;
	v9 =	vld [tilespmem:s28+$0xFFFFFF50]  }
0x212: {  	v10 =	vmul.f32 v11, v3;
	v11 =	vld [tilespmem:s28+$0xFFFFFF60];
	[tilespmem:s28+$0xFFFFFF00] =	vst v1  }
0x213: {  	v1 =	vmul.f32 v12, v3;
	[tilespmem:s28+$0x70] =	vst v8;
	v8 =	vld [tilespmem:s28+$0xFFFFFF70]  }
0x214: {  	[tilespmem:s28+$0xFFFFFF10] =	vst v10;
	v10 =	vld [tilespmem:s28+$0xFFFFFF80];
	v4 =	vmul.f32 v4, v3  }
0x215: {  	[tilespmem:s28+$0xFFFFFF20] =	vst v1;
	v1 =	vmul.f32 v2, v3;
	v2 =	vld [tilespmem:s28+$0xFFFFFF90]  }
0x216: {  	[tilespmem:s28+$0xFFFFFF30] =	vst v4;
	v4 =	vmul.f32 v9, v3;
	v9 =	vld [tilespmem:s28+$0xFFFFFFA0]  }
0x217: {  	[tilespmem:s28+$0xFFFFFF40] =	vst v1;
	v1 =	vmul.f32 v11, v3;
	v11 =	vld [tilespmem:s28+$0xFFFFFFB0]  }
0x218: {  	[tilespmem:s28+$0xFFFFFF50] =	vst v4;
	v3 =	vmul.f32 v8, v3;
	v4 =	vld [tilespmem:s28+$0xFFFFFFC0]  }
0x219: {  	[tilespmem:s28+$0xFFFFFF60] =	vst v1;
	v1 =	vmul.f32 v10, v6;
	v8 =	vld [tilespmem:s28+$0xFFFFFFD0]  }
0x21a: {  	v2 =	vmul.f32 v2, v6;
	[tilespmem:s28+$0xFFFFFF70] =	vst v3;
	v3 =	vld [tilespmem:s28+$0xFFFFFFE0]  }
0x21b: {  	[tilespmem:s28+$0xFFFFFF80] =	vst v1;
	v1 =	vmul.f32 v9, v6;
	v9 =	vld [tilespmem:s28+$0xFFFFFFF0]  }
0x21c: {  	v10 =	vld [tilespmem:s28+$0x0];
	[tilespmem:s28+$0xFFFFFF90] =	vst v2;
	v2 =	vmul.f32 v11, v6  }
0x21d: {  	[tilespmem:s28+$0xFFFFFFA0] =	vst v1;
	v1 =	vmul.f32 v4, v6;
	v4 =	vld [tilespmem:s28+$0x10]  }
0x21e: {  	[tilespmem:s28+$0xFFFFFFB0] =	vst v2;
	v2 =	vmul.f32 v8, v6;
	v8 =	vld [tilespmem:s28+$0x20]  }
0x21f: {  	[tilespmem:s28+$0xFFFFFFC0] =	vst v1;
	v1 =	vmul.f32 v3, v6;
	v3 =	vld [tilespmem:s28+$0x30]  }
0x220: {  	[tilespmem:s28+$0xFFFFFFD0] =	vst v2;
	v2 =	vmul.f32 v9, v6;
	v6 =	vld [tilespmem:s28+$0x40]  }
0x221: {  	v9 =	vld [tilespmem:s28+$0x50];
	[tilespmem:s28+$0xFFFFFFE0] =	vst v1;
	v1 =	vmul.f32 v10, v7  }
0x222: {  	[tilespmem:s28+$0xFFFFFFF0] =	vst v2;
	v2 =	vmul.f32 v4, v7;
	v4 =	vld [tilespmem:s28+$0x60]  }
0x223: {  	[tilespmem:s28+$0x0] =	vst v1;
	v1 =	vmul.f32 v8, v7;
	v8 =	vld [tilespmem:s28+$0x80]  }
0x224: {  	[tilespmem:s28+$0x10] =	vst v2;
	v2 =	vmul.f32 v3, v7;
	v3 =	vld [tilespmem:s28+$0x90]  }
0x225: {  	[tilespmem:s28+$0x20] =	vst v1;
	v1 =	vmul.f32 v6, v7;
	v6 =	vld [tilespmem:s28+$0xA0]  }
0x226: {  	[tilespmem:s28+$0x30] =	vst v2;
	v2 =	vmul.f32 v9, v7;
	v9 =	vld [tilespmem:s28+$0xB0]  }
0x227: {  	[tilespmem:s28+$0x40] =	vst v1;
	v1 =	vmul.f32 v4, v7;
	v4 =	vld [tilespmem:s28+$0xC0]  }
0x228: {  	v7 =	vld [tilespmem:s28+$0xD0];
	[tilespmem:s28+$0x50] =	vst v2;
	v2 =	vmul.f32 v8, v5  }
0x229: {  	[tilespmem:s28+$0x60] =	vst v1;
	v1 =	vmul.f32 v3, v5;
	v3 =	vld [tilespmem:s28+$0xE0]  }
0x22a: {  	[tilespmem:s28+$0x80] =	vst v2;
	v2 =	vmul.f32 v6, v5;
	v6 =	vld [tilespmem:s28+$0xF0]  }
0x22b: {  	[tilespmem:s28+$0x90] =	vst v1;
	v1 =	vmul.f32 v9, v5  }
0x22c: {  	[tilespmem:s28+$0xA0] =	vst v2;
	v2 =	vmul.f32 v4, v5  }
0x22d: {  	[tilespmem:s28+$0xB0] =	vst v1;
	v1 =	vmul.f32 v7, v5  }
0x22e: {  	[tilespmem:s28+$0xC0] =	vst v2;
	v2 =	vmul.f32 v3, v5  }
0x22f: {  	[tilespmem:s28+$0xD0] =	vst v1;
	v1 =	vmul.f32 v6, v5  }
0x230: {  	[tilespmem:s28+$0xE0] =	vst v2  }
0x231: {  	[tilespmem:s28+$0xF0] =	vst v1  }
0x232: {  	s10 =	sadd.s32 @!p0 s9, s26;
	_ =	swait.ge [sflag:s0], $0x2000  }
0x233: {  	s17 =	simm.s32 @!p0 $0x0;
	s10 =	sshrl.u32 @!p0 s10, $0x3;
	[sflag:s0] =	ssyncset.done $0x0  }
0x234: {  	s23 =	simm.s32 @!p0 $0x280;
	s10 =	sadd.s32 @!p0 s6, s10;
	[sflag:s0] =	ssyncadd.s32 $0xFFFFE000  }
0x235: {  	[tilespmem:s23], [sflag:$0xE] =	stream.linear.gather @!p0 [hbm4b:s10+s17], $0x40, $0x38;
	[tilespmem:$0x1C600] =	vst v63  }
0x236: {  	s10 =	simm.s32 @!p0 $0xA  }
0x237: {  	_ =	swait.ge @!p0 [sflag:s10], $0x40  }
0x238: {  	[sflag:s10] =	ssyncset.done @!p0 $0x0  }
0x239: {  	[sflag:s10] =	ssyncadd.s32 @!p0 $0xFFFFFFC0  }
0x23a: {  	_ =	swait.ge @!p0 [sflag:s10], $0x40  }
0x23b: {  	s25 =	simm.s32 @!p0 $0x2600;
	s26 =	sadd.s32 @!p0 $0x180, s16;
	[sflag:s10] =	ssyncset.done @!p0 $0x0  }
0x23c: {  	s23 =	simm.s32 @!p0 $0x80;
	[sflag:s10] =	ssyncadd.s32 @!p0 $0xFFFFFFC0;
	s10 =	simm.s32 @!p0 $0x40  }
0x23d: {  	[tilespmem:s25], [sflag:$0x2] =	stream.indirect.gather @!p0 [hbm4b:s2+s10], $0x80, s23, s10, $0xb8;
	[tilespmem:$0x1C600] =	vst v63  }
0x23e: {  	s10 =	sadd.s32 @!p0 s9, s26  }
0x23f: {  	s23 =	sshll.u32 @!p0 s10, $0x1  }
0x240: {  	s23 =	sor.u32 @!p0 s8, s23  }
0x241: {  	s23 =	sshrl.u32 @!p0 s23, $0x3  }
0x242: {  	s25 =	simm.s32 @!p0 $0x100;
	s10 =	sshrl.u32 @!p0 s10, $0x3;
	s23 =	sadd.s32 @!p0 s5, s23  }
0x243: {  	[tilespmem:s25], [sflag:$0xB] =	stream.linear.gather @!p0 [hbm4b:s23+s17], $0x40, $0x38;
	[tilespmem:$0x1C600] =	vst v63  }
0x244: {  	s10 =	sadd.s32 @!p0 s7, s10;
	s23 =	simm.s32 @!p0 $0x500;
	s25 =	simm.s32 $0x0  }
0x245: {  	v1 =	vmov s25;
	[tilespmem:s23], [sflag:$0xB] =	stream.linear.gather @!p0 [hbm4b:s10+s17], $0x40, $0x38;
	[tilespmem:$0x1C600] =	vst v63  }
0x246: {  	v1 =	vand.u32 $0xFFFFFFFC, v1;
	_ =	swait.ge [sflag:s11], $0x40  }
0x247: {  	s25 =	simm.s32 $0x4600;
	v1 =	vbroadcast v1, $0x0;
	[sflag:s11] =	ssyncset.done $0x0  }
0x248: {  	s17 =	simm.s32 $0x2;
	s23 =	simm.s32 $0x300;
	[sflag:s11] =	ssyncadd.s32 $0xFFFFFFC0  }
0x249: {  	[spmem:s3] =	stream.indirect.scatter.add.f32 [tilespmem:s25], [sflag:$0x7], $0x80, s23, s18, $0xb8;
	[tilespmem:$0x1C600] =	vst v63  }
0x24a: {  	v2 =	vmov s17;
	_ =	swait.ge [sflag:s13], $0x2000  }
0x24b: {  	v2 =	vand.u32 $0xFFFFFFFE, v2;
	[sflag:s13] =	ssyncset.done $0x0  }
0x24c: {  	v2 =	vbroadcast v2, $0x0;
	[sflag:s13] =	ssyncadd.s32 $0xFFFFE000  }
0x24d: {  	s25 =	simm.s32 $0x6700;
	v1 =	vld.idx.msk [tilespmem:v1+s14+$0x0], $0xffff  }
0x24e: {  	v4 =	vld [tilespmem:s25+$0x70]  }
0x24f: {  	s23 =	simm.s32 $0x1;
	v5 =	vld [tilespmem:s25+$0xFFFFFF00]  }
0x250: {  	v3 =	vmov s23;
	v6 =	vld [tilespmem:s25+$0xFFFFFF10]  }
0x251: {  	v3 =	vand.u32 $0xFFFFFFFD, v3;
	v7 =	vld [tilespmem:s25+$0xFFFFFF20]  }
0x252: {  	v3 =	vbroadcast v3, $0x0;
	v2 =	vld.idx.msk [tilespmem:v2+s14+$0x0], $0xffff  }
0x253: {  	v8 =	vld [tilespmem:s25+$0xFFFFFF30]  }
0x254: {  	v9 =	vld [tilespmem:s25+$0xFFFFFF40]  }
0x255: {  	v10 =	vld [tilespmem:s25+$0xFFFFFF50]  }
0x256: {  	v11 =	vld [tilespmem:s25+$0xFFFFFF60];
	v5 =	vmul.f32 v5, v1  }
0x257: {  	v13 =	vld [tilespmem:s25+$0x40];
	v4 =	vmul.f32 v4, v2  }
0x258: {  	v3 =	vld.idx.msk [tilespmem:v3+s14+$0x0], $0xffff;
	[tilespmem:s25+$0xFFFFFF00] =	vst v5;
	v5 =	vmul.f32 v6, v1  }
0x259: {  	v6 =	vld [tilespmem:s25+$0xFFFFFF70];
	[tilespmem:s25+$0x70] =	vst v4;
	v4 =	vmul.f32 v7, v1  }
0x25a: {  	v7 =	vld [tilespmem:s25+$0xFFFFFF80];
	[tilespmem:s25+$0xFFFFFF10] =	vst v5;
	v5 =	vmul.f32 v8, v1  }
0x25b: {  	v8 =	vld [tilespmem:s25+$0xFFFFFF90];
	[tilespmem:s25+$0xFFFFFF20] =	vst v4;
	v4 =	vmul.f32 v9, v1  }
0x25c: {  	v9 =	vld [tilespmem:s25+$0xFFFFFFA0];
	[tilespmem:s25+$0xFFFFFF30] =	vst v5;
	v5 =	vmul.f32 v10, v1  }
0x25d: {  	v10 =	vld [tilespmem:s25+$0xFFFFFFB0];
	[tilespmem:s25+$0xFFFFFF40] =	vst v4;
	v4 =	vmul.f32 v11, v1  }
0x25e: {  	v11 =	vld [tilespmem:s25+$0xFFFFFFC0];
	v6 =	vmul.f32 v6, v1;
	[tilespmem:s25+$0xFFFFFF50] =	vst v5  }
0x25f: {  	v5 =	vmul.f32 v7, v3;
	v7 =	vld [tilespmem:s25+$0xFFFFFFD0];
	[tilespmem:s25+$0xFFFFFF60] =	vst v4  }
0x260: {  	s17 =	simm.s32 $0x3;
	v4 =	vld [tilespmem:s25+$0xFFFFFFE0];
	v8 =	vmul.f32 v8, v3;
	[tilespmem:s25+$0xFFFFFF70] =	vst v6  }
0x261: {  	v12 =	vmov s17;
	v6 =	vld [tilespmem:s25+$0xFFFFFFF0];
	[tilespmem:s25+$0xFFFFFF80] =	vst v5;
	v5 =	vmul.f32 v9, v3  }
0x262: {  	v9 =	vld [tilespmem:s25+$0x0];
	[tilespmem:s25+$0xFFFFFF90] =	vst v8;
	v8 =	vmul.f32 v10, v3  }
0x263: {  	v10 =	vld [tilespmem:s25+$0x10];
	[tilespmem:s25+$0xFFFFFFA0] =	vst v5;
	v5 =	vmul.f32 v11, v3  }
0x264: {  	[tilespmem:s25+$0xFFFFFFB0] =	vst v8;
	v7 =	vmul.f32 v7, v3;
	v8 =	vld [tilespmem:s25+$0x20]  }
0x265: {  	v11 =	vld [tilespmem:s25+$0x30];
	[tilespmem:s25+$0xFFFFFFC0] =	vst v5;
	v4 =	vmul.f32 v4, v3  }
0x266: {  	v1 =	vld.idx.msk [tilespmem:v12+s14+$0x0], $0xffff;
	v3 =	vmul.f32 v6, v3;
	[tilespmem:s25+$0xFFFFFFD0] =	vst v7  }
0x267: {  	v5 =	vmul.f32 v9, v2;
	[tilespmem:s25+$0xFFFFFFE0] =	vst v4;
	v4 =	vld [tilespmem:s25+$0x50]  }
0x268: {  	s23 =	simm.s32 $0x4;
	[tilespmem:s25+$0xFFFFFFF0] =	vst v3;
	v6 =	vmul.f32 v10, v2;
	v3 =	vld [tilespmem:s25+$0x60]  }
0x269: {  	s17 =	simm.s32 $0x7;
	v7 =	vmov s23;
	[tilespmem:s25+$0x0] =	vst v5;
	v9 =	vmul.f32 v8, v2;
	v8 =	vld [tilespmem:s25+$0x80]  }
0x26a: {  	s28 =	simm.s32 $0x8;
	s23 =	simm.s32 $0x5;
	v12 =	vand.u32 $0xFFFFFFFC, v7;
	v7 =	vld [tilespmem:s25+$0x90];
	v5 =	vmov s17;
	v10 =	vmul.f32 v11, v2;
	[tilespmem:s25+$0x10] =	vst v6  }
0x26b: {  	s26 =	simm.s32 @p0 $0x2880;
	s10 =	simm.s32 $0x6700;
	v11 =	vmul.f32 v13, v2;
	v6 =	vbroadcast v12, $0x0;
	v12 =	vmov s23;
	s23 =	simm.s32 $0x6;
	[tilespmem:s25+$0x20] =	vst v9;
	v9 =	vld [tilespmem:s25+$0xA0]  }
.LBB2_11:
0x26c: {  	p1 =	slt.u32 s28, $0x3C;
	v12 =	vand.u32 $0xFFFFFFFD, v12;
	v13 =	vmov s23;
	[tilespmem:s25+$0x30] =	vst v10;
	v4 =	vmul.f32 v4, v2;
	v10 =	vld [tilespmem:s25+$0xB0]  }
0x26d: {  	v12 =	vbroadcast v12, $0x0;
	v13 =	vand.u32 $0xFFFFFFFE, v13;
	[tilespmem:s25+$0x40] =	vst v11;
	v2 =	vmul.f32 v3, v2;
	v3 =	vld [tilespmem:s25+$0xC0]  }
0x26e: {  	v11 =	vbroadcast v13, $0x0;
	[tilespmem:s25+$0x50] =	vst v4;
	v4 =	vmul.f32 v8, v1;
	v8 =	vld [tilespmem:s25+$0xD0]  }
0x26f: {  	[tilespmem:s25+$0x60] =	vst v2;
	v2 =	vmul.f32 v7, v1;
	v7 =	vld [tilespmem:s25+$0xE0]  }
0x270: {  	[tilespmem:s25+$0x80] =	vst v4;
	v4 =	vmul.f32 v9, v1;
	v9 =	vld [tilespmem:s25+$0xF0]  }
0x271: {  	v5 =	vld.idx.msk [tilespmem:v5+s14+$0x0], $0xffff;
	[tilespmem:s25+$0x90] =	vst v2;
	v2 =	vmul.f32 v10, v1  }
0x272: {  	v6 =	vld.idx.msk [tilespmem:v6+s14+$0x0], $0xffff;
	[tilespmem:s25+$0xA0] =	vst v4;
	v3 =	vmul.f32 v3, v1  }
0x273: {  	v4 =	vld.idx.msk [tilespmem:v12+s14+$0x0], $0xffff;
	[tilespmem:s25+$0xB0] =	vst v2;
	v8 =	vmul.f32 v8, v1  }
0x274: {  	s25 =	sadd.s32 $0x200, s25;
	v2 =	vld.idx.msk [tilespmem:v11+s14+$0x0], $0xffff;
	[tilespmem:s10+$0xC0] =	vst v3;
	v3 =	vmul.f32 v7, v1  }
0x275: {  	v7 =	vld [tilespmem:s25+$0x70];
	[tilespmem:s10+$0xD0] =	vst v8;
	v9 =	vmul.f32 v9, v1  }
0x276: {  	v8 =	vld [tilespmem:s25+$0xFFFFFF00];
	[tilespmem:s10+$0xE0] =	vst v3  }
0x277: {  	v1 =	vmov v5;
	v3 =	vld [tilespmem:s25+$0xFFFFFF10];
	[tilespmem:s10+$0xF0] =	vst v9;
	s10 =	smov.u32 s25  }
0x278: {  	v5 =	vld [tilespmem:s25+$0xFFFFFF20]  }
0x279: {  	v9 =	vld [tilespmem:s25+$0xFFFFFF30]  }
0x27a: {  	v10 =	vld [tilespmem:s25+$0xFFFFFF40];
	v7 =	vmul.f32 v7, v2  }
0x27b: {  	v8 =	vmul.f32 v8, v6;
	v11 =	vld [tilespmem:s25+$0xFFFFFF50]  }
0x27c: {  	v3 =	vmul.f32 v3, v6;
	v12 =	vld [tilespmem:s25+$0xFFFFFF60];
	[tilespmem:s25+$0x70] =	vst v7  }
0x27d: {  	[tilespmem:s25+$0xFFFFFF00] =	vst v8;
	v5 =	vmul.f32 v5, v6;
	v7 =	vld [tilespmem:s25+$0xFFFFFF70]  }
0x27e: {  	[tilespmem:s25+$0xFFFFFF10] =	vst v3;
	v3 =	vmul.f32 v9, v6;
	v8 =	vld [tilespmem:s25+$0xFFFFFF80]  }
0x27f: {  	[tilespmem:s25+$0xFFFFFF20] =	vst v5;
	v5 =	vmul.f32 v10, v6;
	v9 =	vld [tilespmem:s25+$0xFFFFFF90]  }
0x280: {  	[tilespmem:s25+$0xFFFFFF30] =	vst v3;
	v3 =	vmul.f32 v11, v6;
	v10 =	vld [tilespmem:s25+$0xFFFFFFA0]  }
0x281: {  	[tilespmem:s25+$0xFFFFFF40] =	vst v5;
	v5 =	vmul.f32 v12, v6;
	v11 =	vld [tilespmem:s25+$0xFFFFFFB0]  }
0x282: {  	[tilespmem:s25+$0xFFFFFF50] =	vst v3;
	v3 =	vmul.f32 v7, v6;
	v6 =	vld [tilespmem:s25+$0xFFFFFFC0]  }
0x283: {  	[tilespmem:s25+$0xFFFFFF60] =	vst v5;
	v5 =	vmul.f32 v8, v4;
	v7 =	vld [tilespmem:s25+$0xFFFFFFD0]  }
0x284: {  	[tilespmem:s25+$0xFFFFFF70] =	vst v3;
	v3 =	vmul.f32 v9, v4;
	v8 =	vld [tilespmem:s25+$0xFFFFFFE0]  }
0x285: {  	[tilespmem:s25+$0xFFFFFF80] =	vst v5;
	v5 =	vmul.f32 v10, v4;
	v9 =	vld [tilespmem:s25+$0xFFFFFFF0]  }
0x286: {  	[tilespmem:s25+$0xFFFFFF90] =	vst v3;
	v3 =	vmul.f32 v11, v4;
	v10 =	vld [tilespmem:s25+$0x0]  }
0x287: {  	[tilespmem:s25+$0xFFFFFFA0] =	vst v5;
	v5 =	vmul.f32 v6, v4;
	v6 =	vld [tilespmem:s25+$0x10]  }
0x288: {  	[tilespmem:s25+$0xFFFFFFB0] =	vst v3;
	v3 =	vmul.f32 v7, v4;
	v7 =	vld [tilespmem:s25+$0x20]  }
0x289: {  	[tilespmem:s25+$0xFFFFFFC0] =	vst v5;
	v5 =	vmul.f32 v8, v4;
	v11 =	vld [tilespmem:s25+$0x30]  }
0x28a: {  	[tilespmem:s25+$0xFFFFFFD0] =	vst v3;
	v3 =	vmul.f32 v9, v4;
	v9 =	vld [tilespmem:s25+$0x40]  }
.Ltmp4:
0x28b: {  	[tilespmem:s25+$0xFFFFFFE0] =	vst v5;
	v5 =	vmul.f32 v10, v2;
	v4 =	vld [tilespmem:s25+$0x50];
	(pc) =	sbr.rel @p1 .LBB2_11-.Ltmp4, $4  }
0x28c: {  	[tilespmem:s25+$0xFFFFFFF0] =	vst v3;
	v6 =	vmul.f32 v6, v2;
	v3 =	vld [tilespmem:s25+$0x60]  }
0x28d: {  	s17 =	sadd.s32 $0x3, s28;
	v10 =	vmov s28;
	[tilespmem:s25+$0x0] =	vst v5;
	v13 =	vmul.f32 v7, v2;
	v8 =	vld [tilespmem:s25+$0x80]  }
0x28e: {  	s23 =	sadd.s32 $0x1, s28;
	v12 =	vand.u32 $0xFFFFFFFC, v10;
	v5 =	vmov s17;
	[tilespmem:s25+$0x10] =	vst v6;
	v10 =	vmul.f32 v11, v2;
	v7 =	vld [tilespmem:s25+$0x90]  }
0x28f: {  	v6 =	vbroadcast v12, $0x0;
	v12 =	vmov s23;
	s23 =	sadd.s32 $0x2, s28;
	s28 =	sadd.s32 $0x4, s28;
	[tilespmem:s25+$0x20] =	vst v13;
	v11 =	vmul.f32 v9, v2;
	v9 =	vld [tilespmem:s25+$0xA0]  }
0x290: {  	v13 =	vld [tilespmem:s25+$0xB0]  }
0x291: {  	v15 =	vld [tilespmem:s25+$0xC0]  }
0x292: {  	v16 =	vld [tilespmem:s25+$0xD0]  }
0x293: {  	v17 =	vld [tilespmem:s25+$0xE0]  }
0x294: {  	v29 =	vld [tilespmem:s25+$0xF0];
	[tilespmem:s25+$0x30] =	vst v10;
	v4 =	vmul.f32 v4, v2  }
0x295: {  	v5 =	vld.idx.msk [tilespmem:v5+s14+$0x0], $0xffff;
	[tilespmem:s25+$0x40] =	vst v11;
	v2 =	vmul.f32 v3, v2  }
0x296: {  	s28 =	sadd.s32 $0x200, s25;
	v3 =	vld.idx.msk [tilespmem:v6+s14+$0x0], $0xffff;
	v8 =	vmul.f32 v8, v1;
	[tilespmem:s25+$0x50] =	vst v4  }
0x297: {  	v14 =	vmov s23;
	v34 =	vld [tilespmem:s28+$0x70];
	v30 =	vmul.f32 v7, v1;
	[tilespmem:s25+$0x60] =	vst v2  }
0x298: {  	v14 =	vand.u32 $0xFFFFFFFE, v14;
	v35 =	vld [tilespmem:s28+$0xFFFFFF00];
	[tilespmem:s25+$0x80] =	vst v8;
	v2 =	vmul.f32 v9, v1  }
0x299: {  	v37 =	vld [tilespmem:s28+$0xFFFFFF10];
	v14 =	vbroadcast v14, $0x0;
	[tilespmem:s25+$0x90] =	vst v30;
	v33 =	vmul.f32 v13, v1  }
0x29a: {  	v38 =	vld [tilespmem:s28+$0xFFFFFF20];
	[tilespmem:s25+$0xA0] =	vst v2;
	v2 =	vmul.f32 v15, v1  }
0x29b: {  	v12 =	vand.u32 $0xFFFFFFFD, v12;
	v39 =	vld [tilespmem:s28+$0xFFFFFF30];
	v36 =	vmul.f32 v16, v1;
	[tilespmem:s25+$0xB0] =	vst v33  }
0x29c: {  	v12 =	vbroadcast v12, $0x0;
	v41 =	vld [tilespmem:s28+$0xFFFFFF50];
	[tilespmem:s10+$0xC0] =	vst v2;
	v2 =	vmul.f32 v17, v1  }
0x29d: {  	v43 =	vld [tilespmem:s28+$0xFFFFFF60];
	[tilespmem:s10+$0xD0] =	vst v36;
	v1 =	vmul.f32 v29, v1  }
0x29e: {  	v42 =	vmul.f32 v37, v3;
	[tilespmem:s10+$0xE0] =	vst v2;
	v2 =	vld [tilespmem:s28+$0xFFFFFF40]  }
0x29f: {  	v32 =	vld.idx.msk [tilespmem:v14+s14+$0x0], $0xffff;
	[tilespmem:s10+$0xF0] =	vst v1;
	v1 =	vmul.f32 v35, v3  }
0x2a0: {  	v44 =	vld [tilespmem:s28+$0xFFFFFF70];
	v4 =	vmul.f32 v39, v3;
	[tilespmem:s28+$0xFFFFFF10] =	vst v42  }
0x2a1: {  	v45 =	vld [tilespmem:s28+$0xFFFFFF80];
	[tilespmem:s28+$0xFFFFFF00] =	vst v1;
	v1 =	vmul.f32 v38, v3  }
0x2a2: {  	v46 =	vmul.f32 v41, v3;
	v31 =	vld.idx.msk [tilespmem:v12+s14+$0x0], $0xffff;
	[tilespmem:s28+$0xFFFFFF30] =	vst v4  }
0x2a3: {  	[tilespmem:s28+$0xFFFFFF20] =	vst v1;
	v1 =	vmul.f32 v2, v3;
	v2 =	vld [tilespmem:s28+$0xFFFFFF90]  }
0x2a4: {  	v47 =	vld [tilespmem:s28+$0xFFFFFFA0];
	[tilespmem:s28+$0xFFFFFF50] =	vst v46;
	v40 =	vmul.f32 v34, v32  }
0x2a5: {  	v48 =	vld [tilespmem:s28+$0xFFFFFFB0];
	[tilespmem:s28+$0xFFFFFF40] =	vst v1;
	v1 =	vmul.f32 v43, v3  }
0x2a6: {  	v49 =	vld [tilespmem:s28+$0xFFFFFFC0];
	[tilespmem:s28+$0x70] =	vst v40;
	v3 =	vmul.f32 v44, v3  }
0x2a7: {  	v50 =	vld [tilespmem:s28+$0xFFFFFFD0];
	[tilespmem:s28+$0xFFFFFF60] =	vst v1;
	v1 =	vmul.f32 v45, v31  }
0x2a8: {  	[tilespmem:s28+$0xFFFFFF70] =	vst v3;
	v3 =	vld [tilespmem:s28+$0xFFFFFFE0];
	v2 =	vmul.f32 v2, v31  }
0x2a9: {  	v51 =	vld [tilespmem:s28+$0xFFFFFFF0];
	[tilespmem:s28+$0xFFFFFF80] =	vst v1;
	v1 =	vmul.f32 v47, v31  }
0x2aa: {  	v52 =	vld [tilespmem:s28+$0x0];
	[tilespmem:s28+$0xFFFFFF90] =	vst v2;
	v2 =	vmul.f32 v48, v31  }
0x2ab: {  	v53 =	vld [tilespmem:s28+$0x10];
	[tilespmem:s28+$0xFFFFFFA0] =	vst v1;
	v1 =	vmul.f32 v49, v31  }
0x2ac: {  	v54 =	vld [tilespmem:s28+$0x20];
	[tilespmem:s28+$0xFFFFFFB0] =	vst v2;
	v2 =	vmul.f32 v50, v31  }
0x2ad: {  	[tilespmem:s28+$0xFFFFFFC0] =	vst v1;
	v1 =	vmul.f32 v3, v31;
	v3 =	vld [tilespmem:s28+$0x30]  }
0x2ae: {  	v55 =	vld [tilespmem:s28+$0x40];
	[tilespmem:s28+$0xFFFFFFD0] =	vst v2;
	v2 =	vmul.f32 v51, v31  }
0x2af: {  	v56 =	vld [tilespmem:s28+$0x50];
	[tilespmem:s28+$0xFFFFFFE0] =	vst v1;
	v1 =	vmul.f32 v52, v32  }
0x2b0: {  	v57 =	vld [tilespmem:s28+$0x60];
	[tilespmem:s28+$0xFFFFFFF0] =	vst v2;
	v2 =	vmul.f32 v53, v32  }
0x2b1: {  	v58 =	vld [tilespmem:s28+$0x80];
	[tilespmem:s28+$0x0] =	vst v1;
	v1 =	vmul.f32 v54, v32  }
0x2b2: {  	[tilespmem:s28+$0x10] =	vst v2;
	v2 =	vmul.f32 v3, v32;
	v3 =	vld [tilespmem:s28+$0x90]  }
0x2b3: {  	v59 =	vld [tilespmem:s28+$0xA0];
	[tilespmem:s28+$0x20] =	vst v1;
	v1 =	vmul.f32 v55, v32  }
0x2b4: {  	v60 =	vld [tilespmem:s28+$0xB0];
	[tilespmem:s28+$0x30] =	vst v2;
	v2 =	vmul.f32 v56, v32  }
0x2b5: {  	v61 =	vld [tilespmem:s28+$0xC0];
	[tilespmem:s28+$0x40] =	vst v1;
	v1 =	vmul.f32 v57, v32  }
0x2b6: {  	v62 =	vld [tilespmem:s28+$0xD0];
	[tilespmem:s28+$0x50] =	vst v2;
	v2 =	vmul.f32 v58, v5  }
0x2b7: {  	[tilespmem:s28+$0x60] =	vst v1;
	v1 =	vmul.f32 v3, v5;
	v3 =	vld [tilespmem:s28+$0xE0]  }
0x2b8: {  	v63 =	vld [tilespmem:s28+$0xF0];
	[tilespmem:s28+$0x80] =	vst v2;
	v2 =	vmul.f32 v59, v5  }
0x2b9: {  	[tilespmem:s28+$0x90] =	vst v1;
	v1 =	vmul.f32 v60, v5  }
0x2ba: {  	[tilespmem:s28+$0xA0] =	vst v2;
	v2 =	vmul.f32 v61, v5  }
0x2bb: {  	[tilespmem:s28+$0xB0] =	vst v1;
	v1 =	vmul.f32 v62, v5  }
0x2bc: {  	[tilespmem:s28+$0xC0] =	vst v2;
	v2 =	vmul.f32 v3, v5  }
0x2bd: {  	[tilespmem:s28+$0xD0] =	vst v1;
	v1 =	vmul.f32 v63, v5  }
0x2be: {  	[tilespmem:s28+$0xE0] =	vst v2  }
0x2bf: {  	[tilespmem:s28+$0xF0] =	vst v1  }
0x2c0: {  	s10 =	sadd.s32 @!p0 s9, s26;
	_ =	swait.ge [sflag:s15], $0x2000  }
0x2c1: {  	s17 =	simm.s32 @!p0 $0x0;
	s10 =	sshrl.u32 @!p0 s10, $0x3;
	[sflag:s15] =	ssyncset.done $0x0  }
0x2c2: {  	s23 =	simm.s32 @!p0 $0x300;
	s10 =	sadd.s32 @!p0 s6, s10;
	[sflag:s15] =	ssyncadd.s32 $0xFFFFE000  }
0x2c3: {  	[tilespmem:s23], [sflag:$0xF] =	stream.linear.gather @!p0 [hbm4b:s10+s17], $0x40, $0x38;
	[tilespmem:$0x1C600] =	vst v63  }
0x2c4: {  	s10 =	simm.s32 @!p0 $0xB  }
0x2c5: {  	_ =	swait.ge @!p0 [sflag:s10], $0x40  }
0x2c6: {  	[sflag:s10] =	ssyncset.done @!p0 $0x0  }
0x2c7: {  	[sflag:s10] =	ssyncadd.s32 @!p0 $0xFFFFFFC0  }
0x2c8: {  	_ =	swait.ge @!p0 [sflag:s10], $0x40  }
0x2c9: {  	s25 =	simm.s32 @!p0 $0x4600;
	[sflag:s10] =	ssyncset.done @!p0 $0x0  }
0x2ca: {  	s23 =	simm.s32 @!p0 $0x100;
	[sflag:s10] =	ssyncadd.s32 @!p0 $0xFFFFFFC0;
	s10 =	simm.s32 @!p0 $0x40  }
0x2cb: {  	[tilespmem:s25], [sflag:$0x3] =	stream.indirect.gather @!p0 [hbm4b:s2+s10], $0x80, s23, s10, $0xb8;
	[tilespmem:$0x1C600] =	vst v63  }
0x2cc: {  	s10 =	sld [smem:$0x7FB];
	_ =	sdelay $0x2  }
0x2cd: {  	s10 =	sadd.s32 @!p0 s16, s10  }
0x2ce: {  	s16 =	sshll.u32 @!p0 s10, $0x1  }
0x2cf: {  	s16 =	sand.u32 @!p0 $0xFFF00, s16  }
0x2d0: {  	s16 =	sor.u32 @!p0 s8, s16  }
0x2d1: {  	s16 =	sshrl.u32 @!p0 s16, $0x3  }
0x2d2: {  	s23 =	simm.s32 @!p0 $0x180;
	s10 =	sshrl.u32 @!p0 s10, $0x3;
	s16 =	sadd.s32 @!p0 s16, s12  }
0x2d3: {  	[tilespmem:s23], [sflag:$0xC] =	stream.linear.gather @!p0 [hbm4b:s16+s17], $0x40, $0x38;
	[tilespmem:$0x1C600] =	vst v63  }
0x2d4: {  	s22 =	sadd.s32 $0x1, s22;
	s10 =	sadd.s32 @!p0 s7, s10;
	s16 =	simm.s32 @!p0 $0x580  }
0x2d5: {  	[tilespmem:s16], [sflag:$0xC] =	stream.linear.gather @!p0 [hbm4b:s10+s17], $0x40, $0x38;
	[tilespmem:$0x1C600] =	vst v63  }
0x2d6: {  	p0 =	sne.s32 s22, $0x28  }
.Ltmp5:
0x2d7: {  	_ = 	snop;
	(pc) =	sbr.rel @p0 .LBB2_4-.Ltmp5, $4  }
0x2d8: {  	_ =	swait.ge [sflag:s20], $0x40  }
0x2d9: {  	[sflag:s20] =	ssyncset.done $0x0  }
0x2da: {  	s26 =	simm.s32 $0x380;
	s28 =	simm.s32 $0x6600;
	[sflag:s20] =	ssyncadd.s32 $0xFFFFFFC0  }
0x2db: {  	[spmem:s3] =	stream.indirect.scatter.add.f32 [tilespmem:s28], [sflag:$0x8], $0x80, s26, s18, $0xb8;
	[tilespmem:$0x1C600] =	vst v63  }
0x2dc: {  	s10 =	simm.s32 $0x8  }
0x2dd: {  	_ =	swait.ge [sflag:s10], $0x2000  }
0x2de: {  	[sflag:s10] =	ssyncset.done $0x0  }
0x2df: {  	[sflag:s10] =	ssyncadd.s32 $0xFFFFE000  }
0x2e0: {  	[bflag:$0x0] =	sbarrier.arrive $0xFFFF  }
0x2e1: {  	s19 =	simm.s32 $0x600;
	s21 =	simm.s32 $0x11;
	s17 =	rddreg [dreg:$0x4]  }
0x2e2: {  	[tilespmem:s19], [sflag:$0x11] =	stream.linear.gather [spmem:s17], $0x2000, $0x38;
	[tilespmem:$0x1C600] =	vst v63  }
0x2e3: {  	_ =	swait.ge [sflag:s21], $0x2000  }
0x2e4: {  	[sflag:s21] =	ssyncset.done $0x0  }
0x2e5: {  	s10 =	simm.s32 $0x0;
	s16 =	rddreg [dreg:$0x12];
	[sflag:s21] =	ssyncadd.s32 $0xFFFFE000  }
0x2e6: {  	[hbm4b:s16+s10] =	stream.linear.scatter [tilespmem:s19], [sflag:$0x11], $0x2000, $0x38;
	[tilespmem:$0x1C600] =	vst v63  }
0x2e7: {  	_ =	swait.ge [sflag:s21], $0x2000  }
0x2e8: {  	[sflag:s21] =	ssyncset.done $0x0  }
0x2e9: {  	s22 =	rddreg [dreg:$0x1d];
	[sflag:s21] =	ssyncadd.s32 $0xFFFFE000  }
0x2ea: {  	[tilespmem:s19], [sflag:$0x11] =	stream.linear.gather [spmem:s22], $0x2000, $0x38;
	[tilespmem:$0x1C600] =	vst v63  }
0x2eb: {  	_ =	swait.ge [sflag:s21], $0x2000  }
0x2ec: {  	[sflag:s21] =	ssyncset.done $0x0  }
0x2ed: {  	s23 =	rddreg [dreg:$0x13];
	[sflag:s21] =	ssyncadd.s32 $0xFFFFE000  }
0x2ee: {  	[hbm4b:s23+s10] =	stream.linear.scatter [tilespmem:s19], [sflag:$0x11], $0x2000, $0x38;
	[tilespmem:$0x1C600] =	vst v63  }
0x2ef: {  	_ =	swait.ge [sflag:s21], $0x2000  }
0x2f0: {  	[sflag:s21] =	ssyncset.done $0x0  }
0x2f1: {  	s23 =	rddreg [dreg:$0x1e];
	[sflag:s21] =	ssyncadd.s32 $0xFFFFE000  }
0x2f2: {  	[tilespmem:s19], [sflag:$0x11] =	stream.linear.gather [spmem:s23], $0x2000, $0x38;
	[tilespmem:$0x1C600] =	vst v63  }
0x2f3: {  	_ =	swait.ge [sflag:s21], $0x2000  }
0x2f4: {  	[sflag:s21] =	ssyncset.done $0x0  }
0x2f5: {  	s25 =	rddreg [dreg:$0x14];
	[sflag:s21] =	ssyncadd.s32 $0xFFFFE000  }
0x2f6: {  	[hbm4b:s25+s10] =	stream.linear.scatter [tilespmem:s19], [sflag:$0x11], $0x2000, $0x38;
	[tilespmem:$0x1C600] =	vst v63  }
0x2f7: {  	_ =	swait.ge [sflag:s21], $0x2000  }
0x2f8: {  	[sflag:s21] =	ssyncset.done $0x0  }
0x2f9: {  	s25 =	rddreg [dreg:$0x1f];
	[sflag:s21] =	ssyncadd.s32 $0xFFFFE000  }
0x2fa: {  	[tilespmem:s19], [sflag:$0x11] =	stream.linear.gather [spmem:s25], $0x2000, $0x38;
	[tilespmem:$0x1C600] =	vst v63  }
0x2fb: {  	_ =	swait.ge [sflag:s21], $0x2000  }
0x2fc: {  	[sflag:s21] =	ssyncset.done $0x0  }
0x2fd: {  	s26 =	rddreg [dreg:$0x15];
	[sflag:s21] =	ssyncadd.s32 $0xFFFFE000  }
0x2fe: {  	[hbm4b:s26+s10] =	stream.linear.scatter [tilespmem:s19], [sflag:$0x11], $0x2000, $0x38;
	[tilespmem:$0x1C600] =	vst v63  }
0x2ff: {  	_ =	swait.ge [sflag:s21], $0x2000  }
0x300: {  	s26 =	sld [smem:$0x7FC]  }
0x301: {  	[sflag:s21] =	ssyncset.done $0x0  }
0x302: {  	[sflag:s21] =	ssyncadd.s32 $0xFFFFE000  }
0x303: {  	[tilespmem:s19], [sflag:$0x11] =	stream.linear.gather [spmem:s26], $0x2000, $0x38;
	[tilespmem:$0x1C600] =	vst v63  }
0x304: {  	_ =	swait.ge [sflag:s21], $0x2000  }
0x305: {  	[sflag:s21] =	ssyncset.done $0x0  }
0x306: {  	s16 =	rddreg [dreg:$0x16];
	[sflag:s21] =	ssyncadd.s32 $0xFFFFE000  }
0x307: {  	[hbm4b:s16+s10] =	stream.linear.scatter [tilespmem:s19], [sflag:$0x11], $0x2000, $0x38;
	[tilespmem:$0x1C600] =	vst v63  }
0x308: {  	_ =	swait.ge [sflag:s21], $0x2000  }
0x309: {  	s28 =	sld [smem:$0x7FD]  }
0x30a: {  	[sflag:s21] =	ssyncset.done $0x0  }
0x30b: {  	[sflag:s21] =	ssyncadd.s32 $0xFFFFE000  }
0x30c: {  	[tilespmem:s19], [sflag:$0x11] =	stream.linear.gather [spmem:s28], $0x2000, $0x38;
	[tilespmem:$0x1C600] =	vst v63  }
0x30d: {  	_ =	swait.ge [sflag:s21], $0x2000  }
0x30e: {  	[sflag:s21] =	ssyncset.done $0x0  }
0x30f: {  	s16 =	rddreg [dreg:$0x17];
	[sflag:s21] =	ssyncadd.s32 $0xFFFFE000  }
0x310: {  	[hbm4b:s16+s10] =	stream.linear.scatter [tilespmem:s19], [sflag:$0x11], $0x2000, $0x38;
	[tilespmem:$0x1C600] =	vst v63  }
0x311: {  	_ =	swait.ge [sflag:s21], $0x2000  }
0x312: {  	s16 =	sld [smem:$0x7F7]  }
0x313: {  	[sflag:s21] =	ssyncset.done $0x0  }
0x314: {  	[sflag:s21] =	ssyncadd.s32 $0xFFFFE000  }
0x315: {  	[tilespmem:s19], [sflag:$0x11] =	stream.linear.gather [spmem:s16], $0x2000, $0x38;
	[tilespmem:$0x1C600] =	vst v63  }
0x316: {  	_ =	swait.ge [sflag:s21], $0x2000  }
0x317: {  	[sflag:s21] =	ssyncset.done $0x0  }
0x318: {  	s16 =	rddreg [dreg:$0x18];
	[sflag:s21] =	ssyncadd.s32 $0xFFFFE000  }
0x319: {  	[hbm4b:s16+s10] =	stream.linear.scatter [tilespmem:s19], [sflag:$0x11], $0x2000, $0x38;
	[tilespmem:$0x1C600] =	vst v63  }
0x31a: {  	_ =	swait.ge [sflag:s21], $0x2000  }
0x31b: {  	s16 =	sld [smem:$0x7F8]  }
0x31c: {  	[sflag:s21] =	ssyncset.done $0x0  }
0x31d: {  	[sflag:s21] =	ssyncadd.s32 $0xFFFFE000  }
0x31e: {  	[tilespmem:s19], [sflag:$0x11] =	stream.linear.gather [spmem:s16], $0x2000, $0x38;
	[tilespmem:$0x1C600] =	vst v63  }
0x31f: {  	_ =	swait.ge [sflag:s21], $0x2000  }
0x320: {  	[sflag:s21] =	ssyncset.done $0x0  }
0x321: {  	s16 =	rddreg [dreg:$0x19];
	[sflag:s21] =	ssyncadd.s32 $0xFFFFE000  }
0x322: {  	[hbm4b:s16+s10] =	stream.linear.scatter [tilespmem:s19], [sflag:$0x11], $0x2000, $0x38;
	[tilespmem:$0x1C600] =	vst v63  }
0x323: {  	_ =	swait.ge [sflag:s21], $0x2000  }
0x324: {  	s16 =	sld [smem:$0x7F9]  }
0x325: {  	[sflag:s21] =	ssyncset.done $0x0  }
0x326: {  	[sflag:s21] =	ssyncadd.s32 $0xFFFFE000  }
0x327: {  	[tilespmem:s19], [sflag:$0x11] =	stream.linear.gather [spmem:s16], $0x2000, $0x38;
	[tilespmem:$0x1C600] =	vst v63  }
0x328: {  	_ =	swait.ge [sflag:s21], $0x2000  }
0x329: {  	[sflag:s21] =	ssyncset.done $0x0  }
0x32a: {  	s16 =	rddreg [dreg:$0x1a];
	[sflag:s21] =	ssyncadd.s32 $0xFFFFE000  }
0x32b: {  	[hbm4b:s16+s10] =	stream.linear.scatter [tilespmem:s19], [sflag:$0x11], $0x2000, $0x38;
	[tilespmem:$0x1C600] =	vst v63  }
0x32c: {  	_ =	swait.ge [sflag:s21], $0x2000  }
0x32d: {  	s16 =	sld [smem:$0x7FA]  }
0x32e: {  	[sflag:s21] =	ssyncset.done $0x0  }
0x32f: {  	[sflag:s21] =	ssyncadd.s32 $0xFFFFE000  }
0x330: {  	[tilespmem:s19], [sflag:$0x11] =	stream.linear.gather [spmem:s16], $0x2000, $0x38;
	[tilespmem:$0x1C600] =	vst v63  }
0x331: {  	_ =	swait.ge [sflag:s21], $0x2000  }
0x332: {  	[sflag:s21] =	ssyncset.done $0x0  }
0x333: {  	s16 =	rddreg [dreg:$0x1b];
	[sflag:s21] =	ssyncadd.s32 $0xFFFFE000  }
0x334: {  	[hbm4b:s16+s10] =	stream.linear.scatter [tilespmem:s19], [sflag:$0x11], $0x2000, $0x38;
	[tilespmem:$0x1C600] =	vst v63  }
0x335: {  	_ =	swait.ge [sflag:s21], $0x2000  }
0x336: {  	s10 =	sld [smem:$0x7F6];
	_ =	sdelay $0x2  }
0x337: {  	s16 =	sadd.s32 $0x1, s10;
	s10 =	rddreg [dreg:$0x1c]  }
0x338: {  	p0 =	sne.s32 s16, s10  }
.Ltmp6:
0x339: {  	_ = 	snop;
	(pc) =	sbr.rel @p0 .LBB2_1-.Ltmp6, $3  }
0x33a: {  	_ =	sdelay $0x1  }
0x33b: {  	[sflag:s21] =	ssyncset.done $0x0  }
0x33c: {  	s19 =	simm.s32 $0x200;
	[sflag:s21] =	ssyncadd.s32 $0xFFFFE000;
	s21 =	simm.s32 $0x280  }
0x33d: {  	_ =	sfence.sel $0x180000  }
0x33e: {  	[bflag:$0x0] =	sbarrier.arrive $0xFFFF  }
0x33f: {  	_ =	strace $0x9000004A  }
0x340: {  	s0 =	stileid.u32;
	[bflag:$0x2] =	sbarrier.arrive $0xFFFF  }
0x341: {  	p0 =	sne.s32 s0, $0x0;
	s0 =	rddreg [dreg:$0x3]  }
0x342: {  	s0 =	sadd.s32 @!p0 $0x100000, s0  }
0x343: {  	[sflag:s0] =	ssyncadd.tile.s32 @!p0 $0x1;
	_ =	shalt  }
.Lfunc_end2:
_tile_overlayer_lowered:
.L_overlay_start_2:
0x344: {  	(tag) =	ssettag $0x2  }
0x345: {  	s0 =	rddreg [dreg:$0x0];
	s2 =	stileid.u32  }
0x346: {  	s1 =	rddreg [dreg:$0x1];
	p0 =	sne.s32 s2, $0x0  }
0x347: {  	s3 =	rddreg [dreg:$0x2];
	[bflag:$0x3] =	sbarrier.arrive $0xFFFF;
	s2 =	simm.s32 @!p0 $0x1C11  }
0x348: {  	[timem:s3], [sflag:s2] =	dma.local @!p0 [hbm:s0], s1  }
0x349: {  	s0 =	simm.s32 @!p0 $0x11  }
0x34a: {  	_ =	swait.ge @!p0 [sflag:s0], s1  }
0x34b: {  	s1 =	ssub.s32 @!p0 $0x0, s1;
	[sflag:s0] =	ssyncset.done @!p0 $0x0  }
0x34c: {  	[sflag:s0] =	ssyncadd.s32 @!p0 s1  }
0x34d: {  	[bflag:$0x3] =	sbarrier.arrive $0xFFFF  }
0x34e: {  	_ =	shalt  }

// kernel: kernel.7.cloned.1.call-start
scs
__scs_entry_jumppad:
0x0: {  	(pc) =	sbr.rel $0x88, $3  }
0x1: {  	(tag) =	ssettag $0x0;
	lr =	simm.s32 $0x1  }
0x2: {  	[smem:$0x3F98] =	sst lr;
	_ =	strace $0xD0000000  }
0x3: {  	_ = 	snop  }
0x4: {  	_ = 	snop  }
0x5: {  	_ = 	snop  }
0x6: {  	_ = 	snop  }
0x7: {  	_ = 	snop  }
__scs_overlays_trampoline_lowered:
0x8: {  	[smem:$0x3FA7] =	sst s0  }
0x9: {  	[smem:$0x3FA8] =	sst s1  }
0xa: {  	[smem:$0x3FA9] =	sst s2  }
0xb: {  	[smem:$0x3FAA] =	sst s3  }
0xc: {  	[smem:$0x3FAB] =	sst s4  }
0xd: {  	[smem:$0x3FAC] =	sst s5  }
0xe: {  	[smem:$0x3FAD] =	sst s6  }
0xf: {  	[smem:$0x3FAE] =	sst s7  }
0x10: {  	[smem:$0x3FAF] =	sst s8  }
0x11: {  	[smem:$0x3FB0] =	sst s9;
	s0 =	simm.s32 @!p0 $0x0  }
0x12: {  	s1 =	sld [smem:$0x3F96];
	s0 =	simm.s32 @p0 $0x1  }
0x13: {  	[smem:$0x3FB1] =	sst s0;
	s0 =	simm.s32 @!p1 $0x0  }
0x14: {  	s2 =	sld [smem:$0x3F95];
	s0 =	simm.s32 @p1 $0x1  }
0x15: {  	[smem:$0x3FB2] =	sst s0;
	s0 =	simm.s32 @!p2 $0x0  }
0x16: {  	s3 =	sld [smem:$0x3FDB];
	s0 =	simm.s32 @p2 $0x1  }
0x17: {  	s4 =	simm.s32 $0x1BF5;
	[smem:$0x3FB4] =	sst s0  }
0x18: {  	s0 =	sld [smem:$0x3F97];
	_ =	swait.ge [sflag:s4], $0x0  }
0x19: {  	s7 =	sld [smem:$0x3F98]  }
0x1a: {  	s8 =	sadd.s32 $0xFFFFE003, lr  }
0x1b: {  	s9 =	sadd.s32 $0xFFFFFEF7, lr;
	s5 =	simm.s32 $0xFFFFFFFF;
	p2 =	slt.u32 s8, $0xFFFFF086  }
0x1c: {  	p1 =	slt.u32 s9, $0xF7A;
	s5 =	simm.s32 @!p2 $0x0  }
0x1d: {  	s5 =	simm.s32 @p1 $0x1;
	p0 =	seq.s32 s7, s2  }
0x1e: {  	s7 =	smul.u32 @!p0 $0xF7A, s2;
	p2 =	seq.s32 @!p0 s5, $0x0  }
0x1f: {  	s9 =	smul.u32 $0xF7A, s1;
	s8 =	simm.s32 @!p0 $0x1BF5;
	p2 =	por !p2, p0  }
0x20: {  	[sflag:s8] =	ssyncset.s32 @!p0 $0xFFFFF086;
	s6 =	sadd.s32 @!p0 s3, s7;
	s7 =	simm.s32 @!p0 $0x108  }
0x21: {  	s3 =	sadd.s32 s3, s9;
	s6 =	sadd.s32 @!p0 $0x88, s6;
	s7 =	simm.s32 @p2 $0x1082  }
0x22: {  	[simem:s7], [sflag:s8] =	dma.local @!p0 [hbm:s6], $0xF7A  }
0x23: {  	s9 =	sor.u32 $0xD0000000, s2;
	s6 =	simm.s32 $0x108;
	_ =	swait.ge @!p0 [sflag:s8], $0x0  }
0x24: {  	s3 =	sadd.s32 $0x88, s3;
	s6 =	simm.s32 @!p1 $0x1082;
	[sflag:s4] =	ssyncset.s32 $0xFFFFF086  }
0x25: {  	[simem:s6], [sflag:s4] =	dma.local [hbm:s3], $0xF7A  }
0x26: {  	[smem:$0x3F98] =	sst s1;
	(tag) =	ssettag s2;
	_ =	strace s9  }
0x27: {  	s1 =	sld [smem:$0x3FA8]  }
0x28: {  	s2 =	sld [smem:$0x3FA9]  }
0x29: {  	s4 =	sld [smem:$0x3FAB]  }
0x2a: {  	p0 =	seq.s32 s5, $0x0;
	s5 =	sld [smem:$0x3FAC]  }
0x2b: {  	s6 =	sld [smem:$0x3FAD]  }
0x2c: {  	s7 =	sld [smem:$0x3FAE]  }
0x2d: {  	s3 =	simm.s32 $0x108;
	s8 =	sld [smem:$0x3FAF]  }
0x2e: {  	s3 =	simm.s32 @!p0 $0x1082;
	s9 =	sld [smem:$0x3FB0]  }
0x2f: {  	lr =	sadd.s32 s0, s3;
	s0 =	sld [smem:$0x3FA7]  }
0x30: {  	s3 =	sld [smem:$0x3FAA]  }
0x31: {  	[smem:$0x3FB3] =	sst s10  }
0x32: {  	s10 =	sld [smem:$0x3FB1];
	_ =	sdelay $0x3  }
0x33: {  	p0 =	seq.s32 s10, $0x1;
	s10 =	sld [smem:$0x3FB3];
	_ =	sdelay $0x3  }
0x34: {  	[smem:$0x3FB3] =	sst s10  }
0x35: {  	s10 =	sld [smem:$0x3FB2];
	_ =	sdelay $0x3  }
0x36: {  	p1 =	seq.s32 s10, $0x1;
	s10 =	sld [smem:$0x3FB3];
	_ =	sdelay $0x3  }
0x37: {  	[smem:$0x3FB3] =	sst s10  }
0x38: {  	s10 =	sld [smem:$0x3FB4]  }
0x39: {  	_ = 	snop;
	(pc) =	sbr.ind lr, $3  }
0x3a: {  	_ = 	snop  }
0x3b: {  	_ = 	snop  }
0x3c: {  	p2 =	seq.s32 s10, $0x1;
	s10 =	sld [smem:$0x3FB3]  }
0x3d: {  	_ =	shalt  }
0x3e: {  	_ =	shalt  }
0x3f: {  	_ =	shalt  }
0x40: {  	_ =	shalt  }
0x41: {  	_ =	shalt  }
0x42: {  	_ =	shalt  }
0x43: {  	_ =	shalt  }
0x44: {  	_ =	shalt  }
0x45: {  	_ =	shalt  }
0x46: {  	_ =	shalt  }
0x47: {  	_ =	shalt  }
0x48: {  	_ =	shalt  }
0x49: {  	_ =	shalt  }
0x4a: {  	_ =	shalt  }
0x4b: {  	_ =	shalt  }
0x4c: {  	_ =	shalt  }
0x4d: {  	_ =	shalt  }
0x4e: {  	_ =	shalt  }
0x4f: {  	_ =	shalt  }
0x50: {  	_ =	shalt  }
0x51: {  	_ =	shalt  }
0x52: {  	_ =	shalt  }
0x53: {  	_ =	shalt  }
0x54: {  	_ =	shalt  }
0x55: {  	_ =	shalt  }
0x56: {  	_ =	shalt  }
0x57: {  	_ =	shalt  }
0x58: {  	_ =	shalt  }
0x59: {  	_ =	shalt  }
0x5a: {  	_ =	shalt  }
0x5b: {  	_ =	shalt  }
0x5c: {  	_ =	shalt  }
0x5d: {  	_ =	shalt  }
0x5e: {  	_ =	shalt  }
0x5f: {  	_ =	shalt  }
0x60: {  	_ =	shalt  }
0x61: {  	_ =	shalt  }
0x62: {  	_ =	shalt  }
0x63: {  	_ =	shalt  }
0x64: {  	_ =	shalt  }
0x65: {  	_ =	shalt  }
0x66: {  	_ =	shalt  }
0x67: {  	_ =	shalt  }
0x68: {  	_ =	shalt  }
0x69: {  	_ =	shalt  }
0x6a: {  	_ =	shalt  }
0x6b: {  	_ =	shalt  }
0x6c: {  	_ =	shalt  }
0x6d: {  	_ =	shalt  }
0x6e: {  	_ =	shalt  }
0x6f: {  	_ =	shalt  }
0x70: {  	_ =	shalt  }
0x71: {  	_ =	shalt  }
0x72: {  	_ =	shalt  }
0x73: {  	_ =	shalt  }
0x74: {  	_ =	shalt  }
0x75: {  	_ =	shalt  }
0x76: {  	_ =	shalt  }
0x77: {  	_ =	shalt  }
0x78: {  	_ =	shalt  }
0x79: {  	_ =	shalt  }
0x7a: {  	_ =	shalt  }
0x7b: {  	_ =	shalt  }
0x7c: {  	_ =	shalt  }
0x7d: {  	_ =	shalt  }
0x7e: {  	_ =	shalt  }
0x7f: {  	_ =	shalt  }
0x80: {  	_ =	shalt  }
0x81: {  	_ =	shalt  }
0x82: {  	_ =	shalt  }
0x83: {  	_ =	shalt  }
0x84: {  	_ =	shalt  }
0x85: {  	_ =	shalt  }
0x86: {  	_ =	shalt  }
0x87: {  	_ =	shalt  }
.Lfunc_end0:
.L_simem_size_0:
called_computation_lowered:
.L_overlay_start_0:
0x88: {  	s2 =	sld [smem:$0x3FD9]  }
0x89: {  	s3 =	sld [smem:$0x3FFE];
	_ =	sdelay $0x1  }
0x8a: {  	s1 =	srdreg.scid  }
0x8b: {  	s0 =	sand.u32 $0x1, s1  }
0x8c: {  	s16 =	sshll.u32 s0, $0xA;
	s2 =	sadd.s32 s3, s2  }
0x8d: {  	s2 =	sadd.s32 s2, s16  }
0x8e: {  	[smem:$0x3FBF] =	sst s2  }
0x8f: {  	_ = 	snop  }
0x90: {  	(tm) =	ssettm $0x1  }
0x91: {  	s17 =	sld [smem:$0x3FFB];
	_ =	sdelay $0x3  }
0x92: {  	_ =	strace s17  }
0x93: {  	s2 =	sld [smem:$0x3FFC];
	_ =	sdelay $0x3  }
0x94: {  	_ =	strace s2  }
0x95: {  	s2 =	sld [smem:$0x3FFD];
	_ =	sdelay $0x3  }
0x96: {  	_ =	strace s2  }
0x97: {  	_ =	strace $0x8FFFFFFF  }
0x98: {  	s18 =	sld [smem:$0x3FDB];
	_ =	sdelay $0x1  }
0x99: {  	s19 =	simm.s32 $_scs_section_size  }
0x9a: {  	s4 =	simm.s32 $_size__tile_overlayer_lowered;
	s5 =	simm.s32 $_tile_overlayer_lowered  }
0x9b: {  	s22 =	simm.s32 $0x1BFF;
	s21 =	sshll.u32 s5, $0x1;
	s2 =	sadd.s32 s19, s18  }
0x9c: {  	s6 =	simm.s32 $0x0;
	s20 =	sshll.u32 s4, $0x1;
	s4 =	sadd.s32 s21, s2  }
0x9d: {  	[timem:s6], [sflag:s22] =	dma.local [hbm:s4], s20  }
0x9e: {  	_ =	swait.ge [sflag:s22], s20  }
0x9f: {  	s3 =	ssub.s32 $0x0, s20;
	[sflag:s22] =	ssyncset.done $0x0  }
0xa0: {  	[sflag:s22] =	ssyncadd.s32 s3;
	_ =	sdelay $0x1  }
0xa1: {  	s23 =	simm.s32 $0x1B8B  }
0xa2: {  	_ =	swait.ge [sflag:s23], $0x1  }
0xa3: {  	[sflag:s23] =	ssyncset.done $0x0  }
0xa4: {  	s25 =	simm.s32 $0x1B8E;
	s24 =	sld [smem:$0x3FFE];
	[sflag:s23] =	ssyncadd.s32 $0xFFFFFFFF  }
0xa5: {  	s26 =	simm.s32 $execute0_lowered;
	[smem:$0x3FD2] =	sst s25  }
0xa6: {  	s4 =	sshll.u32 s26, $0x1;
	_ =	strace $0x80000046;
	[dreg:$0x1] =	wrdreg $0xFFFFFFFF  }
0xa7: {  	s28 =	simm.s32 $_size_execute0_lowered;
	s2 =	sadd.s32 s2, s4;
	[dreg:$0x0] =	wrdreg $0x0  }
0xa8: {  	s4 =	sshll.u32 s28, $0x1;
	[dreg:$0x2] =	wrdreg s2  }
0xa9: {  	[dreg:$0x3] =	wrdreg s4  }
0xaa: {  	[dreg:$0x4] =	wrdreg $0xC0  }
0xab: {  	_ =	task [dreg:s6], $0x5FFFF  }
0xac: {  	[dreg:$0x1] =	wrdreg $0xFFFFFFFF  }
0xad: {  	[dreg:$0x0] =	wrdreg $0x60  }
0xae: {  	[dreg:$0x2] =	wrdreg s24  }
0xaf: {  	[dreg:$0x3] =	wrdreg $0x2A800  }
0xb0: {  	[dreg:$0x4] =	wrdreg $0x9  }
0xb1: {  	_ =	task.clear_ibuf [dreg:s6], $0x5FFFF;
	_ =	strace $0x90000046  }
0xb2: {  	s29 =	simm.s32 $0x9;
	_ =	strace $0x80000048  }
0xb3: {  	_ =	swait.ge [sflag:s29], $0x1  }
0xb4: {  	[sflag:s29] =	ssyncadd.s32 $0xFFFFFFFF  }
0xb5: {  	_ =	strace $0x90000048  }
0xb6: {  	_ =	sfence  }
0xb7: {  	s30 =	sld [smem:$0x0];
	_ =	sdelay $0x2  }
0xb8: {  	s31 =	sshll.u32 s1, $0xD;
	s1 =	sshrl.u32 s1, $0x2  }
0xb9: {  	s3 =	sand.u32 $0x4000, s31;
	s1 =	sadd.s32 s1, s30  }
0xba: {  	s0 =	sor.u32 s3, s0;
	s1 =	sshll.u32 s1, $0x11  }
0xbb: {  	s0 =	sor.u32 s1, s0  }
0xbc: {  	s0 =	sadd.s32 $0x8F2B, s0  }
0xbd: {  	[sflag:s0] =	ssyncadd.remote.s32 $0x1  }
0xbe: {  	_ =	sfence.sel $0xFFFF  }
0xbf: {  	[dreg:$0x0] =	wrdreg $0xFFFFFFFF;
	(pc) =	sbr.abs _section_cstart, $3  }
0xc0: {  	[dreg:$0x1] =	wrdreg $0xFFFFFFFF  }
0xc1: {  	_ =	task.clear_ibuf [dreg:s6], $0x2FFFF;
	_ =	strace $0x9FFFFFFF  }
0xc2: {  	(tm) =	ssettm $0x7FFFFFFF  }
0xc3: {  	_ =	shalt  }
tec
execute0_lowered:
.L_overlay_start_1:
0x0: {  	(tag) =	ssettag $0x1  }
0x1: {  	s4 =	rddreg [dreg:$0x0];
	s0 =	srdreg.scid  }
0x2: {  	s2 =	rddreg [dreg:$0x1];
	s1 =	stileid.u32  }
0x3: {  	s3 =	simm.s32 $0x0;
	s10 =	simm.s32 $0x1;
	s11 =	simm.s32 $0x1400  }
0x4: {  	s12 =	simm.s32 $0x80;
	s5 =	sand.u32 $0x1, s0;
	s7 =	smul.u32 $0x280, s1  }
0x5: {  	s0 =	rddreg [dreg:$0x2];
	s6 =	sshll.u32 s5, $0x4;
	s8 =	smul.u32 $0x2800, s5  }
0x6: {  	s13 =	simm.s32 $0x0;
	[smem:$0x7FF] =	sst s3;
	s6 =	sor.u32 s1, s6  }
0x7: {  	s5 =	ssub.s32 $0x2, s5;
	s6 =	smul.u32 $0x280, s6;
	s8 =	sadd.s32 s7, s8  }
0x8: {  	_ =	strace $0x80000047;
	s9 =	sshrl.u32 s5, $0x1;
	s8 =	sshrl.u32 s8, $0x3  }
0x9: {  	s9 =	ssub.s32 s5, s9;
	s6 =	sadd.s32 s6, s4;
	s8 =	sadd.s32 s8, s4  }
0xa: {  	s4 =	sadd.s32 s7, s2;
	s5 =	sadd.s32 $0x2200, s6;
	s6 =	sadd.s32 $0x7200, s6  }
0xb: {  	v0 =	vimm.f32 $0.0e+00;
	s7 =	sadd.s32 $0xC200, s8;
	s8 =	smax.u32 s9, $0x1;
	s9 =	simm.s32 $0x2800  }
.LBB2_1:
0xc: {  	[tilespmem:$0x2800] =	vst v0  }
0xd: {  	[tilespmem:$0x2810] =	vst v0  }
0xe: {  	[tilespmem:$0x2820] =	vst v0  }
0xf: {  	[tilespmem:$0x2830] =	vst v0  }
0x10: {  	[tilespmem:$0x2840] =	vst v0  }
0x11: {  	[tilespmem:$0x2850] =	vst v0  }
0x12: {  	[tilespmem:$0x2860] =	vst v0  }
0x13: {  	[tilespmem:$0x2870] =	vst v0  }
0x14: {  	[tilespmem:$0x2880] =	vst v0  }
0x15: {  	[tilespmem:$0x2890] =	vst v0  }
0x16: {  	[tilespmem:$0x28A0] =	vst v0  }
0x17: {  	[tilespmem:$0x28B0] =	vst v0  }
0x18: {  	[tilespmem:$0x28C0] =	vst v0  }
0x19: {  	[tilespmem:$0x28D0] =	vst v0  }
0x1a: {  	[tilespmem:$0x28E0] =	vst v0  }
0x1b: {  	[tilespmem:$0x28F0] =	vst v0  }
0x1c: {  	[tilespmem:$0x2900] =	vst v0  }
0x1d: {  	[tilespmem:$0x2910] =	vst v0  }
0x1e: {  	[tilespmem:$0x2920] =	vst v0  }
0x1f: {  	[tilespmem:$0x2930] =	vst v0  }
0x20: {  	[tilespmem:$0x2940] =	vst v0  }
0x21: {  	[tilespmem:$0x2950] =	vst v0  }
0x22: {  	[tilespmem:$0x2960] =	vst v0  }
0x23: {  	[tilespmem:$0x2970] =	vst v0  }
0x24: {  	[tilespmem:$0x2980] =	vst v0  }
0x25: {  	[tilespmem:$0x2990] =	vst v0  }
0x26: {  	[tilespmem:$0x29A0] =	vst v0  }
0x27: {  	[tilespmem:$0x29B0] =	vst v0  }
0x28: {  	[tilespmem:$0x29C0] =	vst v0  }
0x29: {  	[tilespmem:$0x29D0] =	vst v0  }
0x2a: {  	[tilespmem:$0x29E0] =	vst v0  }
0x2b: {  	[tilespmem:$0x29F0] =	vst v0  }
0x2c: {  	[tilespmem:$0x2A00] =	vst v0  }
0x2d: {  	[tilespmem:$0x2A10] =	vst v0  }
0x2e: {  	[tilespmem:$0x2A20] =	vst v0  }
0x2f: {  	[tilespmem:$0x2A30] =	vst v0  }
0x30: {  	[tilespmem:$0x2A40] =	vst v0  }
0x31: {  	[tilespmem:$0x2A50] =	vst v0  }
0x32: {  	[tilespmem:$0x2A60] =	vst v0  }
0x33: {  	[tilespmem:$0x2A70] =	vst v0  }
0x34: {  	[spmem:s4] =	stream.linear.scatter [tilespmem:s9], [sflag:$0x1], $0x280, $0x38;
	[tilespmem:$0x2D00] =	vst v63  }
0x35: {  	_ =	swait.ge [sflag:s10], $0x280  }
0x36: {  	[sflag:s10] =	ssyncset.done $0x0  }
0x37: {  	[sflag:s10] =	ssyncadd.s32 $0xFFFFFD80  }
0x38: {  	[tilespmem:s3], [sflag:$0x1] =	stream.linear.gather [hbm4b:s5+s3], $0x1400, $0x38;
	[tilespmem:$0x2D00] =	vst v63  }
0x39: {  	_ =	swait.ge [sflag:s10], $0x1400  }
0x3a: {  	[sflag:s10] =	ssyncset.done $0x0  }
0x3b: {  	[sflag:s10] =	ssyncadd.s32 $0xFFFFEC00  }
0x3c: {  	[tilespmem:s11], [sflag:$0x1] =	stream.linear.gather [hbm4b:s6+s3], $0x1400, $0x38;
	[tilespmem:$0x2D00] =	vst v63  }
0x3d: {  	_ =	swait.ge [sflag:s10], $0x1400  }
0x3e: {  	[sflag:s10] =	ssyncset.done $0x0  }
0x3f: {  	[sflag:s10] =	ssyncadd.s32 $0xFFFFEC00  }
0x40: {  	s14 =	simm.s32 $0x0;
	s15 =	simm.s32 $0x1400;
	[bflag:$0x0] =	sbarrier.arrive $0xFFFF  }
0x41: {  	[spmem:s2] =	stream.indirect.scatter.add.f32 [tilespmem:s15], [sflag:$0x1], $0x1, s14, s12, $0xb8;
	[tilespmem:$0x2D00] =	vst v63  }
0x42: {  	s14 =	simm.s32 $0x200;
	_ =	swait.ge [sflag:s10], $0x80  }
.LBB2_2:
0x43: {  	s15 =	sshra.s32 s14, $0x2;
	[sflag:s10] =	ssyncset.done $0x0;
	p0 =	sne.s32 s14, $0x4E00  }
.Ltmp0:
0x44: {  	s16 =	sadd.s32 $0x1400, s15;
	[sflag:s10] =	ssyncadd.s32 $0xFFFFFF80;
	(pc) =	sbr.rel @p0 .LBB2_2-.Ltmp0, $3  }
0x45: {  	[spmem:s2] =	stream.indirect.scatter.add.f32 [tilespmem:s16], [sflag:$0x1], $0x1, s15, s12, $0xb8;
	[tilespmem:$0x2D00] =	vst v63  }
0x46: {  	s14 =	sadd.s32 $0x200, s14;
	_ =	sdelay $0x1  }
0x47: {  	_ =	swait.ge [sflag:s10], $0x80  }
0x48: {  	[sflag:s10] =	ssyncset.done $0x0  }
0x49: {  	[sflag:s10] =	ssyncadd.s32 $0xFFFFFF80  }
0x4a: {  	[bflag:$0x0] =	sbarrier.arrive $0xFFFF  }
0x4b: {  	[tilespmem:s9], [sflag:$0x1] =	stream.linear.gather [spmem:s4], $0x280, $0x38;
	[tilespmem:$0x2D00] =	vst v63  }
0x4c: {  	s13 =	sadd.s32 $0x1, s13;
	_ =	swait.ge [sflag:s10], $0x280  }
0x4d: {  	p0 =	sne.s32 s13, s8;
	[sflag:s10] =	ssyncset.done $0x0  }
.Ltmp1:
0x4e: {  	[sflag:s10] =	ssyncadd.s32 $0xFFFFFD80;
	(pc) =	sbr.rel @p0 .LBB2_1-.Ltmp1, $4  }
0x4f: {  	[hbm4b:s7+s3] =	stream.linear.scatter [tilespmem:s9], [sflag:$0x1], $0x280, $0x38;
	[tilespmem:$0x2D00] =	vst v63  }
0x50: {  	_ =	swait.ge [sflag:s10], $0x280  }
0x51: {  	[sflag:s10] =	ssyncset.done $0x0  }
0x52: {  	[sflag:s10] =	ssyncadd.s32 $0xFFFFFD80  }
0x53: {  	_ =	sfence.sel $0x180000  }
0x54: {  	[bflag:$0x0] =	sbarrier.arrive $0xFFFF  }
0x55: {  	p0 =	sne.s32 s1, $0x0;
	_ =	strace $0x90000047  }
0x56: {  	s0 =	sadd.s32 @!p0 $0x100000, s0;
	[bflag:$0x2] =	sbarrier.arrive $0xFFFF  }
0x57: {  	[sflag:s0] =	ssyncadd.tile.s32 @!p0 $0x1;
	_ =	shalt  }
.Lfunc_end2:
_tile_overlayer_lowered:
.L_overlay_start_2:
0x58: {  	(tag) =	ssettag $0x2  }
0x59: {  	s0 =	rddreg [dreg:$0x0];
	s2 =	stileid.u32  }
0x5a: {  	s1 =	rddreg [dreg:$0x1];
	p0 =	sne.s32 s2, $0x0  }
0x5b: {  	s3 =	rddreg [dreg:$0x2];
	[bflag:$0x3] =	sbarrier.arrive $0xFFFF;
	s2 =	simm.s32 @!p0 $0x1C01  }
0x5c: {  	[timem:s3], [sflag:s2] =	dma.local @!p0 [hbm:s0], s1  }
0x5d: {  	s0 =	simm.s32 @!p0 $0x1  }
0x5e: {  	_ =	swait.ge @!p0 [sflag:s0], s1  }
0x5f: {  	s1 =	ssub.s32 @!p0 $0x0, s1;
	[sflag:s0] =	ssyncset.done @!p0 $0x0  }
0x60: {  	[sflag:s0] =	ssyncadd.s32 @!p0 s1  }
0x61: {  	[bflag:$0x3] =	sbarrier.arrive $0xFFFF  }
0x62: {  	_ =	shalt  }

</sc_bundles>
